<compile_context>
chip_gen: v7x
topology: tpu7x:2x2x1
jax: 0.10.2.dev20260603
libtpu: 0.0.44.dev20260713+nightly
codegen_flags: <defaults>
</compile_context>

<pallas_src>
import functools

import jax
import jax.numpy as jnp
from jax import lax
from jax.experimental import pallas as pl
from jax.experimental.pallas import tpu as pltpu
from jax.experimental.pallas import tpu_sc as plsc

_N = 10000
_E = 320000
_D = 128
_DE = 16
_NG = 64
_NCLS = 10

_NCORE = 2
_NSUB = 16
_CH = 128
_SB = 8
_MC0 = 120
_MC1 = 40
_NCHUNK = 80
_NCHTOT = _NCORE * _NSUB * _NCHUNK
_NCHREAL = _E // _CH
_NPAD = 10240
_STRIPE = _NPAD // _NSUB

_R = 1000
_GRID = _N // _R



def _node_pro_body(x_ref, w_ref, av_ref, ad_ref, xp_ref, xpb_ref, asr_ref, adt_ref):
    xp = jnp.dot(x_ref[...], w_ref[...], preferred_element_type=jnp.float32)
    xp_ref[...] = xp
    xpb_ref[...] = xp.astype(jnp.bfloat16)
    asr_ref[...] = jnp.dot(xp, av_ref[...], preferred_element_type=jnp.float32)
    adt_ref[...] = jnp.dot(xp, ad_ref[...], preferred_element_type=jnp.float32)


def _node_pro(x, W, av, ad):
    return pl.pallas_call(
        _node_pro_body,
        grid=(_GRID,),
        in_specs=[
            pl.BlockSpec((_R, _D), lambda i: (i, 0)),
            pl.BlockSpec((_D, _D), lambda i: (0, 0)),
            pl.BlockSpec((_D, 1), lambda i: (0, 0)),
            pl.BlockSpec((_D, 1), lambda i: (0, 0)),
        ],
        out_specs=[
            pl.BlockSpec((_R, _D), lambda i: (i, 0)),
            pl.BlockSpec((_R, _D), lambda i: (i, 0)),
            pl.BlockSpec((_R, 1), lambda i: (i, 0)),
            pl.BlockSpec((_R, 1), lambda i: (i, 0)),
        ],
        out_shape=[
            jax.ShapeDtypeStruct((_N, _D), jnp.float32),
            jax.ShapeDtypeStruct((_N, _D), jnp.bfloat16),
            jax.ShapeDtypeStruct((_N, 1), jnp.float32),
            jax.ShapeDtypeStruct((_N, 1), jnp.float32),
        ],
    )(x, W, av, ad)


def _edge_pro_body(ea_ref, we1_ref, ae1_ref, we2_ref, ae2_ref, o1_ref, o2_ref):
    cidx = lax.broadcasted_iota(jnp.int32, (_D, 8), 0)
    jidx = lax.broadcasted_iota(jnp.int32, (_D, 8), 1)
    m = (cidx // _DE == jidx).astype(jnp.float32)
    ea = ea_ref[...]
    for we_ref, atte_ref, o_ref in ((we1_ref, ae1_ref, o1_ref),
                                    (we2_ref, ae2_ref, o2_ref)):
        wv = jnp.dot(we_ref[...], atte_ref[...], preferred_element_type=jnp.float32)
        wt = jnp.concatenate([wv] * 8, axis=0)
        o_ref[...] = jnp.dot(ea, wt * m, preferred_element_type=jnp.float32)


def _edge_pro(ea_r, We1, atte1, We2, atte2):
    return pl.pallas_call(
        _edge_pro_body,
        grid=(5,),
        in_specs=[
            pl.BlockSpec((8000, _D), lambda i: (i, 0)),
            pl.BlockSpec((_DE, _D), lambda i: (0, 0)),
            pl.BlockSpec((_D, 1), lambda i: (0, 0)),
            pl.BlockSpec((_DE, _D), lambda i: (0, 0)),
            pl.BlockSpec((_D, 1), lambda i: (0, 0)),
        ],
        out_specs=[pl.BlockSpec((8000, 8), lambda i: (i, 0))] * 2,
        out_shape=[jax.ShapeDtypeStruct((_E // 8, 8), jnp.float32)] * 2,
    )(ea_r, We1, atte1, We2, atte2)


def _layout_body(src_ref, dst_ref, ae1_ref, ae2_ref,
                 srco_ref, dsto_ref, ae1o_ref, ae2o_ref):
    i = pl.program_id(0)
    rid = i * 512 + lax.broadcasted_iota(jnp.int32, (512, _CH), 0)
    real = rid < _NCHREAL
    srco_ref[...] = jnp.where(real, src_ref[...], 0)
    dsto_ref[...] = jnp.where(real, dst_ref[...], _N)
    ae1o_ref[...] = jnp.where(real, ae1_ref[...], -1e30)
    ae2o_ref[...] = jnp.where(real, ae2_ref[...], -1e30)


def _layout(src2d, dst2d, ae1_2d, ae2_2d):
    blk = pl.BlockSpec((512, _CH), lambda i: (i, 0))
    return pl.pallas_call(
        _layout_body,
        grid=(_NCHTOT // 512,),
        in_specs=[blk] * 4,
        out_specs=[blk] * 4,
        out_shape=[
            jax.ShapeDtypeStruct((_NCHTOT, _CH), jnp.int32),
            jax.ShapeDtypeStruct((_NCHTOT, _CH), jnp.int32),
            jax.ShapeDtypeStruct((_NCHTOT, _CH), jnp.float32),
            jax.ShapeDtypeStruct((_NCHTOT, _CH), jnp.float32),
        ],
    )(src2d, dst2d, ae1_2d, ae2_2d)


def _epilogue(acc0, acc1, den0, den1, sae0, sae1, dg0, dg1, asr, adt, xp, b_ref):
    def m2(r):
        return r[...].reshape(_R, _D).astype(jnp.float32)

    def v2(r):
        return r[...].reshape(_R, 1)

    deg = jnp.maximum(v2(dg0) + v2(dg1), 1.0)
    aloop = asr[...] + adt[...] + (v2(sae0) + v2(sae1)) / deg
    aloop = jnp.where(aloop >= 0.0, aloop, 0.2 * aloop)
    ploop = jnp.exp(aloop)
    invd = 1.0 / (v2(den0) + v2(den1) + ploop + 1e-16)
    h = (m2(acc0) + m2(acc1) + ploop * xp[...]) * invd + b_ref[...]
    return jnp.maximum(h, 0.0)


def _tc_mid_body(acc0, acc1, den0, den1, sae0, sae1, dg0, dg1, asr, adt, xp,
                 b_ref, w2_ref, av2_ref, ad2_ref, xp2_ref, xp2b_ref, as2_ref,
                 ad2o_ref):
    h = _epilogue(acc0, acc1, den0, den1, sae0, sae1, dg0, dg1, asr, adt, xp, b_ref)
    xp2 = jnp.dot(h, w2_ref[...], preferred_element_type=jnp.float32)
    xp2_ref[...] = xp2
    xp2b_ref[...] = xp2.astype(jnp.bfloat16)
    as2_ref[...] = jnp.dot(xp2, av2_ref[...], preferred_element_type=jnp.float32)
    ad2o_ref[...] = jnp.dot(xp2, ad2_ref[...], preferred_element_type=jnp.float32)


def _core_specs():
    acc0 = pl.BlockSpec((1, _R, _D), lambda i: (0, i, 0))
    acc1 = pl.BlockSpec((1, _R, _D), lambda i: (1, i, 0))
    v0 = pl.BlockSpec((1, _R, 1), lambda i: (0, i, 0))
    v1 = pl.BlockSpec((1, _R, 1), lambda i: (1, i, 0))
    return [acc0, acc1, v0, v1, v0, v1, v0, v1]


def _tc_mid(acc, den, sae, dg, asr, adt, xp, b, W2, av2, ad2):
    vec = pl.BlockSpec((_R, 1), lambda i: (i, 0))
    mat = pl.BlockSpec((_R, _D), lambda i: (i, 0))
    return pl.pallas_call(
        _tc_mid_body,
        grid=(_GRID,),
        in_specs=_core_specs() + [vec, vec] + [
            mat,
            pl.BlockSpec((1, _D), lambda i: (0, 0)),
            pl.BlockSpec((_D, _D), lambda i: (0, 0)),
            pl.BlockSpec((_D, 1), lambda i: (0, 0)),
            pl.BlockSpec((_D, 1), lambda i: (0, 0)),
        ],
        out_specs=[mat, mat, vec, vec],
        out_shape=[
            jax.ShapeDtypeStruct((_N, _D), jnp.float32),
            jax.ShapeDtypeStruct((_N, _D), jnp.bfloat16),
            jax.ShapeDtypeStruct((_N, 1), jnp.float32),
            jax.ShapeDtypeStruct((_N, 1), jnp.float32),
        ],
    )(acc, acc, den, den, sae, sae, dg, dg, asr, adt, xp, b, W2, av2, ad2)


def _tc_fin_body(acc0, acc1, den0, den1, sae0, sae1, dg0, dg1, asr, adt, xp,
                 b_ref, batch_ref, wf_ref, bf_ref, out_ref, pooled_s, cnt_s):
    i = pl.program_id(0)
    h = _epilogue(acc0, acc1, den0, den1, sae0, sae1, dg0, dg1, asr, adt, xp, b_ref)
    oh = (batch_ref[...] == lax.broadcasted_iota(jnp.int32, (_R, _NG), 1)
          ).astype(jnp.float32)

    @pl.when(i == 0)
    def _():
        pooled_s[...] = jnp.zeros_like(pooled_s)
        cnt_s[...] = jnp.zeros_like(cnt_s)

    dn = (((0,), (0,)), ((), ()))
    pooled_s[...] += lax.dot_general(oh, h, dn, preferred_element_type=jnp.float32)
    cnt_s[...] += lax.dot_general(oh, jnp.ones((_R, _D), jnp.float32), dn,
                                  preferred_element_type=jnp.float32)

    @pl.when(i == _GRID - 1)
    def _():
        pooled = pooled_s[...] / jnp.maximum(cnt_s[...], 1.0)
        logits = jnp.dot(pooled, wf_ref[...], preferred_element_type=jnp.float32) + bf_ref[...]
        m = jnp.max(logits, axis=1, keepdims=True)
        e = jnp.exp(logits - m)
        out_ref[...] = e / jnp.sum(e, axis=1, keepdims=True)


def _tc_fin(acc, den, sae, dg, asr, adt, xp, b, batch, Wf, bf):
    vec = pl.BlockSpec((_R, 1), lambda i: (i, 0))
    mat = pl.BlockSpec((_R, _D), lambda i: (i, 0))
    return pl.pallas_call(
        _tc_fin_body,
        grid=(_GRID,),
        in_specs=_core_specs() + [vec, vec] + [
            mat,
            pl.BlockSpec((1, _D), lambda i: (0, 0)),
            pl.BlockSpec((_R, 1), lambda i: (i, 0)),
            pl.BlockSpec((_D, _NCLS), lambda i: (0, 0)),
            pl.BlockSpec((1, _NCLS), lambda i: (0, 0)),
        ],
        out_specs=pl.BlockSpec((_NG, _NCLS), lambda i: (0, 0)),
        out_shape=jax.ShapeDtypeStruct((_NG, _NCLS), jnp.float32),
        scratch_shapes=[
            pltpu.VMEM((_NG, _D), jnp.float32),
            pltpu.VMEM((_NG, _D), jnp.float32),
        ],
    )(acc, acc, den, den, sae, sae, dg, dg, asr, adt, xp, b, batch, Wf, bf)



def _sc_scores_body(src_hbm, dst_hbm, ae_hbm, asrc_hbm, adst_hbm,
                    p_o, den_o, sae_o, deg_o,
                    src_v, dst_v, ae_v, p_v, ones_v, asrc_v, adst_v, zvec_v,
                    den_s, sae_s, deg_s, ssem):
    c = lax.axis_index("c")
    s = lax.axis_index("s")
    base = s * _STRIPE
    cb = (c * _NSUB + s) * _NCHUNK

    pltpu.sync_copy(src_hbm.at[pl.ds(cb, _NCHUNK)], src_v)
    pltpu.sync_copy(dst_hbm.at[pl.ds(cb, _NCHUNK)], dst_v)
    pltpu.sync_copy(ae_hbm.at[pl.ds(cb, _NCHUNK)], ae_v)
    pltpu.sync_copy(asrc_hbm, asrc_v)
    pltpu.sync_copy(adst_hbm, adst_v)

    def _zvec(i, carry):
        zvec_v[pl.ds(i * 16, 16)] = jnp.zeros((16,), jnp.float32)
        return carry
    lax.fori_loop(0, _STRIPE // 16, _zvec, 0)
    for g in range(8):
        ones_v[pl.ds(g * 16, 16)] = jnp.ones((16,), jnp.float32)

    pltpu.sync_copy(zvec_v, den_s.at[pl.ds(base, _STRIPE)])
    pltpu.sync_copy(zvec_v, sae_s.at[pl.ds(base, _STRIPE)])
    pltpu.sync_copy(zvec_v, deg_s.at[pl.ds(base, _STRIPE)])
    plsc.subcore_barrier()

    def _chunk(j, carry):
        for g in range(8):
            sl = pl.ds(g * 16, 16)
            si = src_v[j, sl]
            di = dst_v[j, sl]
            r = (plsc.load_gather(asrc_v, [si]) + plsc.load_gather(adst_v, [di])
                 + ae_v[j, sl])
            r = jnp.where(r >= 0.0, r, 0.2 * r)
            p_v[j, sl] = jnp.exp(r)
        pltpu.async_copy(p_v.at[j], den_s.at[dst_v.at[j]], ssem, add=True)
        pltpu.async_copy(ae_v.at[j], sae_s.at[dst_v.at[j]], ssem, add=True)
        pltpu.async_copy(ones_v, deg_s.at[dst_v.at[j]], ssem, add=True)
        return carry
    lax.fori_loop(0, _NCHUNK, _chunk, 0)

    pltpu.sync_copy(p_v, p_o.at[pl.ds(cb, _NCHUNK)])

    def _drain(j, carry):
        pltpu.make_async_copy(p_v.at[j], den_s.at[dst_v.at[j]], ssem).wait()
        pltpu.make_async_copy(ae_v.at[j], sae_s.at[dst_v.at[j]], ssem).wait()
        pltpu.make_async_copy(ones_v, deg_s.at[dst_v.at[j]], ssem).wait()
        return carry
    lax.fori_loop(0, _NCHUNK, _drain, 0)

    plsc.subcore_barrier()
    pltpu.sync_copy(den_s.at[pl.ds(base, _STRIPE)],
                    den_o.at[c, pl.ds(base, _STRIPE)])
    pltpu.sync_copy(sae_s.at[pl.ds(base, _STRIPE)],
                    sae_o.at[c, pl.ds(base, _STRIPE)])
    pltpu.sync_copy(deg_s.at[pl.ds(base, _STRIPE)],
                    deg_o.at[c, pl.ds(base, _STRIPE)])


_sc_scores = pl.kernel(
    _sc_scores_body,
    out_type=(
        jax.ShapeDtypeStruct((_NCHTOT, _CH), jnp.float32),
        jax.ShapeDtypeStruct((_NCORE, _NPAD), jnp.float32),
        jax.ShapeDtypeStruct((_NCORE, _NPAD), jnp.float32),
        jax.ShapeDtypeStruct((_NCORE, _NPAD), jnp.float32),
    ),
    mesh=plsc.VectorSubcoreMesh(core_axis_name="c", subcore_axis_name="s"),
    scratch_types=[
        pltpu.VMEM((_NCHUNK, _CH), jnp.int32),
        pltpu.VMEM((_NCHUNK, _CH), jnp.int32),
        pltpu.VMEM((_NCHUNK, _CH), jnp.float32),
        pltpu.VMEM((_NCHUNK, _CH), jnp.float32),
        pltpu.VMEM((_CH,), jnp.float32),
        pltpu.VMEM((_NPAD,), jnp.float32),
        pltpu.VMEM((_NPAD,), jnp.float32),
        pltpu.VMEM((_STRIPE,), jnp.float32),
        pltpu.VMEM_SHARED((_NPAD,), jnp.float32),
        pltpu.VMEM_SHARED((_NPAD,), jnp.float32),
        pltpu.VMEM_SHARED((_NPAD,), jnp.float32),
        pltpu.SemaphoreType.DMA,
    ],
    compiler_params=pltpu.CompilerParams(needs_layout_passes=False),
)


def _sc_msgs_body(src_hbm, dst_hbm, p_hbm, xp_hbm, acc_o,
                  src_v, dst_v, p_v, rows0_v, rows1_v, acc_s, gsem0, gsem1):
    c = lax.axis_index("c")
    s = lax.axis_index("s")
    base = s * _STRIPE
    rows = (rows0_v, rows1_v)
    gsem = (gsem0, gsem1)

    def _zrow(i, carry):
        for g in range(4):
            rows0_v[i, pl.ds(g * 32, 32)] = jnp.zeros((32,), jnp.bfloat16)
        return carry
    lax.fori_loop(0, _CH, _zrow, 0)
    for k in range(_STRIPE // _CH):
        pltpu.sync_copy(rows0_v, acc_s.at[pl.ds(base + k * _CH, _CH)])
    plsc.subcore_barrier()

    def _run(cb0, nsb):
        def _sblock(sb, carry):
            sb0 = cb0 + sb * _SB
            pltpu.sync_copy(src_hbm.at[pl.ds(sb0, _SB)], src_v)
            pltpu.sync_copy(dst_hbm.at[pl.ds(sb0, _SB)], dst_v)
            pltpu.sync_copy(p_hbm.at[pl.ds(sb0, _SB)], p_v)
            pltpu.async_copy(xp_hbm.at[src_v.at[0]], rows0_v, gsem0)

            def _pair(pr, carry2):
                for b in range(2):
                    j = pr * 2 + b
                    rb = rows[b]
                    pltpu.make_async_copy(xp_hbm.at[src_v.at[j]], rb,
                                          gsem[b]).wait()

                    @pl.when(j < _SB - 1)
                    def _():
                        pltpu.async_copy(xp_hbm.at[src_v.at[j + 1]],
                                         rows[1 - b], gsem[1 - b])

                    @plsc.parallel_loop(0, _CH, unroll=4)
                    def _rowscale(rr):
                        jj = jnp.full((16,), j, jnp.int32)
                        pb = plsc.load_gather(
                            p_v, [jj, jnp.full((16,), rr, jnp.int32)])
                        pbb = plsc.pack(pb, pb, format=plsc.PackFormat.INTERLEAVED)
                        for g in range(4):
                            sl = pl.ds(g * 32, 32)
                            rb[rr, sl] = rb[rr, sl] * pbb

                    pltpu.sync_copy(rb, acc_s.at[dst_v.at[j]], add=True)
                return carry2
            lax.fori_loop(0, _SB // 2, _pair, 0)
            return carry
        lax.fori_loop(0, nsb, _sblock, 0)

    @pl.when(c == 0)
    def _():
        _run(s * _MC0, _MC0 // _SB)

    @pl.when(c == 1)
    def _():
        _run(_NSUB * _MC0 + s * _MC1, _MC1 // _SB)

    plsc.subcore_barrier()
    pltpu.sync_copy(acc_s.at[pl.ds(base, _STRIPE)], acc_o.at[c, pl.ds(base, _STRIPE)])


_sc_msgs = pl.kernel(
    _sc_msgs_body,
    out_type=jax.ShapeDtypeStruct((_NCORE, _NPAD, _D), jnp.bfloat16),
    mesh=plsc.VectorSubcoreMesh(core_axis_name="c", subcore_axis_name="s"),
    scratch_types=[
        pltpu.VMEM((_SB, _CH), jnp.int32),
        pltpu.VMEM((_SB, _CH), jnp.int32),
        pltpu.VMEM((_SB, _CH), jnp.float32),
        pltpu.VMEM((_CH, _D), jnp.bfloat16),
        pltpu.VMEM((_CH, _D), jnp.bfloat16),
        pltpu.VMEM_SHARED((_NPAD, _D), jnp.bfloat16),
        pltpu.SemaphoreType.DMA,
        pltpu.SemaphoreType.DMA,
    ],
    compiler_params=pltpu.CompilerParams(needs_layout_passes=False,
                                         use_tc_tiling_on_sc=False),
)



def kernel(x, edge_index, edge_attr, batch, W1, att_src1, att_dst1, We1, att_e1,
           b1, W2, att_src2, att_dst2, We2, att_e2, b2, Wf, bf):
    ae1_2d, ae2_2d = _edge_pro(edge_attr.reshape(_E // 8, _D), We1,
                               att_e1.reshape(_D, 1), We2, att_e2.reshape(_D, 1))
    src, dst, ae1, ae2 = _layout(
        edge_index[0].astype(jnp.int32).reshape(_NCHREAL, _CH),
        edge_index[1].astype(jnp.int32).reshape(_NCHREAL, _CH),
        ae1_2d.reshape(_NCHREAL, _CH), ae2_2d.reshape(_NCHREAL, _CH))

    def pad_n(v):
        return jnp.concatenate([v.reshape(_N), jnp.zeros((_NPAD - _N,), jnp.float32)])

    def v3(a):
        return a.reshape(_NCORE, _NPAD, 1)

    xp1, xp1b, asr1, adt1 = _node_pro(x, W1, att_src1.reshape(_D, 1),
                                      att_dst1.reshape(_D, 1))
    p1, den1, sae1, deg1 = _sc_scores(src, dst, ae1, pad_n(asr1), pad_n(adt1))
    acc1 = _sc_msgs(src, dst, p1, xp1b)

    xp2, xp2b, asr2, adt2 = _tc_mid(
        acc1, v3(den1), v3(sae1), v3(deg1), asr1, adt1, xp1,
        b1.reshape(1, _D), W2, att_src2.reshape(_D, 1), att_dst2.reshape(_D, 1))

    p2, den2, sae2, _ = _sc_scores(src, dst, ae2, pad_n(asr2), pad_n(adt2))
    acc2 = _sc_msgs(src, dst, p2, xp2b)

    return _tc_fin(
        acc2, v3(den2), v3(sae2), v3(deg1), asr2, adt2, xp2,
        b2.reshape(1, _D), batch.astype(jnp.int32).reshape(_N, 1), Wf,
        bf.reshape(1, _NCLS))

# --- scband reference (transcript-rebuilt; emitter-appended) ---
"""Pipeline reference for scband-gat-71116068488098 (READ-ONLY COPY).

The authoritative reference and input builder live on the scoring server;
editing this copy changes nothing except your own understanding.
"""

import jax, jax.numpy as jnp
import numpy as np

N = 10000
E = 320000
D_NODE = 128
D_EDGE = 16
D_HID = 128
N_CLASSES = 10
N_GRAPHS = 64


def gat_conv(x, src, dst, edge_attr, W, a_src_p, a_dst_p, We, a_e_p, bias, heads, out_ch, concat):
    # Faithful PyG GATConv: shared src/dst linear, edge_dim support,
    # add_self_loops=True with fill_value='mean', LeakyReLU(0.2) + segment softmax over dst.
    n = x.shape[0]
    ones = jnp.ones((src.shape[0],), jnp.float32)
    deg = jax.ops.segment_sum(ones, dst, num_segments=n)
    loop_attr = jax.ops.segment_sum(edge_attr, dst, num_segments=n) / jnp.maximum(deg, 1.0)[:, None]
    loop = jnp.arange(n)
    s = jnp.concatenate([src, loop])
    d = jnp.concatenate([dst, loop])
    ea = jnp.concatenate([edge_attr, loop_attr], axis=0)
    xp = (x @ W).reshape(n, heads, out_ch)
    a_src = (xp * a_src_p).sum(-1)  # [n, H]
    a_dst = (xp * a_dst_p).sum(-1)  # [n, H]
    ef = (ea @ We).reshape(-1, heads, out_ch)
    a_e = (ef * a_e_p).sum(-1)  # [Etot, H]
    alpha = a_src[s] + a_dst[d] + a_e
    alpha = jax.nn.leaky_relu(alpha, 0.2)
    amax = jax.ops.segment_max(alpha, d, num_segments=n)
    alpha = jnp.exp(alpha - amax[d])
    denom = jax.ops.segment_sum(alpha, d, num_segments=n)
    alpha = alpha / (denom[d] + 1e-16)
    msg = xp[s] * alpha[:, :, None]
    out = jax.ops.segment_sum(msg, d, num_segments=n)  # [n, H, C]
    if concat:
        out = out.reshape(n, heads * out_ch)
    else:
        out = out.mean(axis=1)
    return out + bias


def setup_inputs(seed: int = 0) -> dict:
    key = jax.random.key(seed)
    ks = jax.random.split(key, 24)
    sc = 0.1
    return {
        "x": jax.random.normal(ks[0], (N, D_NODE), jnp.float32),
        "edge_index": jax.random.randint(ks[1], (2, E), 0, N),
        "edge_attr": jax.random.normal(ks[2], (E, D_EDGE), jnp.float32),
        "batch": jnp.sort(jax.random.randint(ks[3], (N,), 0, N_GRAPHS)),
        "W1": sc * jax.random.normal(ks[4], (D_NODE, D_HID), jnp.float32),
        "att_src1": sc * jax.random.normal(ks[5], (1, 1, D_HID), jnp.float32),
        "att_dst1": sc * jax.random.normal(ks[6], (1, 1, D_HID), jnp.float32),
        "We1": sc * jax.random.normal(ks[7], (D_EDGE, D_HID), jnp.float32),
        "att_e1": sc * jax.random.normal(ks[8], (1, 1, D_HID), jnp.float32),
        "b1": jnp.zeros((D_HID,), jnp.float32),
        "W2": sc * jax.random.normal(ks[9], (D_HID, D_HID), jnp.float32),
        "att_src2": sc * jax.random.normal(ks[10], (1, 1, D_HID), jnp.float32),
        "att_dst2": sc * jax.random.normal(ks[11], (1, 1, D_HID), jnp.float32),
        "We2": sc * jax.random.normal(ks[12], (D_EDGE, D_HID), jnp.float32),
        "att_e2": sc * jax.random.normal(ks[13], (1, 1, D_HID), jnp.float32),
        "b2": jnp.zeros((D_HID,), jnp.float32),
        "Wf": sc * jax.random.normal(ks[14], (D_HID, N_CLASSES), jnp.float32),
        "bf": jnp.zeros((N_CLASSES,), jnp.float32),
    }


def reference(x, edge_index, edge_attr, batch, W1, att_src1, att_dst1, We1, att_e1, b1, W2, att_src2, att_dst2, We2, att_e2, b2, Wf, bf):
    src = edge_index[0]
    dst = edge_index[1]
    h = gat_conv(x, src, dst, edge_attr, W1, att_src1, att_dst1, We1, att_e1, b1, 1, D_HID, True)
    h = jax.nn.relu(h)
    h = gat_conv(h, src, dst, edge_attr, W2, att_src2, att_dst2, We2, att_e2, b2, 1, D_HID, False)
    h = jax.nn.relu(h)
    ones = jnp.ones((N,), jnp.float32)
    cnt = jax.ops.segment_sum(ones, batch, num_segments=N_GRAPHS)
    pooled = jax.ops.segment_sum(h, batch, num_segments=N_GRAPHS) / jnp.maximum(cnt, 1.0)[:, None]
    # ffn: Dropout (identity in eval) -> Linear -> Softmax(dim=1)
    logits = pooled @ Wf + bf
    return jax.nn.softmax(logits, axis=1)

if __name__ == "__main__":
    import jax
    _d = setup_inputs()
    print(jax.jit(kernel)(*tuple(_d.values())))

</pallas_src>

<mosaic_0001>
#map = affine_map<(d0, d1) -> (0, 0)>
#map1 = affine_map<(d0, d1) -> (0, 0, 0)>
module attributes {stable_mosaic.version = 14 : i64} {
  func.func @_sc_msgs_body(%arg0: i32, %arg1: i32, %arg2: memref<2560x128xi32, #tpu.memory_space<hbm>>, %arg3: memref<2560x128xi32, #tpu.memory_space<hbm>>, %arg4: memref<2560x128xf32, #tpu.memory_space<hbm>>, %arg5: memref<10000x128xbf16, #tpu.memory_space<hbm>>, %arg6: memref<2x10240x128xbf16, #tpu.memory_space<hbm>>, %arg7: memref<8x128xi32, #tpu.memory_space<vmem>>, %arg8: memref<8x128xi32, #tpu.memory_space<vmem>>, %arg9: memref<8x128xf32, #tpu.memory_space<vmem>>, %arg10: memref<128x128xbf16, #tpu.memory_space<vmem>>, %arg11: memref<128x128xbf16, #tpu.memory_space<vmem>>, %arg12: memref<10240x128xbf16, #tpu.memory_space<vmem_shared>>, %arg13: memref<!tpu.dma_semaphore, #tpu.memory_space<semaphore_mem>>, %arg14: memref<!tpu.dma_semaphore, #tpu.memory_space<semaphore_mem>>) attributes {dimension_semantics = [#tpu.dimension_semantics<core_parallel>, #tpu.dimension_semantics<subcore_parallel>], iteration_bounds = array<i64: 2, 16>, scalar_prefetch = 0 : i64, scratch_operands = 8 : i64, tpu.core_type = #tpu.core_type<sc_vector_subcore>, window_params = [{transform_indices = #map}, {transform_indices = #map}, {transform_indices = #map}, {transform_indices = #map}, {transform_indices = #map1}]} {
    %mul3A = arith.constant 640 : i32
    %mul3A_0 = arith.muli %arg1, %mul3A : i32
    %scan3A = arith.constant 0 : i32
    %scan3A_1 = arith.constant 0 : i32
    %scan3A_2 = arith.constant 128 : i32
    %scan3A_3 = arith.addi %scan3A_1, %scan3A_2 : i32
    %scan3A_4 = arith.constant 1 : i32
    scf.for %scan3A_23 = %scan3A_1 to %scan3A_3 step %scan3A_4  : i32 {
      %broadcast_in_dim3A = arith.constant 0.000000e+00 : bf16
      %broadcast_in_dim3A_24 = vector.broadcast %broadcast_in_dim3A : bf16 to vector<32xbf16>
      %swap3A = arith.index_cast %scan3A_23 : i32 to index
      %swap3A_25 = arith.constant 0 : index
      %swap3A_26 = tpu.vector_load %arg10[%swap3A, %swap3A_25] {strides = array<i32>} : memref<128x128xbf16, #tpu.memory_space<vmem>>, vector<32xbf16>,
      tpu.vector_store %arg10[%swap3A, %swap3A_25], %broadcast_in_dim3A_24 {strides = array<i32>} : memref<128x128xbf16, #tpu.memory_space<vmem>>, vector<32xbf16>,
      %broadcast_in_dim3A_27 = arith.constant 0.000000e+00 : bf16
      %broadcast_in_dim3A_28 = vector.broadcast %broadcast_in_dim3A_27 : bf16 to vector<32xbf16>
      %swap3A_29 = arith.index_cast %scan3A_23 : i32 to index
      %swap3A_30 = arith.constant 32 : index
      %swap3A_31 = tpu.vector_load %arg10[%swap3A_29, %swap3A_30] {strides = array<i32>} : memref<128x128xbf16, #tpu.memory_space<vmem>>, vector<32xbf16>,
      tpu.vector_store %arg10[%swap3A_29, %swap3A_30], %broadcast_in_dim3A_28 {strides = array<i32>} : memref<128x128xbf16, #tpu.memory_space<vmem>>, vector<32xbf16>,
      %broadcast_in_dim3A_32 = arith.constant 0.000000e+00 : bf16
      %broadcast_in_dim3A_33 = vector.broadcast %broadcast_in_dim3A_32 : bf16 to vector<32xbf16>
      %swap3A_34 = arith.index_cast %scan3A_23 : i32 to index
      %swap3A_35 = arith.constant 64 : index
      %swap3A_36 = tpu.vector_load %arg10[%swap3A_34, %swap3A_35] {strides = array<i32>} : memref<128x128xbf16, #tpu.memory_space<vmem>>, vector<32xbf16>,
      tpu.vector_store %arg10[%swap3A_34, %swap3A_35], %broadcast_in_dim3A_33 {strides = array<i32>} : memref<128x128xbf16, #tpu.memory_space<vmem>>, vector<32xbf16>,
      %broadcast_in_dim3A_37 = arith.constant 0.000000e+00 : bf16
      %broadcast_in_dim3A_38 = vector.broadcast %broadcast_in_dim3A_37 : bf16 to vector<32xbf16>
      %swap3A_39 = arith.index_cast %scan3A_23 : i32 to index
      %swap3A_40 = arith.constant 96 : index
      %swap3A_41 = tpu.vector_load %arg10[%swap3A_39, %swap3A_40] {strides = array<i32>} : memref<128x128xbf16, #tpu.memory_space<vmem>>, vector<32xbf16>,
      tpu.vector_store %arg10[%swap3A_39, %swap3A_40], %broadcast_in_dim3A_38 {strides = array<i32>} : memref<128x128xbf16, #tpu.memory_space<vmem>>, vector<32xbf16>,
    }
    %scan3A_5 = arith.constant 128 : i32
    %add3A = arith.constant 0 : i32
    %add3A_6 = arith.addi %mul3A_0, %add3A : i32
    "tpu.region"() ({
      %run_scoped3A = tpu.sem_alloc : memref<!tpu.dma_semaphore, #tpu.memory_space<semaphore_mem>>
      %dma_start3A = arith.constant 0 : i32
      %dma_start3A_23 = tpu.memref_slice %arg12[%add3A_6, %dma_start3A] : memref<10240x128xbf16, #tpu.memory_space<vmem_shared>> -> memref<128x128xbf16, #tpu.memory_space<vmem_shared>>
      %dma_start3A_24 = arith.constant 0 : i32
      %dma_start3A_25 = tpu.memref_slice %arg12[%add3A_6, %dma_start3A_24] : memref<10240x128xbf16, #tpu.memory_space<vmem_shared>> -> memref<128x128xbf16, #tpu.memory_space<vmem_shared>>
      tpu.enqueue_dma source(%arg10 : memref<128x128xbf16, #tpu.memory_space<vmem>>) target(%dma_start3A_25 : memref<128x128xbf16, #tpu.memory_space<vmem_shared>>) target_semaphore(%run_scoped3A : memref<!tpu.dma_semaphore, #tpu.memory_space<semaphore_mem>>)
      %dma_wait3A = arith.constant 0 : i32
      %dma_wait3A_26 = tpu.memref_slice %arg12[%add3A_6, %dma_wait3A] : memref<10240x128xbf16, #tpu.memory_space<vmem_shared>> -> memref<128x128xbf16, #tpu.memory_space<vmem_shared>>
      %dma_wait3A_27 = arith.constant 0 : i32
      %dma_wait3A_28 = tpu.memref_slice %arg12[%add3A_6, %dma_wait3A_27] : memref<10240x128xbf16, #tpu.memory_space<vmem_shared>> -> memref<128x128xbf16, #tpu.memory_space<vmem_shared>>
      tpu.wait_dma2 semaphore(%run_scoped3A : memref<!tpu.dma_semaphore, #tpu.memory_space<semaphore_mem>>) src(%arg10 : memref<128x128xbf16, #tpu.memory_space<vmem>>) dst(%dma_wait3A_28 : memref<128x128xbf16, #tpu.memory_space<vmem_shared>>)
      tpu.yield
    }) : () -> ()
    %add3A_7 = arith.constant 128 : i32
    %add3A_8 = arith.addi %mul3A_0, %add3A_7 : i32
    "tpu.region"() ({
      %run_scoped3A = tpu.sem_alloc : memref<!tpu.dma_semaphore, #tpu.memory_space<semaphore_mem>>
      %dma_start3A = arith.constant 0 : i32
      %dma_start3A_23 = tpu.memref_slice %arg12[%add3A_8, %dma_start3A] : memref<10240x128xbf16, #tpu.memory_space<vmem_shared>> -> memref<128x128xbf16, #tpu.memory_space<vmem_shared>>
      %dma_start3A_24 = arith.constant 0 : i32
      %dma_start3A_25 = tpu.memref_slice %arg12[%add3A_8, %dma_start3A_24] : memref<10240x128xbf16, #tpu.memory_space<vmem_shared>> -> memref<128x128xbf16, #tpu.memory_space<vmem_shared>>
      tpu.enqueue_dma source(%arg10 : memref<128x128xbf16, #tpu.memory_space<vmem>>) target(%dma_start3A_25 : memref<128x128xbf16, #tpu.memory_space<vmem_shared>>) target_semaphore(%run_scoped3A : memref<!tpu.dma_semaphore, #tpu.memory_space<semaphore_mem>>)
      %dma_wait3A = arith.constant 0 : i32
      %dma_wait3A_26 = tpu.memref_slice %arg12[%add3A_8, %dma_wait3A] : memref<10240x128xbf16, #tpu.memory_space<vmem_shared>> -> memref<128x128xbf16, #tpu.memory_space<vmem_shared>>
      %dma_wait3A_27 = arith.constant 0 : i32
      %dma_wait3A_28 = tpu.memref_slice %arg12[%add3A_8, %dma_wait3A_27] : memref<10240x128xbf16, #tpu.memory_space<vmem_shared>> -> memref<128x128xbf16, #tpu.memory_space<vmem_shared>>
      tpu.wait_dma2 semaphore(%run_scoped3A : memref<!tpu.dma_semaphore, #tpu.memory_space<semaphore_mem>>) src(%arg10 : memref<128x128xbf16, #tpu.memory_space<vmem>>) dst(%dma_wait3A_28 : memref<128x128xbf16, #tpu.memory_space<vmem_shared>>)
      tpu.yield
    }) : () -> ()
    %add3A_9 = arith.constant 256 : i32
    %add3A_10 = arith.addi %mul3A_0, %add3A_9 : i32
    "tpu.region"() ({
      %run_scoped3A = tpu.sem_alloc : memref<!tpu.dma_semaphore, #tpu.memory_space<semaphore_mem>>
      %dma_start3A = arith.constant 0 : i32
      %dma_start3A_23 = tpu.memref_slice %arg12[%add3A_10, %dma_start3A] : memref<10240x128xbf16, #tpu.memory_space<vmem_shared>> -> memref<128x128xbf16, #tpu.memory_space<vmem_shared>>
      %dma_start3A_24 = arith.constant 0 : i32
      %dma_start3A_25 = tpu.memref_slice %arg12[%add3A_10, %dma_start3A_24] : memref<10240x128xbf16, #tpu.memory_space<vmem_shared>> -> memref<128x128xbf16, #tpu.memory_space<vmem_shared>>
      tpu.enqueue_dma source(%arg10 : memref<128x128xbf16, #tpu.memory_space<vmem>>) target(%dma_start3A_25 : memref<128x128xbf16, #tpu.memory_space<vmem_shared>>) target_semaphore(%run_scoped3A : memref<!tpu.dma_semaphore, #tpu.memory_space<semaphore_mem>>)
      %dma_wait3A = arith.constant 0 : i32
      %dma_wait3A_26 = tpu.memref_slice %arg12[%add3A_10, %dma_wait3A] : memref<10240x128xbf16, #tpu.memory_space<vmem_shared>> -> memref<128x128xbf16, #tpu.memory_space<vmem_shared>>
      %dma_wait3A_27 = arith.constant 0 : i32
      %dma_wait3A_28 = tpu.memref_slice %arg12[%add3A_10, %dma_wait3A_27] : memref<10240x128xbf16, #tpu.memory_space<vmem_shared>> -> memref<128x128xbf16, #tpu.memory_space<vmem_shared>>
      tpu.wait_dma2 semaphore(%run_scoped3A : memref<!tpu.dma_semaphore, #tpu.memory_space<semaphore_mem>>) src(%arg10 : memref<128x128xbf16, #tpu.memory_space<vmem>>) dst(%dma_wait3A_28 : memref<128x128xbf16, #tpu.memory_space<vmem_shared>>)
      tpu.yield
    }) : () -> ()
    %add3A_11 = arith.constant 384 : i32
    %add3A_12 = arith.addi %mul3A_0, %add3A_11 : i32
    "tpu.region"() ({
      %run_scoped3A = tpu.sem_alloc : memref<!tpu.dma_semaphore, #tpu.memory_space<semaphore_mem>>
      %dma_start3A = arith.constant 0 : i32
      %dma_start3A_23 = tpu.memref_slice %arg12[%add3A_12, %dma_start3A] : memref<10240x128xbf16, #tpu.memory_space<vmem_shared>> -> memref<128x128xbf16, #tpu.memory_space<vmem_shared>>
      %dma_start3A_24 = arith.constant 0 : i32
      %dma_start3A_25 = tpu.memref_slice %arg12[%add3A_12, %dma_start3A_24] : memref<10240x128xbf16, #tpu.memory_space<vmem_shared>> -> memref<128x128xbf16, #tpu.memory_space<vmem_shared>>
      tpu.enqueue_dma source(%arg10 : memref<128x128xbf16, #tpu.memory_space<vmem>>) target(%dma_start3A_25 : memref<128x128xbf16, #tpu.memory_space<vmem_shared>>) target_semaphore(%run_scoped3A : memref<!tpu.dma_semaphore, #tpu.memory_space<semaphore_mem>>)
      %dma_wait3A = arith.constant 0 : i32
      %dma_wait3A_26 = tpu.memref_slice %arg12[%add3A_12, %dma_wait3A] : memref<10240x128xbf16, #tpu.memory_space<vmem_shared>> -> memref<128x128xbf16, #tpu.memory_space<vmem_shared>>
      %dma_wait3A_27 = arith.constant 0 : i32
      %dma_wait3A_28 = tpu.memref_slice %arg12[%add3A_12, %dma_wait3A_27] : memref<10240x128xbf16, #tpu.memory_space<vmem_shared>> -> memref<128x128xbf16, #tpu.memory_space<vmem_shared>>
      tpu.wait_dma2 semaphore(%run_scoped3A : memref<!tpu.dma_semaphore, #tpu.memory_space<semaphore_mem>>) src(%arg10 : memref<128x128xbf16, #tpu.memory_space<vmem>>) dst(%dma_wait3A_28 : memref<128x128xbf16, #tpu.memory_space<vmem_shared>>)
      tpu.yield
    }) : () -> ()
    %add3A_13 = arith.constant 512 : i32
    %add3A_14 = arith.addi %mul3A_0, %add3A_13 : i32
    "tpu.region"() ({
      %run_scoped3A = tpu.sem_alloc : memref<!tpu.dma_semaphore, #tpu.memory_space<semaphore_mem>>
      %dma_start3A = arith.constant 0 : i32
      %dma_start3A_23 = tpu.memref_slice %arg12[%add3A_14, %dma_start3A] : memref<10240x128xbf16, #tpu.memory_space<vmem_shared>> -> memref<128x128xbf16, #tpu.memory_space<vmem_shared>>
      %dma_start3A_24 = arith.constant 0 : i32
      %dma_start3A_25 = tpu.memref_slice %arg12[%add3A_14, %dma_start3A_24] : memref<10240x128xbf16, #tpu.memory_space<vmem_shared>> -> memref<128x128xbf16, #tpu.memory_space<vmem_shared>>
      tpu.enqueue_dma source(%arg10 : memref<128x128xbf16, #tpu.memory_space<vmem>>) target(%dma_start3A_25 : memref<128x128xbf16, #tpu.memory_space<vmem_shared>>) target_semaphore(%run_scoped3A : memref<!tpu.dma_semaphore, #tpu.memory_space<semaphore_mem>>)
      %dma_wait3A = arith.constant 0 : i32
      %dma_wait3A_26 = tpu.memref_slice %arg12[%add3A_14, %dma_wait3A] : memref<10240x128xbf16, #tpu.memory_space<vmem_shared>> -> memref<128x128xbf16, #tpu.memory_space<vmem_shared>>
      %dma_wait3A_27 = arith.constant 0 : i32
      %dma_wait3A_28 = tpu.memref_slice %arg12[%add3A_14, %dma_wait3A_27] : memref<10240x128xbf16, #tpu.memory_space<vmem_shared>> -> memref<128x128xbf16, #tpu.memory_space<vmem_shared>>
      tpu.wait_dma2 semaphore(%run_scoped3A : memref<!tpu.dma_semaphore, #tpu.memory_space<semaphore_mem>>) src(%arg10 : memref<128x128xbf16, #tpu.memory_space<vmem>>) dst(%dma_wait3A_28 : memref<128x128xbf16, #tpu.memory_space<vmem_shared>>)
      tpu.yield
    }) : () -> ()
    %barrier3A = arith.constant 0 : index
    tpu.barrier barrier_id(%barrier3A)
    %eq3A = arith.constant 0 : i32
    %eq3A_15 = arith.cmpi eq, %arg0, %eq3A : i32
    %convert_element_type3A = arith.extui %eq3A_15 : i1 to i32
    %cond3A = arith.constant 0 : i32
    %cond3A_16 = arith.cmpi ne, %convert_element_type3A, %cond3A : i32
    scf.if %cond3A_16 {
      %mul3A_23 = arith.constant 120 : i32
      %mul3A_24 = arith.muli %arg1, %mul3A_23 : i32
      %scan3A_25 = arith.constant 0 : i32
      %scan3A_26 = arith.constant 0 : i32
      %scan3A_27 = arith.constant 15 : i32
      %scan3A_28 = arith.addi %scan3A_26, %scan3A_27 : i32
      %scan3A_29 = arith.constant 1 : i32
      scf.for %scan3A_31 = %scan3A_26 to %scan3A_28 step %scan3A_29  : i32 {
        %mul3A_32 = arith.constant 8 : i32
        %mul3A_33 = arith.muli %scan3A_31, %mul3A_32 : i32
        %add3A_34 = arith.addi %mul3A_24, %mul3A_33 : i32
        "tpu.region"() ({
          %run_scoped3A = tpu.sem_alloc : memref<!tpu.dma_semaphore, #tpu.memory_space<semaphore_mem>>
          %dma_start3A_47 = arith.constant 0 : i32
          %dma_start3A_48 = tpu.memref_slice %arg2[%add3A_34, %dma_start3A_47] : memref<2560x128xi32, #tpu.memory_space<hbm>> -> memref<8x128xi32, #tpu.memory_space<hbm>>
          %dma_start3A_49 = arith.constant 0 : i32
          %dma_start3A_50 = tpu.memref_slice %arg2[%add3A_34, %dma_start3A_49] : memref<2560x128xi32, #tpu.memory_space<hbm>> -> memref<8x128xi32, #tpu.memory_space<hbm>>
          tpu.enqueue_dma source(%dma_start3A_50 : memref<8x128xi32, #tpu.memory_space<hbm>>) target(%arg7 : memref<8x128xi32, #tpu.memory_space<vmem>>) target_semaphore(%run_scoped3A : memref<!tpu.dma_semaphore, #tpu.memory_space<semaphore_mem>>)
          %dma_wait3A = arith.constant 0 : i32
          %dma_wait3A_51 = tpu.memref_slice %arg2[%add3A_34, %dma_wait3A] : memref<2560x128xi32, #tpu.memory_space<hbm>> -> memref<8x128xi32, #tpu.memory_space<hbm>>
          %dma_wait3A_52 = arith.constant 0 : i32
          %dma_wait3A_53 = tpu.memref_slice %arg2[%add3A_34, %dma_wait3A_52] : memref<2560x128xi32, #tpu.memory_space<hbm>> -> memref<8x128xi32, #tpu.memory_space<hbm>>
          tpu.wait_dma2 semaphore(%run_scoped3A : memref<!tpu.dma_semaphore, #tpu.memory_space<semaphore_mem>>) src(%dma_wait3A_53 : memref<8x128xi32, #tpu.memory_space<hbm>>) dst(%arg7 : memref<8x128xi32, #tpu.memory_space<vmem>>)
          tpu.yield
        }) : () -> ()
        "tpu.region"() ({
          %run_scoped3A = tpu.sem_alloc : memref<!tpu.dma_semaphore, #tpu.memory_space<semaphore_mem>>
          %dma_start3A_47 = arith.constant 0 : i32
          %dma_start3A_48 = tpu.memref_slice %arg3[%add3A_34, %dma_start3A_47] : memref<2560x128xi32, #tpu.memory_space<hbm>> -> memref<8x128xi32, #tpu.memory_space<hbm>>
          %dma_start3A_49 = arith.constant 0 : i32
          %dma_start3A_50 = tpu.memref_slice %arg3[%add3A_34, %dma_start3A_49] : memref<2560x128xi32, #tpu.memory_space<hbm>> -> memref<8x128xi32, #tpu.memory_space<hbm>>
          tpu.enqueue_dma source(%dma_start3A_50 : memref<8x128xi32, #tpu.memory_space<hbm>>) target(%arg8 : memref<8x128xi32, #tpu.memory_space<vmem>>) target_semaphore(%run_scoped3A : memref<!tpu.dma_semaphore, #tpu.memory_space<semaphore_mem>>)
          %dma_wait3A = arith.constant 0 : i32
          %dma_wait3A_51 = tpu.memref_slice %arg3[%add3A_34, %dma_wait3A] : memref<2560x128xi32, #tpu.memory_space<hbm>> -> memref<8x128xi32, #tpu.memory_space<hbm>>
          %dma_wait3A_52 = arith.constant 0 : i32
          %dma_wait3A_53 = tpu.memref_slice %arg3[%add3A_34, %dma_wait3A_52] : memref<2560x128xi32, #tpu.memory_space<hbm>> -> memref<8x128xi32, #tpu.memory_space<hbm>>
          tpu.wait_dma2 semaphore(%run_scoped3A : memref<!tpu.dma_semaphore, #tpu.memory_space<semaphore_mem>>) src(%dma_wait3A_53 : memref<8x128xi32, #tpu.memory_space<hbm>>) dst(%arg8 : memref<8x128xi32, #tpu.memory_space<vmem>>)
          tpu.yield
        }) : () -> ()
        "tpu.region"() ({
          %run_scoped3A = tpu.sem_alloc : memref<!tpu.dma_semaphore, #tpu.memory_space<semaphore_mem>>
          %dma_start3A_47 = arith.constant 0 : i32
          %dma_start3A_48 = tpu.memref_slice %arg4[%add3A_34, %dma_start3A_47] : memref<2560x128xf32, #tpu.memory_space<hbm>> -> memref<8x128xf32, #tpu.memory_space<hbm>>
          %dma_start3A_49 = arith.constant 0 : i32
          %dma_start3A_50 = tpu.memref_slice %arg4[%add3A_34, %dma_start3A_49] : memref<2560x128xf32, #tpu.memory_space<hbm>> -> memref<8x128xf32, #tpu.memory_space<hbm>>
          tpu.enqueue_dma source(%dma_start3A_50 : memref<8x128xf32, #tpu.memory_space<hbm>>) target(%arg9 : memref<8x128xf32, #tpu.memory_space<vmem>>) target_semaphore(%run_scoped3A : memref<!tpu.dma_semaphore, #tpu.memory_space<semaphore_mem>>)
          %dma_wait3A = arith.constant 0 : i32
          %dma_wait3A_51 = tpu.memref_slice %arg4[%add3A_34, %dma_wait3A] : memref<2560x128xf32, #tpu.memory_space<hbm>> -> memref<8x128xf32, #tpu.memory_space<hbm>>
          %dma_wait3A_52 = arith.constant 0 : i32
          %dma_wait3A_53 = tpu.memref_slice %arg4[%add3A_34, %dma_wait3A_52] : memref<2560x128xf32, #tpu.memory_space<hbm>> -> memref<8x128xf32, #tpu.memory_space<hbm>>
          tpu.wait_dma2 semaphore(%run_scoped3A : memref<!tpu.dma_semaphore, #tpu.memory_space<semaphore_mem>>) src(%dma_wait3A_53 : memref<8x128xf32, #tpu.memory_space<hbm>>) dst(%arg9 : memref<8x128xf32, #tpu.memory_space<vmem>>)
          tpu.yield
        }) : () -> ()
        %dma_start3A = arith.constant 0 : i32
        %dma_start3A_35 = arith.constant 0 : i32
        %dma_start3A_36 = tpu.memref_slice %arg7[%dma_start3A, %dma_start3A_35] : memref<8x128xi32, #tpu.memory_space<vmem>> -> memref<1x128xi32, #tpu.memory_space<vmem>>
        %dma_start3A_37 = tpu.memref_squeeze %dma_start3A_36 : memref<1x128xi32, #tpu.memory_space<vmem>> -> memref<128xi32, #tpu.memory_space<vmem>>
        %dma_start3A_38 = arith.constant 0 : i32
        %dma_start3A_39 = arith.constant 0 : i32
        %dma_start3A_40 = tpu.memref_slice %arg5[%dma_start3A_38, %dma_start3A_39] : memref<10000x128xbf16, #tpu.memory_space<hbm>> -> memref<10000x128xbf16, #tpu.memory_space<hbm>>
        tpu.enqueue_indirect_dma source(%dma_start3A_40 : memref<10000x128xbf16, #tpu.memory_space<hbm>>) target(%arg10 : memref<128x128xbf16, #tpu.memory_space<vmem>>) offsets(%dma_start3A_37 : memref<128xi32, #tpu.memory_space<vmem>>) semaphore(%arg13 : memref<!tpu.dma_semaphore, #tpu.memory_space<semaphore_mem>>)
        %scan3A_41 = arith.constant 0 : i32
        %scan3A_42 = arith.constant 0 : i32
        %scan3A_43 = arith.constant 4 : i32
        %scan3A_44 = arith.addi %scan3A_42, %scan3A_43 : i32
        %scan3A_45 = arith.constant 1 : i32
        scf.for %scan3A_47 = %scan3A_42 to %scan3A_44 step %scan3A_45  : i32 {
          %mul3A_48 = arith.constant 2 : i32
          %mul3A_49 = arith.muli %scan3A_47, %mul3A_48 : i32
          %add3A_50 = arith.constant 0 : i32
          %add3A_51 = arith.addi %mul3A_49, %add3A_50 : i32
          %dma_wait3A = arith.constant 0 : i32
          %dma_wait3A_52 = tpu.memref_slice %arg7[%add3A_51, %dma_wait3A] : memref<8x128xi32, #tpu.memory_space<vmem>> -> memref<1x128xi32, #tpu.memory_space<vmem>>
          %dma_wait3A_53 = tpu.memref_squeeze %dma_wait3A_52 : memref<1x128xi32, #tpu.memory_space<vmem>> -> memref<128xi32, #tpu.memory_space<vmem>>
          %dma_wait3A_54 = arith.constant 0 : i32
          %dma_wait3A_55 = arith.constant 0 : i32
          %dma_wait3A_56 = tpu.memref_slice %arg5[%dma_wait3A_54, %dma_wait3A_55] : memref<10000x128xbf16, #tpu.memory_space<hbm>> -> memref<10000x128xbf16, #tpu.memory_space<hbm>>
          tpu.wait_indirect_dma semaphore(%arg13 : memref<!tpu.dma_semaphore, #tpu.memory_space<semaphore_mem>>) src(%dma_wait3A_56 : memref<10000x128xbf16, #tpu.memory_space<hbm>>) dst(%arg10 : memref<128x128xbf16, #tpu.memory_space<vmem>>)
          %lt3A = arith.constant 7 : i32
          %lt3A_57 = arith.cmpi slt, %add3A_51, %lt3A : i32
          %convert_element_type3A_58 = arith.extui %lt3A_57 : i1 to i32
          %cond3A_59 = arith.constant 0 : i32
          %cond3A_60 = arith.cmpi ne, %convert_element_type3A_58, %cond3A_59 : i32
          scf.if %cond3A_60 {
            %add3A_81 = arith.constant 1 : i32
            %add3A_82 = arith.addi %add3A_51, %add3A_81 : i32
            %dma_start3A_83 = arith.constant 0 : i32
            %dma_start3A_84 = tpu.memref_slice %arg7[%add3A_82, %dma_start3A_83] : memref<8x128xi32, #tpu.memory_space<vmem>> -> memref<1x128xi32, #tpu.memory_space<vmem>>
            %dma_start3A_85 = tpu.memref_squeeze %dma_start3A_84 : memref<1x128xi32, #tpu.memory_space<vmem>> -> memref<128xi32, #tpu.memory_space<vmem>>
            %dma_start3A_86 = arith.constant 0 : i32
            %dma_start3A_87 = arith.constant 0 : i32
            %dma_start3A_88 = tpu.memref_slice %arg5[%dma_start3A_86, %dma_start3A_87] : memref<10000x128xbf16, #tpu.memory_space<hbm>> -> memref<10000x128xbf16, #tpu.memory_space<hbm>>
            tpu.enqueue_indirect_dma source(%dma_start3A_88 : memref<10000x128xbf16, #tpu.memory_space<hbm>>) target(%arg11 : memref<128x128xbf16, #tpu.memory_space<vmem>>) offsets(%dma_start3A_85 : memref<128xi32, #tpu.memory_space<vmem>>) semaphore(%arg14 : memref<!tpu.dma_semaphore, #tpu.memory_space<semaphore_mem>>)
          } else {
          }
          %parallel_loop3A = arith.constant 0 : i32
          %parallel_loop3A_61 = arith.constant 128 : i32
          %parallel_loop3A_62 = arith.constant 1 : i32
          scf.for %parallel_loop3A_81 = %parallel_loop3A to %parallel_loop3A_61 step %parallel_loop3A_62  : i32 {
            %parallel_loop3A_82 = vector.broadcast %add3A_51 : i32 to vector<16xi32>
            %parallel_loop3A_83 = vector.broadcast %parallel_loop3A_81 : i32 to vector<16xi32>
            %parallel_loop3A_84 = tpu.vector_load_idx %arg9[%parallel_loop3A_82, %parallel_loop3A_83] : memref<8x128xf32, #tpu.memory_space<vmem>>[vector<16xi32>, vector<16xi32>], vector<16xf32>,
            %parallel_loop3A_85 = tpu.pack_subelements %parallel_loop3A_84, %parallel_loop3A_84 {pack_format = #tpu.pack_format<interleaved>, positions = array<i32: 0, 1>} : vector<16xf32>, vector<16xf32> -> vector<32xbf16>
            %parallel_loop3A_86 = arith.index_cast %parallel_loop3A_81 : i32 to index
            %parallel_loop3A_87 = arith.constant 0 : index
            %parallel_loop3A_88 = tpu.vector_load %arg10[%parallel_loop3A_86, %parallel_loop3A_87] {strides = array<i32>} : memref<128x128xbf16, #tpu.memory_space<vmem>>, vector<32xbf16>,
            %parallel_loop3A_89 = arith.mulf %parallel_loop3A_88, %parallel_loop3A_85 : vector<32xbf16>
            %parallel_loop3A_90 = arith.index_cast %parallel_loop3A_81 : i32 to index
            %parallel_loop3A_91 = arith.constant 0 : index
            %parallel_loop3A_92 = tpu.vector_load %arg10[%parallel_loop3A_90, %parallel_loop3A_91] {strides = array<i32>} : memref<128x128xbf16, #tpu.memory_space<vmem>>, vector<32xbf16>,
            tpu.vector_store %arg10[%parallel_loop3A_90, %parallel_loop3A_91], %parallel_loop3A_89 {strides = array<i32>} : memref<128x128xbf16, #tpu.memory_space<vmem>>, vector<32xbf16>,
            %parallel_loop3A_93 = arith.index_cast %parallel_loop3A_81 : i32 to index
            %parallel_loop3A_94 = arith.constant 32 : index
            %parallel_loop3A_95 = tpu.vector_load %arg10[%parallel_loop3A_93, %parallel_loop3A_94] {strides = array<i32>} : memref<128x128xbf16, #tpu.memory_space<vmem>>, vector<32xbf16>,
            %parallel_loop3A_96 = arith.mulf %parallel_loop3A_95, %parallel_loop3A_85 : vector<32xbf16>
            %parallel_loop3A_97 = arith.index_cast %parallel_loop3A_81 : i32 to index
            %parallel_loop3A_98 = arith.constant 32 : index
            %parallel_loop3A_99 = tpu.vector_load %arg10[%parallel_loop3A_97, %parallel_loop3A_98] {strides = array<i32>} : memref<128x128xbf16, #tpu.memory_space<vmem>>, vector<32xbf16>,
            tpu.vector_store %arg10[%parallel_loop3A_97, %parallel_loop3A_98], %parallel_loop3A_96 {strides = array<i32>} : memref<128x128xbf16, #tpu.memory_space<vmem>>, vector<32xbf16>,
            %parallel_loop3A_100 = arith.index_cast %parallel_loop3A_81 : i32 to index
            %parallel_loop3A_101 = arith.constant 64 : index
            %parallel_loop3A_102 = tpu.vector_load %arg10[%parallel_loop3A_100, %parallel_loop3A_101] {strides = array<i32>} : memref<128x128xbf16, #tpu.memory_space<vmem>>, vector<32xbf16>,
            %parallel_loop3A_103 = arith.mulf %parallel_loop3A_102, %parallel_loop3A_85 : vector<32xbf16>
            %parallel_loop3A_104 = arith.index_cast %parallel_loop3A_81 : i32 to index
            %parallel_loop3A_105 = arith.constant 64 : index
            %parallel_loop3A_106 = tpu.vector_load %arg10[%parallel_loop3A_104, %parallel_loop3A_105] {strides = array<i32>} : memref<128x128xbf16, #tpu.memory_space<vmem>>, vector<32xbf16>,
            tpu.vector_store %arg10[%parallel_loop3A_104, %parallel_loop3A_105], %parallel_loop3A_103 {strides = array<i32>} : memref<128x128xbf16, #tpu.memory_space<vmem>>, vector<32xbf16>,
            %parallel_loop3A_107 = arith.index_cast %parallel_loop3A_81 : i32 to index
            %parallel_loop3A_108 = arith.constant 96 : index
            %parallel_loop3A_109 = tpu.vector_load %arg10[%parallel_loop3A_107, %parallel_loop3A_108] {strides = array<i32>} : memref<128x128xbf16, #tpu.memory_space<vmem>>, vector<32xbf16>,
            %parallel_loop3A_110 = arith.mulf %parallel_loop3A_109, %parallel_loop3A_85 : vector<32xbf16>
            %parallel_loop3A_111 = arith.index_cast %parallel_loop3A_81 : i32 to index
            %parallel_loop3A_112 = arith.constant 96 : index
            %parallel_loop3A_113 = tpu.vector_load %arg10[%parallel_loop3A_111, %parallel_loop3A_112] {strides = array<i32>} : memref<128x128xbf16, #tpu.memory_space<vmem>>, vector<32xbf16>,
            tpu.vector_store %arg10[%parallel_loop3A_111, %parallel_loop3A_112], %parallel_loop3A_110 {strides = array<i32>} : memref<128x128xbf16, #tpu.memory_space<vmem>>, vector<32xbf16>,
          } {sc.loop_unroll_factor = 4 : i64, sc.parallel_access}
          "tpu.region"() ({
            %run_scoped3A = tpu.sem_alloc : memref<!tpu.dma_semaphore, #tpu.memory_space<semaphore_mem>>
            %dma_start3A_81 = arith.constant 0 : i32
            %dma_start3A_82 = tpu.memref_slice %arg8[%add3A_51, %dma_start3A_81] : memref<8x128xi32, #tpu.memory_space<vmem>> -> memref<1x128xi32, #tpu.memory_space<vmem>>
            %dma_start3A_83 = tpu.memref_squeeze %dma_start3A_82 : memref<1x128xi32, #tpu.memory_space<vmem>> -> memref<128xi32, #tpu.memory_space<vmem>>
            %dma_start3A_84 = arith.constant 0 : i32
            %dma_start3A_85 = arith.constant 0 : i32
            %dma_start3A_86 = tpu.memref_slice %arg12[%dma_start3A_84, %dma_start3A_85] : memref<10240x128xbf16, #tpu.memory_space<vmem_shared>> -> memref<10240x128xbf16, #tpu.memory_space<vmem_shared>>
            tpu.enqueue_indirect_dma source(%arg10 : memref<128x128xbf16, #tpu.memory_space<vmem>>) target(%dma_start3A_86 : memref<10240x128xbf16, #tpu.memory_space<vmem_shared>>) offsets(%dma_start3A_83 : memref<128xi32, #tpu.memory_space<vmem>>) semaphore(%run_scoped3A : memref<!tpu.dma_semaphore, #tpu.memory_space<semaphore_mem>>) {add = true}
            %dma_wait3A_87 = arith.constant 0 : i32
            %dma_wait3A_88 = tpu.memref_slice %arg8[%add3A_51, %dma_wait3A_87] : memref<8x128xi32, #tpu.memory_space<vmem>> -> memref<1x128xi32, #tpu.memory_space<vmem>>
            %dma_wait3A_89 = tpu.memref_squeeze %dma_wait3A_88 : memref<1x128xi32, #tpu.memory_space<vmem>> -> memref<128xi32, #tpu.memory_space<vmem>>
            %dma_wait3A_90 = arith.constant 0 : i32
            %dma_wait3A_91 = arith.constant 0 : i32
            %dma_wait3A_92 = tpu.memref_slice %arg12[%dma_wait3A_90, %dma_wait3A_91] : memref<10240x128xbf16, #tpu.memory_space<vmem_shared>> -> memref<10240x128xbf16, #tpu.memory_space<vmem_shared>>
            tpu.wait_indirect_dma semaphore(%run_scoped3A : memref<!tpu.dma_semaphore, #tpu.memory_space<semaphore_mem>>) src(%arg10 : memref<128x128xbf16, #tpu.memory_space<vmem>>) dst(%dma_wait3A_92 : memref<10240x128xbf16, #tpu.memory_space<vmem_shared>>)
            tpu.yield
          }) : () -> ()
          %mul3A_63 = arith.constant 2 : i32
          %mul3A_64 = arith.muli %scan3A_47, %mul3A_63 : i32
          %add3A_65 = arith.constant 1 : i32
          %add3A_66 = arith.addi %mul3A_64, %add3A_65 : i32
          %dma_wait3A_67 = arith.constant 0 : i32
          %dma_wait3A_68 = tpu.memref_slice %arg7[%add3A_66, %dma_wait3A_67] : memref<8x128xi32, #tpu.memory_space<vmem>> -> memref<1x128xi32, #tpu.memory_space<vmem>>
          %dma_wait3A_69 = tpu.memref_squeeze %dma_wait3A_68 : memref<1x128xi32, #tpu.memory_space<vmem>> -> memref<128xi32, #tpu.memory_space<vmem>>
          %dma_wait3A_70 = arith.constant 0 : i32
          %dma_wait3A_71 = arith.constant 0 : i32
          %dma_wait3A_72 = tpu.memref_slice %arg5[%dma_wait3A_70, %dma_wait3A_71] : memref<10000x128xbf16, #tpu.memory_space<hbm>> -> memref<10000x128xbf16, #tpu.memory_space<hbm>>
          tpu.wait_indirect_dma semaphore(%arg14 : memref<!tpu.dma_semaphore, #tpu.memory_space<semaphore_mem>>) src(%dma_wait3A_72 : memref<10000x128xbf16, #tpu.memory_space<hbm>>) dst(%arg11 : memref<128x128xbf16, #tpu.memory_space<vmem>>)
          %lt3A_73 = arith.constant 7 : i32
          %lt3A_74 = arith.cmpi slt, %add3A_66, %lt3A_73 : i32
          %convert_element_type3A_75 = arith.extui %lt3A_74 : i1 to i32
          %cond3A_76 = arith.constant 0 : i32
          %cond3A_77 = arith.cmpi ne, %convert_element_type3A_75, %cond3A_76 : i32
          scf.if %cond3A_77 {
            %add3A_81 = arith.constant 1 : i32
            %add3A_82 = arith.addi %add3A_66, %add3A_81 : i32
            %dma_start3A_83 = arith.constant 0 : i32
            %dma_start3A_84 = tpu.memref_slice %arg7[%add3A_82, %dma_start3A_83] : memref<8x128xi32, #tpu.memory_space<vmem>> -> memref<1x128xi32, #tpu.memory_space<vmem>>
            %dma_start3A_85 = tpu.memref_squeeze %dma_start3A_84 : memref<1x128xi32, #tpu.memory_space<vmem>> -> memref<128xi32, #tpu.memory_space<vmem>>
            %dma_start3A_86 = arith.constant 0 : i32
            %dma_start3A_87 = arith.constant 0 : i32
            %dma_start3A_88 = tpu.memref_slice %arg5[%dma_start3A_86, %dma_start3A_87] : memref<10000x128xbf16, #tpu.memory_space<hbm>> -> memref<10000x128xbf16, #tpu.memory_space<hbm>>
            tpu.enqueue_indirect_dma source(%dma_start3A_88 : memref<10000x128xbf16, #tpu.memory_space<hbm>>) target(%arg10 : memref<128x128xbf16, #tpu.memory_space<vmem>>) offsets(%dma_start3A_85 : memref<128xi32, #tpu.memory_space<vmem>>) semaphore(%arg13 : memref<!tpu.dma_semaphore, #tpu.memory_space<semaphore_mem>>)
          } else {
          }
          %parallel_loop3A_78 = arith.constant 0 : i32
          %parallel_loop3A_79 = arith.constant 128 : i32
          %parallel_loop3A_80 = arith.constant 1 : i32
          scf.for %parallel_loop3A_81 = %parallel_loop3A_78 to %parallel_loop3A_79 step %parallel_loop3A_80  : i32 {
            %parallel_loop3A_82 = vector.broadcast %add3A_66 : i32 to vector<16xi32>
            %parallel_loop3A_83 = vector.broadcast %parallel_loop3A_81 : i32 to vector<16xi32>
            %parallel_loop3A_84 = tpu.vector_load_idx %arg9[%parallel_loop3A_82, %parallel_loop3A_83] : memref<8x128xf32, #tpu.memory_space<vmem>>[vector<16xi32>, vector<16xi32>], vector<16xf32>,
            %parallel_loop3A_85 = tpu.pack_subelements %parallel_loop3A_84, %parallel_loop3A_84 {pack_format = #tpu.pack_format<interleaved>, positions = array<i32: 0, 1>} : vector<16xf32>, vector<16xf32> -> vector<32xbf16>
            %parallel_loop3A_86 = arith.index_cast %parallel_loop3A_81 : i32 to index
            %parallel_loop3A_87 = arith.constant 0 : index
            %parallel_loop3A_88 = tpu.vector_load %arg11[%parallel_loop3A_86, %parallel_loop3A_87] {strides = array<i32>} : memref<128x128xbf16, #tpu.memory_space<vmem>>, vector<32xbf16>,
            %parallel_loop3A_89 = arith.mulf %parallel_loop3A_88, %parallel_loop3A_85 : vector<32xbf16>
            %parallel_loop3A_90 = arith.index_cast %parallel_loop3A_81 : i32 to index
            %parallel_loop3A_91 = arith.constant 0 : index
            %parallel_loop3A_92 = tpu.vector_load %arg11[%parallel_loop3A_90, %parallel_loop3A_91] {strides = array<i32>} : memref<128x128xbf16, #tpu.memory_space<vmem>>, vector<32xbf16>,
            tpu.vector_store %arg11[%parallel_loop3A_90, %parallel_loop3A_91], %parallel_loop3A_89 {strides = array<i32>} : memref<128x128xbf16, #tpu.memory_space<vmem>>, vector<32xbf16>,
            %parallel_loop3A_93 = arith.index_cast %parallel_loop3A_81 : i32 to index
            %parallel_loop3A_94 = arith.constant 32 : index
            %parallel_loop3A_95 = tpu.vector_load %arg11[%parallel_loop3A_93, %parallel_loop3A_94] {strides = array<i32>} : memref<128x128xbf16, #tpu.memory_space<vmem>>, vector<32xbf16>,
            %parallel_loop3A_96 = arith.mulf %parallel_loop3A_95, %parallel_loop3A_85 : vector<32xbf16>
            %parallel_loop3A_97 = arith.index_cast %parallel_loop3A_81 : i32 to index
            %parallel_loop3A_98 = arith.constant 32 : index
            %parallel_loop3A_99 = tpu.vector_load %arg11[%parallel_loop3A_97, %parallel_loop3A_98] {strides = array<i32>} : memref<128x128xbf16, #tpu.memory_space<vmem>>, vector<32xbf16>,
            tpu.vector_store %arg11[%parallel_loop3A_97, %parallel_loop3A_98], %parallel_loop3A_96 {strides = array<i32>} : memref<128x128xbf16, #tpu.memory_space<vmem>>, vector<32xbf16>,
            %parallel_loop3A_100 = arith.index_cast %parallel_loop3A_81 : i32 to index
            %parallel_loop3A_101 = arith.constant 64 : index
            %parallel_loop3A_102 = tpu.vector_load %arg11[%parallel_loop3A_100, %parallel_loop3A_101] {strides = array<i32>} : memref<128x128xbf16, #tpu.memory_space<vmem>>, vector<32xbf16>,
            %parallel_loop3A_103 = arith.mulf %parallel_loop3A_102, %parallel_loop3A_85 : vector<32xbf16>
            %parallel_loop3A_104 = arith.index_cast %parallel_loop3A_81 : i32 to index
            %parallel_loop3A_105 = arith.constant 64 : index
            %parallel_loop3A_106 = tpu.vector_load %arg11[%parallel_loop3A_104, %parallel_loop3A_105] {strides = array<i32>} : memref<128x128xbf16, #tpu.memory_space<vmem>>, vector<32xbf16>,
            tpu.vector_store %arg11[%parallel_loop3A_104, %parallel_loop3A_105], %parallel_loop3A_103 {strides = array<i32>} : memref<128x128xbf16, #tpu.memory_space<vmem>>, vector<32xbf16>,
            %parallel_loop3A_107 = arith.index_cast %parallel_loop3A_81 : i32 to index
            %parallel_loop3A_108 = arith.constant 96 : index
            %parallel_loop3A_109 = tpu.vector_load %arg11[%parallel_loop3A_107, %parallel_loop3A_108] {strides = array<i32>} : memref<128x128xbf16, #tpu.memory_space<vmem>>, vector<32xbf16>,
            %parallel_loop3A_110 = arith.mulf %parallel_loop3A_109, %parallel_loop3A_85 : vector<32xbf16>
            %parallel_loop3A_111 = arith.index_cast %parallel_loop3A_81 : i32 to index
            %parallel_loop3A_112 = arith.constant 96 : index
            %parallel_loop3A_113 = tpu.vector_load %arg11[%parallel_loop3A_111, %parallel_loop3A_112] {strides = array<i32>} : memref<128x128xbf16, #tpu.memory_space<vmem>>, vector<32xbf16>,
            tpu.vector_store %arg11[%parallel_loop3A_111, %parallel_loop3A_112], %parallel_loop3A_110 {strides = array<i32>} : memref<128x128xbf16, #tpu.memory_space<vmem>>, vector<32xbf16>,
          } {sc.loop_unroll_factor = 4 : i64, sc.parallel_access}
          "tpu.region"() ({
            %run_scoped3A = tpu.sem_alloc : memref<!tpu.dma_semaphore, #tpu.memory_space<semaphore_mem>>
            %dma_start3A_81 = arith.constant 0 : i32
            %dma_start3A_82 = tpu.memref_slice %arg8[%add3A_66, %dma_start3A_81] : memref<8x128xi32, #tpu.memory_space<vmem>> -> memref<1x128xi32, #tpu.memory_space<vmem>>
            %dma_start3A_83 = tpu.memref_squeeze %dma_start3A_82 : memref<1x128xi32, #tpu.memory_space<vmem>> -> memref<128xi32, #tpu.memory_space<vmem>>
            %dma_start3A_84 = arith.constant 0 : i32
            %dma_start3A_85 = arith.constant 0 : i32
            %dma_start3A_86 = tpu.memref_slice %arg12[%dma_start3A_84, %dma_start3A_85] : memref<10240x128xbf16, #tpu.memory_space<vmem_shared>> -> memref<10240x128xbf16, #tpu.memory_space<vmem_shared>>
            tpu.enqueue_indirect_dma source(%arg11 : memref<128x128xbf16, #tpu.memory_space<vmem>>) target(%dma_start3A_86 : memref<10240x128xbf16, #tpu.memory_space<vmem_shared>>) offsets(%dma_start3A_83 : memref<128xi32, #tpu.memory_space<vmem>>) semaphore(%run_scoped3A : memref<!tpu.dma_semaphore, #tpu.memory_space<semaphore_mem>>) {add = true}
            %dma_wait3A_87 = arith.constant 0 : i32
            %dma_wait3A_88 = tpu.memref_slice %arg8[%add3A_66, %dma_wait3A_87] : memref<8x128xi32, #tpu.memory_space<vmem>> -> memref<1x128xi32, #tpu.memory_space<vmem>>
            %dma_wait3A_89 = tpu.memref_squeeze %dma_wait3A_88 : memref<1x128xi32, #tpu.memory_space<vmem>> -> memref<128xi32, #tpu.memory_space<vmem>>
            %dma_wait3A_90 = arith.constant 0 : i32
            %dma_wait3A_91 = arith.constant 0 : i32
            %dma_wait3A_92 = tpu.memref_slice %arg12[%dma_wait3A_90, %dma_wait3A_91] : memref<10240x128xbf16, #tpu.memory_space<vmem_shared>> -> memref<10240x128xbf16, #tpu.memory_space<vmem_shared>>
            tpu.wait_indirect_dma semaphore(%run_scoped3A : memref<!tpu.dma_semaphore, #tpu.memory_space<semaphore_mem>>) src(%arg11 : memref<128x128xbf16, #tpu.memory_space<vmem>>) dst(%dma_wait3A_92 : memref<10240x128xbf16, #tpu.memory_space<vmem_shared>>)
            tpu.yield
          }) : () -> ()
        }
        %scan3A_46 = arith.constant 4 : i32
      }
      %scan3A_30 = arith.constant 15 : i32
    } else {
    }
    %eq3A_17 = arith.constant 1 : i32
    %eq3A_18 = arith.cmpi eq, %arg0, %eq3A_17 : i32
    %convert_element_type3A_19 = arith.extui %eq3A_18 : i1 to i32
    %cond3A_20 = arith.constant 0 : i32
    %cond3A_21 = arith.cmpi ne, %convert_element_type3A_19, %cond3A_20 : i32
    scf.if %cond3A_21 {
      %mul3A_23 = arith.constant 40 : i32
      %mul3A_24 = arith.muli %arg1, %mul3A_23 : i32
      %add3A_25 = arith.constant 1920 : i32
      %add3A_26 = arith.addi %add3A_25, %mul3A_24 : i32
      %scan3A_27 = arith.constant 0 : i32
      %scan3A_28 = arith.constant 0 : i32
      %scan3A_29 = arith.constant 5 : i32
      %scan3A_30 = arith.addi %scan3A_28, %scan3A_29 : i32
      %scan3A_31 = arith.constant 1 : i32
      scf.for %scan3A_33 = %scan3A_28 to %scan3A_30 step %scan3A_31  : i32 {
        %mul3A_34 = arith.constant 8 : i32
        %mul3A_35 = arith.muli %scan3A_33, %mul3A_34 : i32
        %add3A_36 = arith.addi %add3A_26, %mul3A_35 : i32
        "tpu.region"() ({
          %run_scoped3A = tpu.sem_alloc : memref<!tpu.dma_semaphore, #tpu.memory_space<semaphore_mem>>
          %dma_start3A_49 = arith.constant 0 : i32
          %dma_start3A_50 = tpu.memref_slice %arg2[%add3A_36, %dma_start3A_49] : memref<2560x128xi32, #tpu.memory_space<hbm>> -> memref<8x128xi32, #tpu.memory_space<hbm>>
          %dma_start3A_51 = arith.constant 0 : i32
          %dma_start3A_52 = tpu.memref_slice %arg2[%add3A_36, %dma_start3A_51] : memref<2560x128xi32, #tpu.memory_space<hbm>> -> memref<8x128xi32, #tpu.memory_space<hbm>>
          tpu.enqueue_dma source(%dma_start3A_52 : memref<8x128xi32, #tpu.memory_space<hbm>>) target(%arg7 : memref<8x128xi32, #tpu.memory_space<vmem>>) target_semaphore(%run_scoped3A : memref<!tpu.dma_semaphore, #tpu.memory_space<semaphore_mem>>)
          %dma_wait3A = arith.constant 0 : i32
          %dma_wait3A_53 = tpu.memref_slice %arg2[%add3A_36, %dma_wait3A] : memref<2560x128xi32, #tpu.memory_space<hbm>> -> memref<8x128xi32, #tpu.memory_space<hbm>>
          %dma_wait3A_54 = arith.constant 0 : i32
          %dma_wait3A_55 = tpu.memref_slice %arg2[%add3A_36, %dma_wait3A_54] : memref<2560x128xi32, #tpu.memory_space<hbm>> -> memref<8x128xi32, #tpu.memory_space<hbm>>
          tpu.wait_dma2 semaphore(%run_scoped3A : memref<!tpu.dma_semaphore, #tpu.memory_space<semaphore_mem>>) src(%dma_wait3A_55 : memref<8x128xi32, #tpu.memory_space<hbm>>) dst(%arg7 : memref<8x128xi32, #tpu.memory_space<vmem>>)
          tpu.yield
        }) : () -> ()
        "tpu.region"() ({
          %run_scoped3A = tpu.sem_alloc : memref<!tpu.dma_semaphore, #tpu.memory_space<semaphore_mem>>
          %dma_start3A_49 = arith.constant 0 : i32
          %dma_start3A_50 = tpu.memref_slice %arg3[%add3A_36, %dma_start3A_49] : memref<2560x128xi32, #tpu.memory_space<hbm>> -> memref<8x128xi32, #tpu.memory_space<hbm>>
          %dma_start3A_51 = arith.constant 0 : i32
          %dma_start3A_52 = tpu.memref_slice %arg3[%add3A_36, %dma_start3A_51] : memref<2560x128xi32, #tpu.memory_space<hbm>> -> memref<8x128xi32, #tpu.memory_space<hbm>>
          tpu.enqueue_dma source(%dma_start3A_52 : memref<8x128xi32, #tpu.memory_space<hbm>>) target(%arg8 : memref<8x128xi32, #tpu.memory_space<vmem>>) target_semaphore(%run_scoped3A : memref<!tpu.dma_semaphore, #tpu.memory_space<semaphore_mem>>)
          %dma_wait3A = arith.constant 0 : i32
          %dma_wait3A_53 = tpu.memref_slice %arg3[%add3A_36, %dma_wait3A] : memref<2560x128xi32, #tpu.memory_space<hbm>> -> memref<8x128xi32, #tpu.memory_space<hbm>>
          %dma_wait3A_54 = arith.constant 0 : i32
          %dma_wait3A_55 = tpu.memref_slice %arg3[%add3A_36, %dma_wait3A_54] : memref<2560x128xi32, #tpu.memory_space<hbm>> -> memref<8x128xi32, #tpu.memory_space<hbm>>
          tpu.wait_dma2 semaphore(%run_scoped3A : memref<!tpu.dma_semaphore, #tpu.memory_space<semaphore_mem>>) src(%dma_wait3A_55 : memref<8x128xi32, #tpu.memory_space<hbm>>) dst(%arg8 : memref<8x128xi32, #tpu.memory_space<vmem>>)
          tpu.yield
        }) : () -> ()
        "tpu.region"() ({
          %run_scoped3A = tpu.sem_alloc : memref<!tpu.dma_semaphore, #tpu.memory_space<semaphore_mem>>
          %dma_start3A_49 = arith.constant 0 : i32
          %dma_start3A_50 = tpu.memref_slice %arg4[%add3A_36, %dma_start3A_49] : memref<2560x128xf32, #tpu.memory_space<hbm>> -> memref<8x128xf32, #tpu.memory_space<hbm>>
          %dma_start3A_51 = arith.constant 0 : i32
          %dma_start3A_52 = tpu.memref_slice %arg4[%add3A_36, %dma_start3A_51] : memref<2560x128xf32, #tpu.memory_space<hbm>> -> memref<8x128xf32, #tpu.memory_space<hbm>>
          tpu.enqueue_dma source(%dma_start3A_52 : memref<8x128xf32, #tpu.memory_space<hbm>>) target(%arg9 : memref<8x128xf32, #tpu.memory_space<vmem>>) target_semaphore(%run_scoped3A : memref<!tpu.dma_semaphore, #tpu.memory_space<semaphore_mem>>)
          %dma_wait3A = arith.constant 0 : i32
          %dma_wait3A_53 = tpu.memref_slice %arg4[%add3A_36, %dma_wait3A] : memref<2560x128xf32, #tpu.memory_space<hbm>> -> memref<8x128xf32, #tpu.memory_space<hbm>>
          %dma_wait3A_54 = arith.constant 0 : i32
          %dma_wait3A_55 = tpu.memref_slice %arg4[%add3A_36, %dma_wait3A_54] : memref<2560x128xf32, #tpu.memory_space<hbm>> -> memref<8x128xf32, #tpu.memory_space<hbm>>
          tpu.wait_dma2 semaphore(%run_scoped3A : memref<!tpu.dma_semaphore, #tpu.memory_space<semaphore_mem>>) src(%dma_wait3A_55 : memref<8x128xf32, #tpu.memory_space<hbm>>) dst(%arg9 : memref<8x128xf32, #tpu.memory_space<vmem>>)
          tpu.yield
        }) : () -> ()
        %dma_start3A = arith.constant 0 : i32
        %dma_start3A_37 = arith.constant 0 : i32
        %dma_start3A_38 = tpu.memref_slice %arg7[%dma_start3A, %dma_start3A_37] : memref<8x128xi32, #tpu.memory_space<vmem>> -> memref<1x128xi32, #tpu.memory_space<vmem>>
        %dma_start3A_39 = tpu.memref_squeeze %dma_start3A_38 : memref<1x128xi32, #tpu.memory_space<vmem>> -> memref<128xi32, #tpu.memory_space<vmem>>
        %dma_start3A_40 = arith.constant 0 : i32
        %dma_start3A_41 = arith.constant 0 : i32
        %dma_start3A_42 = tpu.memref_slice %arg5[%dma_start3A_40, %dma_start3A_41] : memref<10000x128xbf16, #tpu.memory_space<hbm>> -> memref<10000x128xbf16, #tpu.memory_space<hbm>>
        tpu.enqueue_indirect_dma source(%dma_start3A_42 : memref<10000x128xbf16, #tpu.memory_space<hbm>>) target(%arg10 : memref<128x128xbf16, #tpu.memory_space<vmem>>) offsets(%dma_start3A_39 : memref<128xi32, #tpu.memory_space<vmem>>) semaphore(%arg13 : memref<!tpu.dma_semaphore, #tpu.memory_space<semaphore_mem>>)
        %scan3A_43 = arith.constant 0 : i32
        %scan3A_44 = arith.constant 0 : i32
        %scan3A_45 = arith.constant 4 : i32
        %scan3A_46 = arith.addi %scan3A_44, %scan3A_45 : i32
        %scan3A_47 = arith.constant 1 : i32
        scf.for %scan3A_49 = %scan3A_44 to %scan3A_46 step %scan3A_47  : i32 {
          %mul3A_50 = arith.constant 2 : i32
          %mul3A_51 = arith.muli %scan3A_49, %mul3A_50 : i32
          %add3A_52 = arith.constant 0 : i32
          %add3A_53 = arith.addi %mul3A_51, %add3A_52 : i32
          %dma_wait3A = arith.constant 0 : i32
          %dma_wait3A_54 = tpu.memref_slice %arg7[%add3A_53, %dma_wait3A] : memref<8x128xi32, #tpu.memory_space<vmem>> -> memref<1x128xi32, #tpu.memory_space<vmem>>
          %dma_wait3A_55 = tpu.memref_squeeze %dma_wait3A_54 : memref<1x128xi32, #tpu.memory_space<vmem>> -> memref<128xi32, #tpu.memory_space<vmem>>
          %dma_wait3A_56 = arith.constant 0 : i32
          %dma_wait3A_57 = arith.constant 0 : i32
          %dma_wait3A_58 = tpu.memref_slice %arg5[%dma_wait3A_56, %dma_wait3A_57] : memref<10000x128xbf16, #tpu.memory_space<hbm>> -> memref<10000x128xbf16, #tpu.memory_space<hbm>>
          tpu.wait_indirect_dma semaphore(%arg13 : memref<!tpu.dma_semaphore, #tpu.memory_space<semaphore_mem>>) src(%dma_wait3A_58 : memref<10000x128xbf16, #tpu.memory_space<hbm>>) dst(%arg10 : memref<128x128xbf16, #tpu.memory_space<vmem>>)
          %lt3A = arith.constant 7 : i32
          %lt3A_59 = arith.cmpi slt, %add3A_53, %lt3A : i32
          %convert_element_type3A_60 = arith.extui %lt3A_59 : i1 to i32
          %cond3A_61 = arith.constant 0 : i32
          %cond3A_62 = arith.cmpi ne, %convert_element_type3A_60, %cond3A_61 : i32
          scf.if %cond3A_62 {
            %add3A_83 = arith.constant 1 : i32
            %add3A_84 = arith.addi %add3A_53, %add3A_83 : i32
            %dma_start3A_85 = arith.constant 0 : i32
            %dma_start3A_86 = tpu.memref_slice %arg7[%add3A_84, %dma_start3A_85] : memref<8x128xi32, #tpu.memory_space<vmem>> -> memref<1x128xi32, #tpu.memory_space<vmem>>
            %dma_start3A_87 = tpu.memref_squeeze %dma_start3A_86 : memref<1x128xi32, #tpu.memory_space<vmem>> -> memref<128xi32, #tpu.memory_space<vmem>>
            %dma_start3A_88 = arith.constant 0 : i32
            %dma_start3A_89 = arith.constant 0 : i32
            %dma_start3A_90 = tpu.memref_slice %arg5[%dma_start3A_88, %dma_start3A_89] : memref<10000x128xbf16, #tpu.memory_space<hbm>> -> memref<10000x128xbf16, #tpu.memory_space<hbm>>
            tpu.enqueue_indirect_dma source(%dma_start3A_90 : memref<10000x128xbf16, #tpu.memory_space<hbm>>) target(%arg11 : memref<128x128xbf16, #tpu.memory_space<vmem>>) offsets(%dma_start3A_87 : memref<128xi32, #tpu.memory_space<vmem>>) semaphore(%arg14 : memref<!tpu.dma_semaphore, #tpu.memory_space<semaphore_mem>>)
          } else {
          }
          %parallel_loop3A = arith.constant 0 : i32
          %parallel_loop3A_63 = arith.constant 128 : i32
          %parallel_loop3A_64 = arith.constant 1 : i32
          scf.for %parallel_loop3A_83 = %parallel_loop3A to %parallel_loop3A_63 step %parallel_loop3A_64  : i32 {
            %parallel_loop3A_84 = vector.broadcast %add3A_53 : i32 to vector<16xi32>
            %parallel_loop3A_85 = vector.broadcast %parallel_loop3A_83 : i32 to vector<16xi32>
            %parallel_loop3A_86 = tpu.vector_load_idx %arg9[%parallel_loop3A_84, %parallel_loop3A_85] : memref<8x128xf32, #tpu.memory_space<vmem>>[vector<16xi32>, vector<16xi32>], vector<16xf32>,
            %parallel_loop3A_87 = tpu.pack_subelements %parallel_loop3A_86, %parallel_loop3A_86 {pack_format = #tpu.pack_format<interleaved>, positions = array<i32: 0, 1>} : vector<16xf32>, vector<16xf32> -> vector<32xbf16>
            %parallel_loop3A_88 = arith.index_cast %parallel_loop3A_83 : i32 to index
            %parallel_loop3A_89 = arith.constant 0 : index
            %parallel_loop3A_90 = tpu.vector_load %arg10[%parallel_loop3A_88, %parallel_loop3A_89] {strides = array<i32>} : memref<128x128xbf16, #tpu.memory_space<vmem>>, vector<32xbf16>,
            %parallel_loop3A_91 = arith.mulf %parallel_loop3A_90, %parallel_loop3A_87 : vector<32xbf16>
            %parallel_loop3A_92 = arith.index_cast %parallel_loop3A_83 : i32 to index
            %parallel_loop3A_93 = arith.constant 0 : index
            %parallel_loop3A_94 = tpu.vector_load %arg10[%parallel_loop3A_92, %parallel_loop3A_93] {strides = array<i32>} : memref<128x128xbf16, #tpu.memory_space<vmem>>, vector<32xbf16>,
            tpu.vector_store %arg10[%parallel_loop3A_92, %parallel_loop3A_93], %parallel_loop3A_91 {strides = array<i32>} : memref<128x128xbf16, #tpu.memory_space<vmem>>, vector<32xbf16>,
            %parallel_loop3A_95 = arith.index_cast %parallel_loop3A_83 : i32 to index
            %parallel_loop3A_96 = arith.constant 32 : index
            %parallel_loop3A_97 = tpu.vector_load %arg10[%parallel_loop3A_95, %parallel_loop3A_96] {strides = array<i32>} : memref<128x128xbf16, #tpu.memory_space<vmem>>, vector<32xbf16>,
            %parallel_loop3A_98 = arith.mulf %parallel_loop3A_97, %parallel_loop3A_87 : vector<32xbf16>
            %parallel_loop3A_99 = arith.index_cast %parallel_loop3A_83 : i32 to index
            %parallel_loop3A_100 = arith.constant 32 : index
            %parallel_loop3A_101 = tpu.vector_load %arg10[%parallel_loop3A_99, %parallel_loop3A_100] {strides = array<i32>} : memref<128x128xbf16, #tpu.memory_space<vmem>>, vector<32xbf16>,
            tpu.vector_store %arg10[%parallel_loop3A_99, %parallel_loop3A_100], %parallel_loop3A_98 {strides = array<i32>} : memref<128x128xbf16, #tpu.memory_space<vmem>>, vector<32xbf16>,
            %parallel_loop3A_102 = arith.index_cast %parallel_loop3A_83 : i32 to index
            %parallel_loop3A_103 = arith.constant 64 : index
            %parallel_loop3A_104 = tpu.vector_load %arg10[%parallel_loop3A_102, %parallel_loop3A_103] {strides = array<i32>} : memref<128x128xbf16, #tpu.memory_space<vmem>>, vector<32xbf16>,
            %parallel_loop3A_105 = arith.mulf %parallel_loop3A_104, %parallel_loop3A_87 : vector<32xbf16>
            %parallel_loop3A_106 = arith.index_cast %parallel_loop3A_83 : i32 to index
            %parallel_loop3A_107 = arith.constant 64 : index
            %parallel_loop3A_108 = tpu.vector_load %arg10[%parallel_loop3A_106, %parallel_loop3A_107] {strides = array<i32>} : memref<128x128xbf16, #tpu.memory_space<vmem>>, vector<32xbf16>,
            tpu.vector_store %arg10[%parallel_loop3A_106, %parallel_loop3A_107], %parallel_loop3A_105 {strides = array<i32>} : memref<128x128xbf16, #tpu.memory_space<vmem>>, vector<32xbf16>,
            %parallel_loop3A_109 = arith.index_cast %parallel_loop3A_83 : i32 to index
            %parallel_loop3A_110 = arith.constant 96 : index
            %parallel_loop3A_111 = tpu.vector_load %arg10[%parallel_loop3A_109, %parallel_loop3A_110] {strides = array<i32>} : memref<128x128xbf16, #tpu.memory_space<vmem>>, vector<32xbf16>,
            %parallel_loop3A_112 = arith.mulf %parallel_loop3A_111, %parallel_loop3A_87 : vector<32xbf16>
            %parallel_loop3A_113 = arith.index_cast %parallel_loop3A_83 : i32 to index
            %parallel_loop3A_114 = arith.constant 96 : index
            %parallel_loop3A_115 = tpu.vector_load %arg10[%parallel_loop3A_113, %parallel_loop3A_114] {strides = array<i32>} : memref<128x128xbf16, #tpu.memory_space<vmem>>, vector<32xbf16>,
            tpu.vector_store %arg10[%parallel_loop3A_113, %parallel_loop3A_114], %parallel_loop3A_112 {strides = array<i32>} : memref<128x128xbf16, #tpu.memory_space<vmem>>, vector<32xbf16>,
          } {sc.loop_unroll_factor = 4 : i64, sc.parallel_access}
          "tpu.region"() ({
            %run_scoped3A = tpu.sem_alloc : memref<!tpu.dma_semaphore, #tpu.memory_space<semaphore_mem>>
            %dma_start3A_83 = arith.constant 0 : i32
            %dma_start3A_84 = tpu.memref_slice %arg8[%add3A_53, %dma_start3A_83] : memref<8x128xi32, #tpu.memory_space<vmem>> -> memref<1x128xi32, #tpu.memory_space<vmem>>
            %dma_start3A_85 = tpu.memref_squeeze %dma_start3A_84 : memref<1x128xi32, #tpu.memory_space<vmem>> -> memref<128xi32, #tpu.memory_space<vmem>>
            %dma_start3A_86 = arith.constant 0 : i32
            %dma_start3A_87 = arith.constant 0 : i32
            %dma_start3A_88 = tpu.memref_slice %arg12[%dma_start3A_86, %dma_start3A_87] : memref<10240x128xbf16, #tpu.memory_space<vmem_shared>> -> memref<10240x128xbf16, #tpu.memory_space<vmem_shared>>
            tpu.enqueue_indirect_dma source(%arg10 : memref<128x128xbf16, #tpu.memory_space<vmem>>) target(%dma_start3A_88 : memref<10240x128xbf16, #tpu.memory_space<vmem_shared>>) offsets(%dma_start3A_85 : memref<128xi32, #tpu.memory_space<vmem>>) semaphore(%run_scoped3A : memref<!tpu.dma_semaphore, #tpu.memory_space<semaphore_mem>>) {add = true}
            %dma_wait3A_89 = arith.constant 0 : i32
            %dma_wait3A_90 = tpu.memref_slice %arg8[%add3A_53, %dma_wait3A_89] : memref<8x128xi32, #tpu.memory_space<vmem>> -> memref<1x128xi32, #tpu.memory_space<vmem>>
            %dma_wait3A_91 = tpu.memref_squeeze %dma_wait3A_90 : memref<1x128xi32, #tpu.memory_space<vmem>> -> memref<128xi32, #tpu.memory_space<vmem>>
            %dma_wait3A_92 = arith.constant 0 : i32
            %dma_wait3A_93 = arith.constant 0 : i32
            %dma_wait3A_94 = tpu.memref_slice %arg12[%dma_wait3A_92, %dma_wait3A_93] : memref<10240x128xbf16, #tpu.memory_space<vmem_shared>> -> memref<10240x128xbf16, #tpu.memory_space<vmem_shared>>
            tpu.wait_indirect_dma semaphore(%run_scoped3A : memref<!tpu.dma_semaphore, #tpu.memory_space<semaphore_mem>>) src(%arg10 : memref<128x128xbf16, #tpu.memory_space<vmem>>) dst(%dma_wait3A_94 : memref<10240x128xbf16, #tpu.memory_space<vmem_shared>>)
            tpu.yield
          }) : () -> ()
          %mul3A_65 = arith.constant 2 : i32
          %mul3A_66 = arith.muli %scan3A_49, %mul3A_65 : i32
          %add3A_67 = arith.constant 1 : i32
          %add3A_68 = arith.addi %mul3A_66, %add3A_67 : i32
          %dma_wait3A_69 = arith.constant 0 : i32
          %dma_wait3A_70 = tpu.memref_slice %arg7[%add3A_68, %dma_wait3A_69] : memref<8x128xi32, #tpu.memory_space<vmem>> -> memref<1x128xi32, #tpu.memory_space<vmem>>
          %dma_wait3A_71 = tpu.memref_squeeze %dma_wait3A_70 : memref<1x128xi32, #tpu.memory_space<vmem>> -> memref<128xi32, #tpu.memory_space<vmem>>
          %dma_wait3A_72 = arith.constant 0 : i32
          %dma_wait3A_73 = arith.constant 0 : i32
          %dma_wait3A_74 = tpu.memref_slice %arg5[%dma_wait3A_72, %dma_wait3A_73] : memref<10000x128xbf16, #tpu.memory_space<hbm>> -> memref<10000x128xbf16, #tpu.memory_space<hbm>>
          tpu.wait_indirect_dma semaphore(%arg14 : memref<!tpu.dma_semaphore, #tpu.memory_space<semaphore_mem>>) src(%dma_wait3A_74 : memref<10000x128xbf16, #tpu.memory_space<hbm>>) dst(%arg11 : memref<128x128xbf16, #tpu.memory_space<vmem>>)
          %lt3A_75 = arith.constant 7 : i32
          %lt3A_76 = arith.cmpi slt, %add3A_68, %lt3A_75 : i32
          %convert_element_type3A_77 = arith.extui %lt3A_76 : i1 to i32
          %cond3A_78 = arith.constant 0 : i32
          %cond3A_79 = arith.cmpi ne, %convert_element_type3A_77, %cond3A_78 : i32
          scf.if %cond3A_79 {
            %add3A_83 = arith.constant 1 : i32
            %add3A_84 = arith.addi %add3A_68, %add3A_83 : i32
            %dma_start3A_85 = arith.constant 0 : i32
            %dma_start3A_86 = tpu.memref_slice %arg7[%add3A_84, %dma_start3A_85] : memref<8x128xi32, #tpu.memory_space<vmem>> -> memref<1x128xi32, #tpu.memory_space<vmem>>
            %dma_start3A_87 = tpu.memref_squeeze %dma_start3A_86 : memref<1x128xi32, #tpu.memory_space<vmem>> -> memref<128xi32, #tpu.memory_space<vmem>>
            %dma_start3A_88 = arith.constant 0 : i32
            %dma_start3A_89 = arith.constant 0 : i32
            %dma_start3A_90 = tpu.memref_slice %arg5[%dma_start3A_88, %dma_start3A_89] : memref<10000x128xbf16, #tpu.memory_space<hbm>> -> memref<10000x128xbf16, #tpu.memory_space<hbm>>
            tpu.enqueue_indirect_dma source(%dma_start3A_90 : memref<10000x128xbf16, #tpu.memory_space<hbm>>) target(%arg10 : memref<128x128xbf16, #tpu.memory_space<vmem>>) offsets(%dma_start3A_87 : memref<128xi32, #tpu.memory_space<vmem>>) semaphore(%arg13 : memref<!tpu.dma_semaphore, #tpu.memory_space<semaphore_mem>>)
          } else {
          }
          %parallel_loop3A_80 = arith.constant 0 : i32
          %parallel_loop3A_81 = arith.constant 128 : i32
          %parallel_loop3A_82 = arith.constant 1 : i32
          scf.for %parallel_loop3A_83 = %parallel_loop3A_80 to %parallel_loop3A_81 step %parallel_loop3A_82  : i32 {
            %parallel_loop3A_84 = vector.broadcast %add3A_68 : i32 to vector<16xi32>
            %parallel_loop3A_85 = vector.broadcast %parallel_loop3A_83 : i32 to vector<16xi32>
            %parallel_loop3A_86 = tpu.vector_load_idx %arg9[%parallel_loop3A_84, %parallel_loop3A_85] : memref<8x128xf32, #tpu.memory_space<vmem>>[vector<16xi32>, vector<16xi32>], vector<16xf32>,
            %parallel_loop3A_87 = tpu.pack_subelements %parallel_loop3A_86, %parallel_loop3A_86 {pack_format = #tpu.pack_format<interleaved>, positions = array<i32: 0, 1>} : vector<16xf32>, vector<16xf32> -> vector<32xbf16>
            %parallel_loop3A_88 = arith.index_cast %parallel_loop3A_83 : i32 to index
            %parallel_loop3A_89 = arith.constant 0 : index
            %parallel_loop3A_90 = tpu.vector_load %arg11[%parallel_loop3A_88, %parallel_loop3A_89] {strides = array<i32>} : memref<128x128xbf16, #tpu.memory_space<vmem>>, vector<32xbf16>,
            %parallel_loop3A_91 = arith.mulf %parallel_loop3A_90, %parallel_loop3A_87 : vector<32xbf16>
            %parallel_loop3A_92 = arith.index_cast %parallel_loop3A_83 : i32 to index
            %parallel_loop3A_93 = arith.constant 0 : index
            %parallel_loop3A_94 = tpu.vector_load %arg11[%parallel_loop3A_92, %parallel_loop3A_93] {strides = array<i32>} : memref<128x128xbf16, #tpu.memory_space<vmem>>, vector<32xbf16>,
            tpu.vector_store %arg11[%parallel_loop3A_92, %parallel_loop3A_93], %parallel_loop3A_91 {strides = array<i32>} : memref<128x128xbf16, #tpu.memory_space<vmem>>, vector<32xbf16>,
            %parallel_loop3A_95 = arith.index_cast %parallel_loop3A_83 : i32 to index
            %parallel_loop3A_96 = arith.constant 32 : index
            %parallel_loop3A_97 = tpu.vector_load %arg11[%parallel_loop3A_95, %parallel_loop3A_96] {strides = array<i32>} : memref<128x128xbf16, #tpu.memory_space<vmem>>, vector<32xbf16>,
            %parallel_loop3A_98 = arith.mulf %parallel_loop3A_97, %parallel_loop3A_87 : vector<32xbf16>
            %parallel_loop3A_99 = arith.index_cast %parallel_loop3A_83 : i32 to index
            %parallel_loop3A_100 = arith.constant 32 : index
            %parallel_loop3A_101 = tpu.vector_load %arg11[%parallel_loop3A_99, %parallel_loop3A_100] {strides = array<i32>} : memref<128x128xbf16, #tpu.memory_space<vmem>>, vector<32xbf16>,
            tpu.vector_store %arg11[%parallel_loop3A_99, %parallel_loop3A_100], %parallel_loop3A_98 {strides = array<i32>} : memref<128x128xbf16, #tpu.memory_space<vmem>>, vector<32xbf16>,
            %parallel_loop3A_102 = arith.index_cast %parallel_loop3A_83 : i32 to index
            %parallel_loop3A_103 = arith.constant 64 : index
            %parallel_loop3A_104 = tpu.vector_load %arg11[%parallel_loop3A_102, %parallel_loop3A_103] {strides = array<i32>} : memref<128x128xbf16, #tpu.memory_space<vmem>>, vector<32xbf16>,
            %parallel_loop3A_105 = arith.mulf %parallel_loop3A_104, %parallel_loop3A_87 : vector<32xbf16>
            %parallel_loop3A_106 = arith.index_cast %parallel_loop3A_83 : i32 to index
            %parallel_loop3A_107 = arith.constant 64 : index
            %parallel_loop3A_108 = tpu.vector_load %arg11[%parallel_loop3A_106, %parallel_loop3A_107] {strides = array<i32>} : memref<128x128xbf16, #tpu.memory_space<vmem>>, vector<32xbf16>,
            tpu.vector_store %arg11[%parallel_loop3A_106, %parallel_loop3A_107], %parallel_loop3A_105 {strides = array<i32>} : memref<128x128xbf16, #tpu.memory_space<vmem>>, vector<32xbf16>,
            %parallel_loop3A_109 = arith.index_cast %parallel_loop3A_83 : i32 to index
            %parallel_loop3A_110 = arith.constant 96 : index
            %parallel_loop3A_111 = tpu.vector_load %arg11[%parallel_loop3A_109, %parallel_loop3A_110] {strides = array<i32>} : memref<128x128xbf16, #tpu.memory_space<vmem>>, vector<32xbf16>,
            %parallel_loop3A_112 = arith.mulf %parallel_loop3A_111, %parallel_loop3A_87 : vector<32xbf16>
            %parallel_loop3A_113 = arith.index_cast %parallel_loop3A_83 : i32 to index
            %parallel_loop3A_114 = arith.constant 96 : index
            %parallel_loop3A_115 = tpu.vector_load %arg11[%parallel_loop3A_113, %parallel_loop3A_114] {strides = array<i32>} : memref<128x128xbf16, #tpu.memory_space<vmem>>, vector<32xbf16>,
            tpu.vector_store %arg11[%parallel_loop3A_113, %parallel_loop3A_114], %parallel_loop3A_112 {strides = array<i32>} : memref<128x128xbf16, #tpu.memory_space<vmem>>, vector<32xbf16>,
          } {sc.loop_unroll_factor = 4 : i64, sc.parallel_access}
          "tpu.region"() ({
            %run_scoped3A = tpu.sem_alloc : memref<!tpu.dma_semaphore, #tpu.memory_space<semaphore_mem>>
            %dma_start3A_83 = arith.constant 0 : i32
            %dma_start3A_84 = tpu.memref_slice %arg8[%add3A_68, %dma_start3A_83] : memref<8x128xi32, #tpu.memory_space<vmem>> -> memref<1x128xi32, #tpu.memory_space<vmem>>
            %dma_start3A_85 = tpu.memref_squeeze %dma_start3A_84 : memref<1x128xi32, #tpu.memory_space<vmem>> -> memref<128xi32, #tpu.memory_space<vmem>>
            %dma_start3A_86 = arith.constant 0 : i32
            %dma_start3A_87 = arith.constant 0 : i32
            %dma_start3A_88 = tpu.memref_slice %arg12[%dma_start3A_86, %dma_start3A_87] : memref<10240x128xbf16, #tpu.memory_space<vmem_shared>> -> memref<10240x128xbf16, #tpu.memory_space<vmem_shared>>
            tpu.enqueue_indirect_dma source(%arg11 : memref<128x128xbf16, #tpu.memory_space<vmem>>) target(%dma_start3A_88 : memref<10240x128xbf16, #tpu.memory_space<vmem_shared>>) offsets(%dma_start3A_85 : memref<128xi32, #tpu.memory_space<vmem>>) semaphore(%run_scoped3A : memref<!tpu.dma_semaphore, #tpu.memory_space<semaphore_mem>>) {add = true}
            %dma_wait3A_89 = arith.constant 0 : i32
            %dma_wait3A_90 = tpu.memref_slice %arg8[%add3A_68, %dma_wait3A_89] : memref<8x128xi32, #tpu.memory_space<vmem>> -> memref<1x128xi32, #tpu.memory_space<vmem>>
            %dma_wait3A_91 = tpu.memref_squeeze %dma_wait3A_90 : memref<1x128xi32, #tpu.memory_space<vmem>> -> memref<128xi32, #tpu.memory_space<vmem>>
            %dma_wait3A_92 = arith.constant 0 : i32
            %dma_wait3A_93 = arith.constant 0 : i32
            %dma_wait3A_94 = tpu.memref_slice %arg12[%dma_wait3A_92, %dma_wait3A_93] : memref<10240x128xbf16, #tpu.memory_space<vmem_shared>> -> memref<10240x128xbf16, #tpu.memory_space<vmem_shared>>
            tpu.wait_indirect_dma semaphore(%run_scoped3A : memref<!tpu.dma_semaphore, #tpu.memory_space<semaphore_mem>>) src(%arg11 : memref<128x128xbf16, #tpu.memory_space<vmem>>) dst(%dma_wait3A_94 : memref<10240x128xbf16, #tpu.memory_space<vmem_shared>>)
            tpu.yield
          }) : () -> ()
        }
        %scan3A_48 = arith.constant 4 : i32
      }
      %scan3A_32 = arith.constant 5 : i32
    } else {
    }
    %barrier3A_22 = arith.constant 0 : index
    tpu.barrier barrier_id(%barrier3A_22)
    "tpu.region"() ({
      %run_scoped3A = tpu.sem_alloc : memref<!tpu.dma_semaphore, #tpu.memory_space<semaphore_mem>>
      %dma_start3A = arith.constant 0 : i32
      %dma_start3A_23 = tpu.memref_slice %arg6[%arg0, %mul3A_0, %dma_start3A] : memref<2x10240x128xbf16, #tpu.memory_space<hbm>> -> memref<1x640x128xbf16, #tpu.memory_space<hbm>>
      %dma_start3A_24 = tpu.memref_squeeze %dma_start3A_23 : memref<1x640x128xbf16, #tpu.memory_space<hbm>> -> memref<640x128xbf16, #tpu.memory_space<hbm>>
      %dma_start3A_25 = arith.constant 0 : i32
      %dma_start3A_26 = tpu.memref_slice %arg12[%mul3A_0, %dma_start3A_25] : memref<10240x128xbf16, #tpu.memory_space<vmem_shared>> -> memref<640x128xbf16, #tpu.memory_space<vmem_shared>>
      tpu.enqueue_dma source(%dma_start3A_26 : memref<640x128xbf16, #tpu.memory_space<vmem_shared>>) target(%dma_start3A_24 : memref<640x128xbf16, #tpu.memory_space<hbm>>) target_semaphore(%run_scoped3A : memref<!tpu.dma_semaphore, #tpu.memory_space<semaphore_mem>>)
      %dma_wait3A = arith.constant 0 : i32
      %dma_wait3A_27 = tpu.memref_slice %arg6[%arg0, %mul3A_0, %dma_wait3A] : memref<2x10240x128xbf16, #tpu.memory_space<hbm>> -> memref<1x640x128xbf16, #tpu.memory_space<hbm>>
      %dma_wait3A_28 = tpu.memref_squeeze %dma_wait3A_27 : memref<1x640x128xbf16, #tpu.memory_space<hbm>> -> memref<640x128xbf16, #tpu.memory_space<hbm>>
      %dma_wait3A_29 = arith.constant 0 : i32
      %dma_wait3A_30 = tpu.memref_slice %arg12[%mul3A_0, %dma_wait3A_29] : memref<10240x128xbf16, #tpu.memory_space<vmem_shared>> -> memref<640x128xbf16, #tpu.memory_space<vmem_shared>>
      tpu.wait_dma2 semaphore(%run_scoped3A : memref<!tpu.dma_semaphore, #tpu.memory_space<semaphore_mem>>) src(%dma_wait3A_30 : memref<640x128xbf16, #tpu.memory_space<vmem_shared>>) dst(%dma_wait3A_28 : memref<640x128xbf16, #tpu.memory_space<hbm>>)
      tpu.yield
    }) : () -> ()
    return
  }
}

#map = affine_map<(d0, d1) -> (0, 0)>
#map1 = affine_map<(d0, d1) -> (0)>
module attributes {stable_mosaic.version = 14 : i64} {
  func.func @_sc_scores_body(%arg0: i32, %arg1: i32, %arg2: memref<2560x128xi32, #tpu.memory_space<hbm>>, %arg3: memref<2560x128xi32, #tpu.memory_space<hbm>>, %arg4: memref<2560x128xf32, #tpu.memory_space<hbm>>, %arg5: memref<10240xf32, #tpu.memory_space<hbm>>, %arg6: memref<10240xf32, #tpu.memory_space<hbm>>, %arg7: memref<2560x128xf32, #tpu.memory_space<hbm>>, %arg8: memref<2x10240xf32, #tpu.memory_space<hbm>>, %arg9: memref<2x10240xf32, #tpu.memory_space<hbm>>, %arg10: memref<2x10240xf32, #tpu.memory_space<hbm>>, %arg11: memref<80x128xi32, #tpu.memory_space<vmem>>, %arg12: memref<80x128xi32, #tpu.memory_space<vmem>>, %arg13: memref<80x128xf32, #tpu.memory_space<vmem>>, %arg14: memref<80x128xf32, #tpu.memory_space<vmem>>, %arg15: memref<128xf32, #tpu.memory_space<vmem>>, %arg16: memref<10240xf32, #tpu.memory_space<vmem>>, %arg17: memref<10240xf32, #tpu.memory_space<vmem>>, %arg18: memref<640xf32, #tpu.memory_space<vmem>>, %arg19: memref<10240xf32, #tpu.memory_space<vmem_shared>>, %arg20: memref<10240xf32, #tpu.memory_space<vmem_shared>>, %arg21: memref<10240xf32, #tpu.memory_space<vmem_shared>>, %arg22: memref<!tpu.dma_semaphore, #tpu.memory_space<semaphore_mem>>) attributes {dimension_semantics = [#tpu.dimension_semantics<core_parallel>, #tpu.dimension_semantics<subcore_parallel>], iteration_bounds = array<i64: 2, 16>, scalar_prefetch = 0 : i64, scratch_operands = 12 : i64, tpu.core_type = #tpu.core_type<sc_vector_subcore>, window_params = [{transform_indices = #map}, {transform_indices = #map}, {transform_indices = #map}, {transform_indices = #map1}, {transform_indices = #map1}, {transform_indices = #map}, {transform_indices = #map}, {transform_indices = #map}, {transform_indices = #map}]} {
    %mul3A = arith.constant 640 : i32
    %mul3A_0 = arith.muli %arg1, %mul3A : i32
    %mul3A_1 = arith.constant 16 : i32
    %mul3A_2 = arith.muli %arg0, %mul3A_1 : i32
    %add3A = arith.addi %mul3A_2, %arg1 : i32
    %mul3A_3 = arith.constant 80 : i32
    %mul3A_4 = arith.muli %add3A, %mul3A_3 : i32
    "tpu.region"() ({
      %run_scoped3A = tpu.sem_alloc : memref<!tpu.dma_semaphore, #tpu.memory_space<semaphore_mem>>
      %dma_start3A = arith.constant 0 : i32
      %dma_start3A_53 = tpu.memref_slice %arg2[%mul3A_4, %dma_start3A] : memref<2560x128xi32, #tpu.memory_space<hbm>> -> memref<80x128xi32, #tpu.memory_space<hbm>>
      %dma_start3A_54 = arith.constant 0 : i32
      %dma_start3A_55 = tpu.memref_slice %arg2[%mul3A_4, %dma_start3A_54] : memref<2560x128xi32, #tpu.memory_space<hbm>> -> memref<80x128xi32, #tpu.memory_space<hbm>>
      tpu.enqueue_dma source(%dma_start3A_55 : memref<80x128xi32, #tpu.memory_space<hbm>>) target(%arg11 : memref<80x128xi32, #tpu.memory_space<vmem>>) target_semaphore(%run_scoped3A : memref<!tpu.dma_semaphore, #tpu.memory_space<semaphore_mem>>)
      %dma_wait3A = arith.constant 0 : i32
      %dma_wait3A_56 = tpu.memref_slice %arg2[%mul3A_4, %dma_wait3A] : memref<2560x128xi32, #tpu.memory_space<hbm>> -> memref<80x128xi32, #tpu.memory_space<hbm>>
      %dma_wait3A_57 = arith.constant 0 : i32
      %dma_wait3A_58 = tpu.memref_slice %arg2[%mul3A_4, %dma_wait3A_57] : memref<2560x128xi32, #tpu.memory_space<hbm>> -> memref<80x128xi32, #tpu.memory_space<hbm>>
      tpu.wait_dma2 semaphore(%run_scoped3A : memref<!tpu.dma_semaphore, #tpu.memory_space<semaphore_mem>>) src(%dma_wait3A_58 : memref<80x128xi32, #tpu.memory_space<hbm>>) dst(%arg11 : memref<80x128xi32, #tpu.memory_space<vmem>>)
      tpu.yield
    }) : () -> ()
    "tpu.region"() ({
      %run_scoped3A = tpu.sem_alloc : memref<!tpu.dma_semaphore, #tpu.memory_space<semaphore_mem>>
      %dma_start3A = arith.constant 0 : i32
      %dma_start3A_53 = tpu.memref_slice %arg3[%mul3A_4, %dma_start3A] : memref<2560x128xi32, #tpu.memory_space<hbm>> -> memref<80x128xi32, #tpu.memory_space<hbm>>
      %dma_start3A_54 = arith.constant 0 : i32
      %dma_start3A_55 = tpu.memref_slice %arg3[%mul3A_4, %dma_start3A_54] : memref<2560x128xi32, #tpu.memory_space<hbm>> -> memref<80x128xi32, #tpu.memory_space<hbm>>
      tpu.enqueue_dma source(%dma_start3A_55 : memref<80x128xi32, #tpu.memory_space<hbm>>) target(%arg12 : memref<80x128xi32, #tpu.memory_space<vmem>>) target_semaphore(%run_scoped3A : memref<!tpu.dma_semaphore, #tpu.memory_space<semaphore_mem>>)
      %dma_wait3A = arith.constant 0 : i32
      %dma_wait3A_56 = tpu.memref_slice %arg3[%mul3A_4, %dma_wait3A] : memref<2560x128xi32, #tpu.memory_space<hbm>> -> memref<80x128xi32, #tpu.memory_space<hbm>>
      %dma_wait3A_57 = arith.constant 0 : i32
      %dma_wait3A_58 = tpu.memref_slice %arg3[%mul3A_4, %dma_wait3A_57] : memref<2560x128xi32, #tpu.memory_space<hbm>> -> memref<80x128xi32, #tpu.memory_space<hbm>>
      tpu.wait_dma2 semaphore(%run_scoped3A : memref<!tpu.dma_semaphore, #tpu.memory_space<semaphore_mem>>) src(%dma_wait3A_58 : memref<80x128xi32, #tpu.memory_space<hbm>>) dst(%arg12 : memref<80x128xi32, #tpu.memory_space<vmem>>)
      tpu.yield
    }) : () -> ()
    "tpu.region"() ({
      %run_scoped3A = tpu.sem_alloc : memref<!tpu.dma_semaphore, #tpu.memory_space<semaphore_mem>>
      %dma_start3A = arith.constant 0 : i32
      %dma_start3A_53 = tpu.memref_slice %arg4[%mul3A_4, %dma_start3A] : memref<2560x128xf32, #tpu.memory_space<hbm>> -> memref<80x128xf32, #tpu.memory_space<hbm>>
      %dma_start3A_54 = arith.constant 0 : i32
      %dma_start3A_55 = tpu.memref_slice %arg4[%mul3A_4, %dma_start3A_54] : memref<2560x128xf32, #tpu.memory_space<hbm>> -> memref<80x128xf32, #tpu.memory_space<hbm>>
      tpu.enqueue_dma source(%dma_start3A_55 : memref<80x128xf32, #tpu.memory_space<hbm>>) target(%arg13 : memref<80x128xf32, #tpu.memory_space<vmem>>) target_semaphore(%run_scoped3A : memref<!tpu.dma_semaphore, #tpu.memory_space<semaphore_mem>>)
      %dma_wait3A = arith.constant 0 : i32
      %dma_wait3A_56 = tpu.memref_slice %arg4[%mul3A_4, %dma_wait3A] : memref<2560x128xf32, #tpu.memory_space<hbm>> -> memref<80x128xf32, #tpu.memory_space<hbm>>
      %dma_wait3A_57 = arith.constant 0 : i32
      %dma_wait3A_58 = tpu.memref_slice %arg4[%mul3A_4, %dma_wait3A_57] : memref<2560x128xf32, #tpu.memory_space<hbm>> -> memref<80x128xf32, #tpu.memory_space<hbm>>
      tpu.wait_dma2 semaphore(%run_scoped3A : memref<!tpu.dma_semaphore, #tpu.memory_space<semaphore_mem>>) src(%dma_wait3A_58 : memref<80x128xf32, #tpu.memory_space<hbm>>) dst(%arg13 : memref<80x128xf32, #tpu.memory_space<vmem>>)
      tpu.yield
    }) : () -> ()
    "tpu.region"() ({
      %run_scoped3A = tpu.sem_alloc : memref<!tpu.dma_semaphore, #tpu.memory_space<semaphore_mem>>
      tpu.enqueue_dma source(%arg5 : memref<10240xf32, #tpu.memory_space<hbm>>) target(%arg16 : memref<10240xf32, #tpu.memory_space<vmem>>) target_semaphore(%run_scoped3A : memref<!tpu.dma_semaphore, #tpu.memory_space<semaphore_mem>>)
      tpu.wait_dma2 semaphore(%run_scoped3A : memref<!tpu.dma_semaphore, #tpu.memory_space<semaphore_mem>>) src(%arg5 : memref<10240xf32, #tpu.memory_space<hbm>>) dst(%arg16 : memref<10240xf32, #tpu.memory_space<vmem>>)
      tpu.yield
    }) : () -> ()
    "tpu.region"() ({
      %run_scoped3A = tpu.sem_alloc : memref<!tpu.dma_semaphore, #tpu.memory_space<semaphore_mem>>
      tpu.enqueue_dma source(%arg6 : memref<10240xf32, #tpu.memory_space<hbm>>) target(%arg17 : memref<10240xf32, #tpu.memory_space<vmem>>) target_semaphore(%run_scoped3A : memref<!tpu.dma_semaphore, #tpu.memory_space<semaphore_mem>>)
      tpu.wait_dma2 semaphore(%run_scoped3A : memref<!tpu.dma_semaphore, #tpu.memory_space<semaphore_mem>>) src(%arg6 : memref<10240xf32, #tpu.memory_space<hbm>>) dst(%arg17 : memref<10240xf32, #tpu.memory_space<vmem>>)
      tpu.yield
    }) : () -> ()
    %scan3A = arith.constant 0 : i32
    %scan3A_5 = arith.constant 0 : i32
    %scan3A_6 = arith.constant 40 : i32
    %scan3A_7 = arith.addi %scan3A_5, %scan3A_6 : i32
    %scan3A_8 = arith.constant 1 : i32
    scf.for %scan3A_53 = %scan3A_5 to %scan3A_7 step %scan3A_8  : i32 {
      %broadcast_in_dim3A_54 = arith.constant 0.000000e+00 : f32
      %broadcast_in_dim3A_55 = vector.broadcast %broadcast_in_dim3A_54 : f32 to vector<16xf32>
      %mul3A_56 = arith.constant 16 : i32
      %mul3A_57 = arith.muli %scan3A_53, %mul3A_56 : i32
      %swap3A_58 = arith.index_cast %mul3A_57 : i32 to index
      %swap3A_59 = tpu.vector_load %arg18[%swap3A_58] {strides = array<i32>} : memref<640xf32, #tpu.memory_space<vmem>>, vector<16xf32>,
      tpu.vector_store %arg18[%swap3A_58], %broadcast_in_dim3A_55 {strides = array<i32>} : memref<640xf32, #tpu.memory_space<vmem>>, vector<16xf32>,
    }
    %scan3A_9 = arith.constant 40 : i32
    %broadcast_in_dim3A = arith.constant 1.000000e+00 : f32
    %broadcast_in_dim3A_10 = vector.broadcast %broadcast_in_dim3A : f32 to vector<16xf32>
    %swap3A = arith.constant 0 : index
    %swap3A_11 = tpu.vector_load %arg15[%swap3A] {strides = array<i32>} : memref<128xf32, #tpu.memory_space<vmem>>, vector<16xf32>,
    tpu.vector_store %arg15[%swap3A], %broadcast_in_dim3A_10 {strides = array<i32>} : memref<128xf32, #tpu.memory_space<vmem>>, vector<16xf32>,
    %broadcast_in_dim3A_12 = arith.constant 1.000000e+00 : f32
    %broadcast_in_dim3A_13 = vector.broadcast %broadcast_in_dim3A_12 : f32 to vector<16xf32>
    %swap3A_14 = arith.constant 16 : index
    %swap3A_15 = tpu.vector_load %arg15[%swap3A_14] {strides = array<i32>} : memref<128xf32, #tpu.memory_space<vmem>>, vector<16xf32>,
    tpu.vector_store %arg15[%swap3A_14], %broadcast_in_dim3A_13 {strides = array<i32>} : memref<128xf32, #tpu.memory_space<vmem>>, vector<16xf32>,
    %broadcast_in_dim3A_16 = arith.constant 1.000000e+00 : f32
    %broadcast_in_dim3A_17 = vector.broadcast %broadcast_in_dim3A_16 : f32 to vector<16xf32>
    %swap3A_18 = arith.constant 32 : index
    %swap3A_19 = tpu.vector_load %arg15[%swap3A_18] {strides = array<i32>} : memref<128xf32, #tpu.memory_space<vmem>>, vector<16xf32>,
    tpu.vector_store %arg15[%swap3A_18], %broadcast_in_dim3A_17 {strides = array<i32>} : memref<128xf32, #tpu.memory_space<vmem>>, vector<16xf32>,
    %broadcast_in_dim3A_20 = arith.constant 1.000000e+00 : f32
    %broadcast_in_dim3A_21 = vector.broadcast %broadcast_in_dim3A_20 : f32 to vector<16xf32>
    %swap3A_22 = arith.constant 48 : index
    %swap3A_23 = tpu.vector_load %arg15[%swap3A_22] {strides = array<i32>} : memref<128xf32, #tpu.memory_space<vmem>>, vector<16xf32>,
    tpu.vector_store %arg15[%swap3A_22], %broadcast_in_dim3A_21 {strides = array<i32>} : memref<128xf32, #tpu.memory_space<vmem>>, vector<16xf32>,
    %broadcast_in_dim3A_24 = arith.constant 1.000000e+00 : f32
    %broadcast_in_dim3A_25 = vector.broadcast %broadcast_in_dim3A_24 : f32 to vector<16xf32>
    %swap3A_26 = arith.constant 64 : index
    %swap3A_27 = tpu.vector_load %arg15[%swap3A_26] {strides = array<i32>} : memref<128xf32, #tpu.memory_space<vmem>>, vector<16xf32>,
    tpu.vector_store %arg15[%swap3A_26], %broadcast_in_dim3A_25 {strides = array<i32>} : memref<128xf32, #tpu.memory_space<vmem>>, vector<16xf32>,
    %broadcast_in_dim3A_28 = arith.constant 1.000000e+00 : f32
    %broadcast_in_dim3A_29 = vector.broadcast %broadcast_in_dim3A_28 : f32 to vector<16xf32>
    %swap3A_30 = arith.constant 80 : index
    %swap3A_31 = tpu.vector_load %arg15[%swap3A_30] {strides = array<i32>} : memref<128xf32, #tpu.memory_space<vmem>>, vector<16xf32>,
    tpu.vector_store %arg15[%swap3A_30], %broadcast_in_dim3A_29 {strides = array<i32>} : memref<128xf32, #tpu.memory_space<vmem>>, vector<16xf32>,
    %broadcast_in_dim3A_32 = arith.constant 1.000000e+00 : f32
    %broadcast_in_dim3A_33 = vector.broadcast %broadcast_in_dim3A_32 : f32 to vector<16xf32>
    %swap3A_34 = arith.constant 96 : index
    %swap3A_35 = tpu.vector_load %arg15[%swap3A_34] {strides = array<i32>} : memref<128xf32, #tpu.memory_space<vmem>>, vector<16xf32>,
    tpu.vector_store %arg15[%swap3A_34], %broadcast_in_dim3A_33 {strides = array<i32>} : memref<128xf32, #tpu.memory_space<vmem>>, vector<16xf32>,
    %broadcast_in_dim3A_36 = arith.constant 1.000000e+00 : f32
    %broadcast_in_dim3A_37 = vector.broadcast %broadcast_in_dim3A_36 : f32 to vector<16xf32>
    %swap3A_38 = arith.constant 112 : index
    %swap3A_39 = tpu.vector_load %arg15[%swap3A_38] {strides = array<i32>} : memref<128xf32, #tpu.memory_space<vmem>>, vector<16xf32>,
    tpu.vector_store %arg15[%swap3A_38], %broadcast_in_dim3A_37 {strides = array<i32>} : memref<128xf32, #tpu.memory_space<vmem>>, vector<16xf32>,
    "tpu.region"() ({
      %run_scoped3A = tpu.sem_alloc : memref<!tpu.dma_semaphore, #tpu.memory_space<semaphore_mem>>
      %dma_start3A = tpu.memref_slice %arg19[%mul3A_0] : memref<10240xf32, #tpu.memory_space<vmem_shared>> -> memref<640xf32, #tpu.memory_space<vmem_shared>>
      %dma_start3A_53 = tpu.memref_slice %arg19[%mul3A_0] : memref<10240xf32, #tpu.memory_space<vmem_shared>> -> memref<640xf32, #tpu.memory_space<vmem_shared>>
      tpu.enqueue_dma source(%arg18 : memref<640xf32, #tpu.memory_space<vmem>>) target(%dma_start3A_53 : memref<640xf32, #tpu.memory_space<vmem_shared>>) target_semaphore(%run_scoped3A : memref<!tpu.dma_semaphore, #tpu.memory_space<semaphore_mem>>)
      %dma_wait3A = tpu.memref_slice %arg19[%mul3A_0] : memref<10240xf32, #tpu.memory_space<vmem_shared>> -> memref<640xf32, #tpu.memory_space<vmem_shared>>
      %dma_wait3A_54 = tpu.memref_slice %arg19[%mul3A_0] : memref<10240xf32, #tpu.memory_space<vmem_shared>> -> memref<640xf32, #tpu.memory_space<vmem_shared>>
      tpu.wait_dma2 semaphore(%run_scoped3A : memref<!tpu.dma_semaphore, #tpu.memory_space<semaphore_mem>>) src(%arg18 : memref<640xf32, #tpu.memory_space<vmem>>) dst(%dma_wait3A_54 : memref<640xf32, #tpu.memory_space<vmem_shared>>)
      tpu.yield
    }) : () -> ()
    "tpu.region"() ({
      %run_scoped3A = tpu.sem_alloc : memref<!tpu.dma_semaphore, #tpu.memory_space<semaphore_mem>>
      %dma_start3A = tpu.memref_slice %arg20[%mul3A_0] : memref<10240xf32, #tpu.memory_space<vmem_shared>> -> memref<640xf32, #tpu.memory_space<vmem_shared>>
      %dma_start3A_53 = tpu.memref_slice %arg20[%mul3A_0] : memref<10240xf32, #tpu.memory_space<vmem_shared>> -> memref<640xf32, #tpu.memory_space<vmem_shared>>
      tpu.enqueue_dma source(%arg18 : memref<640xf32, #tpu.memory_space<vmem>>) target(%dma_start3A_53 : memref<640xf32, #tpu.memory_space<vmem_shared>>) target_semaphore(%run_scoped3A : memref<!tpu.dma_semaphore, #tpu.memory_space<semaphore_mem>>)
      %dma_wait3A = tpu.memref_slice %arg20[%mul3A_0] : memref<10240xf32, #tpu.memory_space<vmem_shared>> -> memref<640xf32, #tpu.memory_space<vmem_shared>>
      %dma_wait3A_54 = tpu.memref_slice %arg20[%mul3A_0] : memref<10240xf32, #tpu.memory_space<vmem_shared>> -> memref<640xf32, #tpu.memory_space<vmem_shared>>
      tpu.wait_dma2 semaphore(%run_scoped3A : memref<!tpu.dma_semaphore, #tpu.memory_space<semaphore_mem>>) src(%arg18 : memref<640xf32, #tpu.memory_space<vmem>>) dst(%dma_wait3A_54 : memref<640xf32, #tpu.memory_space<vmem_shared>>)
      tpu.yield
    }) : () -> ()
    "tpu.region"() ({
      %run_scoped3A = tpu.sem_alloc : memref<!tpu.dma_semaphore, #tpu.memory_space<semaphore_mem>>
      %dma_start3A = tpu.memref_slice %arg21[%mul3A_0] : memref<10240xf32, #tpu.memory_space<vmem_shared>> -> memref<640xf32, #tpu.memory_space<vmem_shared>>
      %dma_start3A_53 = tpu.memref_slice %arg21[%mul3A_0] : memref<10240xf32, #tpu.memory_space<vmem_shared>> -> memref<640xf32, #tpu.memory_space<vmem_shared>>
      tpu.enqueue_dma source(%arg18 : memref<640xf32, #tpu.memory_space<vmem>>) target(%dma_start3A_53 : memref<640xf32, #tpu.memory_space<vmem_shared>>) target_semaphore(%run_scoped3A : memref<!tpu.dma_semaphore, #tpu.memory_space<semaphore_mem>>)
      %dma_wait3A = tpu.memref_slice %arg21[%mul3A_0] : memref<10240xf32, #tpu.memory_space<vmem_shared>> -> memref<640xf32, #tpu.memory_space<vmem_shared>>
      %dma_wait3A_54 = tpu.memref_slice %arg21[%mul3A_0] : memref<10240xf32, #tpu.memory_space<vmem_shared>> -> memref<640xf32, #tpu.memory_space<vmem_shared>>
      tpu.wait_dma2 semaphore(%run_scoped3A : memref<!tpu.dma_semaphore, #tpu.memory_space<semaphore_mem>>) src(%arg18 : memref<640xf32, #tpu.memory_space<vmem>>) dst(%dma_wait3A_54 : memref<640xf32, #tpu.memory_space<vmem_shared>>)
      tpu.yield
    }) : () -> ()
    %barrier3A = arith.constant 0 : index
    tpu.barrier barrier_id(%barrier3A)
    %scan3A_40 = arith.constant 0 : i32
    %scan3A_41 = arith.constant 0 : i32
    %scan3A_42 = arith.constant 80 : i32
    %scan3A_43 = arith.addi %scan3A_41, %scan3A_42 : i32
    %scan3A_44 = arith.constant 1 : i32
    scf.for %scan3A_53 = %scan3A_41 to %scan3A_43 step %scan3A_44  : i32 {
      %get3A = arith.index_cast %scan3A_53 : i32 to index
      %get3A_54 = arith.constant 0 : index
      %get3A_55 = tpu.vector_load %arg11[%get3A, %get3A_54] {strides = array<i32>} : memref<80x128xi32, #tpu.memory_space<vmem>>, vector<16xi32>,
      %get3A_56 = arith.index_cast %scan3A_53 : i32 to index
      %get3A_57 = arith.constant 0 : index
      %get3A_58 = tpu.vector_load %arg12[%get3A_56, %get3A_57] {strides = array<i32>} : memref<80x128xi32, #tpu.memory_space<vmem>>, vector<16xi32>,
      %gather3A = tpu.vector_load_idx %arg16[%get3A_55] : memref<10240xf32, #tpu.memory_space<vmem>>[vector<16xi32>], vector<16xf32>,
      %gather3A_59 = tpu.vector_load_idx %arg17[%get3A_58] : memref<10240xf32, #tpu.memory_space<vmem>>[vector<16xi32>], vector<16xf32>,
      %add3A_60 = arith.addf %gather3A, %gather3A_59 : vector<16xf32>
      %get3A_61 = arith.index_cast %scan3A_53 : i32 to index
      %get3A_62 = arith.constant 0 : index
      %get3A_63 = tpu.vector_load %arg13[%get3A_61, %get3A_62] {strides = array<i32>} : memref<80x128xf32, #tpu.memory_space<vmem>>, vector<16xf32>,
      %add3A_64 = arith.addf %add3A_60, %get3A_63 : vector<16xf32>
      %ge3A = arith.constant 0.000000e+00 : f32
      %ge3A_65 = vector.broadcast %ge3A : f32 to vector<16xf32>
      %ge3A_66 = arith.cmpf oge, %add3A_64, %ge3A_65 : vector<16xf32>
      %mul3A_67 = arith.constant 2.000000e-01 : f32
      %mul3A_68 = vector.broadcast %mul3A_67 : f32 to vector<16xf32>
      %mul3A_69 = arith.mulf %mul3A_68, %add3A_64 : vector<16xf32>
      %select_n3A = arith.select %ge3A_66, %add3A_64, %mul3A_69 : vector<16xi1>, vector<16xf32>
      %exp3A = math.exp %select_n3A : vector<16xf32>
      %swap3A_70 = arith.index_cast %scan3A_53 : i32 to index
      %swap3A_71 = arith.constant 0 : index
      %swap3A_72 = tpu.vector_load %arg14[%swap3A_70, %swap3A_71] {strides = array<i32>} : memref<80x128xf32, #tpu.memory_space<vmem>>, vector<16xf32>,
      tpu.vector_store %arg14[%swap3A_70, %swap3A_71], %exp3A {strides = array<i32>} : memref<80x128xf32, #tpu.memory_space<vmem>>, vector<16xf32>,
      %get3A_73 = arith.index_cast %scan3A_53 : i32 to index
      %get3A_74 = arith.constant 16 : index
      %get3A_75 = tpu.vector_load %arg11[%get3A_73, %get3A_74] {strides = array<i32>} : memref<80x128xi32, #tpu.memory_space<vmem>>, vector<16xi32>,
      %get3A_76 = arith.index_cast %scan3A_53 : i32 to index
      %get3A_77 = arith.constant 16 : index
      %get3A_78 = tpu.vector_load %arg12[%get3A_76, %get3A_77] {strides = array<i32>} : memref<80x128xi32, #tpu.memory_space<vmem>>, vector<16xi32>,
      %gather3A_79 = tpu.vector_load_idx %arg16[%get3A_75] : memref<10240xf32, #tpu.memory_space<vmem>>[vector<16xi32>], vector<16xf32>,
      %gather3A_80 = tpu.vector_load_idx %arg17[%get3A_78] : memref<10240xf32, #tpu.memory_space<vmem>>[vector<16xi32>], vector<16xf32>,
      %add3A_81 = arith.addf %gather3A_79, %gather3A_80 : vector<16xf32>
      %get3A_82 = arith.index_cast %scan3A_53 : i32 to index
      %get3A_83 = arith.constant 16 : index
      %get3A_84 = tpu.vector_load %arg13[%get3A_82, %get3A_83] {strides = array<i32>} : memref<80x128xf32, #tpu.memory_space<vmem>>, vector<16xf32>,
      %add3A_85 = arith.addf %add3A_81, %get3A_84 : vector<16xf32>
      %ge3A_86 = arith.constant 0.000000e+00 : f32
      %ge3A_87 = vector.broadcast %ge3A_86 : f32 to vector<16xf32>
      %ge3A_88 = arith.cmpf oge, %add3A_85, %ge3A_87 : vector<16xf32>
      %mul3A_89 = arith.constant 2.000000e-01 : f32
      %mul3A_90 = vector.broadcast %mul3A_89 : f32 to vector<16xf32>
      %mul3A_91 = arith.mulf %mul3A_90, %add3A_85 : vector<16xf32>
      %select_n3A_92 = arith.select %ge3A_88, %add3A_85, %mul3A_91 : vector<16xi1>, vector<16xf32>
      %exp3A_93 = math.exp %select_n3A_92 : vector<16xf32>
      %swap3A_94 = arith.index_cast %scan3A_53 : i32 to index
      %swap3A_95 = arith.constant 16 : index
      %swap3A_96 = tpu.vector_load %arg14[%swap3A_94, %swap3A_95] {strides = array<i32>} : memref<80x128xf32, #tpu.memory_space<vmem>>, vector<16xf32>,
      tpu.vector_store %arg14[%swap3A_94, %swap3A_95], %exp3A_93 {strides = array<i32>} : memref<80x128xf32, #tpu.memory_space<vmem>>, vector<16xf32>,
      %get3A_97 = arith.index_cast %scan3A_53 : i32 to index
      %get3A_98 = arith.constant 32 : index
      %get3A_99 = tpu.vector_load %arg11[%get3A_97, %get3A_98] {strides = array<i32>} : memref<80x128xi32, #tpu.memory_space<vmem>>, vector<16xi32>,
      %get3A_100 = arith.index_cast %scan3A_53 : i32 to index
      %get3A_101 = arith.constant 32 : index
      %get3A_102 = tpu.vector_load %arg12[%get3A_100, %get3A_101] {strides = array<i32>} : memref<80x128xi32, #tpu.memory_space<vmem>>, vector<16xi32>,
      %gather3A_103 = tpu.vector_load_idx %arg16[%get3A_99] : memref<10240xf32, #tpu.memory_space<vmem>>[vector<16xi32>], vector<16xf32>,
      %gather3A_104 = tpu.vector_load_idx %arg17[%get3A_102] : memref<10240xf32, #tpu.memory_space<vmem>>[vector<16xi32>], vector<16xf32>,
      %add3A_105 = arith.addf %gather3A_103, %gather3A_104 : vector<16xf32>
      %get3A_106 = arith.index_cast %scan3A_53 : i32 to index
      %get3A_107 = arith.constant 32 : index
      %get3A_108 = tpu.vector_load %arg13[%get3A_106, %get3A_107] {strides = array<i32>} : memref<80x128xf32, #tpu.memory_space<vmem>>, vector<16xf32>,
      %add3A_109 = arith.addf %add3A_105, %get3A_108 : vector<16xf32>
      %ge3A_110 = arith.constant 0.000000e+00 : f32
      %ge3A_111 = vector.broadcast %ge3A_110 : f32 to vector<16xf32>
      %ge3A_112 = arith.cmpf oge, %add3A_109, %ge3A_111 : vector<16xf32>
      %mul3A_113 = arith.constant 2.000000e-01 : f32
      %mul3A_114 = vector.broadcast %mul3A_113 : f32 to vector<16xf32>
      %mul3A_115 = arith.mulf %mul3A_114, %add3A_109 : vector<16xf32>
      %select_n3A_116 = arith.select %ge3A_112, %add3A_109, %mul3A_115 : vector<16xi1>, vector<16xf32>
      %exp3A_117 = math.exp %select_n3A_116 : vector<16xf32>
      %swap3A_118 = arith.index_cast %scan3A_53 : i32 to index
      %swap3A_119 = arith.constant 32 : index
      %swap3A_120 = tpu.vector_load %arg14[%swap3A_118, %swap3A_119] {strides = array<i32>} : memref<80x128xf32, #tpu.memory_space<vmem>>, vector<16xf32>,
      tpu.vector_store %arg14[%swap3A_118, %swap3A_119], %exp3A_117 {strides = array<i32>} : memref<80x128xf32, #tpu.memory_space<vmem>>, vector<16xf32>,
      %get3A_121 = arith.index_cast %scan3A_53 : i32 to index
      %get3A_122 = arith.constant 48 : index
      %get3A_123 = tpu.vector_load %arg11[%get3A_121, %get3A_122] {strides = array<i32>} : memref<80x128xi32, #tpu.memory_space<vmem>>, vector<16xi32>,
      %get3A_124 = arith.index_cast %scan3A_53 : i32 to index
      %get3A_125 = arith.constant 48 : index
      %get3A_126 = tpu.vector_load %arg12[%get3A_124, %get3A_125] {strides = array<i32>} : memref<80x128xi32, #tpu.memory_space<vmem>>, vector<16xi32>,
      %gather3A_127 = tpu.vector_load_idx %arg16[%get3A_123] : memref<10240xf32, #tpu.memory_space<vmem>>[vector<16xi32>], vector<16xf32>,
      %gather3A_128 = tpu.vector_load_idx %arg17[%get3A_126] : memref<10240xf32, #tpu.memory_space<vmem>>[vector<16xi32>], vector<16xf32>,
      %add3A_129 = arith.addf %gather3A_127, %gather3A_128 : vector<16xf32>
      %get3A_130 = arith.index_cast %scan3A_53 : i32 to index
      %get3A_131 = arith.constant 48 : index
      %get3A_132 = tpu.vector_load %arg13[%get3A_130, %get3A_131] {strides = array<i32>} : memref<80x128xf32, #tpu.memory_space<vmem>>, vector<16xf32>,
      %add3A_133 = arith.addf %add3A_129, %get3A_132 : vector<16xf32>
      %ge3A_134 = arith.constant 0.000000e+00 : f32
      %ge3A_135 = vector.broadcast %ge3A_134 : f32 to vector<16xf32>
      %ge3A_136 = arith.cmpf oge, %add3A_133, %ge3A_135 : vector<16xf32>
      %mul3A_137 = arith.constant 2.000000e-01 : f32
      %mul3A_138 = vector.broadcast %mul3A_137 : f32 to vector<16xf32>
      %mul3A_139 = arith.mulf %mul3A_138, %add3A_133 : vector<16xf32>
      %select_n3A_140 = arith.select %ge3A_136, %add3A_133, %mul3A_139 : vector<16xi1>, vector<16xf32>
      %exp3A_141 = math.exp %select_n3A_140 : vector<16xf32>
      %swap3A_142 = arith.index_cast %scan3A_53 : i32 to index
      %swap3A_143 = arith.constant 48 : index
      %swap3A_144 = tpu.vector_load %arg14[%swap3A_142, %swap3A_143] {strides = array<i32>} : memref<80x128xf32, #tpu.memory_space<vmem>>, vector<16xf32>,
      tpu.vector_store %arg14[%swap3A_142, %swap3A_143], %exp3A_141 {strides = array<i32>} : memref<80x128xf32, #tpu.memory_space<vmem>>, vector<16xf32>,
      %get3A_145 = arith.index_cast %scan3A_53 : i32 to index
      %get3A_146 = arith.constant 64 : index
      %get3A_147 = tpu.vector_load %arg11[%get3A_145, %get3A_146] {strides = array<i32>} : memref<80x128xi32, #tpu.memory_space<vmem>>, vector<16xi32>,
      %get3A_148 = arith.index_cast %scan3A_53 : i32 to index
      %get3A_149 = arith.constant 64 : index
      %get3A_150 = tpu.vector_load %arg12[%get3A_148, %get3A_149] {strides = array<i32>} : memref<80x128xi32, #tpu.memory_space<vmem>>, vector<16xi32>,
      %gather3A_151 = tpu.vector_load_idx %arg16[%get3A_147] : memref<10240xf32, #tpu.memory_space<vmem>>[vector<16xi32>], vector<16xf32>,
      %gather3A_152 = tpu.vector_load_idx %arg17[%get3A_150] : memref<10240xf32, #tpu.memory_space<vmem>>[vector<16xi32>], vector<16xf32>,
      %add3A_153 = arith.addf %gather3A_151, %gather3A_152 : vector<16xf32>
      %get3A_154 = arith.index_cast %scan3A_53 : i32 to index
      %get3A_155 = arith.constant 64 : index
      %get3A_156 = tpu.vector_load %arg13[%get3A_154, %get3A_155] {strides = array<i32>} : memref<80x128xf32, #tpu.memory_space<vmem>>, vector<16xf32>,
      %add3A_157 = arith.addf %add3A_153, %get3A_156 : vector<16xf32>
      %ge3A_158 = arith.constant 0.000000e+00 : f32
      %ge3A_159 = vector.broadcast %ge3A_158 : f32 to vector<16xf32>
      %ge3A_160 = arith.cmpf oge, %add3A_157, %ge3A_159 : vector<16xf32>
      %mul3A_161 = arith.constant 2.000000e-01 : f32
      %mul3A_162 = vector.broadcast %mul3A_161 : f32 to vector<16xf32>
      %mul3A_163 = arith.mulf %mul3A_162, %add3A_157 : vector<16xf32>
      %select_n3A_164 = arith.select %ge3A_160, %add3A_157, %mul3A_163 : vector<16xi1>, vector<16xf32>
      %exp3A_165 = math.exp %select_n3A_164 : vector<16xf32>
      %swap3A_166 = arith.index_cast %scan3A_53 : i32 to index
      %swap3A_167 = arith.constant 64 : index
      %swap3A_168 = tpu.vector_load %arg14[%swap3A_166, %swap3A_167] {strides = array<i32>} : memref<80x128xf32, #tpu.memory_space<vmem>>, vector<16xf32>,
      tpu.vector_store %arg14[%swap3A_166, %swap3A_167], %exp3A_165 {strides = array<i32>} : memref<80x128xf32, #tpu.memory_space<vmem>>, vector<16xf32>,
      %get3A_169 = arith.index_cast %scan3A_53 : i32 to index
      %get3A_170 = arith.constant 80 : index
      %get3A_171 = tpu.vector_load %arg11[%get3A_169, %get3A_170] {strides = array<i32>} : memref<80x128xi32, #tpu.memory_space<vmem>>, vector<16xi32>,
      %get3A_172 = arith.index_cast %scan3A_53 : i32 to index
      %get3A_173 = arith.constant 80 : index
      %get3A_174 = tpu.vector_load %arg12[%get3A_172, %get3A_173] {strides = array<i32>} : memref<80x128xi32, #tpu.memory_space<vmem>>, vector<16xi32>,
      %gather3A_175 = tpu.vector_load_idx %arg16[%get3A_171] : memref<10240xf32, #tpu.memory_space<vmem>>[vector<16xi32>], vector<16xf32>,
      %gather3A_176 = tpu.vector_load_idx %arg17[%get3A_174] : memref<10240xf32, #tpu.memory_space<vmem>>[vector<16xi32>], vector<16xf32>,
      %add3A_177 = arith.addf %gather3A_175, %gather3A_176 : vector<16xf32>
      %get3A_178 = arith.index_cast %scan3A_53 : i32 to index
      %get3A_179 = arith.constant 80 : index
      %get3A_180 = tpu.vector_load %arg13[%get3A_178, %get3A_179] {strides = array<i32>} : memref<80x128xf32, #tpu.memory_space<vmem>>, vector<16xf32>,
      %add3A_181 = arith.addf %add3A_177, %get3A_180 : vector<16xf32>
      %ge3A_182 = arith.constant 0.000000e+00 : f32
      %ge3A_183 = vector.broadcast %ge3A_182 : f32 to vector<16xf32>
      %ge3A_184 = arith.cmpf oge, %add3A_181, %ge3A_183 : vector<16xf32>
      %mul3A_185 = arith.constant 2.000000e-01 : f32
      %mul3A_186 = vector.broadcast %mul3A_185 : f32 to vector<16xf32>
      %mul3A_187 = arith.mulf %mul3A_186, %add3A_181 : vector<16xf32>
      %select_n3A_188 = arith.select %ge3A_184, %add3A_181, %mul3A_187 : vector<16xi1>, vector<16xf32>
      %exp3A_189 = math.exp %select_n3A_188 : vector<16xf32>
      %swap3A_190 = arith.index_cast %scan3A_53 : i32 to index
      %swap3A_191 = arith.constant 80 : index
      %swap3A_192 = tpu.vector_load %arg14[%swap3A_190, %swap3A_191] {strides = array<i32>} : memref<80x128xf32, #tpu.memory_space<vmem>>, vector<16xf32>,
      tpu.vector_store %arg14[%swap3A_190, %swap3A_191], %exp3A_189 {strides = array<i32>} : memref<80x128xf32, #tpu.memory_space<vmem>>, vector<16xf32>,
      %get3A_193 = arith.index_cast %scan3A_53 : i32 to index
      %get3A_194 = arith.constant 96 : index
      %get3A_195 = tpu.vector_load %arg11[%get3A_193, %get3A_194] {strides = array<i32>} : memref<80x128xi32, #tpu.memory_space<vmem>>, vector<16xi32>,
      %get3A_196 = arith.index_cast %scan3A_53 : i32 to index
      %get3A_197 = arith.constant 96 : index
      %get3A_198 = tpu.vector_load %arg12[%get3A_196, %get3A_197] {strides = array<i32>} : memref<80x128xi32, #tpu.memory_space<vmem>>, vector<16xi32>,
      %gather3A_199 = tpu.vector_load_idx %arg16[%get3A_195] : memref<10240xf32, #tpu.memory_space<vmem>>[vector<16xi32>], vector<16xf32>,
      %gather3A_200 = tpu.vector_load_idx %arg17[%get3A_198] : memref<10240xf32, #tpu.memory_space<vmem>>[vector<16xi32>], vector<16xf32>,
      %add3A_201 = arith.addf %gather3A_199, %gather3A_200 : vector<16xf32>
      %get3A_202 = arith.index_cast %scan3A_53 : i32 to index
      %get3A_203 = arith.constant 96 : index
      %get3A_204 = tpu.vector_load %arg13[%get3A_202, %get3A_203] {strides = array<i32>} : memref<80x128xf32, #tpu.memory_space<vmem>>, vector<16xf32>,
      %add3A_205 = arith.addf %add3A_201, %get3A_204 : vector<16xf32>
      %ge3A_206 = arith.constant 0.000000e+00 : f32
      %ge3A_207 = vector.broadcast %ge3A_206 : f32 to vector<16xf32>
      %ge3A_208 = arith.cmpf oge, %add3A_205, %ge3A_207 : vector<16xf32>
      %mul3A_209 = arith.constant 2.000000e-01 : f32
      %mul3A_210 = vector.broadcast %mul3A_209 : f32 to vector<16xf32>
      %mul3A_211 = arith.mulf %mul3A_210, %add3A_205 : vector<16xf32>
      %select_n3A_212 = arith.select %ge3A_208, %add3A_205, %mul3A_211 : vector<16xi1>, vector<16xf32>
      %exp3A_213 = math.exp %select_n3A_212 : vector<16xf32>
      %swap3A_214 = arith.index_cast %scan3A_53 : i32 to index
      %swap3A_215 = arith.constant 96 : index
      %swap3A_216 = tpu.vector_load %arg14[%swap3A_214, %swap3A_215] {strides = array<i32>} : memref<80x128xf32, #tpu.memory_space<vmem>>, vector<16xf32>,
      tpu.vector_store %arg14[%swap3A_214, %swap3A_215], %exp3A_213 {strides = array<i32>} : memref<80x128xf32, #tpu.memory_space<vmem>>, vector<16xf32>,
      %get3A_217 = arith.index_cast %scan3A_53 : i32 to index
      %get3A_218 = arith.constant 112 : index
      %get3A_219 = tpu.vector_load %arg11[%get3A_217, %get3A_218] {strides = array<i32>} : memref<80x128xi32, #tpu.memory_space<vmem>>, vector<16xi32>,
      %get3A_220 = arith.index_cast %scan3A_53 : i32 to index
      %get3A_221 = arith.constant 112 : index
      %get3A_222 = tpu.vector_load %arg12[%get3A_220, %get3A_221] {strides = array<i32>} : memref<80x128xi32, #tpu.memory_space<vmem>>, vector<16xi32>,
      %gather3A_223 = tpu.vector_load_idx %arg16[%get3A_219] : memref<10240xf32, #tpu.memory_space<vmem>>[vector<16xi32>], vector<16xf32>,
      %gather3A_224 = tpu.vector_load_idx %arg17[%get3A_222] : memref<10240xf32, #tpu.memory_space<vmem>>[vector<16xi32>], vector<16xf32>,
      %add3A_225 = arith.addf %gather3A_223, %gather3A_224 : vector<16xf32>
      %get3A_226 = arith.index_cast %scan3A_53 : i32 to index
      %get3A_227 = arith.constant 112 : index
      %get3A_228 = tpu.vector_load %arg13[%get3A_226, %get3A_227] {strides = array<i32>} : memref<80x128xf32, #tpu.memory_space<vmem>>, vector<16xf32>,
      %add3A_229 = arith.addf %add3A_225, %get3A_228 : vector<16xf32>
      %ge3A_230 = arith.constant 0.000000e+00 : f32
      %ge3A_231 = vector.broadcast %ge3A_230 : f32 to vector<16xf32>
      %ge3A_232 = arith.cmpf oge, %add3A_229, %ge3A_231 : vector<16xf32>
      %mul3A_233 = arith.constant 2.000000e-01 : f32
      %mul3A_234 = vector.broadcast %mul3A_233 : f32 to vector<16xf32>
      %mul3A_235 = arith.mulf %mul3A_234, %add3A_229 : vector<16xf32>
      %select_n3A_236 = arith.select %ge3A_232, %add3A_229, %mul3A_235 : vector<16xi1>, vector<16xf32>
      %exp3A_237 = math.exp %select_n3A_236 : vector<16xf32>
      %swap3A_238 = arith.index_cast %scan3A_53 : i32 to index
      %swap3A_239 = arith.constant 112 : index
      %swap3A_240 = tpu.vector_load %arg14[%swap3A_238, %swap3A_239] {strides = array<i32>} : memref<80x128xf32, #tpu.memory_space<vmem>>, vector<16xf32>,
      tpu.vector_store %arg14[%swap3A_238, %swap3A_239], %exp3A_237 {strides = array<i32>} : memref<80x128xf32, #tpu.memory_space<vmem>>, vector<16xf32>,
      %dma_start3A = arith.constant 0 : i32
      %dma_start3A_241 = tpu.memref_slice %arg14[%scan3A_53, %dma_start3A] : memref<80x128xf32, #tpu.memory_space<vmem>> -> memref<1x128xf32, #tpu.memory_space<vmem>>
      %dma_start3A_242 = tpu.memref_squeeze %dma_start3A_241 : memref<1x128xf32, #tpu.memory_space<vmem>> -> memref<128xf32, #tpu.memory_space<vmem>>
      %dma_start3A_243 = arith.constant 0 : i32
      %dma_start3A_244 = tpu.memref_slice %arg12[%scan3A_53, %dma_start3A_243] : memref<80x128xi32, #tpu.memory_space<vmem>> -> memref<1x128xi32, #tpu.memory_space<vmem>>
      %dma_start3A_245 = tpu.memref_squeeze %dma_start3A_244 : memref<1x128xi32, #tpu.memory_space<vmem>> -> memref<128xi32, #tpu.memory_space<vmem>>
      %dma_start3A_246 = arith.constant 0 : i32
      %dma_start3A_247 = tpu.memref_slice %arg19[%dma_start3A_246] : memref<10240xf32, #tpu.memory_space<vmem_shared>> -> memref<10240xf32, #tpu.memory_space<vmem_shared>>
      tpu.enqueue_indirect_dma source(%dma_start3A_242 : memref<128xf32, #tpu.memory_space<vmem>>) target(%dma_start3A_247 : memref<10240xf32, #tpu.memory_space<vmem_shared>>) offsets(%dma_start3A_245 : memref<128xi32, #tpu.memory_space<vmem>>) semaphore(%arg22 : memref<!tpu.dma_semaphore, #tpu.memory_space<semaphore_mem>>) {add = true}
      %dma_start3A_248 = arith.constant 0 : i32
      %dma_start3A_249 = tpu.memref_slice %arg13[%scan3A_53, %dma_start3A_248] : memref<80x128xf32, #tpu.memory_space<vmem>> -> memref<1x128xf32, #tpu.memory_space<vmem>>
      %dma_start3A_250 = tpu.memref_squeeze %dma_start3A_249 : memref<1x128xf32, #tpu.memory_space<vmem>> -> memref<128xf32, #tpu.memory_space<vmem>>
      %dma_start3A_251 = arith.constant 0 : i32
      %dma_start3A_252 = tpu.memref_slice %arg12[%scan3A_53, %dma_start3A_251] : memref<80x128xi32, #tpu.memory_space<vmem>> -> memref<1x128xi32, #tpu.memory_space<vmem>>
      %dma_start3A_253 = tpu.memref_squeeze %dma_start3A_252 : memref<1x128xi32, #tpu.memory_space<vmem>> -> memref<128xi32, #tpu.memory_space<vmem>>
      %dma_start3A_254 = arith.constant 0 : i32
      %dma_start3A_255 = tpu.memref_slice %arg20[%dma_start3A_254] : memref<10240xf32, #tpu.memory_space<vmem_shared>> -> memref<10240xf32, #tpu.memory_space<vmem_shared>>
      tpu.enqueue_indirect_dma source(%dma_start3A_250 : memref<128xf32, #tpu.memory_space<vmem>>) target(%dma_start3A_255 : memref<10240xf32, #tpu.memory_space<vmem_shared>>) offsets(%dma_start3A_253 : memref<128xi32, #tpu.memory_space<vmem>>) semaphore(%arg22 : memref<!tpu.dma_semaphore, #tpu.memory_space<semaphore_mem>>) {add = true}
      %dma_start3A_256 = arith.constant 0 : i32
      %dma_start3A_257 = tpu.memref_slice %arg12[%scan3A_53, %dma_start3A_256] : memref<80x128xi32, #tpu.memory_space<vmem>> -> memref<1x128xi32, #tpu.memory_space<vmem>>
      %dma_start3A_258 = tpu.memref_squeeze %dma_start3A_257 : memref<1x128xi32, #tpu.memory_space<vmem>> -> memref<128xi32, #tpu.memory_space<vmem>>
      %dma_start3A_259 = arith.constant 0 : i32
      %dma_start3A_260 = tpu.memref_slice %arg21[%dma_start3A_259] : memref<10240xf32, #tpu.memory_space<vmem_shared>> -> memref<10240xf32, #tpu.memory_space<vmem_shared>>
      tpu.enqueue_indirect_dma source(%arg15 : memref<128xf32, #tpu.memory_space<vmem>>) target(%dma_start3A_260 : memref<10240xf32, #tpu.memory_space<vmem_shared>>) offsets(%dma_start3A_258 : memref<128xi32, #tpu.memory_space<vmem>>) semaphore(%arg22 : memref<!tpu.dma_semaphore, #tpu.memory_space<semaphore_mem>>) {add = true}
    }
    %scan3A_45 = arith.constant 80 : i32
    "tpu.region"() ({
      %run_scoped3A = tpu.sem_alloc : memref<!tpu.dma_semaphore, #tpu.memory_space<semaphore_mem>>
      %dma_start3A = arith.constant 0 : i32
      %dma_start3A_53 = tpu.memref_slice %arg7[%mul3A_4, %dma_start3A] : memref<2560x128xf32, #tpu.memory_space<hbm>> -> memref<80x128xf32, #tpu.memory_space<hbm>>
      %dma_start3A_54 = arith.constant 0 : i32
      %dma_start3A_55 = tpu.memref_slice %arg7[%mul3A_4, %dma_start3A_54] : memref<2560x128xf32, #tpu.memory_space<hbm>> -> memref<80x128xf32, #tpu.memory_space<hbm>>
      tpu.enqueue_dma source(%arg14 : memref<80x128xf32, #tpu.memory_space<vmem>>) target(%dma_start3A_55 : memref<80x128xf32, #tpu.memory_space<hbm>>) target_semaphore(%run_scoped3A : memref<!tpu.dma_semaphore, #tpu.memory_space<semaphore_mem>>)
      %dma_wait3A = arith.constant 0 : i32
      %dma_wait3A_56 = tpu.memref_slice %arg7[%mul3A_4, %dma_wait3A] : memref<2560x128xf32, #tpu.memory_space<hbm>> -> memref<80x128xf32, #tpu.memory_space<hbm>>
      %dma_wait3A_57 = arith.constant 0 : i32
      %dma_wait3A_58 = tpu.memref_slice %arg7[%mul3A_4, %dma_wait3A_57] : memref<2560x128xf32, #tpu.memory_space<hbm>> -> memref<80x128xf32, #tpu.memory_space<hbm>>
      tpu.wait_dma2 semaphore(%run_scoped3A : memref<!tpu.dma_semaphore, #tpu.memory_space<semaphore_mem>>) src(%arg14 : memref<80x128xf32, #tpu.memory_space<vmem>>) dst(%dma_wait3A_58 : memref<80x128xf32, #tpu.memory_space<hbm>>)
      tpu.yield
    }) : () -> ()
    %scan3A_46 = arith.constant 0 : i32
    %scan3A_47 = arith.constant 0 : i32
    %scan3A_48 = arith.constant 80 : i32
    %scan3A_49 = arith.addi %scan3A_47, %scan3A_48 : i32
    %scan3A_50 = arith.constant 1 : i32
    scf.for %scan3A_53 = %scan3A_47 to %scan3A_49 step %scan3A_50  : i32 {
      %dma_wait3A = arith.constant 0 : i32
      %dma_wait3A_54 = tpu.memref_slice %arg14[%scan3A_53, %dma_wait3A] : memref<80x128xf32, #tpu.memory_space<vmem>> -> memref<1x128xf32, #tpu.memory_space<vmem>>
      %dma_wait3A_55 = tpu.memref_squeeze %dma_wait3A_54 : memref<1x128xf32, #tpu.memory_space<vmem>> -> memref<128xf32, #tpu.memory_space<vmem>>
      %dma_wait3A_56 = arith.constant 0 : i32
      %dma_wait3A_57 = tpu.memref_slice %arg12[%scan3A_53, %dma_wait3A_56] : memref<80x128xi32, #tpu.memory_space<vmem>> -> memref<1x128xi32, #tpu.memory_space<vmem>>
      %dma_wait3A_58 = tpu.memref_squeeze %dma_wait3A_57 : memref<1x128xi32, #tpu.memory_space<vmem>> -> memref<128xi32, #tpu.memory_space<vmem>>
      %dma_wait3A_59 = arith.constant 0 : i32
      %dma_wait3A_60 = tpu.memref_slice %arg19[%dma_wait3A_59] : memref<10240xf32, #tpu.memory_space<vmem_shared>> -> memref<10240xf32, #tpu.memory_space<vmem_shared>>
      tpu.wait_indirect_dma semaphore(%arg22 : memref<!tpu.dma_semaphore, #tpu.memory_space<semaphore_mem>>) src(%dma_wait3A_55 : memref<128xf32, #tpu.memory_space<vmem>>) dst(%dma_wait3A_60 : memref<10240xf32, #tpu.memory_space<vmem_shared>>)
      %dma_wait3A_61 = arith.constant 0 : i32
      %dma_wait3A_62 = tpu.memref_slice %arg13[%scan3A_53, %dma_wait3A_61] : memref<80x128xf32, #tpu.memory_space<vmem>> -> memref<1x128xf32, #tpu.memory_space<vmem>>
      %dma_wait3A_63 = tpu.memref_squeeze %dma_wait3A_62 : memref<1x128xf32, #tpu.memory_space<vmem>> -> memref<128xf32, #tpu.memory_space<vmem>>
      %dma_wait3A_64 = arith.constant 0 : i32
      %dma_wait3A_65 = tpu.memref_slice %arg12[%scan3A_53, %dma_wait3A_64] : memref<80x128xi32, #tpu.memory_space<vmem>> -> memref<1x128xi32, #tpu.memory_space<vmem>>
      %dma_wait3A_66 = tpu.memref_squeeze %dma_wait3A_65 : memref<1x128xi32, #tpu.memory_space<vmem>> -> memref<128xi32, #tpu.memory_space<vmem>>
      %dma_wait3A_67 = arith.constant 0 : i32
      %dma_wait3A_68 = tpu.memref_slice %arg20[%dma_wait3A_67] : memref<10240xf32, #tpu.memory_space<vmem_shared>> -> memref<10240xf32, #tpu.memory_space<vmem_shared>>
      tpu.wait_indirect_dma semaphore(%arg22 : memref<!tpu.dma_semaphore, #tpu.memory_space<semaphore_mem>>) src(%dma_wait3A_63 : memref<128xf32, #tpu.memory_space<vmem>>) dst(%dma_wait3A_68 : memref<10240xf32, #tpu.memory_space<vmem_shared>>)
      %dma_wait3A_69 = arith.constant 0 : i32
      %dma_wait3A_70 = tpu.memref_slice %arg12[%scan3A_53, %dma_wait3A_69] : memref<80x128xi32, #tpu.memory_space<vmem>> -> memref<1x128xi32, #tpu.memory_space<vmem>>
      %dma_wait3A_71 = tpu.memref_squeeze %dma_wait3A_70 : memref<1x128xi32, #tpu.memory_space<vmem>> -> memref<128xi32, #tpu.memory_space<vmem>>
      %dma_wait3A_72 = arith.constant 0 : i32
      %dma_wait3A_73 = tpu.memref_slice %arg21[%dma_wait3A_72] : memref<10240xf32, #tpu.memory_space<vmem_shared>> -> memref<10240xf32, #tpu.memory_space<vmem_shared>>
      tpu.wait_indirect_dma semaphore(%arg22 : memref<!tpu.dma_semaphore, #tpu.memory_space<semaphore_mem>>) src(%arg15 : memref<128xf32, #tpu.memory_space<vmem>>) dst(%dma_wait3A_73 : memref<10240xf32, #tpu.memory_space<vmem_shared>>)
    }
    %scan3A_51 = arith.constant 80 : i32
    %barrier3A_52 = arith.constant 0 : index
    tpu.barrier barrier_id(%barrier3A_52)
    "tpu.region"() ({
      %run_scoped3A = tpu.sem_alloc : memref<!tpu.dma_semaphore, #tpu.memory_space<semaphore_mem>>
      %dma_start3A = tpu.memref_slice %arg8[%arg0, %mul3A_0] : memref<2x10240xf32, #tpu.memory_space<hbm>> -> memref<1x640xf32, #tpu.memory_space<hbm>>
      %dma_start3A_53 = tpu.memref_squeeze %dma_start3A : memref<1x640xf32, #tpu.memory_space<hbm>> -> memref<640xf32, #tpu.memory_space<hbm>>
      %dma_start3A_54 = tpu.memref_slice %arg19[%mul3A_0] : memref<10240xf32, #tpu.memory_space<vmem_shared>> -> memref<640xf32, #tpu.memory_space<vmem_shared>>
      tpu.enqueue_dma source(%dma_start3A_54 : memref<640xf32, #tpu.memory_space<vmem_shared>>) target(%dma_start3A_53 : memref<640xf32, #tpu.memory_space<hbm>>) target_semaphore(%run_scoped3A : memref<!tpu.dma_semaphore, #tpu.memory_space<semaphore_mem>>)
      %dma_wait3A = tpu.memref_slice %arg8[%arg0, %mul3A_0] : memref<2x10240xf32, #tpu.memory_space<hbm>> -> memref<1x640xf32, #tpu.memory_space<hbm>>
      %dma_wait3A_55 = tpu.memref_squeeze %dma_wait3A : memref<1x640xf32, #tpu.memory_space<hbm>> -> memref<640xf32, #tpu.memory_space<hbm>>
      %dma_wait3A_56 = tpu.memref_slice %arg19[%mul3A_0] : memref<10240xf32, #tpu.memory_space<vmem_shared>> -> memref<640xf32, #tpu.memory_space<vmem_shared>>
      tpu.wait_dma2 semaphore(%run_scoped3A : memref<!tpu.dma_semaphore, #tpu.memory_space<semaphore_mem>>) src(%dma_wait3A_56 : memref<640xf32, #tpu.memory_space<vmem_shared>>) dst(%dma_wait3A_55 : memref<640xf32, #tpu.memory_space<hbm>>)
      tpu.yield
    }) : () -> ()
    "tpu.region"() ({
      %run_scoped3A = tpu.sem_alloc : memref<!tpu.dma_semaphore, #tpu.memory_space<semaphore_mem>>
      %dma_start3A = tpu.memref_slice %arg9[%arg0, %mul3A_0] : memref<2x10240xf32, #tpu.memory_space<hbm>> -> memref<1x640xf32, #tpu.memory_space<hbm>>
      %dma_start3A_53 = tpu.memref_squeeze %dma_start3A : memref<1x640xf32, #tpu.memory_space<hbm>> -> memref<640xf32, #tpu.memory_space<hbm>>
      %dma_start3A_54 = tpu.memref_slice %arg20[%mul3A_0] : memref<10240xf32, #tpu.memory_space<vmem_shared>> -> memref<640xf32, #tpu.memory_space<vmem_shared>>
      tpu.enqueue_dma source(%dma_start3A_54 : memref<640xf32, #tpu.memory_space<vmem_shared>>) target(%dma_start3A_53 : memref<640xf32, #tpu.memory_space<hbm>>) target_semaphore(%run_scoped3A : memref<!tpu.dma_semaphore, #tpu.memory_space<semaphore_mem>>)
      %dma_wait3A = tpu.memref_slice %arg9[%arg0, %mul3A_0] : memref<2x10240xf32, #tpu.memory_space<hbm>> -> memref<1x640xf32, #tpu.memory_space<hbm>>
      %dma_wait3A_55 = tpu.memref_squeeze %dma_wait3A : memref<1x640xf32, #tpu.memory_space<hbm>> -> memref<640xf32, #tpu.memory_space<hbm>>
      %dma_wait3A_56 = tpu.memref_slice %arg20[%mul3A_0] : memref<10240xf32, #tpu.memory_space<vmem_shared>> -> memref<640xf32, #tpu.memory_space<vmem_shared>>
      tpu.wait_dma2 semaphore(%run_scoped3A : memref<!tpu.dma_semaphore, #tpu.memory_space<semaphore_mem>>) src(%dma_wait3A_56 : memref<640xf32, #tpu.memory_space<vmem_shared>>) dst(%dma_wait3A_55 : memref<640xf32, #tpu.memory_space<hbm>>)
      tpu.yield
    }) : () -> ()
    "tpu.region"() ({
      %run_scoped3A = tpu.sem_alloc : memref<!tpu.dma_semaphore, #tpu.memory_space<semaphore_mem>>
      %dma_start3A = tpu.memref_slice %arg10[%arg0, %mul3A_0] : memref<2x10240xf32, #tpu.memory_space<hbm>> -> memref<1x640xf32, #tpu.memory_space<hbm>>
      %dma_start3A_53 = tpu.memref_squeeze %dma_start3A : memref<1x640xf32, #tpu.memory_space<hbm>> -> memref<640xf32, #tpu.memory_space<hbm>>
      %dma_start3A_54 = tpu.memref_slice %arg21[%mul3A_0] : memref<10240xf32, #tpu.memory_space<vmem_shared>> -> memref<640xf32, #tpu.memory_space<vmem_shared>>
      tpu.enqueue_dma source(%dma_start3A_54 : memref<640xf32, #tpu.memory_space<vmem_shared>>) target(%dma_start3A_53 : memref<640xf32, #tpu.memory_space<hbm>>) target_semaphore(%run_scoped3A : memref<!tpu.dma_semaphore, #tpu.memory_space<semaphore_mem>>)
      %dma_wait3A = tpu.memref_slice %arg10[%arg0, %mul3A_0] : memref<2x10240xf32, #tpu.memory_space<hbm>> -> memref<1x640xf32, #tpu.memory_space<hbm>>
      %dma_wait3A_55 = tpu.memref_squeeze %dma_wait3A : memref<1x640xf32, #tpu.memory_space<hbm>> -> memref<640xf32, #tpu.memory_space<hbm>>
      %dma_wait3A_56 = tpu.memref_slice %arg21[%mul3A_0] : memref<10240xf32, #tpu.memory_space<vmem_shared>> -> memref<640xf32, #tpu.memory_space<vmem_shared>>
      tpu.wait_dma2 semaphore(%run_scoped3A : memref<!tpu.dma_semaphore, #tpu.memory_space<semaphore_mem>>) src(%dma_wait3A_56 : memref<640xf32, #tpu.memory_space<vmem_shared>>) dst(%dma_wait3A_55 : memref<640xf32, #tpu.memory_space<hbm>>)
      tpu.yield
    }) : () -> ()
    return
  }
}

#map = affine_map<(d0, d1) -> (0, 0)>
#map1 = affine_map<(d0, d1) -> (0, 0, 0)>
module attributes {stable_mosaic.version = 14 : i64} {
  func.func @_sc_msgs_body(%arg0: i32, %arg1: i32, %arg2: memref<2560x128xi32, #tpu.memory_space<hbm>>, %arg3: memref<2560x128xi32, #tpu.memory_space<hbm>>, %arg4: memref<2560x128xf32, #tpu.memory_space<hbm>>, %arg5: memref<10000x128xbf16, #tpu.memory_space<hbm>>, %arg6: memref<2x10240x128xbf16, #tpu.memory_space<hbm>>, %arg7: memref<8x128xi32, #tpu.memory_space<vmem>>, %arg8: memref<8x128xi32, #tpu.memory_space<vmem>>, %arg9: memref<8x128xf32, #tpu.memory_space<vmem>>, %arg10: memref<128x128xbf16, #tpu.memory_space<vmem>>, %arg11: memref<128x128xbf16, #tpu.memory_space<vmem>>, %arg12: memref<10240x128xbf16, #tpu.memory_space<vmem_shared>>, %arg13: memref<!tpu.dma_semaphore, #tpu.memory_space<semaphore_mem>>, %arg14: memref<!tpu.dma_semaphore, #tpu.memory_space<semaphore_mem>>) attributes {dimension_semantics = [#tpu.dimension_semantics<core_parallel>, #tpu.dimension_semantics<subcore_parallel>], iteration_bounds = array<i64: 2, 16>, scalar_prefetch = 0 : i64, scratch_operands = 8 : i64, tpu.core_type = #tpu.core_type<sc_vector_subcore>, window_params = [{transform_indices = #map}, {transform_indices = #map}, {transform_indices = #map}, {transform_indices = #map}, {transform_indices = #map1}]} {
    %mul3A = arith.constant 640 : i32
    %mul3A_0 = arith.muli %arg1, %mul3A : i32
    %scan3A = arith.constant 0 : i32
    %scan3A_1 = arith.constant 0 : i32
    %scan3A_2 = arith.constant 128 : i32
    %scan3A_3 = arith.addi %scan3A_1, %scan3A_2 : i32
    %scan3A_4 = arith.constant 1 : i32
    scf.for %scan3A_23 = %scan3A_1 to %scan3A_3 step %scan3A_4  : i32 {
      %broadcast_in_dim3A = arith.constant 0.000000e+00 : bf16
      %broadcast_in_dim3A_24 = vector.broadcast %broadcast_in_dim3A : bf16 to vector<32xbf16>
      %swap3A = arith.index_cast %scan3A_23 : i32 to index
      %swap3A_25 = arith.constant 0 : index
      %swap3A_26 = tpu.vector_load %arg10[%swap3A, %swap3A_25] {strides = array<i32>} : memref<128x128xbf16, #tpu.memory_space<vmem>>, vector<32xbf16>,
      tpu.vector_store %arg10[%swap3A, %swap3A_25], %broadcast_in_dim3A_24 {strides = array<i32>} : memref<128x128xbf16, #tpu.memory_space<vmem>>, vector<32xbf16>,
      %broadcast_in_dim3A_27 = arith.constant 0.000000e+00 : bf16
      %broadcast_in_dim3A_28 = vector.broadcast %broadcast_in_dim3A_27 : bf16 to vector<32xbf16>
      %swap3A_29 = arith.index_cast %scan3A_23 : i32 to index
      %swap3A_30 = arith.constant 32 : index
      %swap3A_31 = tpu.vector_load %arg10[%swap3A_29, %swap3A_30] {strides = array<i32>} : memref<128x128xbf16, #tpu.memory_space<vmem>>, vector<32xbf16>,
      tpu.vector_store %arg10[%swap3A_29, %swap3A_30], %broadcast_in_dim3A_28 {strides = array<i32>} : memref<128x128xbf16, #tpu.memory_space<vmem>>, vector<32xbf16>,
      %broadcast_in_dim3A_32 = arith.constant 0.000000e+00 : bf16
      %broadcast_in_dim3A_33 = vector.broadcast %broadcast_in_dim3A_32 : bf16 to vector<32xbf16>
      %swap3A_34 = arith.index_cast %scan3A_23 : i32 to index
      %swap3A_35 = arith.constant 64 : index
      %swap3A_36 = tpu.vector_load %arg10[%swap3A_34, %swap3A_35] {strides = array<i32>} : memref<128x128xbf16, #tpu.memory_space<vmem>>, vector<32xbf16>,
      tpu.vector_store %arg10[%swap3A_34, %swap3A_35], %broadcast_in_dim3A_33 {strides = array<i32>} : memref<128x128xbf16, #tpu.memory_space<vmem>>, vector<32xbf16>,
      %broadcast_in_dim3A_37 = arith.constant 0.000000e+00 : bf16
      %broadcast_in_dim3A_38 = vector.broadcast %broadcast_in_dim3A_37 : bf16 to vector<32xbf16>
      %swap3A_39 = arith.index_cast %scan3A_23 : i32 to index
      %swap3A_40 = arith.constant 96 : index
      %swap3A_41 = tpu.vector_load %arg10[%swap3A_39, %swap3A_40] {strides = array<i32>} : memref<128x128xbf16, #tpu.memory_space<vmem>>, vector<32xbf16>,
      tpu.vector_store %arg10[%swap3A_39, %swap3A_40], %broadcast_in_dim3A_38 {strides = array<i32>} : memref<128x128xbf16, #tpu.memory_space<vmem>>, vector<32xbf16>,
    }
    %scan3A_5 = arith.constant 128 : i32
    %add3A = arith.constant 0 : i32
    %add3A_6 = arith.addi %mul3A_0, %add3A : i32
    "tpu.region"() ({
      %run_scoped3A = tpu.sem_alloc : memref<!tpu.dma_semaphore, #tpu.memory_space<semaphore_mem>>
      %dma_start3A = arith.constant 0 : i32
      %dma_start3A_23 = tpu.memref_slice %arg12[%add3A_6, %dma_start3A] : memref<10240x128xbf16, #tpu.memory_space<vmem_shared>> -> memref<128x128xbf16, #tpu.memory_space<vmem_shared>>
      %dma_start3A_24 = arith.constant 0 : i32
      %dma_start3A_25 = tpu.memref_slice %arg12[%add3A_6, %dma_start3A_24] : memref<10240x128xbf16, #tpu.memory_space<vmem_shared>> -> memref<128x128xbf16, #tpu.memory_space<vmem_shared>>
      tpu.enqueue_dma source(%arg10 : memref<128x128xbf16, #tpu.memory_space<vmem>>) target(%dma_start3A_25 : memref<128x128xbf16, #tpu.memory_space<vmem_shared>>) target_semaphore(%run_scoped3A : memref<!tpu.dma_semaphore, #tpu.memory_space<semaphore_mem>>)
      %dma_wait3A = arith.constant 0 : i32
      %dma_wait3A_26 = tpu.memref_slice %arg12[%add3A_6, %dma_wait3A] : memref<10240x128xbf16, #tpu.memory_space<vmem_shared>> -> memref<128x128xbf16, #tpu.memory_space<vmem_shared>>
      %dma_wait3A_27 = arith.constant 0 : i32
      %dma_wait3A_28 = tpu.memref_slice %arg12[%add3A_6, %dma_wait3A_27] : memref<10240x128xbf16, #tpu.memory_space<vmem_shared>> -> memref<128x128xbf16, #tpu.memory_space<vmem_shared>>
      tpu.wait_dma2 semaphore(%run_scoped3A : memref<!tpu.dma_semaphore, #tpu.memory_space<semaphore_mem>>) src(%arg10 : memref<128x128xbf16, #tpu.memory_space<vmem>>) dst(%dma_wait3A_28 : memref<128x128xbf16, #tpu.memory_space<vmem_shared>>)
      tpu.yield
    }) : () -> ()
    %add3A_7 = arith.constant 128 : i32
    %add3A_8 = arith.addi %mul3A_0, %add3A_7 : i32
    "tpu.region"() ({
      %run_scoped3A = tpu.sem_alloc : memref<!tpu.dma_semaphore, #tpu.memory_space<semaphore_mem>>
      %dma_start3A = arith.constant 0 : i32
      %dma_start3A_23 = tpu.memref_slice %arg12[%add3A_8, %dma_start3A] : memref<10240x128xbf16, #tpu.memory_space<vmem_shared>> -> memref<128x128xbf16, #tpu.memory_space<vmem_shared>>
      %dma_start3A_24 = arith.constant 0 : i32
      %dma_start3A_25 = tpu.memref_slice %arg12[%add3A_8, %dma_start3A_24] : memref<10240x128xbf16, #tpu.memory_space<vmem_shared>> -> memref<128x128xbf16, #tpu.memory_space<vmem_shared>>
      tpu.enqueue_dma source(%arg10 : memref<128x128xbf16, #tpu.memory_space<vmem>>) target(%dma_start3A_25 : memref<128x128xbf16, #tpu.memory_space<vmem_shared>>) target_semaphore(%run_scoped3A : memref<!tpu.dma_semaphore, #tpu.memory_space<semaphore_mem>>)
      %dma_wait3A = arith.constant 0 : i32
      %dma_wait3A_26 = tpu.memref_slice %arg12[%add3A_8, %dma_wait3A] : memref<10240x128xbf16, #tpu.memory_space<vmem_shared>> -> memref<128x128xbf16, #tpu.memory_space<vmem_shared>>
      %dma_wait3A_27 = arith.constant 0 : i32
      %dma_wait3A_28 = tpu.memref_slice %arg12[%add3A_8, %dma_wait3A_27] : memref<10240x128xbf16, #tpu.memory_space<vmem_shared>> -> memref<128x128xbf16, #tpu.memory_space<vmem_shared>>
      tpu.wait_dma2 semaphore(%run_scoped3A : memref<!tpu.dma_semaphore, #tpu.memory_space<semaphore_mem>>) src(%arg10 : memref<128x128xbf16, #tpu.memory_space<vmem>>) dst(%dma_wait3A_28 : memref<128x128xbf16, #tpu.memory_space<vmem_shared>>)
      tpu.yield
    }) : () -> ()
    %add3A_9 = arith.constant 256 : i32
    %add3A_10 = arith.addi %mul3A_0, %add3A_9 : i32
    "tpu.region"() ({
      %run_scoped3A = tpu.sem_alloc : memref<!tpu.dma_semaphore, #tpu.memory_space<semaphore_mem>>
      %dma_start3A = arith.constant 0 : i32
      %dma_start3A_23 = tpu.memref_slice %arg12[%add3A_10, %dma_start3A] : memref<10240x128xbf16, #tpu.memory_space<vmem_shared>> -> memref<128x128xbf16, #tpu.memory_space<vmem_shared>>
      %dma_start3A_24 = arith.constant 0 : i32
      %dma_start3A_25 = tpu.memref_slice %arg12[%add3A_10, %dma_start3A_24] : memref<10240x128xbf16, #tpu.memory_space<vmem_shared>> -> memref<128x128xbf16, #tpu.memory_space<vmem_shared>>
      tpu.enqueue_dma source(%arg10 : memref<128x128xbf16, #tpu.memory_space<vmem>>) target(%dma_start3A_25 : memref<128x128xbf16, #tpu.memory_space<vmem_shared>>) target_semaphore(%run_scoped3A : memref<!tpu.dma_semaphore, #tpu.memory_space<semaphore_mem>>)
      %dma_wait3A = arith.constant 0 : i32
      %dma_wait3A_26 = tpu.memref_slice %arg12[%add3A_10, %dma_wait3A] : memref<10240x128xbf16, #tpu.memory_space<vmem_shared>> -> memref<128x128xbf16, #tpu.memory_space<vmem_shared>>
      %dma_wait3A_27 = arith.constant 0 : i32
      %dma_wait3A_28 = tpu.memref_slice %arg12[%add3A_10, %dma_wait3A_27] : memref<10240x128xbf16, #tpu.memory_space<vmem_shared>> -> memref<128x128xbf16, #tpu.memory_space<vmem_shared>>
      tpu.wait_dma2 semaphore(%run_scoped3A : memref<!tpu.dma_semaphore, #tpu.memory_space<semaphore_mem>>) src(%arg10 : memref<128x128xbf16, #tpu.memory_space<vmem>>) dst(%dma_wait3A_28 : memref<128x128xbf16, #tpu.memory_space<vmem_shared>>)
      tpu.yield
    }) : () -> ()
    %add3A_11 = arith.constant 384 : i32
    %add3A_12 = arith.addi %mul3A_0, %add3A_11 : i32
    "tpu.region"() ({
      %run_scoped3A = tpu.sem_alloc : memref<!tpu.dma_semaphore, #tpu.memory_space<semaphore_mem>>
      %dma_start3A = arith.constant 0 : i32
      %dma_start3A_23 = tpu.memref_slice %arg12[%add3A_12, %dma_start3A] : memref<10240x128xbf16, #tpu.memory_space<vmem_shared>> -> memref<128x128xbf16, #tpu.memory_space<vmem_shared>>
      %dma_start3A_24 = arith.constant 0 : i32
      %dma_start3A_25 = tpu.memref_slice %arg12[%add3A_12, %dma_start3A_24] : memref<10240x128xbf16, #tpu.memory_space<vmem_shared>> -> memref<128x128xbf16, #tpu.memory_space<vmem_shared>>
      tpu.enqueue_dma source(%arg10 : memref<128x128xbf16, #tpu.memory_space<vmem>>) target(%dma_start3A_25 : memref<128x128xbf16, #tpu.memory_space<vmem_shared>>) target_semaphore(%run_scoped3A : memref<!tpu.dma_semaphore, #tpu.memory_space<semaphore_mem>>)
      %dma_wait3A = arith.constant 0 : i32
      %dma_wait3A_26 = tpu.memref_slice %arg12[%add3A_12, %dma_wait3A] : memref<10240x128xbf16, #tpu.memory_space<vmem_shared>> -> memref<128x128xbf16, #tpu.memory_space<vmem_shared>>
      %dma_wait3A_27 = arith.constant 0 : i32
      %dma_wait3A_28 = tpu.memref_slice %arg12[%add3A_12, %dma_wait3A_27] : memref<10240x128xbf16, #tpu.memory_space<vmem_shared>> -> memref<128x128xbf16, #tpu.memory_space<vmem_shared>>
      tpu.wait_dma2 semaphore(%run_scoped3A : memref<!tpu.dma_semaphore, #tpu.memory_space<semaphore_mem>>) src(%arg10 : memref<128x128xbf16, #tpu.memory_space<vmem>>) dst(%dma_wait3A_28 : memref<128x128xbf16, #tpu.memory_space<vmem_shared>>)
      tpu.yield
    }) : () -> ()
    %add3A_13 = arith.constant 512 : i32
    %add3A_14 = arith.addi %mul3A_0, %add3A_13 : i32
    "tpu.region"() ({
      %run_scoped3A = tpu.sem_alloc : memref<!tpu.dma_semaphore, #tpu.memory_space<semaphore_mem>>
      %dma_start3A = arith.constant 0 : i32
      %dma_start3A_23 = tpu.memref_slice %arg12[%add3A_14, %dma_start3A] : memref<10240x128xbf16, #tpu.memory_space<vmem_shared>> -> memref<128x128xbf16, #tpu.memory_space<vmem_shared>>
      %dma_start3A_24 = arith.constant 0 : i32
      %dma_start3A_25 = tpu.memref_slice %arg12[%add3A_14, %dma_start3A_24] : memref<10240x128xbf16, #tpu.memory_space<vmem_shared>> -> memref<128x128xbf16, #tpu.memory_space<vmem_shared>>
      tpu.enqueue_dma source(%arg10 : memref<128x128xbf16, #tpu.memory_space<vmem>>) target(%dma_start3A_25 : memref<128x128xbf16, #tpu.memory_space<vmem_shared>>) target_semaphore(%run_scoped3A : memref<!tpu.dma_semaphore, #tpu.memory_space<semaphore_mem>>)
      %dma_wait3A = arith.constant 0 : i32
      %dma_wait3A_26 = tpu.memref_slice %arg12[%add3A_14, %dma_wait3A] : memref<10240x128xbf16, #tpu.memory_space<vmem_shared>> -> memref<128x128xbf16, #tpu.memory_space<vmem_shared>>
      %dma_wait3A_27 = arith.constant 0 : i32
      %dma_wait3A_28 = tpu.memref_slice %arg12[%add3A_14, %dma_wait3A_27] : memref<10240x128xbf16, #tpu.memory_space<vmem_shared>> -> memref<128x128xbf16, #tpu.memory_space<vmem_shared>>
      tpu.wait_dma2 semaphore(%run_scoped3A : memref<!tpu.dma_semaphore, #tpu.memory_space<semaphore_mem>>) src(%arg10 : memref<128x128xbf16, #tpu.memory_space<vmem>>) dst(%dma_wait3A_28 : memref<128x128xbf16, #tpu.memory_space<vmem_shared>>)
      tpu.yield
    }) : () -> ()
    %barrier3A = arith.constant 0 : index
    tpu.barrier barrier_id(%barrier3A)
    %eq3A = arith.constant 0 : i32
    %eq3A_15 = arith.cmpi eq, %arg0, %eq3A : i32
    %convert_element_type3A = arith.extui %eq3A_15 : i1 to i32
    %cond3A = arith.constant 0 : i32
    %cond3A_16 = arith.cmpi ne, %convert_element_type3A, %cond3A : i32
    scf.if %cond3A_16 {
      %mul3A_23 = arith.constant 120 : i32
      %mul3A_24 = arith.muli %arg1, %mul3A_23 : i32
      %scan3A_25 = arith.constant 0 : i32
      %scan3A_26 = arith.constant 0 : i32
      %scan3A_27 = arith.constant 15 : i32
      %scan3A_28 = arith.addi %scan3A_26, %scan3A_27 : i32
      %scan3A_29 = arith.constant 1 : i32
      scf.for %scan3A_31 = %scan3A_26 to %scan3A_28 step %scan3A_29  : i32 {
        %mul3A_32 = arith.constant 8 : i32
        %mul3A_33 = arith.muli %scan3A_31, %mul3A_32 : i32
        %add3A_34 = arith.addi %mul3A_24, %mul3A_33 : i32
        "tpu.region"() ({
          %run_scoped3A = tpu.sem_alloc : memref<!tpu.dma_semaphore, #tpu.memory_space<semaphore_mem>>
          %dma_start3A_47 = arith.constant 0 : i32
          %dma_start3A_48 = tpu.memref_slice %arg2[%add3A_34, %dma_start3A_47] : memref<2560x128xi32, #tpu.memory_space<hbm>> -> memref<8x128xi32, #tpu.memory_space<hbm>>
          %dma_start3A_49 = arith.constant 0 : i32
          %dma_start3A_50 = tpu.memref_slice %arg2[%add3A_34, %dma_start3A_49] : memref<2560x128xi32, #tpu.memory_space<hbm>> -> memref<8x128xi32, #tpu.memory_space<hbm>>
          tpu.enqueue_dma source(%dma_start3A_50 : memref<8x128xi32, #tpu.memory_space<hbm>>) target(%arg7 : memref<8x128xi32, #tpu.memory_space<vmem>>) target_semaphore(%run_scoped3A : memref<!tpu.dma_semaphore, #tpu.memory_space<semaphore_mem>>)
          %dma_wait3A = arith.constant 0 : i32
          %dma_wait3A_51 = tpu.memref_slice %arg2[%add3A_34, %dma_wait3A] : memref<2560x128xi32, #tpu.memory_space<hbm>> -> memref<8x128xi32, #tpu.memory_space<hbm>>
          %dma_wait3A_52 = arith.constant 0 : i32
          %dma_wait3A_53 = tpu.memref_slice %arg2[%add3A_34, %dma_wait3A_52] : memref<2560x128xi32, #tpu.memory_space<hbm>> -> memref<8x128xi32, #tpu.memory_space<hbm>>
          tpu.wait_dma2 semaphore(%run_scoped3A : memref<!tpu.dma_semaphore, #tpu.memory_space<semaphore_mem>>) src(%dma_wait3A_53 : memref<8x128xi32, #tpu.memory_space<hbm>>) dst(%arg7 : memref<8x128xi32, #tpu.memory_space<vmem>>)
          tpu.yield
        }) : () -> ()
        "tpu.region"() ({
          %run_scoped3A = tpu.sem_alloc : memref<!tpu.dma_semaphore, #tpu.memory_space<semaphore_mem>>
          %dma_start3A_47 = arith.constant 0 : i32
          %dma_start3A_48 = tpu.memref_slice %arg3[%add3A_34, %dma_start3A_47] : memref<2560x128xi32, #tpu.memory_space<hbm>> -> memref<8x128xi32, #tpu.memory_space<hbm>>
          %dma_start3A_49 = arith.constant 0 : i32
          %dma_start3A_50 = tpu.memref_slice %arg3[%add3A_34, %dma_start3A_49] : memref<2560x128xi32, #tpu.memory_space<hbm>> -> memref<8x128xi32, #tpu.memory_space<hbm>>
          tpu.enqueue_dma source(%dma_start3A_50 : memref<8x128xi32, #tpu.memory_space<hbm>>) target(%arg8 : memref<8x128xi32, #tpu.memory_space<vmem>>) target_semaphore(%run_scoped3A : memref<!tpu.dma_semaphore, #tpu.memory_space<semaphore_mem>>)
          %dma_wait3A = arith.constant 0 : i32
          %dma_wait3A_51 = tpu.memref_slice %arg3[%add3A_34, %dma_wait3A] : memref<2560x128xi32, #tpu.memory_space<hbm>> -> memref<8x128xi32, #tpu.memory_space<hbm>>
          %dma_wait3A_52 = arith.constant 0 : i32
          %dma_wait3A_53 = tpu.memref_slice %arg3[%add3A_34, %dma_wait3A_52] : memref<2560x128xi32, #tpu.memory_space<hbm>> -> memref<8x128xi32, #tpu.memory_space<hbm>>
          tpu.wait_dma2 semaphore(%run_scoped3A : memref<!tpu.dma_semaphore, #tpu.memory_space<semaphore_mem>>) src(%dma_wait3A_53 : memref<8x128xi32, #tpu.memory_space<hbm>>) dst(%arg8 : memref<8x128xi32, #tpu.memory_space<vmem>>)
          tpu.yield
        }) : () -> ()
        "tpu.region"() ({
          %run_scoped3A = tpu.sem_alloc : memref<!tpu.dma_semaphore, #tpu.memory_space<semaphore_mem>>
          %dma_start3A_47 = arith.constant 0 : i32
          %dma_start3A_48 = tpu.memref_slice %arg4[%add3A_34, %dma_start3A_47] : memref<2560x128xf32, #tpu.memory_space<hbm>> -> memref<8x128xf32, #tpu.memory_space<hbm>>
          %dma_start3A_49 = arith.constant 0 : i32
          %dma_start3A_50 = tpu.memref_slice %arg4[%add3A_34, %dma_start3A_49] : memref<2560x128xf32, #tpu.memory_space<hbm>> -> memref<8x128xf32, #tpu.memory_space<hbm>>
          tpu.enqueue_dma source(%dma_start3A_50 : memref<8x128xf32, #tpu.memory_space<hbm>>) target(%arg9 : memref<8x128xf32, #tpu.memory_space<vmem>>) target_semaphore(%run_scoped3A : memref<!tpu.dma_semaphore, #tpu.memory_space<semaphore_mem>>)
          %dma_wait3A = arith.constant 0 : i32
          %dma_wait3A_51 = tpu.memref_slice %arg4[%add3A_34, %dma_wait3A] : memref<2560x128xf32, #tpu.memory_space<hbm>> -> memref<8x128xf32, #tpu.memory_space<hbm>>
          %dma_wait3A_52 = arith.constant 0 : i32
          %dma_wait3A_53 = tpu.memref_slice %arg4[%add3A_34, %dma_wait3A_52] : memref<2560x128xf32, #tpu.memory_space<hbm>> -> memref<8x128xf32, #tpu.memory_space<hbm>>
          tpu.wait_dma2 semaphore(%run_scoped3A : memref<!tpu.dma_semaphore, #tpu.memory_space<semaphore_mem>>) src(%dma_wait3A_53 : memref<8x128xf32, #tpu.memory_space<hbm>>) dst(%arg9 : memref<8x128xf32, #tpu.memory_space<vmem>>)
          tpu.yield
        }) : () -> ()
        %dma_start3A = arith.constant 0 : i32
        %dma_start3A_35 = arith.constant 0 : i32
        %dma_start3A_36 = tpu.memref_slice %arg7[%dma_start3A, %dma_start3A_35] : memref<8x128xi32, #tpu.memory_space<vmem>> -> memref<1x128xi32, #tpu.memory_space<vmem>>
        %dma_start3A_37 = tpu.memref_squeeze %dma_start3A_36 : memref<1x128xi32, #tpu.memory_space<vmem>> -> memref<128xi32, #tpu.memory_space<vmem>>
        %dma_start3A_38 = arith.constant 0 : i32
        %dma_start3A_39 = arith.constant 0 : i32
        %dma_start3A_40 = tpu.memref_slice %arg5[%dma_start3A_38, %dma_start3A_39] : memref<10000x128xbf16, #tpu.memory_space<hbm>> -> memref<10000x128xbf16, #tpu.memory_space<hbm>>
        tpu.enqueue_indirect_dma source(%dma_start3A_40 : memref<10000x128xbf16, #tpu.memory_space<hbm>>) target(%arg10 : memref<128x128xbf16, #tpu.memory_space<vmem>>) offsets(%dma_start3A_37 : memref<128xi32, #tpu.memory_space<vmem>>) semaphore(%arg13 : memref<!tpu.dma_semaphore, #tpu.memory_space<semaphore_mem>>)
        %scan3A_41 = arith.constant 0 : i32
        %scan3A_42 = arith.constant 0 : i32
        %scan3A_43 = arith.constant 4 : i32
        %scan3A_44 = arith.addi %scan3A_42, %scan3A_43 : i32
        %scan3A_45 = arith.constant 1 : i32
        scf.for %scan3A_47 = %scan3A_42 to %scan3A_44 step %scan3A_45  : i32 {
          %mul3A_48 = arith.constant 2 : i32
          %mul3A_49 = arith.muli %scan3A_47, %mul3A_48 : i32
          %add3A_50 = arith.constant 0 : i32
          %add3A_51 = arith.addi %mul3A_49, %add3A_50 : i32
          %dma_wait3A = arith.constant 0 : i32
          %dma_wait3A_52 = tpu.memref_slice %arg7[%add3A_51, %dma_wait3A] : memref<8x128xi32, #tpu.memory_space<vmem>> -> memref<1x128xi32, #tpu.memory_space<vmem>>
          %dma_wait3A_53 = tpu.memref_squeeze %dma_wait3A_52 : memref<1x128xi32, #tpu.memory_space<vmem>> -> memref<128xi32, #tpu.memory_space<vmem>>
          %dma_wait3A_54 = arith.constant 0 : i32
          %dma_wait3A_55 = arith.constant 0 : i32
          %dma_wait3A_56 = tpu.memref_slice %arg5[%dma_wait3A_54, %dma_wait3A_55] : memref<10000x128xbf16, #tpu.memory_space<hbm>> -> memref<10000x128xbf16, #tpu.memory_space<hbm>>
          tpu.wait_indirect_dma semaphore(%arg13 : memref<!tpu.dma_semaphore, #tpu.memory_space<semaphore_mem>>) src(%dma_wait3A_56 : memref<10000x128xbf16, #tpu.memory_space<hbm>>) dst(%arg10 : memref<128x128xbf16, #tpu.memory_space<vmem>>)
          %lt3A = arith.constant 7 : i32
          %lt3A_57 = arith.cmpi slt, %add3A_51, %lt3A : i32
          %convert_element_type3A_58 = arith.extui %lt3A_57 : i1 to i32
          %cond3A_59 = arith.constant 0 : i32
          %cond3A_60 = arith.cmpi ne, %convert_element_type3A_58, %cond3A_59 : i32
          scf.if %cond3A_60 {
            %add3A_81 = arith.constant 1 : i32
            %add3A_82 = arith.addi %add3A_51, %add3A_81 : i32
            %dma_start3A_83 = arith.constant 0 : i32
            %dma_start3A_84 = tpu.memref_slice %arg7[%add3A_82, %dma_start3A_83] : memref<8x128xi32, #tpu.memory_space<vmem>> -> memref<1x128xi32, #tpu.memory_space<vmem>>
            %dma_start3A_85 = tpu.memref_squeeze %dma_start3A_84 : memref<1x128xi32, #tpu.memory_space<vmem>> -> memref<128xi32, #tpu.memory_space<vmem>>
            %dma_start3A_86 = arith.constant 0 : i32
            %dma_start3A_87 = arith.constant 0 : i32
            %dma_start3A_88 = tpu.memref_slice %arg5[%dma_start3A_86, %dma_start3A_87] : memref<10000x128xbf16, #tpu.memory_space<hbm>> -> memref<10000x128xbf16, #tpu.memory_space<hbm>>
            tpu.enqueue_indirect_dma source(%dma_start3A_88 : memref<10000x128xbf16, #tpu.memory_space<hbm>>) target(%arg11 : memref<128x128xbf16, #tpu.memory_space<vmem>>) offsets(%dma_start3A_85 : memref<128xi32, #tpu.memory_space<vmem>>) semaphore(%arg14 : memref<!tpu.dma_semaphore, #tpu.memory_space<semaphore_mem>>)
          } else {
          }
          %parallel_loop3A = arith.constant 0 : i32
          %parallel_loop3A_61 = arith.constant 128 : i32
          %parallel_loop3A_62 = arith.constant 1 : i32
          scf.for %parallel_loop3A_81 = %parallel_loop3A to %parallel_loop3A_61 step %parallel_loop3A_62  : i32 {
            %parallel_loop3A_82 = vector.broadcast %add3A_51 : i32 to vector<16xi32>
            %parallel_loop3A_83 = vector.broadcast %parallel_loop3A_81 : i32 to vector<16xi32>
            %parallel_loop3A_84 = tpu.vector_load_idx %arg9[%parallel_loop3A_82, %parallel_loop3A_83] : memref<8x128xf32, #tpu.memory_space<vmem>>[vector<16xi32>, vector<16xi32>], vector<16xf32>,
            %parallel_loop3A_85 = tpu.pack_subelements %parallel_loop3A_84, %parallel_loop3A_84 {pack_format = #tpu.pack_format<interleaved>, positions = array<i32: 0, 1>} : vector<16xf32>, vector<16xf32> -> vector<32xbf16>
            %parallel_loop3A_86 = arith.index_cast %parallel_loop3A_81 : i32 to index
            %parallel_loop3A_87 = arith.constant 0 : index
            %parallel_loop3A_88 = tpu.vector_load %arg10[%parallel_loop3A_86, %parallel_loop3A_87] {strides = array<i32>} : memref<128x128xbf16, #tpu.memory_space<vmem>>, vector<32xbf16>,
            %parallel_loop3A_89 = arith.mulf %parallel_loop3A_88, %parallel_loop3A_85 : vector<32xbf16>
            %parallel_loop3A_90 = arith.index_cast %parallel_loop3A_81 : i32 to index
            %parallel_loop3A_91 = arith.constant 0 : index
            %parallel_loop3A_92 = tpu.vector_load %arg10[%parallel_loop3A_90, %parallel_loop3A_91] {strides = array<i32>} : memref<128x128xbf16, #tpu.memory_space<vmem>>, vector<32xbf16>,
            tpu.vector_store %arg10[%parallel_loop3A_90, %parallel_loop3A_91], %parallel_loop3A_89 {strides = array<i32>} : memref<128x128xbf16, #tpu.memory_space<vmem>>, vector<32xbf16>,
            %parallel_loop3A_93 = arith.index_cast %parallel_loop3A_81 : i32 to index
            %parallel_loop3A_94 = arith.constant 32 : index
            %parallel_loop3A_95 = tpu.vector_load %arg10[%parallel_loop3A_93, %parallel_loop3A_94] {strides = array<i32>} : memref<128x128xbf16, #tpu.memory_space<vmem>>, vector<32xbf16>,
            %parallel_loop3A_96 = arith.mulf %parallel_loop3A_95, %parallel_loop3A_85 : vector<32xbf16>
            %parallel_loop3A_97 = arith.index_cast %parallel_loop3A_81 : i32 to index
            %parallel_loop3A_98 = arith.constant 32 : index
            %parallel_loop3A_99 = tpu.vector_load %arg10[%parallel_loop3A_97, %parallel_loop3A_98] {strides = array<i32>} : memref<128x128xbf16, #tpu.memory_space<vmem>>, vector<32xbf16>,
            tpu.vector_store %arg10[%parallel_loop3A_97, %parallel_loop3A_98], %parallel_loop3A_96 {strides = array<i32>} : memref<128x128xbf16, #tpu.memory_space<vmem>>, vector<32xbf16>,
            %parallel_loop3A_100 = arith.index_cast %parallel_loop3A_81 : i32 to index
            %parallel_loop3A_101 = arith.constant 64 : index
            %parallel_loop3A_102 = tpu.vector_load %arg10[%parallel_loop3A_100, %parallel_loop3A_101] {strides = array<i32>} : memref<128x128xbf16, #tpu.memory_space<vmem>>, vector<32xbf16>,
            %parallel_loop3A_103 = arith.mulf %parallel_loop3A_102, %parallel_loop3A_85 : vector<32xbf16>
            %parallel_loop3A_104 = arith.index_cast %parallel_loop3A_81 : i32 to index
            %parallel_loop3A_105 = arith.constant 64 : index
            %parallel_loop3A_106 = tpu.vector_load %arg10[%parallel_loop3A_104, %parallel_loop3A_105] {strides = array<i32>} : memref<128x128xbf16, #tpu.memory_space<vmem>>, vector<32xbf16>,
            tpu.vector_store %arg10[%parallel_loop3A_104, %parallel_loop3A_105], %parallel_loop3A_103 {strides = array<i32>} : memref<128x128xbf16, #tpu.memory_space<vmem>>, vector<32xbf16>,
            %parallel_loop3A_107 = arith.index_cast %parallel_loop3A_81 : i32 to index
            %parallel_loop3A_108 = arith.constant 96 : index
            %parallel_loop3A_109 = tpu.vector_load %arg10[%parallel_loop3A_107, %parallel_loop3A_108] {strides = array<i32>} : memref<128x128xbf16, #tpu.memory_space<vmem>>, vector<32xbf16>,
            %parallel_loop3A_110 = arith.mulf %parallel_loop3A_109, %parallel_loop3A_85 : vector<32xbf16>
            %parallel_loop3A_111 = arith.index_cast %parallel_loop3A_81 : i32 to index
            %parallel_loop3A_112 = arith.constant 96 : index
            %parallel_loop3A_113 = tpu.vector_load %arg10[%parallel_loop3A_111, %parallel_loop3A_112] {strides = array<i32>} : memref<128x128xbf16, #tpu.memory_space<vmem>>, vector<32xbf16>,
            tpu.vector_store %arg10[%parallel_loop3A_111, %parallel_loop3A_112], %parallel_loop3A_110 {strides = array<i32>} : memref<128x128xbf16, #tpu.memory_space<vmem>>, vector<32xbf16>,
          } {sc.loop_unroll_factor = 4 : i64, sc.parallel_access}
          "tpu.region"() ({
            %run_scoped3A = tpu.sem_alloc : memref<!tpu.dma_semaphore, #tpu.memory_space<semaphore_mem>>
            %dma_start3A_81 = arith.constant 0 : i32
            %dma_start3A_82 = tpu.memref_slice %arg8[%add3A_51, %dma_start3A_81] : memref<8x128xi32, #tpu.memory_space<vmem>> -> memref<1x128xi32, #tpu.memory_space<vmem>>
            %dma_start3A_83 = tpu.memref_squeeze %dma_start3A_82 : memref<1x128xi32, #tpu.memory_space<vmem>> -> memref<128xi32, #tpu.memory_space<vmem>>
            %dma_start3A_84 = arith.constant 0 : i32
            %dma_start3A_85 = arith.constant 0 : i32
            %dma_start3A_86 = tpu.memref_slice %arg12[%dma_start3A_84, %dma_start3A_85] : memref<10240x128xbf16, #tpu.memory_space<vmem_shared>> -> memref<10240x128xbf16, #tpu.memory_space<vmem_shared>>
            tpu.enqueue_indirect_dma source(%arg10 : memref<128x128xbf16, #tpu.memory_space<vmem>>) target(%dma_start3A_86 : memref<10240x128xbf16, #tpu.memory_space<vmem_shared>>) offsets(%dma_start3A_83 : memref<128xi32, #tpu.memory_space<vmem>>) semaphore(%run_scoped3A : memref<!tpu.dma_semaphore, #tpu.memory_space<semaphore_mem>>) {add = true}
            %dma_wait3A_87 = arith.constant 0 : i32
            %dma_wait3A_88 = tpu.memref_slice %arg8[%add3A_51, %dma_wait3A_87] : memref<8x128xi32, #tpu.memory_space<vmem>> -> memref<1x128xi32, #tpu.memory_space<vmem>>
            %dma_wait3A_89 = tpu.memref_squeeze %dma_wait3A_88 : memref<1x128xi32, #tpu.memory_space<vmem>> -> memref<128xi32, #tpu.memory_space<vmem>>
            %dma_wait3A_90 = arith.constant 0 : i32
            %dma_wait3A_91 = arith.constant 0 : i32
            %dma_wait3A_92 = tpu.memref_slice %arg12[%dma_wait3A_90, %dma_wait3A_91] : memref<10240x128xbf16, #tpu.memory_space<vmem_shared>> -> memref<10240x128xbf16, #tpu.memory_space<vmem_shared>>
            tpu.wait_indirect_dma semaphore(%run_scoped3A : memref<!tpu.dma_semaphore, #tpu.memory_space<semaphore_mem>>) src(%arg10 : memref<128x128xbf16, #tpu.memory_space<vmem>>) dst(%dma_wait3A_92 : memref<10240x128xbf16, #tpu.memory_space<vmem_shared>>)
            tpu.yield
          }) : () -> ()
          %mul3A_63 = arith.constant 2 : i32
          %mul3A_64 = arith.muli %scan3A_47, %mul3A_63 : i32
          %add3A_65 = arith.constant 1 : i32
          %add3A_66 = arith.addi %mul3A_64, %add3A_65 : i32
          %dma_wait3A_67 = arith.constant 0 : i32
          %dma_wait3A_68 = tpu.memref_slice %arg7[%add3A_66, %dma_wait3A_67] : memref<8x128xi32, #tpu.memory_space<vmem>> -> memref<1x128xi32, #tpu.memory_space<vmem>>
          %dma_wait3A_69 = tpu.memref_squeeze %dma_wait3A_68 : memref<1x128xi32, #tpu.memory_space<vmem>> -> memref<128xi32, #tpu.memory_space<vmem>>
          %dma_wait3A_70 = arith.constant 0 : i32
          %dma_wait3A_71 = arith.constant 0 : i32
          %dma_wait3A_72 = tpu.memref_slice %arg5[%dma_wait3A_70, %dma_wait3A_71] : memref<10000x128xbf16, #tpu.memory_space<hbm>> -> memref<10000x128xbf16, #tpu.memory_space<hbm>>
          tpu.wait_indirect_dma semaphore(%arg14 : memref<!tpu.dma_semaphore, #tpu.memory_space<semaphore_mem>>) src(%dma_wait3A_72 : memref<10000x128xbf16, #tpu.memory_space<hbm>>) dst(%arg11 : memref<128x128xbf16, #tpu.memory_space<vmem>>)
          %lt3A_73 = arith.constant 7 : i32
          %lt3A_74 = arith.cmpi slt, %add3A_66, %lt3A_73 : i32
          %convert_element_type3A_75 = arith.extui %lt3A_74 : i1 to i32
          %cond3A_76 = arith.constant 0 : i32
          %cond3A_77 = arith.cmpi ne, %convert_element_type3A_75, %cond3A_76 : i32
          scf.if %cond3A_77 {
            %add3A_81 = arith.constant 1 : i32
            %add3A_82 = arith.addi %add3A_66, %add3A_81 : i32
            %dma_start3A_83 = arith.constant 0 : i32
            %dma_start3A_84 = tpu.memref_slice %arg7[%add3A_82, %dma_start3A_83] : memref<8x128xi32, #tpu.memory_space<vmem>> -> memref<1x128xi32, #tpu.memory_space<vmem>>
            %dma_start3A_85 = tpu.memref_squeeze %dma_start3A_84 : memref<1x128xi32, #tpu.memory_space<vmem>> -> memref<128xi32, #tpu.memory_space<vmem>>
            %dma_start3A_86 = arith.constant 0 : i32
            %dma_start3A_87 = arith.constant 0 : i32
            %dma_start3A_88 = tpu.memref_slice %arg5[%dma_start3A_86, %dma_start3A_87] : memref<10000x128xbf16, #tpu.memory_space<hbm>> -> memref<10000x128xbf16, #tpu.memory_space<hbm>>
            tpu.enqueue_indirect_dma source(%dma_start3A_88 : memref<10000x128xbf16, #tpu.memory_space<hbm>>) target(%arg10 : memref<128x128xbf16, #tpu.memory_space<vmem>>) offsets(%dma_start3A_85 : memref<128xi32, #tpu.memory_space<vmem>>) semaphore(%arg13 : memref<!tpu.dma_semaphore, #tpu.memory_space<semaphore_mem>>)
          } else {
          }
          %parallel_loop3A_78 = arith.constant 0 : i32
          %parallel_loop3A_79 = arith.constant 128 : i32
          %parallel_loop3A_80 = arith.constant 1 : i32
          scf.for %parallel_loop3A_81 = %parallel_loop3A_78 to %parallel_loop3A_79 step %parallel_loop3A_80  : i32 {
            %parallel_loop3A_82 = vector.broadcast %add3A_66 : i32 to vector<16xi32>
            %parallel_loop3A_83 = vector.broadcast %parallel_loop3A_81 : i32 to vector<16xi32>
            %parallel_loop3A_84 = tpu.vector_load_idx %arg9[%parallel_loop3A_82, %parallel_loop3A_83] : memref<8x128xf32, #tpu.memory_space<vmem>>[vector<16xi32>, vector<16xi32>], vector<16xf32>,
            %parallel_loop3A_85 = tpu.pack_subelements %parallel_loop3A_84, %parallel_loop3A_84 {pack_format = #tpu.pack_format<interleaved>, positions = array<i32: 0, 1>} : vector<16xf32>, vector<16xf32> -> vector<32xbf16>
            %parallel_loop3A_86 = arith.index_cast %parallel_loop3A_81 : i32 to index
            %parallel_loop3A_87 = arith.constant 0 : index
            %parallel_loop3A_88 = tpu.vector_load %arg11[%parallel_loop3A_86, %parallel_loop3A_87] {strides = array<i32>} : memref<128x128xbf16, #tpu.memory_space<vmem>>, vector<32xbf16>,
            %parallel_loop3A_89 = arith.mulf %parallel_loop3A_88, %parallel_loop3A_85 : vector<32xbf16>
            %parallel_loop3A_90 = arith.index_cast %parallel_loop3A_81 : i32 to index
            %parallel_loop3A_91 = arith.constant 0 : index
            %parallel_loop3A_92 = tpu.vector_load %arg11[%parallel_loop3A_90, %parallel_loop3A_91] {strides = array<i32>} : memref<128x128xbf16, #tpu.memory_space<vmem>>, vector<32xbf16>,
            tpu.vector_store %arg11[%parallel_loop3A_90, %parallel_loop3A_91], %parallel_loop3A_89 {strides = array<i32>} : memref<128x128xbf16, #tpu.memory_space<vmem>>, vector<32xbf16>,
            %parallel_loop3A_93 = arith.index_cast %parallel_loop3A_81 : i32 to index
            %parallel_loop3A_94 = arith.constant 32 : index
            %parallel_loop3A_95 = tpu.vector_load %arg11[%parallel_loop3A_93, %parallel_loop3A_94] {strides = array<i32>} : memref<128x128xbf16, #tpu.memory_space<vmem>>, vector<32xbf16>,
            %parallel_loop3A_96 = arith.mulf %parallel_loop3A_95, %parallel_loop3A_85 : vector<32xbf16>
            %parallel_loop3A_97 = arith.index_cast %parallel_loop3A_81 : i32 to index
            %parallel_loop3A_98 = arith.constant 32 : index
            %parallel_loop3A_99 = tpu.vector_load %arg11[%parallel_loop3A_97, %parallel_loop3A_98] {strides = array<i32>} : memref<128x128xbf16, #tpu.memory_space<vmem>>, vector<32xbf16>,
            tpu.vector_store %arg11[%parallel_loop3A_97, %parallel_loop3A_98], %parallel_loop3A_96 {strides = array<i32>} : memref<128x128xbf16, #tpu.memory_space<vmem>>, vector<32xbf16>,
            %parallel_loop3A_100 = arith.index_cast %parallel_loop3A_81 : i32 to index
            %parallel_loop3A_101 = arith.constant 64 : index
            %parallel_loop3A_102 = tpu.vector_load %arg11[%parallel_loop3A_100, %parallel_loop3A_101] {strides = array<i32>} : memref<128x128xbf16, #tpu.memory_space<vmem>>, vector<32xbf16>,
            %parallel_loop3A_103 = arith.mulf %parallel_loop3A_102, %parallel_loop3A_85 : vector<32xbf16>
            %parallel_loop3A_104 = arith.index_cast %parallel_loop3A_81 : i32 to index
            %parallel_loop3A_105 = arith.constant 64 : index
            %parallel_loop3A_106 = tpu.vector_load %arg11[%parallel_loop3A_104, %parallel_loop3A_105] {strides = array<i32>} : memref<128x128xbf16, #tpu.memory_space<vmem>>, vector<32xbf16>,
            tpu.vector_store %arg11[%parallel_loop3A_104, %parallel_loop3A_105], %parallel_loop3A_103 {strides = array<i32>} : memref<128x128xbf16, #tpu.memory_space<vmem>>, vector<32xbf16>,
            %parallel_loop3A_107 = arith.index_cast %parallel_loop3A_81 : i32 to index
            %parallel_loop3A_108 = arith.constant 96 : index
            %parallel_loop3A_109 = tpu.vector_load %arg11[%parallel_loop3A_107, %parallel_loop3A_108] {strides = array<i32>} : memref<128x128xbf16, #tpu.memory_space<vmem>>, vector<32xbf16>,
            %parallel_loop3A_110 = arith.mulf %parallel_loop3A_109, %parallel_loop3A_85 : vector<32xbf16>
            %parallel_loop3A_111 = arith.index_cast %parallel_loop3A_81 : i32 to index
            %parallel_loop3A_112 = arith.constant 96 : index
            %parallel_loop3A_113 = tpu.vector_load %arg11[%parallel_loop3A_111, %parallel_loop3A_112] {strides = array<i32>} : memref<128x128xbf16, #tpu.memory_space<vmem>>, vector<32xbf16>,
            tpu.vector_store %arg11[%parallel_loop3A_111, %parallel_loop3A_112], %parallel_loop3A_110 {strides = array<i32>} : memref<128x128xbf16, #tpu.memory_space<vmem>>, vector<32xbf16>,
          } {sc.loop_unroll_factor = 4 : i64, sc.parallel_access}
          "tpu.region"() ({
            %run_scoped3A = tpu.sem_alloc : memref<!tpu.dma_semaphore, #tpu.memory_space<semaphore_mem>>
            %dma_start3A_81 = arith.constant 0 : i32
            %dma_start3A_82 = tpu.memref_slice %arg8[%add3A_66, %dma_start3A_81] : memref<8x128xi32, #tpu.memory_space<vmem>> -> memref<1x128xi32, #tpu.memory_space<vmem>>
            %dma_start3A_83 = tpu.memref_squeeze %dma_start3A_82 : memref<1x128xi32, #tpu.memory_space<vmem>> -> memref<128xi32, #tpu.memory_space<vmem>>
            %dma_start3A_84 = arith.constant 0 : i32
            %dma_start3A_85 = arith.constant 0 : i32
            %dma_start3A_86 = tpu.memref_slice %arg12[%dma_start3A_84, %dma_start3A_85] : memref<10240x128xbf16, #tpu.memory_space<vmem_shared>> -> memref<10240x128xbf16, #tpu.memory_space<vmem_shared>>
            tpu.enqueue_indirect_dma source(%arg11 : memref<128x128xbf16, #tpu.memory_space<vmem>>) target(%dma_start3A_86 : memref<10240x128xbf16, #tpu.memory_space<vmem_shared>>) offsets(%dma_start3A_83 : memref<128xi32, #tpu.memory_space<vmem>>) semaphore(%run_scoped3A : memref<!tpu.dma_semaphore, #tpu.memory_space<semaphore_mem>>) {add = true}
            %dma_wait3A_87 = arith.constant 0 : i32
            %dma_wait3A_88 = tpu.memref_slice %arg8[%add3A_66, %dma_wait3A_87] : memref<8x128xi32, #tpu.memory_space<vmem>> -> memref<1x128xi32, #tpu.memory_space<vmem>>
            %dma_wait3A_89 = tpu.memref_squeeze %dma_wait3A_88 : memref<1x128xi32, #tpu.memory_space<vmem>> -> memref<128xi32, #tpu.memory_space<vmem>>
            %dma_wait3A_90 = arith.constant 0 : i32
            %dma_wait3A_91 = arith.constant 0 : i32
            %dma_wait3A_92 = tpu.memref_slice %arg12[%dma_wait3A_90, %dma_wait3A_91] : memref<10240x128xbf16, #tpu.memory_space<vmem_shared>> -> memref<10240x128xbf16, #tpu.memory_space<vmem_shared>>
            tpu.wait_indirect_dma semaphore(%run_scoped3A : memref<!tpu.dma_semaphore, #tpu.memory_space<semaphore_mem>>) src(%arg11 : memref<128x128xbf16, #tpu.memory_space<vmem>>) dst(%dma_wait3A_92 : memref<10240x128xbf16, #tpu.memory_space<vmem_shared>>)
            tpu.yield
          }) : () -> ()
        }
        %scan3A_46 = arith.constant 4 : i32
      }
      %scan3A_30 = arith.constant 15 : i32
    } else {
    }
    %eq3A_17 = arith.constant 1 : i32
    %eq3A_18 = arith.cmpi eq, %arg0, %eq3A_17 : i32
    %convert_element_type3A_19 = arith.extui %eq3A_18 : i1 to i32
    %cond3A_20 = arith.constant 0 : i32
    %cond3A_21 = arith.cmpi ne, %convert_element_type3A_19, %cond3A_20 : i32
    scf.if %cond3A_21 {
      %mul3A_23 = arith.constant 40 : i32
      %mul3A_24 = arith.muli %arg1, %mul3A_23 : i32
      %add3A_25 = arith.constant 1920 : i32
      %add3A_26 = arith.addi %add3A_25, %mul3A_24 : i32
      %scan3A_27 = arith.constant 0 : i32
      %scan3A_28 = arith.constant 0 : i32
      %scan3A_29 = arith.constant 5 : i32
      %scan3A_30 = arith.addi %scan3A_28, %scan3A_29 : i32
      %scan3A_31 = arith.constant 1 : i32
      scf.for %scan3A_33 = %scan3A_28 to %scan3A_30 step %scan3A_31  : i32 {
        %mul3A_34 = arith.constant 8 : i32
        %mul3A_35 = arith.muli %scan3A_33, %mul3A_34 : i32
        %add3A_36 = arith.addi %add3A_26, %mul3A_35 : i32
        "tpu.region"() ({
          %run_scoped3A = tpu.sem_alloc : memref<!tpu.dma_semaphore, #tpu.memory_space<semaphore_mem>>
          %dma_start3A_49 = arith.constant 0 : i32
          %dma_start3A_50 = tpu.memref_slice %arg2[%add3A_36, %dma_start3A_49] : memref<2560x128xi32, #tpu.memory_space<hbm>> -> memref<8x128xi32, #tpu.memory_space<hbm>>
          %dma_start3A_51 = arith.constant 0 : i32
          %dma_start3A_52 = tpu.memref_slice %arg2[%add3A_36, %dma_start3A_51] : memref<2560x128xi32, #tpu.memory_space<hbm>> -> memref<8x128xi32, #tpu.memory_space<hbm>>
          tpu.enqueue_dma source(%dma_start3A_52 : memref<8x128xi32, #tpu.memory_space<hbm>>) target(%arg7 : memref<8x128xi32, #tpu.memory_space<vmem>>) target_semaphore(%run_scoped3A : memref<!tpu.dma_semaphore, #tpu.memory_space<semaphore_mem>>)
          %dma_wait3A = arith.constant 0 : i32
          %dma_wait3A_53 = tpu.memref_slice %arg2[%add3A_36, %dma_wait3A] : memref<2560x128xi32, #tpu.memory_space<hbm>> -> memref<8x128xi32, #tpu.memory_space<hbm>>
          %dma_wait3A_54 = arith.constant 0 : i32
          %dma_wait3A_55 = tpu.memref_slice %arg2[%add3A_36, %dma_wait3A_54] : memref<2560x128xi32, #tpu.memory_space<hbm>> -> memref<8x128xi32, #tpu.memory_space<hbm>>
          tpu.wait_dma2 semaphore(%run_scoped3A : memref<!tpu.dma_semaphore, #tpu.memory_space<semaphore_mem>>) src(%dma_wait3A_55 : memref<8x128xi32, #tpu.memory_space<hbm>>) dst(%arg7 : memref<8x128xi32, #tpu.memory_space<vmem>>)
          tpu.yield
        }) : () -> ()
        "tpu.region"() ({
          %run_scoped3A = tpu.sem_alloc : memref<!tpu.dma_semaphore, #tpu.memory_space<semaphore_mem>>
          %dma_start3A_49 = arith.constant 0 : i32
          %dma_start3A_50 = tpu.memref_slice %arg3[%add3A_36, %dma_start3A_49] : memref<2560x128xi32, #tpu.memory_space<hbm>> -> memref<8x128xi32, #tpu.memory_space<hbm>>
          %dma_start3A_51 = arith.constant 0 : i32
          %dma_start3A_52 = tpu.memref_slice %arg3[%add3A_36, %dma_start3A_51] : memref<2560x128xi32, #tpu.memory_space<hbm>> -> memref<8x128xi32, #tpu.memory_space<hbm>>
          tpu.enqueue_dma source(%dma_start3A_52 : memref<8x128xi32, #tpu.memory_space<hbm>>) target(%arg8 : memref<8x128xi32, #tpu.memory_space<vmem>>) target_semaphore(%run_scoped3A : memref<!tpu.dma_semaphore, #tpu.memory_space<semaphore_mem>>)
          %dma_wait3A = arith.constant 0 : i32
          %dma_wait3A_53 = tpu.memref_slice %arg3[%add3A_36, %dma_wait3A] : memref<2560x128xi32, #tpu.memory_space<hbm>> -> memref<8x128xi32, #tpu.memory_space<hbm>>
          %dma_wait3A_54 = arith.constant 0 : i32
          %dma_wait3A_55 = tpu.memref_slice %arg3[%add3A_36, %dma_wait3A_54] : memref<2560x128xi32, #tpu.memory_space<hbm>> -> memref<8x128xi32, #tpu.memory_space<hbm>>
          tpu.wait_dma2 semaphore(%run_scoped3A : memref<!tpu.dma_semaphore, #tpu.memory_space<semaphore_mem>>) src(%dma_wait3A_55 : memref<8x128xi32, #tpu.memory_space<hbm>>) dst(%arg8 : memref<8x128xi32, #tpu.memory_space<vmem>>)
          tpu.yield
        }) : () -> ()
        "tpu.region"() ({
          %run_scoped3A = tpu.sem_alloc : memref<!tpu.dma_semaphore, #tpu.memory_space<semaphore_mem>>
          %dma_start3A_49 = arith.constant 0 : i32
          %dma_start3A_50 = tpu.memref_slice %arg4[%add3A_36, %dma_start3A_49] : memref<2560x128xf32, #tpu.memory_space<hbm>> -> memref<8x128xf32, #tpu.memory_space<hbm>>
          %dma_start3A_51 = arith.constant 0 : i32
          %dma_start3A_52 = tpu.memref_slice %arg4[%add3A_36, %dma_start3A_51] : memref<2560x128xf32, #tpu.memory_space<hbm>> -> memref<8x128xf32, #tpu.memory_space<hbm>>
          tpu.enqueue_dma source(%dma_start3A_52 : memref<8x128xf32, #tpu.memory_space<hbm>>) target(%arg9 : memref<8x128xf32, #tpu.memory_space<vmem>>) target_semaphore(%run_scoped3A : memref<!tpu.dma_semaphore, #tpu.memory_space<semaphore_mem>>)
          %dma_wait3A = arith.constant 0 : i32
          %dma_wait3A_53 = tpu.memref_slice %arg4[%add3A_36, %dma_wait3A] : memref<2560x128xf32, #tpu.memory_space<hbm>> -> memref<8x128xf32, #tpu.memory_space<hbm>>
          %dma_wait3A_54 = arith.constant 0 : i32
          %dma_wait3A_55 = tpu.memref_slice %arg4[%add3A_36, %dma_wait3A_54] : memref<2560x128xf32, #tpu.memory_space<hbm>> -> memref<8x128xf32, #tpu.memory_space<hbm>>
          tpu.wait_dma2 semaphore(%run_scoped3A : memref<!tpu.dma_semaphore, #tpu.memory_space<semaphore_mem>>) src(%dma_wait3A_55 : memref<8x128xf32, #tpu.memory_space<hbm>>) dst(%arg9 : memref<8x128xf32, #tpu.memory_space<vmem>>)
          tpu.yield
        }) : () -> ()
        %dma_start3A = arith.constant 0 : i32
        %dma_start3A_37 = arith.constant 0 : i32
        %dma_start3A_38 = tpu.memref_slice %arg7[%dma_start3A, %dma_start3A_37] : memref<8x128xi32, #tpu.memory_space<vmem>> -> memref<1x128xi32, #tpu.memory_space<vmem>>
        %dma_start3A_39 = tpu.memref_squeeze %dma_start3A_38 : memref<1x128xi32, #tpu.memory_space<vmem>> -> memref<128xi32, #tpu.memory_space<vmem>>
        %dma_start3A_40 = arith.constant 0 : i32
        %dma_start3A_41 = arith.constant 0 : i32
        %dma_start3A_42 = tpu.memref_slice %arg5[%dma_start3A_40, %dma_start3A_41] : memref<10000x128xbf16, #tpu.memory_space<hbm>> -> memref<10000x128xbf16, #tpu.memory_space<hbm>>
        tpu.enqueue_indirect_dma source(%dma_start3A_42 : memref<10000x128xbf16, #tpu.memory_space<hbm>>) target(%arg10 : memref<128x128xbf16, #tpu.memory_space<vmem>>) offsets(%dma_start3A_39 : memref<128xi32, #tpu.memory_space<vmem>>) semaphore(%arg13 : memref<!tpu.dma_semaphore, #tpu.memory_space<semaphore_mem>>)
        %scan3A_43 = arith.constant 0 : i32
        %scan3A_44 = arith.constant 0 : i32
        %scan3A_45 = arith.constant 4 : i32
        %scan3A_46 = arith.addi %scan3A_44, %scan3A_45 : i32
        %scan3A_47 = arith.constant 1 : i32
        scf.for %scan3A_49 = %scan3A_44 to %scan3A_46 step %scan3A_47  : i32 {
          %mul3A_50 = arith.constant 2 : i32
          %mul3A_51 = arith.muli %scan3A_49, %mul3A_50 : i32
          %add3A_52 = arith.constant 0 : i32
          %add3A_53 = arith.addi %mul3A_51, %add3A_52 : i32
          %dma_wait3A = arith.constant 0 : i32
          %dma_wait3A_54 = tpu.memref_slice %arg7[%add3A_53, %dma_wait3A] : memref<8x128xi32, #tpu.memory_space<vmem>> -> memref<1x128xi32, #tpu.memory_space<vmem>>
          %dma_wait3A_55 = tpu.memref_squeeze %dma_wait3A_54 : memref<1x128xi32, #tpu.memory_space<vmem>> -> memref<128xi32, #tpu.memory_space<vmem>>
          %dma_wait3A_56 = arith.constant 0 : i32
          %dma_wait3A_57 = arith.constant 0 : i32
          %dma_wait3A_58 = tpu.memref_slice %arg5[%dma_wait3A_56, %dma_wait3A_57] : memref<10000x128xbf16, #tpu.memory_space<hbm>> -> memref<10000x128xbf16, #tpu.memory_space<hbm>>
          tpu.wait_indirect_dma semaphore(%arg13 : memref<!tpu.dma_semaphore, #tpu.memory_space<semaphore_mem>>) src(%dma_wait3A_58 : memref<10000x128xbf16, #tpu.memory_space<hbm>>) dst(%arg10 : memref<128x128xbf16, #tpu.memory_space<vmem>>)
          %lt3A = arith.constant 7 : i32
          %lt3A_59 = arith.cmpi slt, %add3A_53, %lt3A : i32
          %convert_element_type3A_60 = arith.extui %lt3A_59 : i1 to i32
          %cond3A_61 = arith.constant 0 : i32
          %cond3A_62 = arith.cmpi ne, %convert_element_type3A_60, %cond3A_61 : i32
          scf.if %cond3A_62 {
            %add3A_83 = arith.constant 1 : i32
            %add3A_84 = arith.addi %add3A_53, %add3A_83 : i32
            %dma_start3A_85 = arith.constant 0 : i32
            %dma_start3A_86 = tpu.memref_slice %arg7[%add3A_84, %dma_start3A_85] : memref<8x128xi32, #tpu.memory_space<vmem>> -> memref<1x128xi32, #tpu.memory_space<vmem>>
            %dma_start3A_87 = tpu.memref_squeeze %dma_start3A_86 : memref<1x128xi32, #tpu.memory_space<vmem>> -> memref<128xi32, #tpu.memory_space<vmem>>
            %dma_start3A_88 = arith.constant 0 : i32
            %dma_start3A_89 = arith.constant 0 : i32
            %dma_start3A_90 = tpu.memref_slice %arg5[%dma_start3A_88, %dma_start3A_89] : memref<10000x128xbf16, #tpu.memory_space<hbm>> -> memref<10000x128xbf16, #tpu.memory_space<hbm>>
            tpu.enqueue_indirect_dma source(%dma_start3A_90 : memref<10000x128xbf16, #tpu.memory_space<hbm>>) target(%arg11 : memref<128x128xbf16, #tpu.memory_space<vmem>>) offsets(%dma_start3A_87 : memref<128xi32, #tpu.memory_space<vmem>>) semaphore(%arg14 : memref<!tpu.dma_semaphore, #tpu.memory_space<semaphore_mem>>)
          } else {
          }
          %parallel_loop3A = arith.constant 0 : i32
          %parallel_loop3A_63 = arith.constant 128 : i32
          %parallel_loop3A_64 = arith.constant 1 : i32
          scf.for %parallel_loop3A_83 = %parallel_loop3A to %parallel_loop3A_63 step %parallel_loop3A_64  : i32 {
            %parallel_loop3A_84 = vector.broadcast %add3A_53 : i32 to vector<16xi32>
            %parallel_loop3A_85 = vector.broadcast %parallel_loop3A_83 : i32 to vector<16xi32>
            %parallel_loop3A_86 = tpu.vector_load_idx %arg9[%parallel_loop3A_84, %parallel_loop3A_85] : memref<8x128xf32, #tpu.memory_space<vmem>>[vector<16xi32>, vector<16xi32>], vector<16xf32>,
            %parallel_loop3A_87 = tpu.pack_subelements %parallel_loop3A_86, %parallel_loop3A_86 {pack_format = #tpu.pack_format<interleaved>, positions = array<i32: 0, 1>} : vector<16xf32>, vector<16xf32> -> vector<32xbf16>
            %parallel_loop3A_88 = arith.index_cast %parallel_loop3A_83 : i32 to index
            %parallel_loop3A_89 = arith.constant 0 : index
            %parallel_loop3A_90 = tpu.vector_load %arg10[%parallel_loop3A_88, %parallel_loop3A_89] {strides = array<i32>} : memref<128x128xbf16, #tpu.memory_space<vmem>>, vector<32xbf16>,
            %parallel_loop3A_91 = arith.mulf %parallel_loop3A_90, %parallel_loop3A_87 : vector<32xbf16>
            %parallel_loop3A_92 = arith.index_cast %parallel_loop3A_83 : i32 to index
            %parallel_loop3A_93 = arith.constant 0 : index
            %parallel_loop3A_94 = tpu.vector_load %arg10[%parallel_loop3A_92, %parallel_loop3A_93] {strides = array<i32>} : memref<128x128xbf16, #tpu.memory_space<vmem>>, vector<32xbf16>,
            tpu.vector_store %arg10[%parallel_loop3A_92, %parallel_loop3A_93], %parallel_loop3A_91 {strides = array<i32>} : memref<128x128xbf16, #tpu.memory_space<vmem>>, vector<32xbf16>,
            %parallel_loop3A_95 = arith.index_cast %parallel_loop3A_83 : i32 to index
            %parallel_loop3A_96 = arith.constant 32 : index
            %parallel_loop3A_97 = tpu.vector_load %arg10[%parallel_loop3A_95, %parallel_loop3A_96] {strides = array<i32>} : memref<128x128xbf16, #tpu.memory_space<vmem>>, vector<32xbf16>,
            %parallel_loop3A_98 = arith.mulf %parallel_loop3A_97, %parallel_loop3A_87 : vector<32xbf16>
            %parallel_loop3A_99 = arith.index_cast %parallel_loop3A_83 : i32 to index
            %parallel_loop3A_100 = arith.constant 32 : index
            %parallel_loop3A_101 = tpu.vector_load %arg10[%parallel_loop3A_99, %parallel_loop3A_100] {strides = array<i32>} : memref<128x128xbf16, #tpu.memory_space<vmem>>, vector<32xbf16>,
            tpu.vector_store %arg10[%parallel_loop3A_99, %parallel_loop3A_100], %parallel_loop3A_98 {strides = array<i32>} : memref<128x128xbf16, #tpu.memory_space<vmem>>, vector<32xbf16>,
            %parallel_loop3A_102 = arith.index_cast %parallel_loop3A_83 : i32 to index
            %parallel_loop3A_103 = arith.constant 64 : index
            %parallel_loop3A_104 = tpu.vector_load %arg10[%parallel_loop3A_102, %parallel_loop3A_103] {strides = array<i32>} : memref<128x128xbf16, #tpu.memory_space<vmem>>, vector<32xbf16>,
            %parallel_loop3A_105 = arith.mulf %parallel_loop3A_104, %parallel_loop3A_87 : vector<32xbf16>
            %parallel_loop3A_106 = arith.index_cast %parallel_loop3A_83 : i32 to index
            %parallel_loop3A_107 = arith.constant 64 : index
            %parallel_loop3A_108 = tpu.vector_load %arg10[%parallel_loop3A_106, %parallel_loop3A_107] {strides = array<i32>} : memref<128x128xbf16, #tpu.memory_space<vmem>>, vector<32xbf16>,
            tpu.vector_store %arg10[%parallel_loop3A_106, %parallel_loop3A_107], %parallel_loop3A_105 {strides = array<i32>} : memref<128x128xbf16, #tpu.memory_space<vmem>>, vector<32xbf16>,
            %parallel_loop3A_109 = arith.index_cast %parallel_loop3A_83 : i32 to index
            %parallel_loop3A_110 = arith.constant 96 : index
            %parallel_loop3A_111 = tpu.vector_load %arg10[%parallel_loop3A_109, %parallel_loop3A_110] {strides = array<i32>} : memref<128x128xbf16, #tpu.memory_space<vmem>>, vector<32xbf16>,
            %parallel_loop3A_112 = arith.mulf %parallel_loop3A_111, %parallel_loop3A_87 : vector<32xbf16>
            %parallel_loop3A_113 = arith.index_cast %parallel_loop3A_83 : i32 to index
            %parallel_loop3A_114 = arith.constant 96 : index
            %parallel_loop3A_115 = tpu.vector_load %arg10[%parallel_loop3A_113, %parallel_loop3A_114] {strides = array<i32>} : memref<128x128xbf16, #tpu.memory_space<vmem>>, vector<32xbf16>,
            tpu.vector_store %arg10[%parallel_loop3A_113, %parallel_loop3A_114], %parallel_loop3A_112 {strides = array<i32>} : memref<128x128xbf16, #tpu.memory_space<vmem>>, vector<32xbf16>,
          } {sc.loop_unroll_factor = 4 : i64, sc.parallel_access}
          "tpu.region"() ({
            %run_scoped3A = tpu.sem_alloc : memref<!tpu.dma_semaphore, #tpu.memory_space<semaphore_mem>>
            %dma_start3A_83 = arith.constant 0 : i32
            %dma_start3A_84 = tpu.memref_slice %arg8[%add3A_53, %dma_start3A_83] : memref<8x128xi32, #tpu.memory_space<vmem>> -> memref<1x128xi32, #tpu.memory_space<vmem>>
            %dma_start3A_85 = tpu.memref_squeeze %dma_start3A_84 : memref<1x128xi32, #tpu.memory_space<vmem>> -> memref<128xi32, #tpu.memory_space<vmem>>
            %dma_start3A_86 = arith.constant 0 : i32
            %dma_start3A_87 = arith.constant 0 : i32
            %dma_start3A_88 = tpu.memref_slice %arg12[%dma_start3A_86, %dma_start3A_87] : memref<10240x128xbf16, #tpu.memory_space<vmem_shared>> -> memref<10240x128xbf16, #tpu.memory_space<vmem_shared>>
            tpu.enqueue_indirect_dma source(%arg10 : memref<128x128xbf16, #tpu.memory_space<vmem>>) target(%dma_start3A_88 : memref<10240x128xbf16, #tpu.memory_space<vmem_shared>>) offsets(%dma_start3A_85 : memref<128xi32, #tpu.memory_space<vmem>>) semaphore(%run_scoped3A : memref<!tpu.dma_semaphore, #tpu.memory_space<semaphore_mem>>) {add = true}
            %dma_wait3A_89 = arith.constant 0 : i32
            %dma_wait3A_90 = tpu.memref_slice %arg8[%add3A_53, %dma_wait3A_89] : memref<8x128xi32, #tpu.memory_space<vmem>> -> memref<1x128xi32, #tpu.memory_space<vmem>>
            %dma_wait3A_91 = tpu.memref_squeeze %dma_wait3A_90 : memref<1x128xi32, #tpu.memory_space<vmem>> -> memref<128xi32, #tpu.memory_space<vmem>>
            %dma_wait3A_92 = arith.constant 0 : i32
            %dma_wait3A_93 = arith.constant 0 : i32
            %dma_wait3A_94 = tpu.memref_slice %arg12[%dma_wait3A_92, %dma_wait3A_93] : memref<10240x128xbf16, #tpu.memory_space<vmem_shared>> -> memref<10240x128xbf16, #tpu.memory_space<vmem_shared>>
            tpu.wait_indirect_dma semaphore(%run_scoped3A : memref<!tpu.dma_semaphore, #tpu.memory_space<semaphore_mem>>) src(%arg10 : memref<128x128xbf16, #tpu.memory_space<vmem>>) dst(%dma_wait3A_94 : memref<10240x128xbf16, #tpu.memory_space<vmem_shared>>)
            tpu.yield
          }) : () -> ()
          %mul3A_65 = arith.constant 2 : i32
          %mul3A_66 = arith.muli %scan3A_49, %mul3A_65 : i32
          %add3A_67 = arith.constant 1 : i32
          %add3A_68 = arith.addi %mul3A_66, %add3A_67 : i32
          %dma_wait3A_69 = arith.constant 0 : i32
          %dma_wait3A_70 = tpu.memref_slice %arg7[%add3A_68, %dma_wait3A_69] : memref<8x128xi32, #tpu.memory_space<vmem>> -> memref<1x128xi32, #tpu.memory_space<vmem>>
          %dma_wait3A_71 = tpu.memref_squeeze %dma_wait3A_70 : memref<1x128xi32, #tpu.memory_space<vmem>> -> memref<128xi32, #tpu.memory_space<vmem>>
          %dma_wait3A_72 = arith.constant 0 : i32
          %dma_wait3A_73 = arith.constant 0 : i32
          %dma_wait3A_74 = tpu.memref_slice %arg5[%dma_wait3A_72, %dma_wait3A_73] : memref<10000x128xbf16, #tpu.memory_space<hbm>> -> memref<10000x128xbf16, #tpu.memory_space<hbm>>
          tpu.wait_indirect_dma semaphore(%arg14 : memref<!tpu.dma_semaphore, #tpu.memory_space<semaphore_mem>>) src(%dma_wait3A_74 : memref<10000x128xbf16, #tpu.memory_space<hbm>>) dst(%arg11 : memref<128x128xbf16, #tpu.memory_space<vmem>>)
          %lt3A_75 = arith.constant 7 : i32
          %lt3A_76 = arith.cmpi slt, %add3A_68, %lt3A_75 : i32
          %convert_element_type3A_77 = arith.extui %lt3A_76 : i1 to i32
          %cond3A_78 = arith.constant 0 : i32
          %cond3A_79 = arith.cmpi ne, %convert_element_type3A_77, %cond3A_78 : i32
          scf.if %cond3A_79 {
            %add3A_83 = arith.constant 1 : i32
            %add3A_84 = arith.addi %add3A_68, %add3A_83 : i32
            %dma_start3A_85 = arith.constant 0 : i32
            %dma_start3A_86 = tpu.memref_slice %arg7[%add3A_84, %dma_start3A_85] : memref<8x128xi32, #tpu.memory_space<vmem>> -> memref<1x128xi32, #tpu.memory_space<vmem>>
            %dma_start3A_87 = tpu.memref_squeeze %dma_start3A_86 : memref<1x128xi32, #tpu.memory_space<vmem>> -> memref<128xi32, #tpu.memory_space<vmem>>
            %dma_start3A_88 = arith.constant 0 : i32
            %dma_start3A_89 = arith.constant 0 : i32
            %dma_start3A_90 = tpu.memref_slice %arg5[%dma_start3A_88, %dma_start3A_89] : memref<10000x128xbf16, #tpu.memory_space<hbm>> -> memref<10000x128xbf16, #tpu.memory_space<hbm>>
            tpu.enqueue_indirect_dma source(%dma_start3A_90 : memref<10000x128xbf16, #tpu.memory_space<hbm>>) target(%arg10 : memref<128x128xbf16, #tpu.memory_space<vmem>>) offsets(%dma_start3A_87 : memref<128xi32, #tpu.memory_space<vmem>>) semaphore(%arg13 : memref<!tpu.dma_semaphore, #tpu.memory_space<semaphore_mem>>)
          } else {
          }
          %parallel_loop3A_80 = arith.constant 0 : i32
          %parallel_loop3A_81 = arith.constant 128 : i32
          %parallel_loop3A_82 = arith.constant 1 : i32
          scf.for %parallel_loop3A_83 = %parallel_loop3A_80 to %parallel_loop3A_81 step %parallel_loop3A_82  : i32 {
            %parallel_loop3A_84 = vector.broadcast %add3A_68 : i32 to vector<16xi32>
            %parallel_loop3A_85 = vector.broadcast %parallel_loop3A_83 : i32 to vector<16xi32>
            %parallel_loop3A_86 = tpu.vector_load_idx %arg9[%parallel_loop3A_84, %parallel_loop3A_85] : memref<8x128xf32, #tpu.memory_space<vmem>>[vector<16xi32>, vector<16xi32>], vector<16xf32>,
            %parallel_loop3A_87 = tpu.pack_subelements %parallel_loop3A_86, %parallel_loop3A_86 {pack_format = #tpu.pack_format<interleaved>, positions = array<i32: 0, 1>} : vector<16xf32>, vector<16xf32> -> vector<32xbf16>
            %parallel_loop3A_88 = arith.index_cast %parallel_loop3A_83 : i32 to index
            %parallel_loop3A_89 = arith.constant 0 : index
            %parallel_loop3A_90 = tpu.vector_load %arg11[%parallel_loop3A_88, %parallel_loop3A_89] {strides = array<i32>} : memref<128x128xbf16, #tpu.memory_space<vmem>>, vector<32xbf16>,
            %parallel_loop3A_91 = arith.mulf %parallel_loop3A_90, %parallel_loop3A_87 : vector<32xbf16>
            %parallel_loop3A_92 = arith.index_cast %parallel_loop3A_83 : i32 to index
            %parallel_loop3A_93 = arith.constant 0 : index
            %parallel_loop3A_94 = tpu.vector_load %arg11[%parallel_loop3A_92, %parallel_loop3A_93] {strides = array<i32>} : memref<128x128xbf16, #tpu.memory_space<vmem>>, vector<32xbf16>,
            tpu.vector_store %arg11[%parallel_loop3A_92, %parallel_loop3A_93], %parallel_loop3A_91 {strides = array<i32>} : memref<128x128xbf16, #tpu.memory_space<vmem>>, vector<32xbf16>,
            %parallel_loop3A_95 = arith.index_cast %parallel_loop3A_83 : i32 to index
            %parallel_loop3A_96 = arith.constant 32 : index
            %parallel_loop3A_97 = tpu.vector_load %arg11[%parallel_loop3A_95, %parallel_loop3A_96] {strides = array<i32>} : memref<128x128xbf16, #tpu.memory_space<vmem>>, vector<32xbf16>,
            %parallel_loop3A_98 = arith.mulf %parallel_loop3A_97, %parallel_loop3A_87 : vector<32xbf16>
            %parallel_loop3A_99 = arith.index_cast %parallel_loop3A_83 : i32 to index
            %parallel_loop3A_100 = arith.constant 32 : index
            %parallel_loop3A_101 = tpu.vector_load %arg11[%parallel_loop3A_99, %parallel_loop3A_100] {strides = array<i32>} : memref<128x128xbf16, #tpu.memory_space<vmem>>, vector<32xbf16>,
            tpu.vector_store %arg11[%parallel_loop3A_99, %parallel_loop3A_100], %parallel_loop3A_98 {strides = array<i32>} : memref<128x128xbf16, #tpu.memory_space<vmem>>, vector<32xbf16>,
            %parallel_loop3A_102 = arith.index_cast %parallel_loop3A_83 : i32 to index
            %parallel_loop3A_103 = arith.constant 64 : index
            %parallel_loop3A_104 = tpu.vector_load %arg11[%parallel_loop3A_102, %parallel_loop3A_103] {strides = array<i32>} : memref<128x128xbf16, #tpu.memory_space<vmem>>, vector<32xbf16>,
            %parallel_loop3A_105 = arith.mulf %parallel_loop3A_104, %parallel_loop3A_87 : vector<32xbf16>
            %parallel_loop3A_106 = arith.index_cast %parallel_loop3A_83 : i32 to index
            %parallel_loop3A_107 = arith.constant 64 : index
            %parallel_loop3A_108 = tpu.vector_load %arg11[%parallel_loop3A_106, %parallel_loop3A_107] {strides = array<i32>} : memref<128x128xbf16, #tpu.memory_space<vmem>>, vector<32xbf16>,
            tpu.vector_store %arg11[%parallel_loop3A_106, %parallel_loop3A_107], %parallel_loop3A_105 {strides = array<i32>} : memref<128x128xbf16, #tpu.memory_space<vmem>>, vector<32xbf16>,
            %parallel_loop3A_109 = arith.index_cast %parallel_loop3A_83 : i32 to index
            %parallel_loop3A_110 = arith.constant 96 : index
            %parallel_loop3A_111 = tpu.vector_load %arg11[%parallel_loop3A_109, %parallel_loop3A_110] {strides = array<i32>} : memref<128x128xbf16, #tpu.memory_space<vmem>>, vector<32xbf16>,
            %parallel_loop3A_112 = arith.mulf %parallel_loop3A_111, %parallel_loop3A_87 : vector<32xbf16>
            %parallel_loop3A_113 = arith.index_cast %parallel_loop3A_83 : i32 to index
            %parallel_loop3A_114 = arith.constant 96 : index
            %parallel_loop3A_115 = tpu.vector_load %arg11[%parallel_loop3A_113, %parallel_loop3A_114] {strides = array<i32>} : memref<128x128xbf16, #tpu.memory_space<vmem>>, vector<32xbf16>,
            tpu.vector_store %arg11[%parallel_loop3A_113, %parallel_loop3A_114], %parallel_loop3A_112 {strides = array<i32>} : memref<128x128xbf16, #tpu.memory_space<vmem>>, vector<32xbf16>,
          } {sc.loop_unroll_factor = 4 : i64, sc.parallel_access}
          "tpu.region"() ({
            %run_scoped3A = tpu.sem_alloc : memref<!tpu.dma_semaphore, #tpu.memory_space<semaphore_mem>>
            %dma_start3A_83 = arith.constant 0 : i32
            %dma_start3A_84 = tpu.memref_slice %arg8[%add3A_68, %dma_start3A_83] : memref<8x128xi32, #tpu.memory_space<vmem>> -> memref<1x128xi32, #tpu.memory_space<vmem>>
            %dma_start3A_85 = tpu.memref_squeeze %dma_start3A_84 : memref<1x128xi32, #tpu.memory_space<vmem>> -> memref<128xi32, #tpu.memory_space<vmem>>
            %dma_start3A_86 = arith.constant 0 : i32
            %dma_start3A_87 = arith.constant 0 : i32
            %dma_start3A_88 = tpu.memref_slice %arg12[%dma_start3A_86, %dma_start3A_87] : memref<10240x128xbf16, #tpu.memory_space<vmem_shared>> -> memref<10240x128xbf16, #tpu.memory_space<vmem_shared>>
            tpu.enqueue_indirect_dma source(%arg11 : memref<128x128xbf16, #tpu.memory_space<vmem>>) target(%dma_start3A_88 : memref<10240x128xbf16, #tpu.memory_space<vmem_shared>>) offsets(%dma_start3A_85 : memref<128xi32, #tpu.memory_space<vmem>>) semaphore(%run_scoped3A : memref<!tpu.dma_semaphore, #tpu.memory_space<semaphore_mem>>) {add = true}
            %dma_wait3A_89 = arith.constant 0 : i32
            %dma_wait3A_90 = tpu.memref_slice %arg8[%add3A_68, %dma_wait3A_89] : memref<8x128xi32, #tpu.memory_space<vmem>> -> memref<1x128xi32, #tpu.memory_space<vmem>>
            %dma_wait3A_91 = tpu.memref_squeeze %dma_wait3A_90 : memref<1x128xi32, #tpu.memory_space<vmem>> -> memref<128xi32, #tpu.memory_space<vmem>>
            %dma_wait3A_92 = arith.constant 0 : i32
            %dma_wait3A_93 = arith.constant 0 : i32
            %dma_wait3A_94 = tpu.memref_slice %arg12[%dma_wait3A_92, %dma_wait3A_93] : memref<10240x128xbf16, #tpu.memory_space<vmem_shared>> -> memref<10240x128xbf16, #tpu.memory_space<vmem_shared>>
            tpu.wait_indirect_dma semaphore(%run_scoped3A : memref<!tpu.dma_semaphore, #tpu.memory_space<semaphore_mem>>) src(%arg11 : memref<128x128xbf16, #tpu.memory_space<vmem>>) dst(%dma_wait3A_94 : memref<10240x128xbf16, #tpu.memory_space<vmem_shared>>)
            tpu.yield
          }) : () -> ()
        }
        %scan3A_48 = arith.constant 4 : i32
      }
      %scan3A_32 = arith.constant 5 : i32
    } else {
    }
    %barrier3A_22 = arith.constant 0 : index
    tpu.barrier barrier_id(%barrier3A_22)
    "tpu.region"() ({
      %run_scoped3A = tpu.sem_alloc : memref<!tpu.dma_semaphore, #tpu.memory_space<semaphore_mem>>
      %dma_start3A = arith.constant 0 : i32
      %dma_start3A_23 = tpu.memref_slice %arg6[%arg0, %mul3A_0, %dma_start3A] : memref<2x10240x128xbf16, #tpu.memory_space<hbm>> -> memref<1x640x128xbf16, #tpu.memory_space<hbm>>
      %dma_start3A_24 = tpu.memref_squeeze %dma_start3A_23 : memref<1x640x128xbf16, #tpu.memory_space<hbm>> -> memref<640x128xbf16, #tpu.memory_space<hbm>>
      %dma_start3A_25 = arith.constant 0 : i32
      %dma_start3A_26 = tpu.memref_slice %arg12[%mul3A_0, %dma_start3A_25] : memref<10240x128xbf16, #tpu.memory_space<vmem_shared>> -> memref<640x128xbf16, #tpu.memory_space<vmem_shared>>
      tpu.enqueue_dma source(%dma_start3A_26 : memref<640x128xbf16, #tpu.memory_space<vmem_shared>>) target(%dma_start3A_24 : memref<640x128xbf16, #tpu.memory_space<hbm>>) target_semaphore(%run_scoped3A : memref<!tpu.dma_semaphore, #tpu.memory_space<semaphore_mem>>)
      %dma_wait3A = arith.constant 0 : i32
      %dma_wait3A_27 = tpu.memref_slice %arg6[%arg0, %mul3A_0, %dma_wait3A] : memref<2x10240x128xbf16, #tpu.memory_space<hbm>> -> memref<1x640x128xbf16, #tpu.memory_space<hbm>>
      %dma_wait3A_28 = tpu.memref_squeeze %dma_wait3A_27 : memref<1x640x128xbf16, #tpu.memory_space<hbm>> -> memref<640x128xbf16, #tpu.memory_space<hbm>>
      %dma_wait3A_29 = arith.constant 0 : i32
      %dma_wait3A_30 = tpu.memref_slice %arg12[%mul3A_0, %dma_wait3A_29] : memref<10240x128xbf16, #tpu.memory_space<vmem_shared>> -> memref<640x128xbf16, #tpu.memory_space<vmem_shared>>
      tpu.wait_dma2 semaphore(%run_scoped3A : memref<!tpu.dma_semaphore, #tpu.memory_space<semaphore_mem>>) src(%dma_wait3A_30 : memref<640x128xbf16, #tpu.memory_space<vmem_shared>>) dst(%dma_wait3A_28 : memref<640x128xbf16, #tpu.memory_space<hbm>>)
      tpu.yield
    }) : () -> ()
    return
  }
}

#map = affine_map<(d0, d1) -> (0, 0)>
#map1 = affine_map<(d0, d1) -> (0)>
module attributes {stable_mosaic.version = 14 : i64} {
  func.func @_sc_scores_body(%arg0: i32, %arg1: i32, %arg2: memref<2560x128xi32, #tpu.memory_space<hbm>>, %arg3: memref<2560x128xi32, #tpu.memory_space<hbm>>, %arg4: memref<2560x128xf32, #tpu.memory_space<hbm>>, %arg5: memref<10240xf32, #tpu.memory_space<hbm>>, %arg6: memref<10240xf32, #tpu.memory_space<hbm>>, %arg7: memref<2560x128xf32, #tpu.memory_space<hbm>>, %arg8: memref<2x10240xf32, #tpu.memory_space<hbm>>, %arg9: memref<2x10240xf32, #tpu.memory_space<hbm>>, %arg10: memref<2x10240xf32, #tpu.memory_space<hbm>>, %arg11: memref<80x128xi32, #tpu.memory_space<vmem>>, %arg12: memref<80x128xi32, #tpu.memory_space<vmem>>, %arg13: memref<80x128xf32, #tpu.memory_space<vmem>>, %arg14: memref<80x128xf32, #tpu.memory_space<vmem>>, %arg15: memref<128xf32, #tpu.memory_space<vmem>>, %arg16: memref<10240xf32, #tpu.memory_space<vmem>>, %arg17: memref<10240xf32, #tpu.memory_space<vmem>>, %arg18: memref<640xf32, #tpu.memory_space<vmem>>, %arg19: memref<10240xf32, #tpu.memory_space<vmem_shared>>, %arg20: memref<10240xf32, #tpu.memory_space<vmem_shared>>, %arg21: memref<10240xf32, #tpu.memory_space<vmem_shared>>, %arg22: memref<!tpu.dma_semaphore, #tpu.memory_space<semaphore_mem>>) attributes {dimension_semantics = [#tpu.dimension_semantics<core_parallel>, #tpu.dimension_semantics<subcore_parallel>], iteration_bounds = array<i64: 2, 16>, scalar_prefetch = 0 : i64, scratch_operands = 12 : i64, tpu.core_type = #tpu.core_type<sc_vector_subcore>, window_params = [{transform_indices = #map}, {transform_indices = #map}, {transform_indices = #map}, {transform_indices = #map1}, {transform_indices = #map1}, {transform_indices = #map}, {transform_indices = #map}, {transform_indices = #map}, {transform_indices = #map}]} {
    %mul3A = arith.constant 640 : i32
    %mul3A_0 = arith.muli %arg1, %mul3A : i32
    %mul3A_1 = arith.constant 16 : i32
    %mul3A_2 = arith.muli %arg0, %mul3A_1 : i32
    %add3A = arith.addi %mul3A_2, %arg1 : i32
    %mul3A_3 = arith.constant 80 : i32
    %mul3A_4 = arith.muli %add3A, %mul3A_3 : i32
    "tpu.region"() ({
      %run_scoped3A = tpu.sem_alloc : memref<!tpu.dma_semaphore, #tpu.memory_space<semaphore_mem>>
      %dma_start3A = arith.constant 0 : i32
      %dma_start3A_53 = tpu.memref_slice %arg2[%mul3A_4, %dma_start3A] : memref<2560x128xi32, #tpu.memory_space<hbm>> -> memref<80x128xi32, #tpu.memory_space<hbm>>
      %dma_start3A_54 = arith.constant 0 : i32
      %dma_start3A_55 = tpu.memref_slice %arg2[%mul3A_4, %dma_start3A_54] : memref<2560x128xi32, #tpu.memory_space<hbm>> -> memref<80x128xi32, #tpu.memory_space<hbm>>
      tpu.enqueue_dma source(%dma_start3A_55 : memref<80x128xi32, #tpu.memory_space<hbm>>) target(%arg11 : memref<80x128xi32, #tpu.memory_space<vmem>>) target_semaphore(%run_scoped3A : memref<!tpu.dma_semaphore, #tpu.memory_space<semaphore_mem>>)
      %dma_wait3A = arith.constant 0 : i32
      %dma_wait3A_56 = tpu.memref_slice %arg2[%mul3A_4, %dma_wait3A] : memref<2560x128xi32, #tpu.memory_space<hbm>> -> memref<80x128xi32, #tpu.memory_space<hbm>>
      %dma_wait3A_57 = arith.constant 0 : i32
      %dma_wait3A_58 = tpu.memref_slice %arg2[%mul3A_4, %dma_wait3A_57] : memref<2560x128xi32, #tpu.memory_space<hbm>> -> memref<80x128xi32, #tpu.memory_space<hbm>>
      tpu.wait_dma2 semaphore(%run_scoped3A : memref<!tpu.dma_semaphore, #tpu.memory_space<semaphore_mem>>) src(%dma_wait3A_58 : memref<80x128xi32, #tpu.memory_space<hbm>>) dst(%arg11 : memref<80x128xi32, #tpu.memory_space<vmem>>)
      tpu.yield
    }) : () -> ()
    "tpu.region"() ({
      %run_scoped3A = tpu.sem_alloc : memref<!tpu.dma_semaphore, #tpu.memory_space<semaphore_mem>>
      %dma_start3A = arith.constant 0 : i32
      %dma_start3A_53 = tpu.memref_slice %arg3[%mul3A_4, %dma_start3A] : memref<2560x128xi32, #tpu.memory_space<hbm>> -> memref<80x128xi32, #tpu.memory_space<hbm>>
      %dma_start3A_54 = arith.constant 0 : i32
      %dma_start3A_55 = tpu.memref_slice %arg3[%mul3A_4, %dma_start3A_54] : memref<2560x128xi32, #tpu.memory_space<hbm>> -> memref<80x128xi32, #tpu.memory_space<hbm>>
      tpu.enqueue_dma source(%dma_start3A_55 : memref<80x128xi32, #tpu.memory_space<hbm>>) target(%arg12 : memref<80x128xi32, #tpu.memory_space<vmem>>) target_semaphore(%run_scoped3A : memref<!tpu.dma_semaphore, #tpu.memory_space<semaphore_mem>>)
      %dma_wait3A = arith.constant 0 : i32
      %dma_wait3A_56 = tpu.memref_slice %arg3[%mul3A_4, %dma_wait3A] : memref<2560x128xi32, #tpu.memory_space<hbm>> -> memref<80x128xi32, #tpu.memory_space<hbm>>
      %dma_wait3A_57 = arith.constant 0 : i32
      %dma_wait3A_58 = tpu.memref_slice %arg3[%mul3A_4, %dma_wait3A_57] : memref<2560x128xi32, #tpu.memory_space<hbm>> -> memref<80x128xi32, #tpu.memory_space<hbm>>
      tpu.wait_dma2 semaphore(%run_scoped3A : memref<!tpu.dma_semaphore, #tpu.memory_space<semaphore_mem>>) src(%dma_wait3A_58 : memref<80x128xi32, #tpu.memory_space<hbm>>) dst(%arg12 : memref<80x128xi32, #tpu.memory_space<vmem>>)
      tpu.yield
    }) : () -> ()
    "tpu.region"() ({
      %run_scoped3A = tpu.sem_alloc : memref<!tpu.dma_semaphore, #tpu.memory_space<semaphore_mem>>
      %dma_start3A = arith.constant 0 : i32
      %dma_start3A_53 = tpu.memref_slice %arg4[%mul3A_4, %dma_start3A] : memref<2560x128xf32, #tpu.memory_space<hbm>> -> memref<80x128xf32, #tpu.memory_space<hbm>>
      %dma_start3A_54 = arith.constant 0 : i32
      %dma_start3A_55 = tpu.memref_slice %arg4[%mul3A_4, %dma_start3A_54] : memref<2560x128xf32, #tpu.memory_space<hbm>> -> memref<80x128xf32, #tpu.memory_space<hbm>>
      tpu.enqueue_dma source(%dma_start3A_55 : memref<80x128xf32, #tpu.memory_space<hbm>>) target(%arg13 : memref<80x128xf32, #tpu.memory_space<vmem>>) target_semaphore(%run_scoped3A : memref<!tpu.dma_semaphore, #tpu.memory_space<semaphore_mem>>)
      %dma_wait3A = arith.constant 0 : i32
      %dma_wait3A_56 = tpu.memref_slice %arg4[%mul3A_4, %dma_wait3A] : memref<2560x128xf32, #tpu.memory_space<hbm>> -> memref<80x128xf32, #tpu.memory_space<hbm>>
      %dma_wait3A_57 = arith.constant 0 : i32
      %dma_wait3A_58 = tpu.memref_slice %arg4[%mul3A_4, %dma_wait3A_57] : memref<2560x128xf32, #tpu.memory_space<hbm>> -> memref<80x128xf32, #tpu.memory_space<hbm>>
      tpu.wait_dma2 semaphore(%run_scoped3A : memref<!tpu.dma_semaphore, #tpu.memory_space<semaphore_mem>>) src(%dma_wait3A_58 : memref<80x128xf32, #tpu.memory_space<hbm>>) dst(%arg13 : memref<80x128xf32, #tpu.memory_space<vmem>>)
      tpu.yield
    }) : () -> ()
    "tpu.region"() ({
      %run_scoped3A = tpu.sem_alloc : memref<!tpu.dma_semaphore, #tpu.memory_space<semaphore_mem>>
      tpu.enqueue_dma source(%arg5 : memref<10240xf32, #tpu.memory_space<hbm>>) target(%arg16 : memref<10240xf32, #tpu.memory_space<vmem>>) target_semaphore(%run_scoped3A : memref<!tpu.dma_semaphore, #tpu.memory_space<semaphore_mem>>)
      tpu.wait_dma2 semaphore(%run_scoped3A : memref<!tpu.dma_semaphore, #tpu.memory_space<semaphore_mem>>) src(%arg5 : memref<10240xf32, #tpu.memory_space<hbm>>) dst(%arg16 : memref<10240xf32, #tpu.memory_space<vmem>>)
      tpu.yield
    }) : () -> ()
    "tpu.region"() ({
      %run_scoped3A = tpu.sem_alloc : memref<!tpu.dma_semaphore, #tpu.memory_space<semaphore_mem>>
      tpu.enqueue_dma source(%arg6 : memref<10240xf32, #tpu.memory_space<hbm>>) target(%arg17 : memref<10240xf32, #tpu.memory_space<vmem>>) target_semaphore(%run_scoped3A : memref<!tpu.dma_semaphore, #tpu.memory_space<semaphore_mem>>)
      tpu.wait_dma2 semaphore(%run_scoped3A : memref<!tpu.dma_semaphore, #tpu.memory_space<semaphore_mem>>) src(%arg6 : memref<10240xf32, #tpu.memory_space<hbm>>) dst(%arg17 : memref<10240xf32, #tpu.memory_space<vmem>>)
      tpu.yield
    }) : () -> ()
    %scan3A = arith.constant 0 : i32
    %scan3A_5 = arith.constant 0 : i32
    %scan3A_6 = arith.constant 40 : i32
    %scan3A_7 = arith.addi %scan3A_5, %scan3A_6 : i32
    %scan3A_8 = arith.constant 1 : i32
    scf.for %scan3A_53 = %scan3A_5 to %scan3A_7 step %scan3A_8  : i32 {
      %broadcast_in_dim3A_54 = arith.constant 0.000000e+00 : f32
      %broadcast_in_dim3A_55 = vector.broadcast %broadcast_in_dim3A_54 : f32 to vector<16xf32>
      %mul3A_56 = arith.constant 16 : i32
      %mul3A_57 = arith.muli %scan3A_53, %mul3A_56 : i32
      %swap3A_58 = arith.index_cast %mul3A_57 : i32 to index
      %swap3A_59 = tpu.vector_load %arg18[%swap3A_58] {strides = array<i32>} : memref<640xf32, #tpu.memory_space<vmem>>, vector<16xf32>,
      tpu.vector_store %arg18[%swap3A_58], %broadcast_in_dim3A_55 {strides = array<i32>} : memref<640xf32, #tpu.memory_space<vmem>>, vector<16xf32>,
    }
    %scan3A_9 = arith.constant 40 : i32
    %broadcast_in_dim3A = arith.constant 1.000000e+00 : f32
    %broadcast_in_dim3A_10 = vector.broadcast %broadcast_in_dim3A : f32 to vector<16xf32>
    %swap3A = arith.constant 0 : index
    %swap3A_11 = tpu.vector_load %arg15[%swap3A] {strides = array<i32>} : memref<128xf32, #tpu.memory_space<vmem>>, vector<16xf32>,
    tpu.vector_store %arg15[%swap3A], %broadcast_in_dim3A_10 {strides = array<i32>} : memref<128xf32, #tpu.memory_space<vmem>>, vector<16xf32>,
    %broadcast_in_dim3A_12 = arith.constant 1.000000e+00 : f32
    %broadcast_in_dim3A_13 = vector.broadcast %broadcast_in_dim3A_12 : f32 to vector<16xf32>
    %swap3A_14 = arith.constant 16 : index
    %swap3A_15 = tpu.vector_load %arg15[%swap3A_14] {strides = array<i32>} : memref<128xf32, #tpu.memory_space<vmem>>, vector<16xf32>,
    tpu.vector_store %arg15[%swap3A_14], %broadcast_in_dim3A_13 {strides = array<i32>} : memref<128xf32, #tpu.memory_space<vmem>>, vector<16xf32>,
    %broadcast_in_dim3A_16 = arith.constant 1.000000e+00 : f32
    %broadcast_in_dim3A_17 = vector.broadcast %broadcast_in_dim3A_16 : f32 to vector<16xf32>
    %swap3A_18 = arith.constant 32 : index
    %swap3A_19 = tpu.vector_load %arg15[%swap3A_18] {strides = array<i32>} : memref<128xf32, #tpu.memory_space<vmem>>, vector<16xf32>,
    tpu.vector_store %arg15[%swap3A_18], %broadcast_in_dim3A_17 {strides = array<i32>} : memref<128xf32, #tpu.memory_space<vmem>>, vector<16xf32>,
    %broadcast_in_dim3A_20 = arith.constant 1.000000e+00 : f32
    %broadcast_in_dim3A_21 = vector.broadcast %broadcast_in_dim3A_20 : f32 to vector<16xf32>
    %swap3A_22 = arith.constant 48 : index
    %swap3A_23 = tpu.vector_load %arg15[%swap3A_22] {strides = array<i32>} : memref<128xf32, #tpu.memory_space<vmem>>, vector<16xf32>,
    tpu.vector_store %arg15[%swap3A_22], %broadcast_in_dim3A_21 {strides = array<i32>} : memref<128xf32, #tpu.memory_space<vmem>>, vector<16xf32>,
    %broadcast_in_dim3A_24 = arith.constant 1.000000e+00 : f32
    %broadcast_in_dim3A_25 = vector.broadcast %broadcast_in_dim3A_24 : f32 to vector<16xf32>
    %swap3A_26 = arith.constant 64 : index
    %swap3A_27 = tpu.vector_load %arg15[%swap3A_26] {strides = array<i32>} : memref<128xf32, #tpu.memory_space<vmem>>, vector<16xf32>,
    tpu.vector_store %arg15[%swap3A_26], %broadcast_in_dim3A_25 {strides = array<i32>} : memref<128xf32, #tpu.memory_space<vmem>>, vector<16xf32>,
    %broadcast_in_dim3A_28 = arith.constant 1.000000e+00 : f32
    %broadcast_in_dim3A_29 = vector.broadcast %broadcast_in_dim3A_28 : f32 to vector<16xf32>
    %swap3A_30 = arith.constant 80 : index
    %swap3A_31 = tpu.vector_load %arg15[%swap3A_30] {strides = array<i32>} : memref<128xf32, #tpu.memory_space<vmem>>, vector<16xf32>,
    tpu.vector_store %arg15[%swap3A_30], %broadcast_in_dim3A_29 {strides = array<i32>} : memref<128xf32, #tpu.memory_space<vmem>>, vector<16xf32>,
    %broadcast_in_dim3A_32 = arith.constant 1.000000e+00 : f32
    %broadcast_in_dim3A_33 = vector.broadcast %broadcast_in_dim3A_32 : f32 to vector<16xf32>
    %swap3A_34 = arith.constant 96 : index
    %swap3A_35 = tpu.vector_load %arg15[%swap3A_34] {strides = array<i32>} : memref<128xf32, #tpu.memory_space<vmem>>, vector<16xf32>,
    tpu.vector_store %arg15[%swap3A_34], %broadcast_in_dim3A_33 {strides = array<i32>} : memref<128xf32, #tpu.memory_space<vmem>>, vector<16xf32>,
    %broadcast_in_dim3A_36 = arith.constant 1.000000e+00 : f32
    %broadcast_in_dim3A_37 = vector.broadcast %broadcast_in_dim3A_36 : f32 to vector<16xf32>
    %swap3A_38 = arith.constant 112 : index
    %swap3A_39 = tpu.vector_load %arg15[%swap3A_38] {strides = array<i32>} : memref<128xf32, #tpu.memory_space<vmem>>, vector<16xf32>,
    tpu.vector_store %arg15[%swap3A_38], %broadcast_in_dim3A_37 {strides = array<i32>} : memref<128xf32, #tpu.memory_space<vmem>>, vector<16xf32>,
    "tpu.region"() ({
      %run_scoped3A = tpu.sem_alloc : memref<!tpu.dma_semaphore, #tpu.memory_space<semaphore_mem>>
      %dma_start3A = tpu.memref_slice %arg19[%mul3A_0] : memref<10240xf32, #tpu.memory_space<vmem_shared>> -> memref<640xf32, #tpu.memory_space<vmem_shared>>
      %dma_start3A_53 = tpu.memref_slice %arg19[%mul3A_0] : memref<10240xf32, #tpu.memory_space<vmem_shared>> -> memref<640xf32, #tpu.memory_space<vmem_shared>>
      tpu.enqueue_dma source(%arg18 : memref<640xf32, #tpu.memory_space<vmem>>) target(%dma_start3A_53 : memref<640xf32, #tpu.memory_space<vmem_shared>>) target_semaphore(%run_scoped3A : memref<!tpu.dma_semaphore, #tpu.memory_space<semaphore_mem>>)
      %dma_wait3A = tpu.memref_slice %arg19[%mul3A_0] : memref<10240xf32, #tpu.memory_space<vmem_shared>> -> memref<640xf32, #tpu.memory_space<vmem_shared>>
      %dma_wait3A_54 = tpu.memref_slice %arg19[%mul3A_0] : memref<10240xf32, #tpu.memory_space<vmem_shared>> -> memref<640xf32, #tpu.memory_space<vmem_shared>>
      tpu.wait_dma2 semaphore(%run_scoped3A : memref<!tpu.dma_semaphore, #tpu.memory_space<semaphore_mem>>) src(%arg18 : memref<640xf32, #tpu.memory_space<vmem>>) dst(%dma_wait3A_54 : memref<640xf32, #tpu.memory_space<vmem_shared>>)
      tpu.yield
    }) : () -> ()
    "tpu.region"() ({
      %run_scoped3A = tpu.sem_alloc : memref<!tpu.dma_semaphore, #tpu.memory_space<semaphore_mem>>
      %dma_start3A = tpu.memref_slice %arg20[%mul3A_0] : memref<10240xf32, #tpu.memory_space<vmem_shared>> -> memref<640xf32, #tpu.memory_space<vmem_shared>>
      %dma_start3A_53 = tpu.memref_slice %arg20[%mul3A_0] : memref<10240xf32, #tpu.memory_space<vmem_shared>> -> memref<640xf32, #tpu.memory_space<vmem_shared>>
      tpu.enqueue_dma source(%arg18 : memref<640xf32, #tpu.memory_space<vmem>>) target(%dma_start3A_53 : memref<640xf32, #tpu.memory_space<vmem_shared>>) target_semaphore(%run_scoped3A : memref<!tpu.dma_semaphore, #tpu.memory_space<semaphore_mem>>)
      %dma_wait3A = tpu.memref_slice %arg20[%mul3A_0] : memref<10240xf32, #tpu.memory_space<vmem_shared>> -> memref<640xf32, #tpu.memory_space<vmem_shared>>
      %dma_wait3A_54 = tpu.memref_slice %arg20[%mul3A_0] : memref<10240xf32, #tpu.memory_space<vmem_shared>> -> memref<640xf32, #tpu.memory_space<vmem_shared>>
      tpu.wait_dma2 semaphore(%run_scoped3A : memref<!tpu.dma_semaphore, #tpu.memory_space<semaphore_mem>>) src(%arg18 : memref<640xf32, #tpu.memory_space<vmem>>) dst(%dma_wait3A_54 : memref<640xf32, #tpu.memory_space<vmem_shared>>)
      tpu.yield
    }) : () -> ()
    "tpu.region"() ({
      %run_scoped3A = tpu.sem_alloc : memref<!tpu.dma_semaphore, #tpu.memory_space<semaphore_mem>>
      %dma_start3A = tpu.memref_slice %arg21[%mul3A_0] : memref<10240xf32, #tpu.memory_space<vmem_shared>> -> memref<640xf32, #tpu.memory_space<vmem_shared>>
      %dma_start3A_53 = tpu.memref_slice %arg21[%mul3A_0] : memref<10240xf32, #tpu.memory_space<vmem_shared>> -> memref<640xf32, #tpu.memory_space<vmem_shared>>
      tpu.enqueue_dma source(%arg18 : memref<640xf32, #tpu.memory_space<vmem>>) target(%dma_start3A_53 : memref<640xf32, #tpu.memory_space<vmem_shared>>) target_semaphore(%run_scoped3A : memref<!tpu.dma_semaphore, #tpu.memory_space<semaphore_mem>>)
      %dma_wait3A = tpu.memref_slice %arg21[%mul3A_0] : memref<10240xf32, #tpu.memory_space<vmem_shared>> -> memref<640xf32, #tpu.memory_space<vmem_shared>>
      %dma_wait3A_54 = tpu.memref_slice %arg21[%mul3A_0] : memref<10240xf32, #tpu.memory_space<vmem_shared>> -> memref<640xf32, #tpu.memory_space<vmem_shared>>
      tpu.wait_dma2 semaphore(%run_scoped3A : memref<!tpu.dma_semaphore, #tpu.memory_space<semaphore_mem>>) src(%arg18 : memref<640xf32, #tpu.memory_space<vmem>>) dst(%dma_wait3A_54 : memref<640xf32, #tpu.memory_space<vmem_shared>>)
      tpu.yield
    }) : () -> ()
    %barrier3A = arith.constant 0 : index
    tpu.barrier barrier_id(%barrier3A)
    %scan3A_40 = arith.constant 0 : i32
    %scan3A_41 = arith.constant 0 : i32
    %scan3A_42 = arith.constant 80 : i32
    %scan3A_43 = arith.addi %scan3A_41, %scan3A_42 : i32
    %scan3A_44 = arith.constant 1 : i32
    scf.for %scan3A_53 = %scan3A_41 to %scan3A_43 step %scan3A_44  : i32 {
      %get3A = arith.index_cast %scan3A_53 : i32 to index
      %get3A_54 = arith.constant 0 : index
      %get3A_55 = tpu.vector_load %arg11[%get3A, %get3A_54] {strides = array<i32>} : memref<80x128xi32, #tpu.memory_space<vmem>>, vector<16xi32>,
      %get3A_56 = arith.index_cast %scan3A_53 : i32 to index
      %get3A_57 = arith.constant 0 : index
      %get3A_58 = tpu.vector_load %arg12[%get3A_56, %get3A_57] {strides = array<i32>} : memref<80x128xi32, #tpu.memory_space<vmem>>, vector<16xi32>,
      %gather3A = tpu.vector_load_idx %arg16[%get3A_55] : memref<10240xf32, #tpu.memory_space<vmem>>[vector<16xi32>], vector<16xf32>,
      %gather3A_59 = tpu.vector_load_idx %arg17[%get3A_58] : memref<10240xf32, #tpu.memory_space<vmem>>[vector<16xi32>], vector<16xf32>,
      %add3A_60 = arith.addf %gather3A, %gather3A_59 : vector<16xf32>
      %get3A_61 = arith.index_cast %scan3A_53 : i32 to index
      %get3A_62 = arith.constant 0 : index
      %get3A_63 = tpu.vector_load %arg13[%get3A_61, %get3A_62] {strides = array<i32>} : memref<80x128xf32, #tpu.memory_space<vmem>>, vector<16xf32>,
      %add3A_64 = arith.addf %add3A_60, %get3A_63 : vector<16xf32>
      %ge3A = arith.constant 0.000000e+00 : f32
      %ge3A_65 = vector.broadcast %ge3A : f32 to vector<16xf32>
      %ge3A_66 = arith.cmpf oge, %add3A_64, %ge3A_65 : vector<16xf32>
      %mul3A_67 = arith.constant 2.000000e-01 : f32
      %mul3A_68 = vector.broadcast %mul3A_67 : f32 to vector<16xf32>
      %mul3A_69 = arith.mulf %mul3A_68, %add3A_64 : vector<16xf32>
      %select_n3A = arith.select %ge3A_66, %add3A_64, %mul3A_69 : vector<16xi1>, vector<16xf32>
      %exp3A = math.exp %select_n3A : vector<16xf32>
      %swap3A_70 = arith.index_cast %scan3A_53 : i32 to index
      %swap3A_71 = arith.constant 0 : index
      %swap3A_72 = tpu.vector_load %arg14[%swap3A_70, %swap3A_71] {strides = array<i32>} : memref<80x128xf32, #tpu.memory_space<vmem>>, vector<16xf32>,
      tpu.vector_store %arg14[%swap3A_70, %swap3A_71], %exp3A {strides = array<i32>} : memref<80x128xf32, #tpu.memory_space<vmem>>, vector<16xf32>,
      %get3A_73 = arith.index_cast %scan3A_53 : i32 to index
      %get3A_74 = arith.constant 16 : index
      %get3A_75 = tpu.vector_load %arg11[%get3A_73, %get3A_74] {strides = array<i32>} : memref<80x128xi32, #tpu.memory_space<vmem>>, vector<16xi32>,
      %get3A_76 = arith.index_cast %scan3A_53 : i32 to index
      %get3A_77 = arith.constant 16 : index
      %get3A_78 = tpu.vector_load %arg12[%get3A_76, %get3A_77] {strides = array<i32>} : memref<80x128xi32, #tpu.memory_space<vmem>>, vector<16xi32>,
      %gather3A_79 = tpu.vector_load_idx %arg16[%get3A_75] : memref<10240xf32, #tpu.memory_space<vmem>>[vector<16xi32>], vector<16xf32>,
      %gather3A_80 = tpu.vector_load_idx %arg17[%get3A_78] : memref<10240xf32, #tpu.memory_space<vmem>>[vector<16xi32>], vector<16xf32>,
      %add3A_81 = arith.addf %gather3A_79, %gather3A_80 : vector<16xf32>
      %get3A_82 = arith.index_cast %scan3A_53 : i32 to index
      %get3A_83 = arith.constant 16 : index
      %get3A_84 = tpu.vector_load %arg13[%get3A_82, %get3A_83] {strides = array<i32>} : memref<80x128xf32, #tpu.memory_space<vmem>>, vector<16xf32>,
      %add3A_85 = arith.addf %add3A_81, %get3A_84 : vector<16xf32>
      %ge3A_86 = arith.constant 0.000000e+00 : f32
      %ge3A_87 = vector.broadcast %ge3A_86 : f32 to vector<16xf32>
      %ge3A_88 = arith.cmpf oge, %add3A_85, %ge3A_87 : vector<16xf32>
      %mul3A_89 = arith.constant 2.000000e-01 : f32
      %mul3A_90 = vector.broadcast %mul3A_89 : f32 to vector<16xf32>
      %mul3A_91 = arith.mulf %mul3A_90, %add3A_85 : vector<16xf32>
      %select_n3A_92 = arith.select %ge3A_88, %add3A_85, %mul3A_91 : vector<16xi1>, vector<16xf32>
      %exp3A_93 = math.exp %select_n3A_92 : vector<16xf32>
      %swap3A_94 = arith.index_cast %scan3A_53 : i32 to index
      %swap3A_95 = arith.constant 16 : index
      %swap3A_96 = tpu.vector_load %arg14[%swap3A_94, %swap3A_95] {strides = array<i32>} : memref<80x128xf32, #tpu.memory_space<vmem>>, vector<16xf32>,
      tpu.vector_store %arg14[%swap3A_94, %swap3A_95], %exp3A_93 {strides = array<i32>} : memref<80x128xf32, #tpu.memory_space<vmem>>, vector<16xf32>,
      %get3A_97 = arith.index_cast %scan3A_53 : i32 to index
      %get3A_98 = arith.constant 32 : index
      %get3A_99 = tpu.vector_load %arg11[%get3A_97, %get3A_98] {strides = array<i32>} : memref<80x128xi32, #tpu.memory_space<vmem>>, vector<16xi32>,
      %get3A_100 = arith.index_cast %scan3A_53 : i32 to index
      %get3A_101 = arith.constant 32 : index
      %get3A_102 = tpu.vector_load %arg12[%get3A_100, %get3A_101] {strides = array<i32>} : memref<80x128xi32, #tpu.memory_space<vmem>>, vector<16xi32>,
      %gather3A_103 = tpu.vector_load_idx %arg16[%get3A_99] : memref<10240xf32, #tpu.memory_space<vmem>>[vector<16xi32>], vector<16xf32>,
      %gather3A_104 = tpu.vector_load_idx %arg17[%get3A_102] : memref<10240xf32, #tpu.memory_space<vmem>>[vector<16xi32>], vector<16xf32>,
      %add3A_105 = arith.addf %gather3A_103, %gather3A_104 : vector<16xf32>
      %get3A_106 = arith.index_cast %scan3A_53 : i32 to index
      %get3A_107 = arith.constant 32 : index
      %get3A_108 = tpu.vector_load %arg13[%get3A_106, %get3A_107] {strides = array<i32>} : memref<80x128xf32, #tpu.memory_space<vmem>>, vector<16xf32>,
      %add3A_109 = arith.addf %add3A_105, %get3A_108 : vector<16xf32>
      %ge3A_110 = arith.constant 0.000000e+00 : f32
      %ge3A_111 = vector.broadcast %ge3A_110 : f32 to vector<16xf32>
      %ge3A_112 = arith.cmpf oge, %add3A_109, %ge3A_111 : vector<16xf32>
      %mul3A_113 = arith.constant 2.000000e-01 : f32
      %mul3A_114 = vector.broadcast %mul3A_113 : f32 to vector<16xf32>
      %mul3A_115 = arith.mulf %mul3A_114, %add3A_109 : vector<16xf32>
      %select_n3A_116 = arith.select %ge3A_112, %add3A_109, %mul3A_115 : vector<16xi1>, vector<16xf32>
      %exp3A_117 = math.exp %select_n3A_116 : vector<16xf32>
      %swap3A_118 = arith.index_cast %scan3A_53 : i32 to index
      %swap3A_119 = arith.constant 32 : index
      %swap3A_120 = tpu.vector_load %arg14[%swap3A_118, %swap3A_119] {strides = array<i32>} : memref<80x128xf32, #tpu.memory_space<vmem>>, vector<16xf32>,
      tpu.vector_store %arg14[%swap3A_118, %swap3A_119], %exp3A_117 {strides = array<i32>} : memref<80x128xf32, #tpu.memory_space<vmem>>, vector<16xf32>,
      %get3A_121 = arith.index_cast %scan3A_53 : i32 to index
      %get3A_122 = arith.constant 48 : index
      %get3A_123 = tpu.vector_load %arg11[%get3A_121, %get3A_122] {strides = array<i32>} : memref<80x128xi32, #tpu.memory_space<vmem>>, vector<16xi32>,
      %get3A_124 = arith.index_cast %scan3A_53 : i32 to index
      %get3A_125 = arith.constant 48 : index
      %get3A_126 = tpu.vector_load %arg12[%get3A_124, %get3A_125] {strides = array<i32>} : memref<80x128xi32, #tpu.memory_space<vmem>>, vector<16xi32>,
      %gather3A_127 = tpu.vector_load_idx %arg16[%get3A_123] : memref<10240xf32, #tpu.memory_space<vmem>>[vector<16xi32>], vector<16xf32>,
      %gather3A_128 = tpu.vector_load_idx %arg17[%get3A_126] : memref<10240xf32, #tpu.memory_space<vmem>>[vector<16xi32>], vector<16xf32>,
      %add3A_129 = arith.addf %gather3A_127, %gather3A_128 : vector<16xf32>
      %get3A_130 = arith.index_cast %scan3A_53 : i32 to index
      %get3A_131 = arith.constant 48 : index
      %get3A_132 = tpu.vector_load %arg13[%get3A_130, %get3A_131] {strides = array<i32>} : memref<80x128xf32, #tpu.memory_space<vmem>>, vector<16xf32>,
      %add3A_133 = arith.addf %add3A_129, %get3A_132 : vector<16xf32>
      %ge3A_134 = arith.constant 0.000000e+00 : f32
      %ge3A_135 = vector.broadcast %ge3A_134 : f32 to vector<16xf32>
      %ge3A_136 = arith.cmpf oge, %add3A_133, %ge3A_135 : vector<16xf32>
      %mul3A_137 = arith.constant 2.000000e-01 : f32
      %mul3A_138 = vector.broadcast %mul3A_137 : f32 to vector<16xf32>
      %mul3A_139 = arith.mulf %mul3A_138, %add3A_133 : vector<16xf32>
      %select_n3A_140 = arith.select %ge3A_136, %add3A_133, %mul3A_139 : vector<16xi1>, vector<16xf32>
      %exp3A_141 = math.exp %select_n3A_140 : vector<16xf32>
      %swap3A_142 = arith.index_cast %scan3A_53 : i32 to index
      %swap3A_143 = arith.constant 48 : index
      %swap3A_144 = tpu.vector_load %arg14[%swap3A_142, %swap3A_143] {strides = array<i32>} : memref<80x128xf32, #tpu.memory_space<vmem>>, vector<16xf32>,
      tpu.vector_store %arg14[%swap3A_142, %swap3A_143], %exp3A_141 {strides = array<i32>} : memref<80x128xf32, #tpu.memory_space<vmem>>, vector<16xf32>,
      %get3A_145 = arith.index_cast %scan3A_53 : i32 to index
      %get3A_146 = arith.constant 64 : index
      %get3A_147 = tpu.vector_load %arg11[%get3A_145, %get3A_146] {strides = array<i32>} : memref<80x128xi32, #tpu.memory_space<vmem>>, vector<16xi32>,
      %get3A_148 = arith.index_cast %scan3A_53 : i32 to index
      %get3A_149 = arith.constant 64 : index
      %get3A_150 = tpu.vector_load %arg12[%get3A_148, %get3A_149] {strides = array<i32>} : memref<80x128xi32, #tpu.memory_space<vmem>>, vector<16xi32>,
      %gather3A_151 = tpu.vector_load_idx %arg16[%get3A_147] : memref<10240xf32, #tpu.memory_space<vmem>>[vector<16xi32>], vector<16xf32>,
      %gather3A_152 = tpu.vector_load_idx %arg17[%get3A_150] : memref<10240xf32, #tpu.memory_space<vmem>>[vector<16xi32>], vector<16xf32>,
      %add3A_153 = arith.addf %gather3A_151, %gather3A_152 : vector<16xf32>
      %get3A_154 = arith.index_cast %scan3A_53 : i32 to index
      %get3A_155 = arith.constant 64 : index
      %get3A_156 = tpu.vector_load %arg13[%get3A_154, %get3A_155] {strides = array<i32>} : memref<80x128xf32, #tpu.memory_space<vmem>>, vector<16xf32>,
      %add3A_157 = arith.addf %add3A_153, %get3A_156 : vector<16xf32>
      %ge3A_158 = arith.constant 0.000000e+00 : f32
      %ge3A_159 = vector.broadcast %ge3A_158 : f32 to vector<16xf32>
      %ge3A_160 = arith.cmpf oge, %add3A_157, %ge3A_159 : vector<16xf32>
      %mul3A_161 = arith.constant 2.000000e-01 : f32
      %mul3A_162 = vector.broadcast %mul3A_161 : f32 to vector<16xf32>
      %mul3A_163 = arith.mulf %mul3A_162, %add3A_157 : vector<16xf32>
      %select_n3A_164 = arith.select %ge3A_160, %add3A_157, %mul3A_163 : vector<16xi1>, vector<16xf32>
      %exp3A_165 = math.exp %select_n3A_164 : vector<16xf32>
      %swap3A_166 = arith.index_cast %scan3A_53 : i32 to index
      %swap3A_167 = arith.constant 64 : index
      %swap3A_168 = tpu.vector_load %arg14[%swap3A_166, %swap3A_167] {strides = array<i32>} : memref<80x128xf32, #tpu.memory_space<vmem>>, vector<16xf32>,
      tpu.vector_store %arg14[%swap3A_166, %swap3A_167], %exp3A_165 {strides = array<i32>} : memref<80x128xf32, #tpu.memory_space<vmem>>, vector<16xf32>,
      %get3A_169 = arith.index_cast %scan3A_53 : i32 to index
      %get3A_170 = arith.constant 80 : index
      %get3A_171 = tpu.vector_load %arg11[%get3A_169, %get3A_170] {strides = array<i32>} : memref<80x128xi32, #tpu.memory_space<vmem>>, vector<16xi32>,
      %get3A_172 = arith.index_cast %scan3A_53 : i32 to index
      %get3A_173 = arith.constant 80 : index
      %get3A_174 = tpu.vector_load %arg12[%get3A_172, %get3A_173] {strides = array<i32>} : memref<80x128xi32, #tpu.memory_space<vmem>>, vector<16xi32>,
      %gather3A_175 = tpu.vector_load_idx %arg16[%get3A_171] : memref<10240xf32, #tpu.memory_space<vmem>>[vector<16xi32>], vector<16xf32>,
      %gather3A_176 = tpu.vector_load_idx %arg17[%get3A_174] : memref<10240xf32, #tpu.memory_space<vmem>>[vector<16xi32>], vector<16xf32>,
      %add3A_177 = arith.addf %gather3A_175, %gather3A_176 : vector<16xf32>
      %get3A_178 = arith.index_cast %scan3A_53 : i32 to index
      %get3A_179 = arith.constant 80 : index
      %get3A_180 = tpu.vector_load %arg13[%get3A_178, %get3A_179] {strides = array<i32>} : memref<80x128xf32, #tpu.memory_space<vmem>>, vector<16xf32>,
      %add3A_181 = arith.addf %add3A_177, %get3A_180 : vector<16xf32>
      %ge3A_182 = arith.constant 0.000000e+00 : f32
      %ge3A_183 = vector.broadcast %ge3A_182 : f32 to vector<16xf32>
      %ge3A_184 = arith.cmpf oge, %add3A_181, %ge3A_183 : vector<16xf32>
      %mul3A_185 = arith.constant 2.000000e-01 : f32
      %mul3A_186 = vector.broadcast %mul3A_185 : f32 to vector<16xf32>
      %mul3A_187 = arith.mulf %mul3A_186, %add3A_181 : vector<16xf32>
      %select_n3A_188 = arith.select %ge3A_184, %add3A_181, %mul3A_187 : vector<16xi1>, vector<16xf32>
      %exp3A_189 = math.exp %select_n3A_188 : vector<16xf32>
      %swap3A_190 = arith.index_cast %scan3A_53 : i32 to index
      %swap3A_191 = arith.constant 80 : index
      %swap3A_192 = tpu.vector_load %arg14[%swap3A_190, %swap3A_191] {strides = array<i32>} : memref<80x128xf32, #tpu.memory_space<vmem>>, vector<16xf32>,
      tpu.vector_store %arg14[%swap3A_190, %swap3A_191], %exp3A_189 {strides = array<i32>} : memref<80x128xf32, #tpu.memory_space<vmem>>, vector<16xf32>,
      %get3A_193 = arith.index_cast %scan3A_53 : i32 to index
      %get3A_194 = arith.constant 96 : index
      %get3A_195 = tpu.vector_load %arg11[%get3A_193, %get3A_194] {strides = array<i32>} : memref<80x128xi32, #tpu.memory_space<vmem>>, vector<16xi32>,
      %get3A_196 = arith.index_cast %scan3A_53 : i32 to index
      %get3A_197 = arith.constant 96 : index
      %get3A_198 = tpu.vector_load %arg12[%get3A_196, %get3A_197] {strides = array<i32>} : memref<80x128xi32, #tpu.memory_space<vmem>>, vector<16xi32>,
      %gather3A_199 = tpu.vector_load_idx %arg16[%get3A_195] : memref<10240xf32, #tpu.memory_space<vmem>>[vector<16xi32>], vector<16xf32>,
      %gather3A_200 = tpu.vector_load_idx %arg17[%get3A_198] : memref<10240xf32, #tpu.memory_space<vmem>>[vector<16xi32>], vector<16xf32>,
      %add3A_201 = arith.addf %gather3A_199, %gather3A_200 : vector<16xf32>
      %get3A_202 = arith.index_cast %scan3A_53 : i32 to index
      %get3A_203 = arith.constant 96 : index
      %get3A_204 = tpu.vector_load %arg13[%get3A_202, %get3A_203] {strides = array<i32>} : memref<80x128xf32, #tpu.memory_space<vmem>>, vector<16xf32>,
      %add3A_205 = arith.addf %add3A_201, %get3A_204 : vector<16xf32>
      %ge3A_206 = arith.constant 0.000000e+00 : f32
      %ge3A_207 = vector.broadcast %ge3A_206 : f32 to vector<16xf32>
      %ge3A_208 = arith.cmpf oge, %add3A_205, %ge3A_207 : vector<16xf32>
      %mul3A_209 = arith.constant 2.000000e-01 : f32
      %mul3A_210 = vector.broadcast %mul3A_209 : f32 to vector<16xf32>
      %mul3A_211 = arith.mulf %mul3A_210, %add3A_205 : vector<16xf32>
      %select_n3A_212 = arith.select %ge3A_208, %add3A_205, %mul3A_211 : vector<16xi1>, vector<16xf32>
      %exp3A_213 = math.exp %select_n3A_212 : vector<16xf32>
      %swap3A_214 = arith.index_cast %scan3A_53 : i32 to index
      %swap3A_215 = arith.constant 96 : index
      %swap3A_216 = tpu.vector_load %arg14[%swap3A_214, %swap3A_215] {strides = array<i32>} : memref<80x128xf32, #tpu.memory_space<vmem>>, vector<16xf32>,
      tpu.vector_store %arg14[%swap3A_214, %swap3A_215], %exp3A_213 {strides = array<i32>} : memref<80x128xf32, #tpu.memory_space<vmem>>, vector<16xf32>,
      %get3A_217 = arith.index_cast %scan3A_53 : i32 to index
      %get3A_218 = arith.constant 112 : index
      %get3A_219 = tpu.vector_load %arg11[%get3A_217, %get3A_218] {strides = array<i32>} : memref<80x128xi32, #tpu.memory_space<vmem>>, vector<16xi32>,
      %get3A_220 = arith.index_cast %scan3A_53 : i32 to index
      %get3A_221 = arith.constant 112 : index
      %get3A_222 = tpu.vector_load %arg12[%get3A_220, %get3A_221] {strides = array<i32>} : memref<80x128xi32, #tpu.memory_space<vmem>>, vector<16xi32>,
      %gather3A_223 = tpu.vector_load_idx %arg16[%get3A_219] : memref<10240xf32, #tpu.memory_space<vmem>>[vector<16xi32>], vector<16xf32>,
      %gather3A_224 = tpu.vector_load_idx %arg17[%get3A_222] : memref<10240xf32, #tpu.memory_space<vmem>>[vector<16xi32>], vector<16xf32>,
      %add3A_225 = arith.addf %gather3A_223, %gather3A_224 : vector<16xf32>
      %get3A_226 = arith.index_cast %scan3A_53 : i32 to index
      %get3A_227 = arith.constant 112 : index
      %get3A_228 = tpu.vector_load %arg13[%get3A_226, %get3A_227] {strides = array<i32>} : memref<80x128xf32, #tpu.memory_space<vmem>>, vector<16xf32>,
      %add3A_229 = arith.addf %add3A_225, %get3A_228 : vector<16xf32>
      %ge3A_230 = arith.constant 0.000000e+00 : f32
      %ge3A_231 = vector.broadcast %ge3A_230 : f32 to vector<16xf32>
      %ge3A_232 = arith.cmpf oge, %add3A_229, %ge3A_231 : vector<16xf32>
      %mul3A_233 = arith.constant 2.000000e-01 : f32
      %mul3A_234 = vector.broadcast %mul3A_233 : f32 to vector<16xf32>
      %mul3A_235 = arith.mulf %mul3A_234, %add3A_229 : vector<16xf32>
      %select_n3A_236 = arith.select %ge3A_232, %add3A_229, %mul3A_235 : vector<16xi1>, vector<16xf32>
      %exp3A_237 = math.exp %select_n3A_236 : vector<16xf32>
      %swap3A_238 = arith.index_cast %scan3A_53 : i32 to index
      %swap3A_239 = arith.constant 112 : index
      %swap3A_240 = tpu.vector_load %arg14[%swap3A_238, %swap3A_239] {strides = array<i32>} : memref<80x128xf32, #tpu.memory_space<vmem>>, vector<16xf32>,
      tpu.vector_store %arg14[%swap3A_238, %swap3A_239], %exp3A_237 {strides = array<i32>} : memref<80x128xf32, #tpu.memory_space<vmem>>, vector<16xf32>,
      %dma_start3A = arith.constant 0 : i32
      %dma_start3A_241 = tpu.memref_slice %arg14[%scan3A_53, %dma_start3A] : memref<80x128xf32, #tpu.memory_space<vmem>> -> memref<1x128xf32, #tpu.memory_space<vmem>>
      %dma_start3A_242 = tpu.memref_squeeze %dma_start3A_241 : memref<1x128xf32, #tpu.memory_space<vmem>> -> memref<128xf32, #tpu.memory_space<vmem>>
      %dma_start3A_243 = arith.constant 0 : i32
      %dma_start3A_244 = tpu.memref_slice %arg12[%scan3A_53, %dma_start3A_243] : memref<80x128xi32, #tpu.memory_space<vmem>> -> memref<1x128xi32, #tpu.memory_space<vmem>>
      %dma_start3A_245 = tpu.memref_squeeze %dma_start3A_244 : memref<1x128xi32, #tpu.memory_space<vmem>> -> memref<128xi32, #tpu.memory_space<vmem>>
      %dma_start3A_246 = arith.constant 0 : i32
      %dma_start3A_247 = tpu.memref_slice %arg19[%dma_start3A_246] : memref<10240xf32, #tpu.memory_space<vmem_shared>> -> memref<10240xf32, #tpu.memory_space<vmem_shared>>
      tpu.enqueue_indirect_dma source(%dma_start3A_242 : memref<128xf32, #tpu.memory_space<vmem>>) target(%dma_start3A_247 : memref<10240xf32, #tpu.memory_space<vmem_shared>>) offsets(%dma_start3A_245 : memref<128xi32, #tpu.memory_space<vmem>>) semaphore(%arg22 : memref<!tpu.dma_semaphore, #tpu.memory_space<semaphore_mem>>) {add = true}
      %dma_start3A_248 = arith.constant 0 : i32
      %dma_start3A_249 = tpu.memref_slice %arg13[%scan3A_53, %dma_start3A_248] : memref<80x128xf32, #tpu.memory_space<vmem>> -> memref<1x128xf32, #tpu.memory_space<vmem>>
      %dma_start3A_250 = tpu.memref_squeeze %dma_start3A_249 : memref<1x128xf32, #tpu.memory_space<vmem>> -> memref<128xf32, #tpu.memory_space<vmem>>
      %dma_start3A_251 = arith.constant 0 : i32
      %dma_start3A_252 = tpu.memref_slice %arg12[%scan3A_53, %dma_start3A_251] : memref<80x128xi32, #tpu.memory_space<vmem>> -> memref<1x128xi32, #tpu.memory_space<vmem>>
      %dma_start3A_253 = tpu.memref_squeeze %dma_start3A_252 : memref<1x128xi32, #tpu.memory_space<vmem>> -> memref<128xi32, #tpu.memory_space<vmem>>
      %dma_start3A_254 = arith.constant 0 : i32
      %dma_start3A_255 = tpu.memref_slice %arg20[%dma_start3A_254] : memref<10240xf32, #tpu.memory_space<vmem_shared>> -> memref<10240xf32, #tpu.memory_space<vmem_shared>>
      tpu.enqueue_indirect_dma source(%dma_start3A_250 : memref<128xf32, #tpu.memory_space<vmem>>) target(%dma_start3A_255 : memref<10240xf32, #tpu.memory_space<vmem_shared>>) offsets(%dma_start3A_253 : memref<128xi32, #tpu.memory_space<vmem>>) semaphore(%arg22 : memref<!tpu.dma_semaphore, #tpu.memory_space<semaphore_mem>>) {add = true}
      %dma_start3A_256 = arith.constant 0 : i32
      %dma_start3A_257 = tpu.memref_slice %arg12[%scan3A_53, %dma_start3A_256] : memref<80x128xi32, #tpu.memory_space<vmem>> -> memref<1x128xi32, #tpu.memory_space<vmem>>
      %dma_start3A_258 = tpu.memref_squeeze %dma_start3A_257 : memref<1x128xi32, #tpu.memory_space<vmem>> -> memref<128xi32, #tpu.memory_space<vmem>>
      %dma_start3A_259 = arith.constant 0 : i32
      %dma_start3A_260 = tpu.memref_slice %arg21[%dma_start3A_259] : memref<10240xf32, #tpu.memory_space<vmem_shared>> -> memref<10240xf32, #tpu.memory_space<vmem_shared>>
      tpu.enqueue_indirect_dma source(%arg15 : memref<128xf32, #tpu.memory_space<vmem>>) target(%dma_start3A_260 : memref<10240xf32, #tpu.memory_space<vmem_shared>>) offsets(%dma_start3A_258 : memref<128xi32, #tpu.memory_space<vmem>>) semaphore(%arg22 : memref<!tpu.dma_semaphore, #tpu.memory_space<semaphore_mem>>) {add = true}
    }
    %scan3A_45 = arith.constant 80 : i32
    "tpu.region"() ({
      %run_scoped3A = tpu.sem_alloc : memref<!tpu.dma_semaphore, #tpu.memory_space<semaphore_mem>>
      %dma_start3A = arith.constant 0 : i32
      %dma_start3A_53 = tpu.memref_slice %arg7[%mul3A_4, %dma_start3A] : memref<2560x128xf32, #tpu.memory_space<hbm>> -> memref<80x128xf32, #tpu.memory_space<hbm>>
      %dma_start3A_54 = arith.constant 0 : i32
      %dma_start3A_55 = tpu.memref_slice %arg7[%mul3A_4, %dma_start3A_54] : memref<2560x128xf32, #tpu.memory_space<hbm>> -> memref<80x128xf32, #tpu.memory_space<hbm>>
      tpu.enqueue_dma source(%arg14 : memref<80x128xf32, #tpu.memory_space<vmem>>) target(%dma_start3A_55 : memref<80x128xf32, #tpu.memory_space<hbm>>) target_semaphore(%run_scoped3A : memref<!tpu.dma_semaphore, #tpu.memory_space<semaphore_mem>>)
      %dma_wait3A = arith.constant 0 : i32
      %dma_wait3A_56 = tpu.memref_slice %arg7[%mul3A_4, %dma_wait3A] : memref<2560x128xf32, #tpu.memory_space<hbm>> -> memref<80x128xf32, #tpu.memory_space<hbm>>
      %dma_wait3A_57 = arith.constant 0 : i32
      %dma_wait3A_58 = tpu.memref_slice %arg7[%mul3A_4, %dma_wait3A_57] : memref<2560x128xf32, #tpu.memory_space<hbm>> -> memref<80x128xf32, #tpu.memory_space<hbm>>
      tpu.wait_dma2 semaphore(%run_scoped3A : memref<!tpu.dma_semaphore, #tpu.memory_space<semaphore_mem>>) src(%arg14 : memref<80x128xf32, #tpu.memory_space<vmem>>) dst(%dma_wait3A_58 : memref<80x128xf32, #tpu.memory_space<hbm>>)
      tpu.yield
    }) : () -> ()
    %scan3A_46 = arith.constant 0 : i32
    %scan3A_47 = arith.constant 0 : i32
    %scan3A_48 = arith.constant 80 : i32
    %scan3A_49 = arith.addi %scan3A_47, %scan3A_48 : i32
    %scan3A_50 = arith.constant 1 : i32
    scf.for %scan3A_53 = %scan3A_47 to %scan3A_49 step %scan3A_50  : i32 {
      %dma_wait3A = arith.constant 0 : i32
      %dma_wait3A_54 = tpu.memref_slice %arg14[%scan3A_53, %dma_wait3A] : memref<80x128xf32, #tpu.memory_space<vmem>> -> memref<1x128xf32, #tpu.memory_space<vmem>>
      %dma_wait3A_55 = tpu.memref_squeeze %dma_wait3A_54 : memref<1x128xf32, #tpu.memory_space<vmem>> -> memref<128xf32, #tpu.memory_space<vmem>>
      %dma_wait3A_56 = arith.constant 0 : i32
      %dma_wait3A_57 = tpu.memref_slice %arg12[%scan3A_53, %dma_wait3A_56] : memref<80x128xi32, #tpu.memory_space<vmem>> -> memref<1x128xi32, #tpu.memory_space<vmem>>
      %dma_wait3A_58 = tpu.memref_squeeze %dma_wait3A_57 : memref<1x128xi32, #tpu.memory_space<vmem>> -> memref<128xi32, #tpu.memory_space<vmem>>
      %dma_wait3A_59 = arith.constant 0 : i32
      %dma_wait3A_60 = tpu.memref_slice %arg19[%dma_wait3A_59] : memref<10240xf32, #tpu.memory_space<vmem_shared>> -> memref<10240xf32, #tpu.memory_space<vmem_shared>>
      tpu.wait_indirect_dma semaphore(%arg22 : memref<!tpu.dma_semaphore, #tpu.memory_space<semaphore_mem>>) src(%dma_wait3A_55 : memref<128xf32, #tpu.memory_space<vmem>>) dst(%dma_wait3A_60 : memref<10240xf32, #tpu.memory_space<vmem_shared>>)
      %dma_wait3A_61 = arith.constant 0 : i32
      %dma_wait3A_62 = tpu.memref_slice %arg13[%scan3A_53, %dma_wait3A_61] : memref<80x128xf32, #tpu.memory_space<vmem>> -> memref<1x128xf32, #tpu.memory_space<vmem>>
      %dma_wait3A_63 = tpu.memref_squeeze %dma_wait3A_62 : memref<1x128xf32, #tpu.memory_space<vmem>> -> memref<128xf32, #tpu.memory_space<vmem>>
      %dma_wait3A_64 = arith.constant 0 : i32
      %dma_wait3A_65 = tpu.memref_slice %arg12[%scan3A_53, %dma_wait3A_64] : memref<80x128xi32, #tpu.memory_space<vmem>> -> memref<1x128xi32, #tpu.memory_space<vmem>>
      %dma_wait3A_66 = tpu.memref_squeeze %dma_wait3A_65 : memref<1x128xi32, #tpu.memory_space<vmem>> -> memref<128xi32, #tpu.memory_space<vmem>>
      %dma_wait3A_67 = arith.constant 0 : i32
      %dma_wait3A_68 = tpu.memref_slice %arg20[%dma_wait3A_67] : memref<10240xf32, #tpu.memory_space<vmem_shared>> -> memref<10240xf32, #tpu.memory_space<vmem_shared>>
      tpu.wait_indirect_dma semaphore(%arg22 : memref<!tpu.dma_semaphore, #tpu.memory_space<semaphore_mem>>) src(%dma_wait3A_63 : memref<128xf32, #tpu.memory_space<vmem>>) dst(%dma_wait3A_68 : memref<10240xf32, #tpu.memory_space<vmem_shared>>)
      %dma_wait3A_69 = arith.constant 0 : i32
      %dma_wait3A_70 = tpu.memref_slice %arg12[%scan3A_53, %dma_wait3A_69] : memref<80x128xi32, #tpu.memory_space<vmem>> -> memref<1x128xi32, #tpu.memory_space<vmem>>
      %dma_wait3A_71 = tpu.memref_squeeze %dma_wait3A_70 : memref<1x128xi32, #tpu.memory_space<vmem>> -> memref<128xi32, #tpu.memory_space<vmem>>
      %dma_wait3A_72 = arith.constant 0 : i32
      %dma_wait3A_73 = tpu.memref_slice %arg21[%dma_wait3A_72] : memref<10240xf32, #tpu.memory_space<vmem_shared>> -> memref<10240xf32, #tpu.memory_space<vmem_shared>>
      tpu.wait_indirect_dma semaphore(%arg22 : memref<!tpu.dma_semaphore, #tpu.memory_space<semaphore_mem>>) src(%arg15 : memref<128xf32, #tpu.memory_space<vmem>>) dst(%dma_wait3A_73 : memref<10240xf32, #tpu.memory_space<vmem_shared>>)
    }
    %scan3A_51 = arith.constant 80 : i32
    %barrier3A_52 = arith.constant 0 : index
    tpu.barrier barrier_id(%barrier3A_52)
    "tpu.region"() ({
      %run_scoped3A = tpu.sem_alloc : memref<!tpu.dma_semaphore, #tpu.memory_space<semaphore_mem>>
      %dma_start3A = tpu.memref_slice %arg8[%arg0, %mul3A_0] : memref<2x10240xf32, #tpu.memory_space<hbm>> -> memref<1x640xf32, #tpu.memory_space<hbm>>
      %dma_start3A_53 = tpu.memref_squeeze %dma_start3A : memref<1x640xf32, #tpu.memory_space<hbm>> -> memref<640xf32, #tpu.memory_space<hbm>>
      %dma_start3A_54 = tpu.memref_slice %arg19[%mul3A_0] : memref<10240xf32, #tpu.memory_space<vmem_shared>> -> memref<640xf32, #tpu.memory_space<vmem_shared>>
      tpu.enqueue_dma source(%dma_start3A_54 : memref<640xf32, #tpu.memory_space<vmem_shared>>) target(%dma_start3A_53 : memref<640xf32, #tpu.memory_space<hbm>>) target_semaphore(%run_scoped3A : memref<!tpu.dma_semaphore, #tpu.memory_space<semaphore_mem>>)
      %dma_wait3A = tpu.memref_slice %arg8[%arg0, %mul3A_0] : memref<2x10240xf32, #tpu.memory_space<hbm>> -> memref<1x640xf32, #tpu.memory_space<hbm>>
      %dma_wait3A_55 = tpu.memref_squeeze %dma_wait3A : memref<1x640xf32, #tpu.memory_space<hbm>> -> memref<640xf32, #tpu.memory_space<hbm>>
      %dma_wait3A_56 = tpu.memref_slice %arg19[%mul3A_0] : memref<10240xf32, #tpu.memory_space<vmem_shared>> -> memref<640xf32, #tpu.memory_space<vmem_shared>>
      tpu.wait_dma2 semaphore(%run_scoped3A : memref<!tpu.dma_semaphore, #tpu.memory_space<semaphore_mem>>) src(%dma_wait3A_56 : memref<640xf32, #tpu.memory_space<vmem_shared>>) dst(%dma_wait3A_55 : memref<640xf32, #tpu.memory_space<hbm>>)
      tpu.yield
    }) : () -> ()
    "tpu.region"() ({
      %run_scoped3A = tpu.sem_alloc : memref<!tpu.dma_semaphore, #tpu.memory_space<semaphore_mem>>
      %dma_start3A = tpu.memref_slice %arg9[%arg0, %mul3A_0] : memref<2x10240xf32, #tpu.memory_space<hbm>> -> memref<1x640xf32, #tpu.memory_space<hbm>>
      %dma_start3A_53 = tpu.memref_squeeze %dma_start3A : memref<1x640xf32, #tpu.memory_space<hbm>> -> memref<640xf32, #tpu.memory_space<hbm>>
      %dma_start3A_54 = tpu.memref_slice %arg20[%mul3A_0] : memref<10240xf32, #tpu.memory_space<vmem_shared>> -> memref<640xf32, #tpu.memory_space<vmem_shared>>
      tpu.enqueue_dma source(%dma_start3A_54 : memref<640xf32, #tpu.memory_space<vmem_shared>>) target(%dma_start3A_53 : memref<640xf32, #tpu.memory_space<hbm>>) target_semaphore(%run_scoped3A : memref<!tpu.dma_semaphore, #tpu.memory_space<semaphore_mem>>)
      %dma_wait3A = tpu.memref_slice %arg9[%arg0, %mul3A_0] : memref<2x10240xf32, #tpu.memory_space<hbm>> -> memref<1x640xf32, #tpu.memory_space<hbm>>
      %dma_wait3A_55 = tpu.memref_squeeze %dma_wait3A : memref<1x640xf32, #tpu.memory_space<hbm>> -> memref<640xf32, #tpu.memory_space<hbm>>
      %dma_wait3A_56 = tpu.memref_slice %arg20[%mul3A_0] : memref<10240xf32, #tpu.memory_space<vmem_shared>> -> memref<640xf32, #tpu.memory_space<vmem_shared>>
      tpu.wait_dma2 semaphore(%run_scoped3A : memref<!tpu.dma_semaphore, #tpu.memory_space<semaphore_mem>>) src(%dma_wait3A_56 : memref<640xf32, #tpu.memory_space<vmem_shared>>) dst(%dma_wait3A_55 : memref<640xf32, #tpu.memory_space<hbm>>)
      tpu.yield
    }) : () -> ()
    "tpu.region"() ({
      %run_scoped3A = tpu.sem_alloc : memref<!tpu.dma_semaphore, #tpu.memory_space<semaphore_mem>>
      %dma_start3A = tpu.memref_slice %arg10[%arg0, %mul3A_0] : memref<2x10240xf32, #tpu.memory_space<hbm>> -> memref<1x640xf32, #tpu.memory_space<hbm>>
      %dma_start3A_53 = tpu.memref_squeeze %dma_start3A : memref<1x640xf32, #tpu.memory_space<hbm>> -> memref<640xf32, #tpu.memory_space<hbm>>
      %dma_start3A_54 = tpu.memref_slice %arg21[%mul3A_0] : memref<10240xf32, #tpu.memory_space<vmem_shared>> -> memref<640xf32, #tpu.memory_space<vmem_shared>>
      tpu.enqueue_dma source(%dma_start3A_54 : memref<640xf32, #tpu.memory_space<vmem_shared>>) target(%dma_start3A_53 : memref<640xf32, #tpu.memory_space<hbm>>) target_semaphore(%run_scoped3A : memref<!tpu.dma_semaphore, #tpu.memory_space<semaphore_mem>>)
      %dma_wait3A = tpu.memref_slice %arg10[%arg0, %mul3A_0] : memref<2x10240xf32, #tpu.memory_space<hbm>> -> memref<1x640xf32, #tpu.memory_space<hbm>>
      %dma_wait3A_55 = tpu.memref_squeeze %dma_wait3A : memref<1x640xf32, #tpu.memory_space<hbm>> -> memref<640xf32, #tpu.memory_space<hbm>>
      %dma_wait3A_56 = tpu.memref_slice %arg21[%mul3A_0] : memref<10240xf32, #tpu.memory_space<vmem_shared>> -> memref<640xf32, #tpu.memory_space<vmem_shared>>
      tpu.wait_dma2 semaphore(%run_scoped3A : memref<!tpu.dma_semaphore, #tpu.memory_space<semaphore_mem>>) src(%dma_wait3A_56 : memref<640xf32, #tpu.memory_space<vmem_shared>>) dst(%dma_wait3A_55 : memref<640xf32, #tpu.memory_space<hbm>>)
      tpu.yield
    }) : () -> ()
    return
  }
}

module attributes {stable_mosaic.version = 14 : i64} {
  func.func @_edge_pro_body(%arg0: i32, %arg1: memref<8000x128xf32, #tpu.memory_space<vmem>>, %arg2: memref<16x128xf32, #tpu.memory_space<vmem>>, %arg3: memref<128x1xf32, #tpu.memory_space<vmem>>, %arg4: memref<16x128xf32, #tpu.memory_space<vmem>>, %arg5: memref<128x1xf32, #tpu.memory_space<vmem>>, %arg6: memref<8000x8xf32, #tpu.memory_space<vmem>>, %arg7: memref<8000x8xf32, #tpu.memory_space<vmem>>) attributes {dimension_semantics = [#tpu.dimension_semantics<arbitrary>], iteration_bounds = array<i64: 5>, scalar_prefetch = 0 : i64, scratch_operands = 0 : i64, tpu.core_type = #tpu.core_type<tc>, window_params = [{transform_indices = @transform_0, window_bounds = array<i64: 8000, 128>}, {pipeline_mode = #tpu.pipeline_mode<synchronous>, transform_indices = @transform_1, window_bounds = array<i64: 16, 128>}, {pipeline_mode = #tpu.pipeline_mode<synchronous>, transform_indices = @transform_2, window_bounds = array<i64: 128, 1>}, {pipeline_mode = #tpu.pipeline_mode<synchronous>, transform_indices = @transform_3, window_bounds = array<i64: 16, 128>}, {pipeline_mode = #tpu.pipeline_mode<synchronous>, transform_indices = @transform_4, window_bounds = array<i64: 128, 1>}, {transform_indices = @transform_5, window_bounds = array<i64: 8000, 8>}, {transform_indices = @transform_6, window_bounds = array<i64: 8000, 8>}]} {
    %iota3A = tpu.iota {dimensions = array<i32: 0>} : vector<128x8xi32>
    %iota3A_0 = tpu.iota {dimensions = array<i32: 1>} : vector<128x8xi32>
    %jit3A = arith.constant 16 : i32
    %div3A = vector.broadcast %jit3A : i32 to vector<128x8xi32>
    %div3A_1 = arith.divsi %iota3A, %div3A : vector<128x8xi32>
    %sign3A = arith.constant 0 : i32
    %sign3A_2 = vector.broadcast %sign3A : i32 to vector<128x8xi32>
    %sign3A_3 = arith.cmpi sgt, %iota3A, %sign3A_2 : vector<128x8xi32>
    %sign3A_4 = arith.extui %sign3A_3 : vector<128x8xi1> to vector<128x8xi32>
    %sign3A_5 = arith.constant 0 : i32
    %sign3A_6 = vector.broadcast %sign3A_5 : i32 to vector<128x8xi32>
    %sign3A_7 = arith.cmpi slt, %iota3A, %sign3A_6 : vector<128x8xi32>
    %sign3A_8 = arith.extui %sign3A_7 : vector<128x8xi1> to vector<128x8xi32>
    %sign3A_9 = arith.subi %sign3A_4, %sign3A_8 : vector<128x8xi32>
    %sign3A_10 = arith.constant 0 : i32
    %sign3A_11 = arith.cmpi sgt, %jit3A, %sign3A_10 : i32
    %sign3A_12 = arith.extui %sign3A_11 : i1 to i32
    %sign3A_13 = arith.constant 0 : i32
    %sign3A_14 = arith.cmpi slt, %jit3A, %sign3A_13 : i32
    %sign3A_15 = arith.extui %sign3A_14 : i1 to i32
    %sign3A_16 = arith.subi %sign3A_12, %sign3A_15 : i32
    %ne3A = vector.broadcast %sign3A_16 : i32 to vector<128x8xi32>
    %ne3A_17 = arith.cmpi ne, %sign3A_9, %ne3A : vector<128x8xi32>
    %rem3A = vector.broadcast %jit3A : i32 to vector<128x8xi32>
    %rem3A_18 = arith.remsi %iota3A, %rem3A : vector<128x8xi32>
    %ne3A_19 = arith.constant 0 : i32
    %ne3A_20 = vector.broadcast %ne3A_19 : i32 to vector<128x8xi32>
    %ne3A_21 = arith.cmpi ne, %rem3A_18, %ne3A_20 : vector<128x8xi32>
    %and3A = arith.andi %ne3A_17, %ne3A_21 : vector<128x8xi1>
    %sub3A = arith.constant 1 : i32
    %sub3A_22 = vector.broadcast %sub3A : i32 to vector<128x8xi32>
    %sub3A_23 = arith.subi %div3A_1, %sub3A_22 : vector<128x8xi32>
    %select_n3A = arith.select %and3A, %sub3A_23, %div3A_1 : vector<128x8xi1>, vector<128x8xi32>
    %eq3A = arith.cmpi eq, %select_n3A, %iota3A_0 : vector<128x8xi32>
    %convert_element_type3A = arith.extui %eq3A : vector<128x8xi1> to vector<128x8xi32>
    %convert_element_type3A_24 = arith.sitofp %convert_element_type3A : vector<128x8xi32> to vector<128x8xf32>
    %get3A = arith.constant 0 : index
    %get3A_25 = arith.constant 0 : index
    %get3A_26 = vector.load %arg1[%get3A, %get3A_25] : memref<8000x128xf32, #tpu.memory_space<vmem>>, vector<8000x128xf32>
    %get3A_27 = arith.constant 0 : index
    %get3A_28 = arith.constant 0 : index
    %get3A_29 = vector.load %arg2[%get3A_27, %get3A_28] : memref<16x128xf32, #tpu.memory_space<vmem>>, vector<16x128xf32>
    %get3A_30 = arith.constant 0 : index
    %get3A_31 = arith.constant 0 : index
    %get3A_32 = vector.load %arg3[%get3A_30, %get3A_31] : memref<128x1xf32, #tpu.memory_space<vmem>>, vector<128x1xf32>
    %dot_general3A = arith.constant dense<0.000000e+00> : vector<16x1xf32>
    %dot_general3A_33 = tpu.matmul %get3A_29, %get3A_32, %dot_general3A {dimension_numbers = #tpu.dot_dimension_numbers<[1], [0], [0], [1], [0, 0, 1, 1], [], []>, transpose_lhs_hint = false} : vector<16x128xf32>, vector<128x1xf32>, vector<16x1xf32> -> vector<16x1xf32>
    %concatenate3A = tpu.concatenate %dot_general3A_33, %dot_general3A_33, %dot_general3A_33, %dot_general3A_33, %dot_general3A_33, %dot_general3A_33, %dot_general3A_33, %dot_general3A_33 in 0 : vector<16x1xf32>, vector<16x1xf32>, vector<16x1xf32>, vector<16x1xf32>, vector<16x1xf32>, vector<16x1xf32>, vector<16x1xf32>, vector<16x1xf32> -> vector<128x1xf32>
    %mul3A = vector.broadcast %concatenate3A : vector<128x1xf32> to vector<128x8xf32>
    %mul3A_34 = arith.mulf %mul3A, %convert_element_type3A_24 : vector<128x8xf32>
    %dot_general3A_35 = arith.constant dense<0.000000e+00> : vector<8000x8xf32>
    %dot_general3A_36 = tpu.matmul %get3A_26, %mul3A_34, %dot_general3A_35 {dimension_numbers = #tpu.dot_dimension_numbers<[1], [0], [0], [1], [0, 0, 1, 1], [], []>, transpose_lhs_hint = false} : vector<8000x128xf32>, vector<128x8xf32>, vector<8000x8xf32> -> vector<8000x8xf32>
    %swap3A = arith.constant 0 : index
    %swap3A_37 = arith.constant 0 : index
    %swap3A_38 = vector.load %arg6[%swap3A, %swap3A_37] : memref<8000x8xf32, #tpu.memory_space<vmem>>, vector<8000x8xf32>
    tpu.vector_store %arg6[%swap3A, %swap3A_37], %dot_general3A_36 {strides = array<i32>} : memref<8000x8xf32, #tpu.memory_space<vmem>>, vector<8000x8xf32>,
    %get3A_39 = arith.constant 0 : index
    %get3A_40 = arith.constant 0 : index
    %get3A_41 = vector.load %arg4[%get3A_39, %get3A_40] : memref<16x128xf32, #tpu.memory_space<vmem>>, vector<16x128xf32>
    %get3A_42 = arith.constant 0 : index
    %get3A_43 = arith.constant 0 : index
    %get3A_44 = vector.load %arg5[%get3A_42, %get3A_43] : memref<128x1xf32, #tpu.memory_space<vmem>>, vector<128x1xf32>
    %dot_general3A_45 = arith.constant dense<0.000000e+00> : vector<16x1xf32>
    %dot_general3A_46 = tpu.matmul %get3A_41, %get3A_44, %dot_general3A_45 {dimension_numbers = #tpu.dot_dimension_numbers<[1], [0], [0], [1], [0, 0, 1, 1], [], []>, transpose_lhs_hint = false} : vector<16x128xf32>, vector<128x1xf32>, vector<16x1xf32> -> vector<16x1xf32>
    %concatenate3A_47 = tpu.concatenate %dot_general3A_46, %dot_general3A_46, %dot_general3A_46, %dot_general3A_46, %dot_general3A_46, %dot_general3A_46, %dot_general3A_46, %dot_general3A_46 in 0 : vector<16x1xf32>, vector<16x1xf32>, vector<16x1xf32>, vector<16x1xf32>, vector<16x1xf32>, vector<16x1xf32>, vector<16x1xf32>, vector<16x1xf32> -> vector<128x1xf32>
    %mul3A_48 = vector.broadcast %concatenate3A_47 : vector<128x1xf32> to vector<128x8xf32>
    %mul3A_49 = arith.mulf %mul3A_48, %convert_element_type3A_24 : vector<128x8xf32>
    %dot_general3A_50 = arith.constant dense<0.000000e+00> : vector<8000x8xf32>
    %dot_general3A_51 = tpu.matmul %get3A_26, %mul3A_49, %dot_general3A_50 {dimension_numbers = #tpu.dot_dimension_numbers<[1], [0], [0], [1], [0, 0, 1, 1], [], []>, transpose_lhs_hint = false} : vector<8000x128xf32>, vector<128x8xf32>, vector<8000x8xf32> -> vector<8000x8xf32>
    %swap3A_52 = arith.constant 0 : index
    %swap3A_53 = arith.constant 0 : index
    %swap3A_54 = vector.load %arg7[%swap3A_52, %swap3A_53] : memref<8000x8xf32, #tpu.memory_space<vmem>>, vector<8000x8xf32>
    tpu.vector_store %arg7[%swap3A_52, %swap3A_53], %dot_general3A_51 {strides = array<i32>} : memref<8000x8xf32, #tpu.memory_space<vmem>>, vector<8000x8xf32>,
    return
  }
  func.func @transform_0(%arg0: i32) -> (i32, i32) {
    %c0_i32 = arith.constant 0 : i32
    %c0_i32_0 = arith.constant 0 : i32
    return %arg0, %c0_i32 : i32, i32
  }
  func.func @transform_1(%arg0: i32) -> (i32, i32) {
    %c0_i32 = arith.constant 0 : i32
    %c0_i32_0 = arith.constant 0 : i32
    %c0_i32_1 = arith.constant 0 : i32
    return %c0_i32, %c0_i32_0 : i32, i32
  }
  func.func @transform_2(%arg0: i32) -> (i32, i32) {
    %c0_i32 = arith.constant 0 : i32
    %c0_i32_0 = arith.constant 0 : i32
    %c0_i32_1 = arith.constant 0 : i32
    return %c0_i32, %c0_i32_0 : i32, i32
  }
  func.func @transform_3(%arg0: i32) -> (i32, i32) {
    %c0_i32 = arith.constant 0 : i32
    %c0_i32_0 = arith.constant 0 : i32
    %c0_i32_1 = arith.constant 0 : i32
    return %c0_i32, %c0_i32_0 : i32, i32
  }
  func.func @transform_4(%arg0: i32) -> (i32, i32) {
    %c0_i32 = arith.constant 0 : i32
    %c0_i32_0 = arith.constant 0 : i32
    %c0_i32_1 = arith.constant 0 : i32
    return %c0_i32, %c0_i32_0 : i32, i32
  }
  func.func @transform_5(%arg0: i32) -> (i32, i32) {
    %c0_i32 = arith.constant 0 : i32
    %c0_i32_0 = arith.constant 0 : i32
    return %arg0, %c0_i32 : i32, i32
  }
  func.func @transform_6(%arg0: i32) -> (i32, i32) {
    %c0_i32 = arith.constant 0 : i32
    %c0_i32_0 = arith.constant 0 : i32
    return %arg0, %c0_i32 : i32, i32
  }
}

module attributes {stable_mosaic.version = 14 : i64} {
  func.func @_node_pro_body(%arg0: i32, %arg1: memref<1000x128xf32, #tpu.memory_space<vmem>>, %arg2: memref<128x128xf32, #tpu.memory_space<vmem>>, %arg3: memref<128x1xf32, #tpu.memory_space<vmem>>, %arg4: memref<128x1xf32, #tpu.memory_space<vmem>>, %arg5: memref<1000x128xf32, #tpu.memory_space<vmem>>, %arg6: memref<1000x128xbf16, #tpu.memory_space<vmem>>, %arg7: memref<1000x1xf32, #tpu.memory_space<vmem>>, %arg8: memref<1000x1xf32, #tpu.memory_space<vmem>>) attributes {dimension_semantics = [#tpu.dimension_semantics<arbitrary>], iteration_bounds = array<i64: 10>, scalar_prefetch = 0 : i64, scratch_operands = 0 : i64, tpu.core_type = #tpu.core_type<tc>, window_params = [{transform_indices = @transform_0, window_bounds = array<i64: 1000, 128>}, {pipeline_mode = #tpu.pipeline_mode<synchronous>, transform_indices = @transform_1, window_bounds = array<i64: 128, 128>}, {pipeline_mode = #tpu.pipeline_mode<synchronous>, transform_indices = @transform_2, window_bounds = array<i64: 128, 1>}, {pipeline_mode = #tpu.pipeline_mode<synchronous>, transform_indices = @transform_3, window_bounds = array<i64: 128, 1>}, {transform_indices = @transform_4, window_bounds = array<i64: 1000, 128>}, {transform_indices = @transform_5, window_bounds = array<i64: 1000, 128>}, {transform_indices = @transform_6, window_bounds = array<i64: 1000, 1>}, {transform_indices = @transform_7, window_bounds = array<i64: 1000, 1>}]} {
    %get3A = arith.constant 0 : index
    %get3A_0 = arith.constant 0 : index
    %get3A_1 = vector.load %arg1[%get3A, %get3A_0] : memref<1000x128xf32, #tpu.memory_space<vmem>>, vector<1000x128xf32>
    %get3A_2 = arith.constant 0 : index
    %get3A_3 = arith.constant 0 : index
    %get3A_4 = vector.load %arg2[%get3A_2, %get3A_3] : memref<128x128xf32, #tpu.memory_space<vmem>>, vector<128x128xf32>
    %dot_general3A = arith.constant dense<0.000000e+00> : vector<1000x128xf32>
    %dot_general3A_5 = tpu.matmul %get3A_1, %get3A_4, %dot_general3A {dimension_numbers = #tpu.dot_dimension_numbers<[1], [0], [0], [1], [0, 0, 1, 1], [], []>, transpose_lhs_hint = false} : vector<1000x128xf32>, vector<128x128xf32>, vector<1000x128xf32> -> vector<1000x128xf32>
    %swap3A = arith.constant 0 : index
    %swap3A_6 = arith.constant 0 : index
    %swap3A_7 = vector.load %arg5[%swap3A, %swap3A_6] : memref<1000x128xf32, #tpu.memory_space<vmem>>, vector<1000x128xf32>
    tpu.vector_store %arg5[%swap3A, %swap3A_6], %dot_general3A_5 {strides = array<i32>} : memref<1000x128xf32, #tpu.memory_space<vmem>>, vector<1000x128xf32>,
    %convert_element_type3A = arith.truncf %dot_general3A_5 : vector<1000x128xf32> to vector<1000x128xbf16>
    %swap3A_8 = arith.constant 0 : index
    %swap3A_9 = arith.constant 0 : index
    %swap3A_10 = vector.load %arg6[%swap3A_8, %swap3A_9] : memref<1000x128xbf16, #tpu.memory_space<vmem>>, vector<1000x128xbf16>
    tpu.vector_store %arg6[%swap3A_8, %swap3A_9], %convert_element_type3A {strides = array<i32>} : memref<1000x128xbf16, #tpu.memory_space<vmem>>, vector<1000x128xbf16>,
    %get3A_11 = arith.constant 0 : index
    %get3A_12 = arith.constant 0 : index
    %get3A_13 = vector.load %arg3[%get3A_11, %get3A_12] : memref<128x1xf32, #tpu.memory_space<vmem>>, vector<128x1xf32>
    %dot_general3A_14 = arith.constant dense<0.000000e+00> : vector<1000x1xf32>
    %dot_general3A_15 = tpu.matmul %dot_general3A_5, %get3A_13, %dot_general3A_14 {dimension_numbers = #tpu.dot_dimension_numbers<[1], [0], [0], [1], [0, 0, 1, 1], [], []>, transpose_lhs_hint = false} : vector<1000x128xf32>, vector<128x1xf32>, vector<1000x1xf32> -> vector<1000x1xf32>
    %swap3A_16 = arith.constant 0 : index
    %swap3A_17 = arith.constant 0 : index
    %swap3A_18 = vector.load %arg7[%swap3A_16, %swap3A_17] : memref<1000x1xf32, #tpu.memory_space<vmem>>, vector<1000x1xf32>
    tpu.vector_store %arg7[%swap3A_16, %swap3A_17], %dot_general3A_15 {strides = array<i32>} : memref<1000x1xf32, #tpu.memory_space<vmem>>, vector<1000x1xf32>,
    %get3A_19 = arith.constant 0 : index
    %get3A_20 = arith.constant 0 : index
    %get3A_21 = vector.load %arg4[%get3A_19, %get3A_20] : memref<128x1xf32, #tpu.memory_space<vmem>>, vector<128x1xf32>
    %dot_general3A_22 = arith.constant dense<0.000000e+00> : vector<1000x1xf32>
    %dot_general3A_23 = tpu.matmul %dot_general3A_5, %get3A_21, %dot_general3A_22 {dimension_numbers = #tpu.dot_dimension_numbers<[1], [0], [0], [1], [0, 0, 1, 1], [], []>, transpose_lhs_hint = false} : vector<1000x128xf32>, vector<128x1xf32>, vector<1000x1xf32> -> vector<1000x1xf32>
    %swap3A_24 = arith.constant 0 : index
    %swap3A_25 = arith.constant 0 : index
    %swap3A_26 = vector.load %arg8[%swap3A_24, %swap3A_25] : memref<1000x1xf32, #tpu.memory_space<vmem>>, vector<1000x1xf32>
    tpu.vector_store %arg8[%swap3A_24, %swap3A_25], %dot_general3A_23 {strides = array<i32>} : memref<1000x1xf32, #tpu.memory_space<vmem>>, vector<1000x1xf32>,
    return
  }
  func.func @transform_0(%arg0: i32) -> (i32, i32) {
    %c0_i32 = arith.constant 0 : i32
    %c0_i32_0 = arith.constant 0 : i32
    return %arg0, %c0_i32 : i32, i32
  }
  func.func @transform_1(%arg0: i32) -> (i32, i32) {
    %c0_i32 = arith.constant 0 : i32
    %c0_i32_0 = arith.constant 0 : i32
    %c0_i32_1 = arith.constant 0 : i32
    return %c0_i32, %c0_i32_0 : i32, i32
  }
  func.func @transform_2(%arg0: i32) -> (i32, i32) {
    %c0_i32 = arith.constant 0 : i32
    %c0_i32_0 = arith.constant 0 : i32
    %c0_i32_1 = arith.constant 0 : i32
    return %c0_i32, %c0_i32_0 : i32, i32
  }
  func.func @transform_3(%arg0: i32) -> (i32, i32) {
    %c0_i32 = arith.constant 0 : i32
    %c0_i32_0 = arith.constant 0 : i32
    %c0_i32_1 = arith.constant 0 : i32
    return %c0_i32, %c0_i32_0 : i32, i32
  }
  func.func @transform_4(%arg0: i32) -> (i32, i32) {
    %c0_i32 = arith.constant 0 : i32
    %c0_i32_0 = arith.constant 0 : i32
    return %arg0, %c0_i32 : i32, i32
  }
  func.func @transform_5(%arg0: i32) -> (i32, i32) {
    %c0_i32 = arith.constant 0 : i32
    %c0_i32_0 = arith.constant 0 : i32
    return %arg0, %c0_i32 : i32, i32
  }
  func.func @transform_6(%arg0: i32) -> (i32, i32) {
    %c0_i32 = arith.constant 0 : i32
    %c0_i32_0 = arith.constant 0 : i32
    return %arg0, %c0_i32 : i32, i32
  }
  func.func @transform_7(%arg0: i32) -> (i32, i32) {
    %c0_i32 = arith.constant 0 : i32
    %c0_i32_0 = arith.constant 0 : i32
    return %arg0, %c0_i32 : i32, i32
  }
}

module attributes {stable_mosaic.version = 14 : i64} {
  func.func @_layout_body(%arg0: i32, %arg1: memref<512x128xi32, #tpu.memory_space<vmem>>, %arg2: memref<512x128xi32, #tpu.memory_space<vmem>>, %arg3: memref<512x128xf32, #tpu.memory_space<vmem>>, %arg4: memref<512x128xf32, #tpu.memory_space<vmem>>, %arg5: memref<512x128xi32, #tpu.memory_space<vmem>>, %arg6: memref<512x128xi32, #tpu.memory_space<vmem>>, %arg7: memref<512x128xf32, #tpu.memory_space<vmem>>, %arg8: memref<512x128xf32, #tpu.memory_space<vmem>>) attributes {dimension_semantics = [#tpu.dimension_semantics<arbitrary>], iteration_bounds = array<i64: 5>, scalar_prefetch = 0 : i64, scratch_operands = 0 : i64, tpu.core_type = #tpu.core_type<tc>, window_params = [{transform_indices = @transform_0, window_bounds = array<i64: 512, 128>}, {transform_indices = @transform_1, window_bounds = array<i64: 512, 128>}, {transform_indices = @transform_2, window_bounds = array<i64: 512, 128>}, {transform_indices = @transform_3, window_bounds = array<i64: 512, 128>}, {transform_indices = @transform_4, window_bounds = array<i64: 512, 128>}, {transform_indices = @transform_5, window_bounds = array<i64: 512, 128>}, {transform_indices = @transform_6, window_bounds = array<i64: 512, 128>}, {transform_indices = @transform_7, window_bounds = array<i64: 512, 128>}]} {
    %mul3A = arith.constant 512 : i32
    %mul3A_0 = arith.muli %arg0, %mul3A : i32
    %iota3A = tpu.iota {dimensions = array<i32: 0>} : vector<512x128xi32>
    %add3A = vector.broadcast %mul3A_0 : i32 to vector<512x128xi32>
    %add3A_1 = arith.addi %add3A, %iota3A : vector<512x128xi32>
    %lt3A = arith.constant 2500 : i32
    %lt3A_2 = vector.broadcast %lt3A : i32 to vector<512x128xi32>
    %lt3A_3 = arith.cmpi slt, %add3A_1, %lt3A_2 : vector<512x128xi32>
    %get3A = arith.constant 0 : index
    %get3A_4 = arith.constant 0 : index
    %get3A_5 = vector.load %arg1[%get3A, %get3A_4] : memref<512x128xi32, #tpu.memory_space<vmem>>, vector<512x128xi32>
    %jit3A = arith.constant 0 : i32
    %broadcast_in_dim3A = vector.broadcast %jit3A : i32 to vector<512x128xi32>
    %select_n3A = arith.select %lt3A_3, %get3A_5, %broadcast_in_dim3A : vector<512x128xi1>, vector<512x128xi32>
    %swap3A = arith.constant 0 : index
    %swap3A_6 = arith.constant 0 : index
    %swap3A_7 = vector.load %arg5[%swap3A, %swap3A_6] : memref<512x128xi32, #tpu.memory_space<vmem>>, vector<512x128xi32>
    tpu.vector_store %arg5[%swap3A, %swap3A_6], %select_n3A {strides = array<i32>} : memref<512x128xi32, #tpu.memory_space<vmem>>, vector<512x128xi32>,
    %get3A_8 = arith.constant 0 : index
    %get3A_9 = arith.constant 0 : index
    %get3A_10 = vector.load %arg2[%get3A_8, %get3A_9] : memref<512x128xi32, #tpu.memory_space<vmem>>, vector<512x128xi32>
    %jit3A_11 = arith.constant 10000 : i32
    %broadcast_in_dim3A_12 = vector.broadcast %jit3A_11 : i32 to vector<512x128xi32>
    %select_n3A_13 = arith.select %lt3A_3, %get3A_10, %broadcast_in_dim3A_12 : vector<512x128xi1>, vector<512x128xi32>
    %swap3A_14 = arith.constant 0 : index
    %swap3A_15 = arith.constant 0 : index
    %swap3A_16 = vector.load %arg6[%swap3A_14, %swap3A_15] : memref<512x128xi32, #tpu.memory_space<vmem>>, vector<512x128xi32>
    tpu.vector_store %arg6[%swap3A_14, %swap3A_15], %select_n3A_13 {strides = array<i32>} : memref<512x128xi32, #tpu.memory_space<vmem>>, vector<512x128xi32>,
    %get3A_17 = arith.constant 0 : index
    %get3A_18 = arith.constant 0 : index
    %get3A_19 = vector.load %arg3[%get3A_17, %get3A_18] : memref<512x128xf32, #tpu.memory_space<vmem>>, vector<512x128xf32>
    %jit3A_20 = arith.constant -1.000000e+30 : f32
    %broadcast_in_dim3A_21 = vector.broadcast %jit3A_20 : f32 to vector<512x128xf32>
    %select_n3A_22 = arith.select %lt3A_3, %get3A_19, %broadcast_in_dim3A_21 : vector<512x128xi1>, vector<512x128xf32>
    %swap3A_23 = arith.constant 0 : index
    %swap3A_24 = arith.constant 0 : index
    %swap3A_25 = vector.load %arg7[%swap3A_23, %swap3A_24] : memref<512x128xf32, #tpu.memory_space<vmem>>, vector<512x128xf32>
    tpu.vector_store %arg7[%swap3A_23, %swap3A_24], %select_n3A_22 {strides = array<i32>} : memref<512x128xf32, #tpu.memory_space<vmem>>, vector<512x128xf32>,
    %get3A_26 = arith.constant 0 : index
    %get3A_27 = arith.constant 0 : index
    %get3A_28 = vector.load %arg4[%get3A_26, %get3A_27] : memref<512x128xf32, #tpu.memory_space<vmem>>, vector<512x128xf32>
    %jit3A_29 = arith.constant -1.000000e+30 : f32
    %broadcast_in_dim3A_30 = vector.broadcast %jit3A_29 : f32 to vector<512x128xf32>
    %select_n3A_31 = arith.select %lt3A_3, %get3A_28, %broadcast_in_dim3A_30 : vector<512x128xi1>, vector<512x128xf32>
    %swap3A_32 = arith.constant 0 : index
    %swap3A_33 = arith.constant 0 : index
    %swap3A_34 = vector.load %arg8[%swap3A_32, %swap3A_33] : memref<512x128xf32, #tpu.memory_space<vmem>>, vector<512x128xf32>
    tpu.vector_store %arg8[%swap3A_32, %swap3A_33], %select_n3A_31 {strides = array<i32>} : memref<512x128xf32, #tpu.memory_space<vmem>>, vector<512x128xf32>,
    return
  }
  func.func @transform_0(%arg0: i32) -> (i32, i32) {
    %c0_i32 = arith.constant 0 : i32
    %c0_i32_0 = arith.constant 0 : i32
    return %arg0, %c0_i32 : i32, i32
  }
  func.func @transform_1(%arg0: i32) -> (i32, i32) {
    %c0_i32 = arith.constant 0 : i32
    %c0_i32_0 = arith.constant 0 : i32
    return %arg0, %c0_i32 : i32, i32
  }
  func.func @transform_2(%arg0: i32) -> (i32, i32) {
    %c0_i32 = arith.constant 0 : i32
    %c0_i32_0 = arith.constant 0 : i32
    return %arg0, %c0_i32 : i32, i32
  }
  func.func @transform_3(%arg0: i32) -> (i32, i32) {
    %c0_i32 = arith.constant 0 : i32
    %c0_i32_0 = arith.constant 0 : i32
    return %arg0, %c0_i32 : i32, i32
  }
  func.func @transform_4(%arg0: i32) -> (i32, i32) {
    %c0_i32 = arith.constant 0 : i32
    %c0_i32_0 = arith.constant 0 : i32
    return %arg0, %c0_i32 : i32, i32
  }
  func.func @transform_5(%arg0: i32) -> (i32, i32) {
    %c0_i32 = arith.constant 0 : i32
    %c0_i32_0 = arith.constant 0 : i32
    return %arg0, %c0_i32 : i32, i32
  }
  func.func @transform_6(%arg0: i32) -> (i32, i32) {
    %c0_i32 = arith.constant 0 : i32
    %c0_i32_0 = arith.constant 0 : i32
    return %arg0, %c0_i32 : i32, i32
  }
  func.func @transform_7(%arg0: i32) -> (i32, i32) {
    %c0_i32 = arith.constant 0 : i32
    %c0_i32_0 = arith.constant 0 : i32
    return %arg0, %c0_i32 : i32, i32
  }
}

module attributes {stable_mosaic.version = 14 : i64} {
  func.func @_tc_mid_body(%arg0: i32, %arg1: memref<1x1000x128xbf16, #tpu.memory_space<vmem>>, %arg2: memref<1x1000x128xbf16, #tpu.memory_space<vmem>>, %arg3: memref<1x1000x1xf32, #tpu.memory_space<vmem>>, %arg4: memref<1x1000x1xf32, #tpu.memory_space<vmem>>, %arg5: memref<1x1000x1xf32, #tpu.memory_space<vmem>>, %arg6: memref<1x1000x1xf32, #tpu.memory_space<vmem>>, %arg7: memref<1x1000x1xf32, #tpu.memory_space<vmem>>, %arg8: memref<1x1000x1xf32, #tpu.memory_space<vmem>>, %arg9: memref<1000x1xf32, #tpu.memory_space<vmem>>, %arg10: memref<1000x1xf32, #tpu.memory_space<vmem>>, %arg11: memref<1000x128xf32, #tpu.memory_space<vmem>>, %arg12: memref<1x128xf32, #tpu.memory_space<vmem>>, %arg13: memref<128x128xf32, #tpu.memory_space<vmem>>, %arg14: memref<128x1xf32, #tpu.memory_space<vmem>>, %arg15: memref<128x1xf32, #tpu.memory_space<vmem>>, %arg16: memref<1000x128xf32, #tpu.memory_space<vmem>>, %arg17: memref<1000x128xbf16, #tpu.memory_space<vmem>>, %arg18: memref<1000x1xf32, #tpu.memory_space<vmem>>, %arg19: memref<1000x1xf32, #tpu.memory_space<vmem>>) attributes {dimension_semantics = [#tpu.dimension_semantics<arbitrary>], iteration_bounds = array<i64: 10>, scalar_prefetch = 0 : i64, scratch_operands = 0 : i64, tpu.core_type = #tpu.core_type<tc>, window_params = [{transform_indices = @transform_0, window_bounds = array<i64: 1, 1000, 128>}, {transform_indices = @transform_1, window_bounds = array<i64: 1, 1000, 128>}, {transform_indices = @transform_2, window_bounds = array<i64: 1, 1000, 1>}, {transform_indices = @transform_3, window_bounds = array<i64: 1, 1000, 1>}, {transform_indices = @transform_4, window_bounds = array<i64: 1, 1000, 1>}, {transform_indices = @transform_5, window_bounds = array<i64: 1, 1000, 1>}, {transform_indices = @transform_6, window_bounds = array<i64: 1, 1000, 1>}, {transform_indices = @transform_7, window_bounds = array<i64: 1, 1000, 1>}, {transform_indices = @transform_8, window_bounds = array<i64: 1000, 1>}, {transform_indices = @transform_9, window_bounds = array<i64: 1000, 1>}, {transform_indices = @transform_10, window_bounds = array<i64: 1000, 128>}, {pipeline_mode = #tpu.pipeline_mode<synchronous>, transform_indices = @transform_11, window_bounds = array<i64: 1, 128>}, {pipeline_mode = #tpu.pipeline_mode<synchronous>, transform_indices = @transform_12, window_bounds = array<i64: 128, 128>}, {pipeline_mode = #tpu.pipeline_mode<synchronous>, transform_indices = @transform_13, window_bounds = array<i64: 128, 1>}, {pipeline_mode = #tpu.pipeline_mode<synchronous>, transform_indices = @transform_14, window_bounds = array<i64: 128, 1>}, {transform_indices = @transform_15, window_bounds = array<i64: 1000, 128>}, {transform_indices = @transform_16, window_bounds = array<i64: 1000, 128>}, {transform_indices = @transform_17, window_bounds = array<i64: 1000, 1>}, {transform_indices = @transform_18, window_bounds = array<i64: 1000, 1>}]} {
    %get3A = arith.constant 0 : index
    %get3A_0 = arith.constant 0 : index
    %get3A_1 = arith.constant 0 : index
    %get3A_2 = vector.load %arg7[%get3A, %get3A_0, %get3A_1] : memref<1x1000x1xf32, #tpu.memory_space<vmem>>, vector<1x1000x1xf32>
    %reshape3A = vector.shape_cast %get3A_2 : vector<1x1000x1xf32> to vector<1000x1xf32>
    %get3A_3 = arith.constant 0 : index
    %get3A_4 = arith.constant 0 : index
    %get3A_5 = arith.constant 0 : index
    %get3A_6 = vector.load %arg8[%get3A_3, %get3A_4, %get3A_5] : memref<1x1000x1xf32, #tpu.memory_space<vmem>>, vector<1x1000x1xf32>
    %reshape3A_7 = vector.shape_cast %get3A_6 : vector<1x1000x1xf32> to vector<1000x1xf32>
    %add3A = arith.addf %reshape3A, %reshape3A_7 : vector<1000x1xf32>
    %max3A = arith.constant 1.000000e+00 : f32
    %max3A_8 = vector.broadcast %max3A : f32 to vector<1000x1xf32>
    %max3A_9 = arith.maximumf %add3A, %max3A_8 : vector<1000x1xf32>
    %get3A_10 = arith.constant 0 : index
    %get3A_11 = arith.constant 0 : index
    %get3A_12 = vector.load %arg9[%get3A_10, %get3A_11] : memref<1000x1xf32, #tpu.memory_space<vmem>>, vector<1000x1xf32>
    %get3A_13 = arith.constant 0 : index
    %get3A_14 = arith.constant 0 : index
    %get3A_15 = vector.load %arg10[%get3A_13, %get3A_14] : memref<1000x1xf32, #tpu.memory_space<vmem>>, vector<1000x1xf32>
    %add3A_16 = arith.addf %get3A_12, %get3A_15 : vector<1000x1xf32>
    %get3A_17 = arith.constant 0 : index
    %get3A_18 = arith.constant 0 : index
    %get3A_19 = arith.constant 0 : index
    %get3A_20 = vector.load %arg5[%get3A_17, %get3A_18, %get3A_19] : memref<1x1000x1xf32, #tpu.memory_space<vmem>>, vector<1x1000x1xf32>
    %reshape3A_21 = vector.shape_cast %get3A_20 : vector<1x1000x1xf32> to vector<1000x1xf32>
    %get3A_22 = arith.constant 0 : index
    %get3A_23 = arith.constant 0 : index
    %get3A_24 = arith.constant 0 : index
    %get3A_25 = vector.load %arg6[%get3A_22, %get3A_23, %get3A_24] : memref<1x1000x1xf32, #tpu.memory_space<vmem>>, vector<1x1000x1xf32>
    %reshape3A_26 = vector.shape_cast %get3A_25 : vector<1x1000x1xf32> to vector<1000x1xf32>
    %add3A_27 = arith.addf %reshape3A_21, %reshape3A_26 : vector<1000x1xf32>
    %div3A = arith.divf %add3A_27, %max3A_9 : vector<1000x1xf32>
    %add3A_28 = arith.addf %add3A_16, %div3A : vector<1000x1xf32>
    %ge3A = arith.constant 0.000000e+00 : f32
    %ge3A_29 = vector.broadcast %ge3A : f32 to vector<1000x1xf32>
    %ge3A_30 = arith.cmpf oge, %add3A_28, %ge3A_29 : vector<1000x1xf32>
    %mul3A = arith.constant 2.000000e-01 : f32
    %mul3A_31 = vector.broadcast %mul3A : f32 to vector<1000x1xf32>
    %mul3A_32 = arith.mulf %mul3A_31, %add3A_28 : vector<1000x1xf32>
    %select_n3A = arith.select %ge3A_30, %add3A_28, %mul3A_32 : vector<1000x1xi1>, vector<1000x1xf32>
    %exp3A = math.exp %select_n3A : vector<1000x1xf32>
    %get3A_33 = arith.constant 0 : index
    %get3A_34 = arith.constant 0 : index
    %get3A_35 = arith.constant 0 : index
    %get3A_36 = vector.load %arg3[%get3A_33, %get3A_34, %get3A_35] : memref<1x1000x1xf32, #tpu.memory_space<vmem>>, vector<1x1000x1xf32>
    %reshape3A_37 = vector.shape_cast %get3A_36 : vector<1x1000x1xf32> to vector<1000x1xf32>
    %get3A_38 = arith.constant 0 : index
    %get3A_39 = arith.constant 0 : index
    %get3A_40 = arith.constant 0 : index
    %get3A_41 = vector.load %arg4[%get3A_38, %get3A_39, %get3A_40] : memref<1x1000x1xf32, #tpu.memory_space<vmem>>, vector<1x1000x1xf32>
    %reshape3A_42 = vector.shape_cast %get3A_41 : vector<1x1000x1xf32> to vector<1000x1xf32>
    %add3A_43 = arith.addf %reshape3A_37, %reshape3A_42 : vector<1000x1xf32>
    %add3A_44 = arith.addf %add3A_43, %exp3A : vector<1000x1xf32>
    %add3A_45 = arith.constant 1.000000e-16 : f32
    %add3A_46 = vector.broadcast %add3A_45 : f32 to vector<1000x1xf32>
    %add3A_47 = arith.addf %add3A_44, %add3A_46 : vector<1000x1xf32>
    %div3A_48 = arith.constant 1.000000e+00 : f32
    %div3A_49 = vector.broadcast %div3A_48 : f32 to vector<1000x1xf32>
    %div3A_50 = arith.divf %div3A_49, %add3A_47 : vector<1000x1xf32>
    %get3A_51 = arith.constant 0 : index
    %get3A_52 = arith.constant 0 : index
    %get3A_53 = arith.constant 0 : index
    %get3A_54 = vector.load %arg1[%get3A_51, %get3A_52, %get3A_53] : memref<1x1000x128xbf16, #tpu.memory_space<vmem>>, vector<1x1000x128xbf16>
    %reshape3A_55 = vector.shape_cast %get3A_54 : vector<1x1000x128xbf16> to vector<1000x128xbf16>
    %convert_element_type3A = arith.extf %reshape3A_55 : vector<1000x128xbf16> to vector<1000x128xf32>
    %get3A_56 = arith.constant 0 : index
    %get3A_57 = arith.constant 0 : index
    %get3A_58 = arith.constant 0 : index
    %get3A_59 = vector.load %arg2[%get3A_56, %get3A_57, %get3A_58] : memref<1x1000x128xbf16, #tpu.memory_space<vmem>>, vector<1x1000x128xbf16>
    %reshape3A_60 = vector.shape_cast %get3A_59 : vector<1x1000x128xbf16> to vector<1000x128xbf16>
    %convert_element_type3A_61 = arith.extf %reshape3A_60 : vector<1000x128xbf16> to vector<1000x128xf32>
    %add3A_62 = arith.addf %convert_element_type3A, %convert_element_type3A_61 : vector<1000x128xf32>
    %get3A_63 = arith.constant 0 : index
    %get3A_64 = arith.constant 0 : index
    %get3A_65 = vector.load %arg11[%get3A_63, %get3A_64] : memref<1000x128xf32, #tpu.memory_space<vmem>>, vector<1000x128xf32>
    %mul3A_66 = vector.broadcast %exp3A : vector<1000x1xf32> to vector<1000x128xf32>
    %mul3A_67 = arith.mulf %mul3A_66, %get3A_65 : vector<1000x128xf32>
    %add3A_68 = arith.addf %add3A_62, %mul3A_67 : vector<1000x128xf32>
    %mul3A_69 = vector.broadcast %div3A_50 : vector<1000x1xf32> to vector<1000x128xf32>
    %mul3A_70 = arith.mulf %add3A_68, %mul3A_69 : vector<1000x128xf32>
    %get3A_71 = arith.constant 0 : index
    %get3A_72 = arith.constant 0 : index
    %get3A_73 = vector.load %arg12[%get3A_71, %get3A_72] : memref<1x128xf32, #tpu.memory_space<vmem>>, vector<1x128xf32>
    %add3A_74 = vector.broadcast %get3A_73 : vector<1x128xf32> to vector<1000x128xf32>
    %add3A_75 = arith.addf %mul3A_70, %add3A_74 : vector<1000x128xf32>
    %max3A_76 = arith.constant 0.000000e+00 : f32
    %max3A_77 = vector.broadcast %max3A_76 : f32 to vector<1000x128xf32>
    %max3A_78 = arith.maximumf %add3A_75, %max3A_77 : vector<1000x128xf32>
    %get3A_79 = arith.constant 0 : index
    %get3A_80 = arith.constant 0 : index
    %get3A_81 = vector.load %arg13[%get3A_79, %get3A_80] : memref<128x128xf32, #tpu.memory_space<vmem>>, vector<128x128xf32>
    %dot_general3A = arith.constant dense<0.000000e+00> : vector<1000x128xf32>
    %dot_general3A_82 = tpu.matmul %max3A_78, %get3A_81, %dot_general3A {dimension_numbers = #tpu.dot_dimension_numbers<[1], [0], [0], [1], [0, 0, 1, 1], [], []>, transpose_lhs_hint = false} : vector<1000x128xf32>, vector<128x128xf32>, vector<1000x128xf32> -> vector<1000x128xf32>
    %swap3A = arith.constant 0 : index
    %swap3A_83 = arith.constant 0 : index
    %swap3A_84 = vector.load %arg16[%swap3A, %swap3A_83] : memref<1000x128xf32, #tpu.memory_space<vmem>>, vector<1000x128xf32>
    tpu.vector_store %arg16[%swap3A, %swap3A_83], %dot_general3A_82 {strides = array<i32>} : memref<1000x128xf32, #tpu.memory_space<vmem>>, vector<1000x128xf32>,
    %convert_element_type3A_85 = arith.truncf %dot_general3A_82 : vector<1000x128xf32> to vector<1000x128xbf16>
    %swap3A_86 = arith.constant 0 : index
    %swap3A_87 = arith.constant 0 : index
    %swap3A_88 = vector.load %arg17[%swap3A_86, %swap3A_87] : memref<1000x128xbf16, #tpu.memory_space<vmem>>, vector<1000x128xbf16>
    tpu.vector_store %arg17[%swap3A_86, %swap3A_87], %convert_element_type3A_85 {strides = array<i32>} : memref<1000x128xbf16, #tpu.memory_space<vmem>>, vector<1000x128xbf16>,
    %get3A_89 = arith.constant 0 : index
    %get3A_90 = arith.constant 0 : index
    %get3A_91 = vector.load %arg14[%get3A_89, %get3A_90] : memref<128x1xf32, #tpu.memory_space<vmem>>, vector<128x1xf32>
    %dot_general3A_92 = arith.constant dense<0.000000e+00> : vector<1000x1xf32>
    %dot_general3A_93 = tpu.matmul %dot_general3A_82, %get3A_91, %dot_general3A_92 {dimension_numbers = #tpu.dot_dimension_numbers<[1], [0], [0], [1], [0, 0, 1, 1], [], []>, transpose_lhs_hint = false} : vector<1000x128xf32>, vector<128x1xf32>, vector<1000x1xf32> -> vector<1000x1xf32>
    %swap3A_94 = arith.constant 0 : index
    %swap3A_95 = arith.constant 0 : index
    %swap3A_96 = vector.load %arg18[%swap3A_94, %swap3A_95] : memref<1000x1xf32, #tpu.memory_space<vmem>>, vector<1000x1xf32>
    tpu.vector_store %arg18[%swap3A_94, %swap3A_95], %dot_general3A_93 {strides = array<i32>} : memref<1000x1xf32, #tpu.memory_space<vmem>>, vector<1000x1xf32>,
    %get3A_97 = arith.constant 0 : index
    %get3A_98 = arith.constant 0 : index
    %get3A_99 = vector.load %arg15[%get3A_97, %get3A_98] : memref<128x1xf32, #tpu.memory_space<vmem>>, vector<128x1xf32>
    %dot_general3A_100 = arith.constant dense<0.000000e+00> : vector<1000x1xf32>
    %dot_general3A_101 = tpu.matmul %dot_general3A_82, %get3A_99, %dot_general3A_100 {dimension_numbers = #tpu.dot_dimension_numbers<[1], [0], [0], [1], [0, 0, 1, 1], [], []>, transpose_lhs_hint = false} : vector<1000x128xf32>, vector<128x1xf32>, vector<1000x1xf32> -> vector<1000x1xf32>
    %swap3A_102 = arith.constant 0 : index
    %swap3A_103 = arith.constant 0 : index
    %swap3A_104 = vector.load %arg19[%swap3A_102, %swap3A_103] : memref<1000x1xf32, #tpu.memory_space<vmem>>, vector<1000x1xf32>
    tpu.vector_store %arg19[%swap3A_102, %swap3A_103], %dot_general3A_101 {strides = array<i32>} : memref<1000x1xf32, #tpu.memory_space<vmem>>, vector<1000x1xf32>,
    return
  }
  func.func @transform_0(%arg0: i32) -> (i32, i32, i32) {
    %c0_i32 = arith.constant 0 : i32
    %c0_i32_0 = arith.constant 0 : i32
    %c0_i32_1 = arith.constant 0 : i32
    return %c0_i32, %arg0, %c0_i32_0 : i32, i32, i32
  }
  func.func @transform_1(%arg0: i32) -> (i32, i32, i32) {
    %c1_i32 = arith.constant 1 : i32
    %c0_i32 = arith.constant 0 : i32
    %c0_i32_0 = arith.constant 0 : i32
    return %c1_i32, %arg0, %c0_i32 : i32, i32, i32
  }
  func.func @transform_2(%arg0: i32) -> (i32, i32, i32) {
    %c0_i32 = arith.constant 0 : i32
    %c0_i32_0 = arith.constant 0 : i32
    %c0_i32_1 = arith.constant 0 : i32
    return %c0_i32, %arg0, %c0_i32_0 : i32, i32, i32
  }
  func.func @transform_3(%arg0: i32) -> (i32, i32, i32) {
    %c1_i32 = arith.constant 1 : i32
    %c0_i32 = arith.constant 0 : i32
    %c0_i32_0 = arith.constant 0 : i32
    return %c1_i32, %arg0, %c0_i32 : i32, i32, i32
  }
  func.func @transform_4(%arg0: i32) -> (i32, i32, i32) {
    %c0_i32 = arith.constant 0 : i32
    %c0_i32_0 = arith.constant 0 : i32
    %c0_i32_1 = arith.constant 0 : i32
    return %c0_i32, %arg0, %c0_i32_0 : i32, i32, i32
  }
  func.func @transform_5(%arg0: i32) -> (i32, i32, i32) {
    %c1_i32 = arith.constant 1 : i32
    %c0_i32 = arith.constant 0 : i32
    %c0_i32_0 = arith.constant 0 : i32
    return %c1_i32, %arg0, %c0_i32 : i32, i32, i32
  }
  func.func @transform_6(%arg0: i32) -> (i32, i32, i32) {
    %c0_i32 = arith.constant 0 : i32
    %c0_i32_0 = arith.constant 0 : i32
    %c0_i32_1 = arith.constant 0 : i32
    return %c0_i32, %arg0, %c0_i32_0 : i32, i32, i32
  }
  func.func @transform_7(%arg0: i32) -> (i32, i32, i32) {
    %c1_i32 = arith.constant 1 : i32
    %c0_i32 = arith.constant 0 : i32
    %c0_i32_0 = arith.constant 0 : i32
    return %c1_i32, %arg0, %c0_i32 : i32, i32, i32
  }
  func.func @transform_8(%arg0: i32) -> (i32, i32) {
    %c0_i32 = arith.constant 0 : i32
    %c0_i32_0 = arith.constant 0 : i32
    return %arg0, %c0_i32 : i32, i32
  }
  func.func @transform_9(%arg0: i32) -> (i32, i32) {
    %c0_i32 = arith.constant 0 : i32
    %c0_i32_0 = arith.constant 0 : i32
    return %arg0, %c0_i32 : i32, i32
  }
  func.func @transform_10(%arg0: i32) -> (i32, i32) {
    %c0_i32 = arith.constant 0 : i32
    %c0_i32_0 = arith.constant 0 : i32
    return %arg0, %c0_i32 : i32, i32
  }
  func.func @transform_11(%arg0: i32) -> (i32, i32) {
    %c0_i32 = arith.constant 0 : i32
    %c0_i32_0 = arith.constant 0 : i32
    %c0_i32_1 = arith.constant 0 : i32
    return %c0_i32, %c0_i32_0 : i32, i32
  }
  func.func @transform_12(%arg0: i32) -> (i32, i32) {
    %c0_i32 = arith.constant 0 : i32
    %c0_i32_0 = arith.constant 0 : i32
    %c0_i32_1 = arith.constant 0 : i32
    return %c0_i32, %c0_i32_0 : i32, i32
  }
  func.func @transform_13(%arg0: i32) -> (i32, i32) {
    %c0_i32 = arith.constant 0 : i32
    %c0_i32_0 = arith.constant 0 : i32
    %c0_i32_1 = arith.constant 0 : i32
    return %c0_i32, %c0_i32_0 : i32, i32
  }
  func.func @transform_14(%arg0: i32) -> (i32, i32) {
    %c0_i32 = arith.constant 0 : i32
    %c0_i32_0 = arith.constant 0 : i32
    %c0_i32_1 = arith.constant 0 : i32
    return %c0_i32, %c0_i32_0 : i32, i32
  }
  func.func @transform_15(%arg0: i32) -> (i32, i32) {
    %c0_i32 = arith.constant 0 : i32
    %c0_i32_0 = arith.constant 0 : i32
    return %arg0, %c0_i32 : i32, i32
  }
  func.func @transform_16(%arg0: i32) -> (i32, i32) {
    %c0_i32 = arith.constant 0 : i32
    %c0_i32_0 = arith.constant 0 : i32
    return %arg0, %c0_i32 : i32, i32
  }
  func.func @transform_17(%arg0: i32) -> (i32, i32) {
    %c0_i32 = arith.constant 0 : i32
    %c0_i32_0 = arith.constant 0 : i32
    return %arg0, %c0_i32 : i32, i32
  }
  func.func @transform_18(%arg0: i32) -> (i32, i32) {
    %c0_i32 = arith.constant 0 : i32
    %c0_i32_0 = arith.constant 0 : i32
    return %arg0, %c0_i32 : i32, i32
  }
}

module attributes {stable_mosaic.version = 14 : i64} {
  func.func @_tc_fin_body(%arg0: i32, %arg1: memref<1x1000x128xbf16, #tpu.memory_space<vmem>>, %arg2: memref<1x1000x128xbf16, #tpu.memory_space<vmem>>, %arg3: memref<1x1000x1xf32, #tpu.memory_space<vmem>>, %arg4: memref<1x1000x1xf32, #tpu.memory_space<vmem>>, %arg5: memref<1x1000x1xf32, #tpu.memory_space<vmem>>, %arg6: memref<1x1000x1xf32, #tpu.memory_space<vmem>>, %arg7: memref<1x1000x1xf32, #tpu.memory_space<vmem>>, %arg8: memref<1x1000x1xf32, #tpu.memory_space<vmem>>, %arg9: memref<1000x1xf32, #tpu.memory_space<vmem>>, %arg10: memref<1000x1xf32, #tpu.memory_space<vmem>>, %arg11: memref<1000x128xf32, #tpu.memory_space<vmem>>, %arg12: memref<1x128xf32, #tpu.memory_space<vmem>>, %arg13: memref<1000x1xi32, #tpu.memory_space<vmem>>, %arg14: memref<128x10xf32, #tpu.memory_space<vmem>>, %arg15: memref<1x10xf32, #tpu.memory_space<vmem>>, %arg16: memref<64x10xf32, #tpu.memory_space<vmem>>, %arg17: memref<64x128xf32, #tpu.memory_space<vmem>>, %arg18: memref<64x128xf32, #tpu.memory_space<vmem>>) attributes {dimension_semantics = [#tpu.dimension_semantics<arbitrary>], iteration_bounds = array<i64: 10>, scalar_prefetch = 0 : i64, scratch_operands = 2 : i64, tpu.core_type = #tpu.core_type<tc>, window_params = [{transform_indices = @transform_0, window_bounds = array<i64: 1, 1000, 128>}, {transform_indices = @transform_1, window_bounds = array<i64: 1, 1000, 128>}, {transform_indices = @transform_2, window_bounds = array<i64: 1, 1000, 1>}, {transform_indices = @transform_3, window_bounds = array<i64: 1, 1000, 1>}, {transform_indices = @transform_4, window_bounds = array<i64: 1, 1000, 1>}, {transform_indices = @transform_5, window_bounds = array<i64: 1, 1000, 1>}, {transform_indices = @transform_6, window_bounds = array<i64: 1, 1000, 1>}, {transform_indices = @transform_7, window_bounds = array<i64: 1, 1000, 1>}, {transform_indices = @transform_8, window_bounds = array<i64: 1000, 1>}, {transform_indices = @transform_9, window_bounds = array<i64: 1000, 1>}, {transform_indices = @transform_10, window_bounds = array<i64: 1000, 128>}, {pipeline_mode = #tpu.pipeline_mode<synchronous>, transform_indices = @transform_11, window_bounds = array<i64: 1, 128>}, {transform_indices = @transform_12, window_bounds = array<i64: 1000, 1>}, {pipeline_mode = #tpu.pipeline_mode<synchronous>, transform_indices = @transform_13, window_bounds = array<i64: 128, 10>}, {pipeline_mode = #tpu.pipeline_mode<synchronous>, transform_indices = @transform_14, window_bounds = array<i64: 1, 10>}, {pipeline_mode = #tpu.pipeline_mode<synchronous>, transform_indices = @transform_15, window_bounds = array<i64: 64, 10>}]} {
    %get3A = arith.constant 0 : index
    %get3A_0 = arith.constant 0 : index
    %get3A_1 = arith.constant 0 : index
    %get3A_2 = vector.load %arg7[%get3A, %get3A_0, %get3A_1] : memref<1x1000x1xf32, #tpu.memory_space<vmem>>, vector<1x1000x1xf32>
    %reshape3A = vector.shape_cast %get3A_2 : vector<1x1000x1xf32> to vector<1000x1xf32>
    %get3A_3 = arith.constant 0 : index
    %get3A_4 = arith.constant 0 : index
    %get3A_5 = arith.constant 0 : index
    %get3A_6 = vector.load %arg8[%get3A_3, %get3A_4, %get3A_5] : memref<1x1000x1xf32, #tpu.memory_space<vmem>>, vector<1x1000x1xf32>
    %reshape3A_7 = vector.shape_cast %get3A_6 : vector<1x1000x1xf32> to vector<1000x1xf32>
    %add3A = arith.addf %reshape3A, %reshape3A_7 : vector<1000x1xf32>
    %max3A = arith.constant 1.000000e+00 : f32
    %max3A_8 = vector.broadcast %max3A : f32 to vector<1000x1xf32>
    %max3A_9 = arith.maximumf %add3A, %max3A_8 : vector<1000x1xf32>
    %get3A_10 = arith.constant 0 : index
    %get3A_11 = arith.constant 0 : index
    %get3A_12 = vector.load %arg9[%get3A_10, %get3A_11] : memref<1000x1xf32, #tpu.memory_space<vmem>>, vector<1000x1xf32>
    %get3A_13 = arith.constant 0 : index
    %get3A_14 = arith.constant 0 : index
    %get3A_15 = vector.load %arg10[%get3A_13, %get3A_14] : memref<1000x1xf32, #tpu.memory_space<vmem>>, vector<1000x1xf32>
    %add3A_16 = arith.addf %get3A_12, %get3A_15 : vector<1000x1xf32>
    %get3A_17 = arith.constant 0 : index
    %get3A_18 = arith.constant 0 : index
    %get3A_19 = arith.constant 0 : index
    %get3A_20 = vector.load %arg5[%get3A_17, %get3A_18, %get3A_19] : memref<1x1000x1xf32, #tpu.memory_space<vmem>>, vector<1x1000x1xf32>
    %reshape3A_21 = vector.shape_cast %get3A_20 : vector<1x1000x1xf32> to vector<1000x1xf32>
    %get3A_22 = arith.constant 0 : index
    %get3A_23 = arith.constant 0 : index
    %get3A_24 = arith.constant 0 : index
    %get3A_25 = vector.load %arg6[%get3A_22, %get3A_23, %get3A_24] : memref<1x1000x1xf32, #tpu.memory_space<vmem>>, vector<1x1000x1xf32>
    %reshape3A_26 = vector.shape_cast %get3A_25 : vector<1x1000x1xf32> to vector<1000x1xf32>
    %add3A_27 = arith.addf %reshape3A_21, %reshape3A_26 : vector<1000x1xf32>
    %div3A = arith.divf %add3A_27, %max3A_9 : vector<1000x1xf32>
    %add3A_28 = arith.addf %add3A_16, %div3A : vector<1000x1xf32>
    %ge3A = arith.constant 0.000000e+00 : f32
    %ge3A_29 = vector.broadcast %ge3A : f32 to vector<1000x1xf32>
    %ge3A_30 = arith.cmpf oge, %add3A_28, %ge3A_29 : vector<1000x1xf32>
    %mul3A = arith.constant 2.000000e-01 : f32
    %mul3A_31 = vector.broadcast %mul3A : f32 to vector<1000x1xf32>
    %mul3A_32 = arith.mulf %mul3A_31, %add3A_28 : vector<1000x1xf32>
    %select_n3A = arith.select %ge3A_30, %add3A_28, %mul3A_32 : vector<1000x1xi1>, vector<1000x1xf32>
    %exp3A = math.exp %select_n3A : vector<1000x1xf32>
    %get3A_33 = arith.constant 0 : index
    %get3A_34 = arith.constant 0 : index
    %get3A_35 = arith.constant 0 : index
    %get3A_36 = vector.load %arg3[%get3A_33, %get3A_34, %get3A_35] : memref<1x1000x1xf32, #tpu.memory_space<vmem>>, vector<1x1000x1xf32>
    %reshape3A_37 = vector.shape_cast %get3A_36 : vector<1x1000x1xf32> to vector<1000x1xf32>
    %get3A_38 = arith.constant 0 : index
    %get3A_39 = arith.constant 0 : index
    %get3A_40 = arith.constant 0 : index
    %get3A_41 = vector.load %arg4[%get3A_38, %get3A_39, %get3A_40] : memref<1x1000x1xf32, #tpu.memory_space<vmem>>, vector<1x1000x1xf32>
    %reshape3A_42 = vector.shape_cast %get3A_41 : vector<1x1000x1xf32> to vector<1000x1xf32>
    %add3A_43 = arith.addf %reshape3A_37, %reshape3A_42 : vector<1000x1xf32>
    %add3A_44 = arith.addf %add3A_43, %exp3A : vector<1000x1xf32>
    %add3A_45 = arith.constant 1.000000e-16 : f32
    %add3A_46 = vector.broadcast %add3A_45 : f32 to vector<1000x1xf32>
    %add3A_47 = arith.addf %add3A_44, %add3A_46 : vector<1000x1xf32>
    %div3A_48 = arith.constant 1.000000e+00 : f32
    %div3A_49 = vector.broadcast %div3A_48 : f32 to vector<1000x1xf32>
    %div3A_50 = arith.divf %div3A_49, %add3A_47 : vector<1000x1xf32>
    %get3A_51 = arith.constant 0 : index
    %get3A_52 = arith.constant 0 : index
    %get3A_53 = arith.constant 0 : index
    %get3A_54 = vector.load %arg1[%get3A_51, %get3A_52, %get3A_53] : memref<1x1000x128xbf16, #tpu.memory_space<vmem>>, vector<1x1000x128xbf16>
    %reshape3A_55 = vector.shape_cast %get3A_54 : vector<1x1000x128xbf16> to vector<1000x128xbf16>
    %convert_element_type3A = arith.extf %reshape3A_55 : vector<1000x128xbf16> to vector<1000x128xf32>
    %get3A_56 = arith.constant 0 : index
    %get3A_57 = arith.constant 0 : index
    %get3A_58 = arith.constant 0 : index
    %get3A_59 = vector.load %arg2[%get3A_56, %get3A_57, %get3A_58] : memref<1x1000x128xbf16, #tpu.memory_space<vmem>>, vector<1x1000x128xbf16>
    %reshape3A_60 = vector.shape_cast %get3A_59 : vector<1x1000x128xbf16> to vector<1000x128xbf16>
    %convert_element_type3A_61 = arith.extf %reshape3A_60 : vector<1000x128xbf16> to vector<1000x128xf32>
    %add3A_62 = arith.addf %convert_element_type3A, %convert_element_type3A_61 : vector<1000x128xf32>
    %get3A_63 = arith.constant 0 : index
    %get3A_64 = arith.constant 0 : index
    %get3A_65 = vector.load %arg11[%get3A_63, %get3A_64] : memref<1000x128xf32, #tpu.memory_space<vmem>>, vector<1000x128xf32>
    %mul3A_66 = vector.broadcast %exp3A : vector<1000x1xf32> to vector<1000x128xf32>
    %mul3A_67 = arith.mulf %mul3A_66, %get3A_65 : vector<1000x128xf32>
    %add3A_68 = arith.addf %add3A_62, %mul3A_67 : vector<1000x128xf32>
    %mul3A_69 = vector.broadcast %div3A_50 : vector<1000x1xf32> to vector<1000x128xf32>
    %mul3A_70 = arith.mulf %add3A_68, %mul3A_69 : vector<1000x128xf32>
    %get3A_71 = arith.constant 0 : index
    %get3A_72 = arith.constant 0 : index
    %get3A_73 = vector.load %arg12[%get3A_71, %get3A_72] : memref<1x128xf32, #tpu.memory_space<vmem>>, vector<1x128xf32>
    %add3A_74 = vector.broadcast %get3A_73 : vector<1x128xf32> to vector<1000x128xf32>
    %add3A_75 = arith.addf %mul3A_70, %add3A_74 : vector<1000x128xf32>
    %max3A_76 = arith.constant 0.000000e+00 : f32
    %max3A_77 = vector.broadcast %max3A_76 : f32 to vector<1000x128xf32>
    %max3A_78 = arith.maximumf %add3A_75, %max3A_77 : vector<1000x128xf32>
    %get3A_79 = arith.constant 0 : index
    %get3A_80 = arith.constant 0 : index
    %get3A_81 = vector.load %arg13[%get3A_79, %get3A_80] : memref<1000x1xi32, #tpu.memory_space<vmem>>, vector<1000x1xi32>
    %iota3A = tpu.iota {dimensions = array<i32: 1>} : vector<1000x64xi32>
    %eq3A = vector.broadcast %get3A_81 : vector<1000x1xi32> to vector<1000x64xi32>
    %eq3A_82 = arith.cmpi eq, %eq3A, %iota3A : vector<1000x64xi32>
    %convert_element_type3A_83 = arith.extui %eq3A_82 : vector<1000x64xi1> to vector<1000x64xi32>
    %convert_element_type3A_84 = arith.sitofp %convert_element_type3A_83 : vector<1000x64xi32> to vector<1000x64xf32>
    %eq3A_85 = arith.constant 0 : i32
    %eq3A_86 = arith.cmpi eq, %arg0, %eq3A_85 : i32
    %convert_element_type3A_87 = arith.extui %eq3A_86 : i1 to i32
    %cond3A = arith.constant 0 : i32
    %cond3A_88 = arith.cmpi ne, %convert_element_type3A_87, %cond3A : i32
    scf.if %cond3A_88 {
      %broadcast_in_dim3A_111 = arith.constant 0.000000e+00 : f32
      %broadcast_in_dim3A_112 = vector.broadcast %broadcast_in_dim3A_111 : f32 to vector<64x128xf32>
      %swap3A_113 = arith.constant 0 : index
      %swap3A_114 = arith.constant 0 : index
      %swap3A_115 = vector.load %arg17[%swap3A_113, %swap3A_114] : memref<64x128xf32, #tpu.memory_space<vmem>>, vector<64x128xf32>
      tpu.vector_store %arg17[%swap3A_113, %swap3A_114], %broadcast_in_dim3A_112 {strides = array<i32>} : memref<64x128xf32, #tpu.memory_space<vmem>>, vector<64x128xf32>,
      %broadcast_in_dim3A_116 = arith.constant 0.000000e+00 : f32
      %broadcast_in_dim3A_117 = vector.broadcast %broadcast_in_dim3A_116 : f32 to vector<64x128xf32>
      %swap3A_118 = arith.constant 0 : index
      %swap3A_119 = arith.constant 0 : index
      %swap3A_120 = vector.load %arg18[%swap3A_118, %swap3A_119] : memref<64x128xf32, #tpu.memory_space<vmem>>, vector<64x128xf32>
      tpu.vector_store %arg18[%swap3A_118, %swap3A_119], %broadcast_in_dim3A_117 {strides = array<i32>} : memref<64x128xf32, #tpu.memory_space<vmem>>, vector<64x128xf32>,
    } else {
    }
    %get3A_89 = arith.constant 0 : index
    %get3A_90 = arith.constant 0 : index
    %get3A_91 = vector.load %arg17[%get3A_89, %get3A_90] : memref<64x128xf32, #tpu.memory_space<vmem>>, vector<64x128xf32>
    %dot_general3A = arith.constant dense<0.000000e+00> : vector<64x128xf32>
    %dot_general3A_92 = tpu.matmul %convert_element_type3A_84, %max3A_78, %dot_general3A {dimension_numbers = #tpu.dot_dimension_numbers<[0], [0], [1], [1], [0, 1, 1, 1], [], []>, transpose_lhs_hint = false} : vector<1000x64xf32>, vector<1000x128xf32>, vector<64x128xf32> -> vector<64x128xf32>
    %add3A_93 = arith.addf %get3A_91, %dot_general3A_92 : vector<64x128xf32>
    %swap3A = arith.constant 0 : index
    %swap3A_94 = arith.constant 0 : index
    %swap3A_95 = vector.load %arg17[%swap3A, %swap3A_94] : memref<64x128xf32, #tpu.memory_space<vmem>>, vector<64x128xf32>
    tpu.vector_store %arg17[%swap3A, %swap3A_94], %add3A_93 {strides = array<i32>} : memref<64x128xf32, #tpu.memory_space<vmem>>, vector<64x128xf32>,
    %get3A_96 = arith.constant 0 : index
    %get3A_97 = arith.constant 0 : index
    %get3A_98 = vector.load %arg18[%get3A_96, %get3A_97] : memref<64x128xf32, #tpu.memory_space<vmem>>, vector<64x128xf32>
    %broadcast_in_dim3A = arith.constant 1.000000e+00 : f32
    %broadcast_in_dim3A_99 = vector.broadcast %broadcast_in_dim3A : f32 to vector<1000x128xf32>
    %dot_general3A_100 = arith.constant dense<0.000000e+00> : vector<64x128xf32>
    %dot_general3A_101 = tpu.matmul %convert_element_type3A_84, %broadcast_in_dim3A_99, %dot_general3A_100 {dimension_numbers = #tpu.dot_dimension_numbers<[0], [0], [1], [1], [0, 1, 1, 1], [], []>, transpose_lhs_hint = false} : vector<1000x64xf32>, vector<1000x128xf32>, vector<64x128xf32> -> vector<64x128xf32>
    %add3A_102 = arith.addf %get3A_98, %dot_general3A_101 : vector<64x128xf32>
    %swap3A_103 = arith.constant 0 : index
    %swap3A_104 = arith.constant 0 : index
    %swap3A_105 = vector.load %arg18[%swap3A_103, %swap3A_104] : memref<64x128xf32, #tpu.memory_space<vmem>>, vector<64x128xf32>
    tpu.vector_store %arg18[%swap3A_103, %swap3A_104], %add3A_102 {strides = array<i32>} : memref<64x128xf32, #tpu.memory_space<vmem>>, vector<64x128xf32>,
    %eq3A_106 = arith.constant 9 : i32
    %eq3A_107 = arith.cmpi eq, %arg0, %eq3A_106 : i32
    %convert_element_type3A_108 = arith.extui %eq3A_107 : i1 to i32
    %cond3A_109 = arith.constant 0 : i32
    %cond3A_110 = arith.cmpi ne, %convert_element_type3A_108, %cond3A_109 : i32
    scf.if %cond3A_110 {
      %get3A_111 = arith.constant 0 : index
      %get3A_112 = arith.constant 0 : index
      %get3A_113 = vector.load %arg17[%get3A_111, %get3A_112] : memref<64x128xf32, #tpu.memory_space<vmem>>, vector<64x128xf32>
      %get3A_114 = arith.constant 0 : index
      %get3A_115 = arith.constant 0 : index
      %get3A_116 = vector.load %arg18[%get3A_114, %get3A_115] : memref<64x128xf32, #tpu.memory_space<vmem>>, vector<64x128xf32>
      %max3A_117 = arith.constant 1.000000e+00 : f32
      %max3A_118 = vector.broadcast %max3A_117 : f32 to vector<64x128xf32>
      %max3A_119 = arith.maximumf %get3A_116, %max3A_118 : vector<64x128xf32>
      %div3A_120 = arith.divf %get3A_113, %max3A_119 : vector<64x128xf32>
      %get3A_121 = arith.constant 0 : index
      %get3A_122 = arith.constant 0 : index
      %get3A_123 = vector.load %arg14[%get3A_121, %get3A_122] : memref<128x10xf32, #tpu.memory_space<vmem>>, vector<128x10xf32>
      %dot_general3A_124 = arith.constant dense<0.000000e+00> : vector<64x10xf32>
      %dot_general3A_125 = tpu.matmul %div3A_120, %get3A_123, %dot_general3A_124 {dimension_numbers = #tpu.dot_dimension_numbers<[1], [0], [0], [1], [0, 0, 1, 1], [], []>, transpose_lhs_hint = false} : vector<64x128xf32>, vector<128x10xf32>, vector<64x10xf32> -> vector<64x10xf32>
      %get3A_126 = arith.constant 0 : index
      %get3A_127 = arith.constant 0 : index
      %get3A_128 = vector.load %arg15[%get3A_126, %get3A_127] : memref<1x10xf32, #tpu.memory_space<vmem>>, vector<1x10xf32>
      %add3A_129 = vector.broadcast %get3A_128 : vector<1x10xf32> to vector<64x10xf32>
      %add3A_130 = arith.addf %dot_general3A_125, %add3A_129 : vector<64x10xf32>
      %reduce_max3A = arith.constant dense<0xFF800000> : vector<64xf32>
      %reduce_max3A_131 = vector.multi_reduction <maximumf>, %add3A_130, %reduce_max3A [1] : vector<64x10xf32> to vector<64xf32>
      %broadcast_in_dim3A_132 = vector.shape_cast %reduce_max3A_131 : vector<64xf32> to vector<64x1xf32>
      %sub3A = vector.broadcast %broadcast_in_dim3A_132 : vector<64x1xf32> to vector<64x10xf32>
      %sub3A_133 = arith.subf %add3A_130, %sub3A : vector<64x10xf32>
      %exp3A_134 = math.exp %sub3A_133 : vector<64x10xf32>
      %reduce_sum3A = arith.constant dense<0.000000e+00> : vector<64xf32>
      %reduce_sum3A_135 = vector.multi_reduction <add>, %exp3A_134, %reduce_sum3A [1] : vector<64x10xf32> to vector<64xf32>
      %broadcast_in_dim3A_136 = vector.shape_cast %reduce_sum3A_135 : vector<64xf32> to vector<64x1xf32>
      %div3A_137 = vector.broadcast %broadcast_in_dim3A_136 : vector<64x1xf32> to vector<64x10xf32>
      %div3A_138 = arith.divf %exp3A_134, %div3A_137 : vector<64x10xf32>
      %swap3A_139 = arith.constant 0 : index
      %swap3A_140 = arith.constant 0 : index
      %swap3A_141 = vector.load %arg16[%swap3A_139, %swap3A_140] : memref<64x10xf32, #tpu.memory_space<vmem>>, vector<64x10xf32>
      tpu.vector_store %arg16[%swap3A_139, %swap3A_140], %div3A_138 {strides = array<i32>} : memref<64x10xf32, #tpu.memory_space<vmem>>, vector<64x10xf32>,
    } else {
    }
    return
  }
  func.func @transform_0(%arg0: i32) -> (i32, i32, i32) {
    %c0_i32 = arith.constant 0 : i32
    %c0_i32_0 = arith.constant 0 : i32
    %c0_i32_1 = arith.constant 0 : i32
    return %c0_i32, %arg0, %c0_i32_0 : i32, i32, i32
  }
  func.func @transform_1(%arg0: i32) -> (i32, i32, i32) {
    %c1_i32 = arith.constant 1 : i32
    %c0_i32 = arith.constant 0 : i32
    %c0_i32_0 = arith.constant 0 : i32
    return %c1_i32, %arg0, %c0_i32 : i32, i32, i32
  }
  func.func @transform_2(%arg0: i32) -> (i32, i32, i32) {
    %c0_i32 = arith.constant 0 : i32
    %c0_i32_0 = arith.constant 0 : i32
    %c0_i32_1 = arith.constant 0 : i32
    return %c0_i32, %arg0, %c0_i32_0 : i32, i32, i32
  }
  func.func @transform_3(%arg0: i32) -> (i32, i32, i32) {
    %c1_i32 = arith.constant 1 : i32
    %c0_i32 = arith.constant 0 : i32
    %c0_i32_0 = arith.constant 0 : i32
    return %c1_i32, %arg0, %c0_i32 : i32, i32, i32
  }
  func.func @transform_4(%arg0: i32) -> (i32, i32, i32) {
    %c0_i32 = arith.constant 0 : i32
    %c0_i32_0 = arith.constant 0 : i32
    %c0_i32_1 = arith.constant 0 : i32
    return %c0_i32, %arg0, %c0_i32_0 : i32, i32, i32
  }
  func.func @transform_5(%arg0: i32) -> (i32, i32, i32) {
    %c1_i32 = arith.constant 1 : i32
    %c0_i32 = arith.constant 0 : i32
    %c0_i32_0 = arith.constant 0 : i32
    return %c1_i32, %arg0, %c0_i32 : i32, i32, i32
  }
  func.func @transform_6(%arg0: i32) -> (i32, i32, i32) {
    %c0_i32 = arith.constant 0 : i32
    %c0_i32_0 = arith.constant 0 : i32
    %c0_i32_1 = arith.constant 0 : i32
    return %c0_i32, %arg0, %c0_i32_0 : i32, i32, i32
  }
  func.func @transform_7(%arg0: i32) -> (i32, i32, i32) {
    %c1_i32 = arith.constant 1 : i32
    %c0_i32 = arith.constant 0 : i32
    %c0_i32_0 = arith.constant 0 : i32
    return %c1_i32, %arg0, %c0_i32 : i32, i32, i32
  }
  func.func @transform_8(%arg0: i32) -> (i32, i32) {
    %c0_i32 = arith.constant 0 : i32
    %c0_i32_0 = arith.constant 0 : i32
    return %arg0, %c0_i32 : i32, i32
  }
  func.func @transform_9(%arg0: i32) -> (i32, i32) {
    %c0_i32 = arith.constant 0 : i32
    %c0_i32_0 = arith.constant 0 : i32
    return %arg0, %c0_i32 : i32, i32
  }
  func.func @transform_10(%arg0: i32) -> (i32, i32) {
    %c0_i32 = arith.constant 0 : i32
    %c0_i32_0 = arith.constant 0 : i32
    return %arg0, %c0_i32 : i32, i32
  }
  func.func @transform_11(%arg0: i32) -> (i32, i32) {
    %c0_i32 = arith.constant 0 : i32
    %c0_i32_0 = arith.constant 0 : i32
    %c0_i32_1 = arith.constant 0 : i32
    return %c0_i32, %c0_i32_0 : i32, i32
  }
  func.func @transform_12(%arg0: i32) -> (i32, i32) {
    %c0_i32 = arith.constant 0 : i32
    %c0_i32_0 = arith.constant 0 : i32
    return %arg0, %c0_i32 : i32, i32
  }
  func.func @transform_13(%arg0: i32) -> (i32, i32) {
    %c0_i32 = arith.constant 0 : i32
    %c0_i32_0 = arith.constant 0 : i32
    %c0_i32_1 = arith.constant 0 : i32
    return %c0_i32, %c0_i32_0 : i32, i32
  }
  func.func @transform_14(%arg0: i32) -> (i32, i32) {
    %c0_i32 = arith.constant 0 : i32
    %c0_i32_0 = arith.constant 0 : i32
    %c0_i32_1 = arith.constant 0 : i32
    return %c0_i32, %c0_i32_0 : i32, i32
  }
  func.func @transform_15(%arg0: i32) -> (i32, i32) {
    %c0_i32 = arith.constant 0 : i32
    %c0_i32_0 = arith.constant 0 : i32
    %c0_i32_1 = arith.constant 0 : i32
    return %c0_i32, %c0_i32_0 : i32, i32
  }
}

</mosaic_0001>

<sc_bundles>
// kernel: kernel.11.cloned.1.call-start
scs
__scs_entry_jumppad:
0x0: {  	(pc) =	sbr.rel $0x88, $3  }
0x1: {  	(tag) =	ssettag $0x0;
	lr =	simm.s32 $0x1  }
0x2: {  	[smem:$0x3F8F] =	sst lr;
	_ =	strace $0xD0000000  }
0x3: {  	_ = 	snop  }
0x4: {  	_ = 	snop  }
0x5: {  	_ = 	snop  }
0x6: {  	_ = 	snop  }
0x7: {  	_ = 	snop  }
__scs_overlays_trampoline_lowered:
0x8: {  	[smem:$0x3F9E] =	sst s0  }
0x9: {  	[smem:$0x3F9F] =	sst s1  }
0xa: {  	[smem:$0x3FA0] =	sst s2  }
0xb: {  	[smem:$0x3FA1] =	sst s3  }
0xc: {  	[smem:$0x3FA2] =	sst s4  }
0xd: {  	[smem:$0x3FA3] =	sst s5  }
0xe: {  	[smem:$0x3FA4] =	sst s6  }
0xf: {  	[smem:$0x3FA5] =	sst s7  }
0x10: {  	[smem:$0x3FA6] =	sst s8  }
0x11: {  	[smem:$0x3FA7] =	sst s9;
	s0 =	simm.s32 @!p0 $0x0  }
0x12: {  	s1 =	sld [smem:$0x3F8D];
	s0 =	simm.s32 @p0 $0x1  }
0x13: {  	[smem:$0x3FA8] =	sst s0;
	s0 =	simm.s32 @!p1 $0x0  }
0x14: {  	s2 =	sld [smem:$0x3F8C];
	s0 =	simm.s32 @p1 $0x1  }
0x15: {  	[smem:$0x3FA9] =	sst s0;
	s0 =	simm.s32 @!p2 $0x0  }
0x16: {  	s3 =	sld [smem:$0x3FDB];
	s0 =	simm.s32 @p2 $0x1  }
0x17: {  	s4 =	simm.s32 $0x1BF5;
	[smem:$0x3FAB] =	sst s0  }
0x18: {  	s0 =	sld [smem:$0x3F8E];
	_ =	swait.ge [sflag:s4], $0x0  }
0x19: {  	s7 =	sld [smem:$0x3F8F]  }
0x1a: {  	s8 =	sadd.s32 $0xFFFFE003, lr  }
0x1b: {  	s9 =	sadd.s32 $0xFFFFFEF7, lr;
	s5 =	simm.s32 $0xFFFFFFFF;
	p2 =	slt.u32 s8, $0xFFFFF086  }
0x1c: {  	p1 =	slt.u32 s9, $0xF7A;
	s5 =	simm.s32 @!p2 $0x0  }
0x1d: {  	s5 =	simm.s32 @p1 $0x1;
	p0 =	seq.s32 s7, s2  }
0x1e: {  	s7 =	smul.u32 @!p0 $0xF7A, s2;
	p2 =	seq.s32 @!p0 s5, $0x0  }
0x1f: {  	s9 =	smul.u32 $0xF7A, s1;
	s8 =	simm.s32 @!p0 $0x1BF5;
	p2 =	por !p2, p0  }
0x20: {  	[sflag:s8] =	ssyncset.s32 @!p0 $0xFFFFF086;
	s6 =	sadd.s32 @!p0 s3, s7;
	s7 =	simm.s32 @!p0 $0x108  }
0x21: {  	s3 =	sadd.s32 s3, s9;
	s6 =	sadd.s32 @!p0 $0x88, s6;
	s7 =	simm.s32 @p2 $0x1082  }
0x22: {  	[simem:s7], [sflag:s8] =	dma.local @!p0 [hbm:s6], $0xF7A  }
0x23: {  	s9 =	sor.u32 $0xD0000000, s2;
	s6 =	simm.s32 $0x108;
	_ =	swait.ge @!p0 [sflag:s8], $0x0  }
0x24: {  	s3 =	sadd.s32 $0x88, s3;
	s6 =	simm.s32 @!p1 $0x1082;
	[sflag:s4] =	ssyncset.s32 $0xFFFFF086  }
0x25: {  	[simem:s6], [sflag:s4] =	dma.local [hbm:s3], $0xF7A  }
0x26: {  	[smem:$0x3F8F] =	sst s1;
	(tag) =	ssettag s2;
	_ =	strace s9  }
0x27: {  	s1 =	sld [smem:$0x3F9F]  }
0x28: {  	s2 =	sld [smem:$0x3FA0]  }
0x29: {  	s4 =	sld [smem:$0x3FA2]  }
0x2a: {  	p0 =	seq.s32 s5, $0x0;
	s5 =	sld [smem:$0x3FA3]  }
0x2b: {  	s6 =	sld [smem:$0x3FA4]  }
0x2c: {  	s7 =	sld [smem:$0x3FA5]  }
0x2d: {  	s3 =	simm.s32 $0x108;
	s8 =	sld [smem:$0x3FA6]  }
0x2e: {  	s3 =	simm.s32 @!p0 $0x1082;
	s9 =	sld [smem:$0x3FA7]  }
0x2f: {  	lr =	sadd.s32 s0, s3;
	s0 =	sld [smem:$0x3F9E]  }
0x30: {  	s3 =	sld [smem:$0x3FA1]  }
0x31: {  	[smem:$0x3FAA] =	sst s10  }
0x32: {  	s10 =	sld [smem:$0x3FA8];
	_ =	sdelay $0x3  }
0x33: {  	p0 =	seq.s32 s10, $0x1;
	s10 =	sld [smem:$0x3FAA];
	_ =	sdelay $0x3  }
0x34: {  	[smem:$0x3FAA] =	sst s10  }
0x35: {  	s10 =	sld [smem:$0x3FA9];
	_ =	sdelay $0x3  }
0x36: {  	p1 =	seq.s32 s10, $0x1;
	s10 =	sld [smem:$0x3FAA];
	_ =	sdelay $0x3  }
0x37: {  	[smem:$0x3FAA] =	sst s10  }
0x38: {  	s10 =	sld [smem:$0x3FAB]  }
0x39: {  	_ = 	snop;
	(pc) =	sbr.ind lr, $3  }
0x3a: {  	_ = 	snop  }
0x3b: {  	_ = 	snop  }
0x3c: {  	p2 =	seq.s32 s10, $0x1;
	s10 =	sld [smem:$0x3FAA]  }
0x3d: {  	_ =	shalt  }
0x3e: {  	_ =	shalt  }
0x3f: {  	_ =	shalt  }
0x40: {  	_ =	shalt  }
0x41: {  	_ =	shalt  }
0x42: {  	_ =	shalt  }
0x43: {  	_ =	shalt  }
0x44: {  	_ =	shalt  }
0x45: {  	_ =	shalt  }
0x46: {  	_ =	shalt  }
0x47: {  	_ =	shalt  }
0x48: {  	_ =	shalt  }
0x49: {  	_ =	shalt  }
0x4a: {  	_ =	shalt  }
0x4b: {  	_ =	shalt  }
0x4c: {  	_ =	shalt  }
0x4d: {  	_ =	shalt  }
0x4e: {  	_ =	shalt  }
0x4f: {  	_ =	shalt  }
0x50: {  	_ =	shalt  }
0x51: {  	_ =	shalt  }
0x52: {  	_ =	shalt  }
0x53: {  	_ =	shalt  }
0x54: {  	_ =	shalt  }
0x55: {  	_ =	shalt  }
0x56: {  	_ =	shalt  }
0x57: {  	_ =	shalt  }
0x58: {  	_ =	shalt  }
0x59: {  	_ =	shalt  }
0x5a: {  	_ =	shalt  }
0x5b: {  	_ =	shalt  }
0x5c: {  	_ =	shalt  }
0x5d: {  	_ =	shalt  }
0x5e: {  	_ =	shalt  }
0x5f: {  	_ =	shalt  }
0x60: {  	_ =	shalt  }
0x61: {  	_ =	shalt  }
0x62: {  	_ =	shalt  }
0x63: {  	_ =	shalt  }
0x64: {  	_ =	shalt  }
0x65: {  	_ =	shalt  }
0x66: {  	_ =	shalt  }
0x67: {  	_ =	shalt  }
0x68: {  	_ =	shalt  }
0x69: {  	_ =	shalt  }
0x6a: {  	_ =	shalt  }
0x6b: {  	_ =	shalt  }
0x6c: {  	_ =	shalt  }
0x6d: {  	_ =	shalt  }
0x6e: {  	_ =	shalt  }
0x6f: {  	_ =	shalt  }
0x70: {  	_ =	shalt  }
0x71: {  	_ =	shalt  }
0x72: {  	_ =	shalt  }
0x73: {  	_ =	shalt  }
0x74: {  	_ =	shalt  }
0x75: {  	_ =	shalt  }
0x76: {  	_ =	shalt  }
0x77: {  	_ =	shalt  }
0x78: {  	_ =	shalt  }
0x79: {  	_ =	shalt  }
0x7a: {  	_ =	shalt  }
0x7b: {  	_ =	shalt  }
0x7c: {  	_ =	shalt  }
0x7d: {  	_ =	shalt  }
0x7e: {  	_ =	shalt  }
0x7f: {  	_ =	shalt  }
0x80: {  	_ =	shalt  }
0x81: {  	_ =	shalt  }
0x82: {  	_ =	shalt  }
0x83: {  	_ =	shalt  }
0x84: {  	_ =	shalt  }
0x85: {  	_ =	shalt  }
0x86: {  	_ =	shalt  }
0x87: {  	_ =	shalt  }
.Lfunc_end0:
.L_simem_size_0:
called_computation_lowered:
.L_overlay_start_0:
0x88: {  	s2 =	sld [smem:$0x3FD9]  }
0x89: {  	s3 =	sld [smem:$0x3FFE];
	_ =	sdelay $0x1  }
0x8a: {  	s1 =	srdreg.scid  }
0x8b: {  	s0 =	sand.u32 $0x1, s1  }
0x8c: {  	s16 =	sshll.u32 s0, $0xA;
	s2 =	sadd.s32 s3, s2  }
0x8d: {  	s2 =	sadd.s32 s2, s16  }
0x8e: {  	[smem:$0x3FB6] =	sst s2  }
0x8f: {  	_ = 	snop  }
0x90: {  	(tm) =	ssettm $0x1  }
0x91: {  	s17 =	sld [smem:$0x3FFB];
	_ =	sdelay $0x3  }
0x92: {  	_ =	strace s17  }
0x93: {  	s2 =	sld [smem:$0x3FFC];
	_ =	sdelay $0x3  }
0x94: {  	_ =	strace s2  }
0x95: {  	s2 =	sld [smem:$0x3FFD];
	_ =	sdelay $0x3  }
0x96: {  	_ =	strace s2  }
0x97: {  	_ =	strace $0x8FFFFFFF  }
0x98: {  	s18 =	sld [smem:$0x3FDB];
	_ =	sdelay $0x1  }
0x99: {  	s19 =	simm.s32 $_scs_section_size  }
0x9a: {  	s4 =	simm.s32 $_size__tile_overlayer_lowered;
	s5 =	simm.s32 $_tile_overlayer_lowered  }
0x9b: {  	s22 =	simm.s32 $0x1BFF;
	s21 =	sshll.u32 s5, $0x1;
	s2 =	sadd.s32 s19, s18  }
0x9c: {  	s6 =	simm.s32 $0x0;
	s20 =	sshll.u32 s4, $0x1;
	s4 =	sadd.s32 s21, s2  }
0x9d: {  	[timem:s6], [sflag:s22] =	dma.local [hbm:s4], s20  }
0x9e: {  	_ =	swait.ge [sflag:s22], s20  }
0x9f: {  	s3 =	ssub.s32 $0x0, s20;
	[sflag:s22] =	ssyncset.done $0x0  }
0xa0: {  	[sflag:s22] =	ssyncadd.s32 s3;
	_ =	sdelay $0x1  }
0xa1: {  	s23 =	simm.s32 $0x1B8B  }
0xa2: {  	_ =	swait.ge [sflag:s23], $0x1  }
0xa3: {  	[sflag:s23] =	ssyncset.done $0x0  }
0xa4: {  	s25 =	simm.s32 $0x1B8E;
	s24 =	sld [smem:$0x3FFE];
	[sflag:s23] =	ssyncadd.s32 $0xFFFFFFFF  }
0xa5: {  	s26 =	simm.s32 $execute0_lowered;
	[smem:$0x3FD2] =	sst s25  }
0xa6: {  	s4 =	sshll.u32 s26, $0x1;
	_ =	strace $0x80000046;
	[dreg:$0x1] =	wrdreg $0xFFFFFFFF  }
0xa7: {  	s28 =	simm.s32 $_size_execute0_lowered;
	s2 =	sadd.s32 s2, s4;
	[dreg:$0x0] =	wrdreg $0x0  }
0xa8: {  	s4 =	sshll.u32 s28, $0x1;
	[dreg:$0x2] =	wrdreg s2  }
0xa9: {  	[dreg:$0x3] =	wrdreg s4  }
0xaa: {  	[dreg:$0x4] =	wrdreg $0xC0  }
0xab: {  	_ =	task [dreg:s6], $0x5FFFF  }
0xac: {  	[dreg:$0x1] =	wrdreg $0xFFFFFFFF  }
0xad: {  	[dreg:$0x0] =	wrdreg $0x60  }
0xae: {  	[dreg:$0x2] =	wrdreg s24  }
0xaf: {  	[dreg:$0x3] =	wrdreg $0xF3000  }
0xb0: {  	[dreg:$0x4] =	wrdreg $0xF5800  }
0xb1: {  	[dreg:$0x5] =	wrdreg $0xF8000  }
0xb2: {  	[dreg:$0x6] =	wrdreg $0x9  }
0xb3: {  	_ =	task.clear_ibuf [dreg:s6], $0x7FFFF;
	_ =	strace $0x90000046  }
0xb4: {  	s29 =	simm.s32 $0x9;
	_ =	strace $0x80000048  }
0xb5: {  	_ =	swait.ge [sflag:s29], $0x1  }
0xb6: {  	[sflag:s29] =	ssyncadd.s32 $0xFFFFFFFF  }
0xb7: {  	_ =	strace $0x90000048  }
0xb8: {  	_ =	sfence  }
0xb9: {  	s30 =	sld [smem:$0x0];
	_ =	sdelay $0x2  }
0xba: {  	s31 =	sshll.u32 s1, $0xD;
	s1 =	sshrl.u32 s1, $0x2  }
0xbb: {  	s3 =	sand.u32 $0x4000, s31;
	s1 =	sadd.s32 s1, s30  }
0xbc: {  	s0 =	sor.u32 s3, s0;
	s1 =	sshll.u32 s1, $0x11  }
0xbd: {  	s0 =	sor.u32 s1, s0  }
0xbe: {  	s0 =	sadd.s32 $0x8F2B, s0  }
0xbf: {  	[sflag:s0] =	ssyncadd.remote.s32 $0x1  }
0xc0: {  	_ =	sfence.sel $0xFFFF  }
0xc1: {  	[dreg:$0x0] =	wrdreg $0xFFFFFFFF;
	(pc) =	sbr.abs _section_cstart, $3  }
0xc2: {  	[dreg:$0x1] =	wrdreg $0xFFFFFFFF  }
0xc3: {  	_ =	task.clear_ibuf [dreg:s6], $0x2FFFF;
	_ =	strace $0x9FFFFFFF  }
0xc4: {  	(tm) =	ssettm $0x7FFFFFFF  }
0xc5: {  	_ =	shalt  }
tec
execute0_lowered:
.L_overlay_start_1:
0x0: {  	(tag) =	ssettag $0x1  }
0x1: {  	s0 =	rddreg [dreg:$0x0]  }
0x2: {  	s1 =	rddreg [dreg:$0x1]  }
0x3: {  	s2 =	rddreg [dreg:$0x2]  }
0x4: {  	s3 =	rddreg [dreg:$0x3];
	s4 =	srdreg.scid;
	s5 =	simm.s32 $0x0  }
0x5: {  	s7 =	stileid.u32;
	s19 =	simm.s32 $0x2;
	s22 =	simm.s32 $0xA080  }
0x6: {  	s23 =	simm.s32 $0xC880;
	s24 =	simm.s32 $0xF080;
	s25 =	simm.s32 $0x80  }
0x7: {  	s29 =	simm.s32 $0x1;
	s30 =	simm.s32 $0x20;
	s31 =	simm.s32 $0x10  }
0x8: {  	s4 =	sand.u32 $0x1, s4;
	[smem:$0x7FF] =	sst s5;
	s8 =	smul.u32 $0x500, s7  }
0x9: {  	s9 =	sadd.s32 $0x78E00, s0;
	s10 =	sadd.s32 $0x79400, s0;
	s13 =	smul.u32 $0x280, s7  }
0xa: {  	s6 =	sshll.u32 s4, $0x4;
	_ =	strace $0x80000047;
	[dreg:$0x5] =	wrdreg s9  }
0xb: {  	s26 =	sshll.u32 s4, $0x7;
	[dreg:$0x6] =	wrdreg s10;
	s4 =	ssub.s32 $0x2, s4  }
0xc: {  	s6 =	sor.u32 s7, s6;
	s8 =	sor.u32 s26, s8;
	s28 =	sshrl.u32 s4, $0x1  }
0xd: {  	s11 =	sadd.s32 s13, s1;
	s12 =	sadd.s32 s13, s2;
	s6 =	smul.u32 $0x500, s6  }
0xe: {  	s13 =	sadd.s32 s13, s3;
	s26 =	simm.s32 $0xA000;
	s4 =	ssub.s32 s4, s28  }
0xf: {  	s8 =	sshrl.u32 s8, $0x3;
	s18 =	smax.u32 s4, $0x1;
	s6 =	sadd.s32 s6, s0  }
0x10: {  	s0 =	sadd.s32 s8, s0;
	s8 =	sadd.s32 $0x79A00, s6;
	s9 =	sadd.s32 $0x83A00, s6  }
0x11: {  	s10 =	sadd.s32 $0x8DA00, s6;
	s14 =	sadd.s32 $0xA3800, s6;
	s15 =	sadd.s32 $0xA2400, s0  }
0x12: {  	v0 =	vimm.f32 $0.0e+00;
	v1 =	vimm.f32 $1.000000000e+00;
	s16 =	sadd.s32 $0xA2E00, s0;
	s17 =	sadd.s32 $0xA1A00, s0;
	s0 =	simm.s32 $0x0  }
.LBB2_1:
0x13: {  	[tilespmem:s5], [sflag:$0x2] =	stream.linear.gather [hbm4b:s8+s5], $0x2800, $0x38;
	[tilespmem:$0xFA80] =	vst v63  }
0x14: {  	_ =	swait.ge [sflag:s19], $0x2800  }
0x15: {  	[sflag:s19] =	ssyncset.done $0x0  }
0x16: {  	s4 =	simm.s32 $0x2800;
	[sflag:s19] =	ssyncadd.s32 $0xFFFFD800  }
0x17: {  	[tilespmem:s4], [sflag:$0x2] =	stream.linear.gather [hbm4b:s9+s5], $0x2800, $0x38;
	[tilespmem:$0xFA80] =	vst v63  }
0x18: {  	_ =	swait.ge [sflag:s19], $0x2800  }
0x19: {  	[sflag:s19] =	ssyncset.done $0x0  }
0x1a: {  	s7 =	simm.s32 $0x5000;
	[sflag:s19] =	ssyncadd.s32 $0xFFFFD800  }
0x1b: {  	[tilespmem:s7], [sflag:$0x2] =	stream.linear.gather [hbm4b:s10+s5], $0x2800, $0x38;
	[tilespmem:$0xFA80] =	vst v63  }
0x1c: {  	_ =	swait.ge [sflag:s19], $0x2800  }
0x1d: {  	[sflag:s19] =	ssyncset.done $0x0  }
0x1e: {  	s20 =	rddreg [dreg:$0x5];
	[sflag:s19] =	ssyncadd.s32 $0xFFFFD800  }
0x1f: {  	[tilespmem:s22], [sflag:$0x2] =	stream.linear.gather [hbm4b:s20+s5], $0x2800, $0x38;
	[tilespmem:$0xFA80] =	vst v63  }
0x20: {  	_ =	swait.ge [sflag:s19], $0x2800  }
0x21: {  	[sflag:s19] =	ssyncset.done $0x0  }
0x22: {  	s21 =	rddreg [dreg:$0x6];
	[sflag:s19] =	ssyncadd.s32 $0xFFFFD800  }
0x23: {  	[tilespmem:s23], [sflag:$0x2] =	stream.linear.gather [hbm4b:s21+s5], $0x2800, $0x38;
	[tilespmem:$0xFA80] =	vst v63  }
0x24: {  	_ =	swait.ge [sflag:s19], $0x2800  }
0x25: {  	[sflag:s19] =	ssyncset.done $0x0  }
0x26: {  	[sflag:s19] =	ssyncadd.s32 $0xFFFFD800  }
0x27: {  	[tilespmem:$0xF080] =	vst v0  }
0x28: {  	[tilespmem:$0xF090] =	vst v0  }
0x29: {  	[tilespmem:$0xF0A0] =	vst v0  }
0x2a: {  	[tilespmem:$0xF0B0] =	vst v0  }
0x2b: {  	[tilespmem:$0xF0C0] =	vst v0  }
0x2c: {  	[tilespmem:$0xF0D0] =	vst v0  }
0x2d: {  	[tilespmem:$0xF0E0] =	vst v0  }
0x2e: {  	[tilespmem:$0xF0F0] =	vst v0  }
0x2f: {  	[tilespmem:$0xF100] =	vst v0  }
0x30: {  	[tilespmem:$0xF110] =	vst v0  }
0x31: {  	[tilespmem:$0xF120] =	vst v0  }
0x32: {  	[tilespmem:$0xF130] =	vst v0  }
0x33: {  	[tilespmem:$0xF140] =	vst v0  }
0x34: {  	[tilespmem:$0xF150] =	vst v0  }
0x35: {  	[tilespmem:$0xF160] =	vst v0  }
0x36: {  	[tilespmem:$0xF170] =	vst v0  }
0x37: {  	[tilespmem:$0xF180] =	vst v0  }
0x38: {  	[tilespmem:$0xF190] =	vst v0  }
0x39: {  	[tilespmem:$0xF1A0] =	vst v0  }
0x3a: {  	[tilespmem:$0xF1B0] =	vst v0  }
0x3b: {  	[tilespmem:$0xF1C0] =	vst v0  }
0x3c: {  	[tilespmem:$0xF1D0] =	vst v0  }
0x3d: {  	[tilespmem:$0xF1E0] =	vst v0  }
0x3e: {  	[tilespmem:$0xF1F0] =	vst v0  }
0x3f: {  	[tilespmem:$0xF200] =	vst v0  }
0x40: {  	[tilespmem:$0xF210] =	vst v0  }
0x41: {  	[tilespmem:$0xF220] =	vst v0  }
0x42: {  	[tilespmem:$0xF230] =	vst v0  }
0x43: {  	[tilespmem:$0xF240] =	vst v0  }
0x44: {  	[tilespmem:$0xF250] =	vst v0  }
0x45: {  	[tilespmem:$0xF260] =	vst v0  }
0x46: {  	[tilespmem:$0xF270] =	vst v0  }
0x47: {  	[tilespmem:$0xF280] =	vst v0  }
0x48: {  	[tilespmem:$0xF290] =	vst v0  }
0x49: {  	[tilespmem:$0xF2A0] =	vst v0  }
0x4a: {  	[tilespmem:$0xF2B0] =	vst v0  }
0x4b: {  	[tilespmem:$0xF2C0] =	vst v0  }
0x4c: {  	[tilespmem:$0xF2D0] =	vst v0  }
0x4d: {  	[tilespmem:$0xF2E0] =	vst v0  }
0x4e: {  	[tilespmem:$0xF2F0] =	vst v0  }
0x4f: {  	[tilespmem:$0xA000] =	vst v1  }
0x50: {  	[tilespmem:$0xA010] =	vst v1  }
0x51: {  	[tilespmem:$0xA020] =	vst v1  }
0x52: {  	[tilespmem:$0xA030] =	vst v1  }
0x53: {  	[tilespmem:$0xA040] =	vst v1  }
0x54: {  	[tilespmem:$0xA050] =	vst v1  }
0x55: {  	[tilespmem:$0xA060] =	vst v1  }
0x56: {  	[tilespmem:$0xA070] =	vst v1  }
0x57: {  	[spmem:s11] =	stream.linear.scatter [tilespmem:s24], [sflag:$0x2], $0x280, $0x38;
	[tilespmem:$0xFA80] =	vst v63  }
0x58: {  	_ =	swait.ge [sflag:s19], $0x280  }
0x59: {  	[sflag:s19] =	ssyncset.done $0x0  }
0x5a: {  	[sflag:s19] =	ssyncadd.s32 $0xFFFFFD80  }
0x5b: {  	[spmem:s12] =	stream.linear.scatter [tilespmem:s24], [sflag:$0x2], $0x280, $0x38;
	[tilespmem:$0xFA80] =	vst v63  }
0x5c: {  	_ =	swait.ge [sflag:s19], $0x280  }
0x5d: {  	[sflag:s19] =	ssyncset.done $0x0  }
0x5e: {  	[sflag:s19] =	ssyncadd.s32 $0xFFFFFD80  }
0x5f: {  	[spmem:s13] =	stream.linear.scatter [tilespmem:s24], [sflag:$0x2], $0x280, $0x38;
	[tilespmem:$0xFA80] =	vst v63  }
0x60: {  	_ =	swait.ge [sflag:s19], $0x280  }
0x61: {  	[sflag:s19] =	ssyncset.done $0x0  }
0x62: {  	[sflag:s19] =	ssyncadd.s32 $0xFFFFFD80  }
0x63: {  	s20 =	simm.s32 $0x0;
	[bflag:$0x0] =	sbarrier.arrive $0xFFFF  }
0x64: {  	v2 =	vld [tilespmem:s20+$0x0]  }
0x65: {  	v3 =	vld [tilespmem:s20+$0x2800];
	_ =	sdelay $0x6  }
0x66: {  	v2 =	vld.idx.msk [tilespmem:v2+s22+$0x0], $0xffff  }
0x67: {  	v3 =	vld.idx.msk [tilespmem:v3+s23+$0x0], $0xffff;
	_ =	sdelay $0x1  }
0x68: {  	v4 =	vld [tilespmem:s20+$0x5000];
	_ =	sdelay $0x2  }
0x69: {  	v2 =	vadd.f32 v3, v2;
	_ =	sdelay $0x1  }
0x6a: {  	v2 =	vadd.f32 v4, v2;
	_ =	sdelay $0x1  }
0x6b: {  	v3 =	vmul.f32 $2.000000030e-01, v2  }
0x6c: {  	vm0 =	vge.f32 v2, $0.0e+00  }
0x6d: {  	v2 =	vsel vm0, v2, v3  }
0x6e: {  	v2 =	vmul.f32 $1.442695020e+00, v2;
	_ =	sdelay $0x1  }
0x6f: {  	(erf) = vpow2.f32 v2;
	_ =	sdelay $0x2  }
0x70: {  	v2 =	vld [tilespmem:s20+$0x10]  }
0x71: {  	v3 =	vld [tilespmem:s20+$0x2810];
	_ =	sdelay $0x4  }
0x72: {  	v51 =	vpop (erf)  }
0x73: {  	[tilespmem:s20+$0x7800] =	vst v51  }
0x74: {  	v2 =	vld.idx.msk [tilespmem:v2+s22+$0x0], $0xffff  }
0x75: {  	v3 =	vld.idx.msk [tilespmem:v3+s23+$0x0], $0xffff;
	_ =	sdelay $0x1  }
0x76: {  	v52 =	vld [tilespmem:s20+$0x5010];
	_ =	sdelay $0x2  }
0x77: {  	v2 =	vadd.f32 v3, v2;
	_ =	sdelay $0x1  }
0x78: {  	v2 =	vadd.f32 v52, v2;
	_ =	sdelay $0x1  }
0x79: {  	v3 =	vmul.f32 $2.000000030e-01, v2  }
0x7a: {  	vm9 =	vge.f32 v2, $0.0e+00  }
0x7b: {  	v2 =	vsel vm9, v2, v3  }
0x7c: {  	v2 =	vmul.f32 $1.442695020e+00, v2;
	_ =	sdelay $0x1  }
0x7d: {  	(erf) = vpow2.f32 v2;
	_ =	sdelay $0x2  }
0x7e: {  	v2 =	vld [tilespmem:s20+$0x20]  }
0x7f: {  	v3 =	vld [tilespmem:s20+$0x2820];
	_ =	sdelay $0x4  }
0x80: {  	v53 =	vpop (erf)  }
0x81: {  	[tilespmem:s20+$0x7810] =	vst v53  }
0x82: {  	v2 =	vld.idx.msk [tilespmem:v2+s22+$0x0], $0xffff  }
0x83: {  	v3 =	vld.idx.msk [tilespmem:v3+s23+$0x0], $0xffff;
	_ =	sdelay $0x1  }
0x84: {  	v54 =	vld [tilespmem:s20+$0x5020];
	_ =	sdelay $0x2  }
0x85: {  	v2 =	vadd.f32 v3, v2;
	_ =	sdelay $0x1  }
0x86: {  	v2 =	vadd.f32 v54, v2;
	_ =	sdelay $0x1  }
0x87: {  	v3 =	vmul.f32 $2.000000030e-01, v2  }
0x88: {  	vm10 =	vge.f32 v2, $0.0e+00  }
0x89: {  	v2 =	vsel vm10, v2, v3  }
0x8a: {  	v2 =	vmul.f32 $1.442695020e+00, v2;
	_ =	sdelay $0x1  }
0x8b: {  	(erf) = vpow2.f32 v2;
	_ =	sdelay $0x2  }
0x8c: {  	v2 =	vld [tilespmem:s20+$0x30]  }
0x8d: {  	v3 =	vld [tilespmem:s20+$0x2830];
	_ =	sdelay $0x4  }
0x8e: {  	v55 =	vpop (erf)  }
0x8f: {  	[tilespmem:s20+$0x7820] =	vst v55  }
0x90: {  	v2 =	vld.idx.msk [tilespmem:v2+s22+$0x0], $0xffff  }
0x91: {  	v3 =	vld.idx.msk [tilespmem:v3+s23+$0x0], $0xffff;
	_ =	sdelay $0x1  }
0x92: {  	v56 =	vld [tilespmem:s20+$0x5030];
	_ =	sdelay $0x2  }
0x93: {  	v2 =	vadd.f32 v3, v2;
	_ =	sdelay $0x1  }
0x94: {  	v2 =	vadd.f32 v56, v2;
	_ =	sdelay $0x1  }
0x95: {  	v3 =	vmul.f32 $2.000000030e-01, v2  }
0x96: {  	vm11 =	vge.f32 v2, $0.0e+00  }
0x97: {  	v2 =	vsel vm11, v2, v3  }
0x98: {  	v2 =	vmul.f32 $1.442695020e+00, v2;
	_ =	sdelay $0x1  }
0x99: {  	(erf) = vpow2.f32 v2;
	_ =	sdelay $0x2  }
0x9a: {  	v2 =	vld [tilespmem:s20+$0x40]  }
0x9b: {  	v3 =	vld [tilespmem:s20+$0x2840];
	_ =	sdelay $0x4  }
0x9c: {  	v57 =	vpop (erf)  }
0x9d: {  	[tilespmem:s20+$0x7830] =	vst v57  }
0x9e: {  	v2 =	vld.idx.msk [tilespmem:v2+s22+$0x0], $0xffff  }
0x9f: {  	v3 =	vld.idx.msk [tilespmem:v3+s23+$0x0], $0xffff;
	_ =	sdelay $0x1  }
0xa0: {  	v58 =	vld [tilespmem:s20+$0x5040];
	_ =	sdelay $0x2  }
0xa1: {  	v2 =	vadd.f32 v3, v2;
	_ =	sdelay $0x1  }
0xa2: {  	v2 =	vadd.f32 v58, v2;
	_ =	sdelay $0x1  }
0xa3: {  	v3 =	vmul.f32 $2.000000030e-01, v2  }
0xa4: {  	vm12 =	vge.f32 v2, $0.0e+00  }
0xa5: {  	v2 =	vsel vm12, v2, v3  }
0xa6: {  	v2 =	vmul.f32 $1.442695020e+00, v2;
	_ =	sdelay $0x1  }
0xa7: {  	(erf) = vpow2.f32 v2;
	_ =	sdelay $0x2  }
0xa8: {  	v2 =	vld [tilespmem:s20+$0x50]  }
0xa9: {  	v3 =	vld [tilespmem:s20+$0x2850];
	_ =	sdelay $0x4  }
0xaa: {  	v5 =	vpop (erf)  }
0xab: {  	[tilespmem:s20+$0x7840] =	vst v5  }
0xac: {  	v2 =	vld.idx.msk [tilespmem:v2+s22+$0x0], $0xffff  }
0xad: {  	v3 =	vld.idx.msk [tilespmem:v3+s23+$0x0], $0xffff;
	_ =	sdelay $0x1  }
0xae: {  	v59 =	vld [tilespmem:s20+$0x5050];
	_ =	sdelay $0x2  }
0xaf: {  	v2 =	vadd.f32 v3, v2;
	_ =	sdelay $0x1  }
0xb0: {  	v2 =	vadd.f32 v59, v2;
	_ =	sdelay $0x1  }
0xb1: {  	v3 =	vmul.f32 $2.000000030e-01, v2  }
0xb2: {  	vm13 =	vge.f32 v2, $0.0e+00  }
0xb3: {  	v2 =	vsel vm13, v2, v3  }
0xb4: {  	v2 =	vmul.f32 $1.442695020e+00, v2;
	_ =	sdelay $0x1  }
0xb5: {  	(erf) = vpow2.f32 v2;
	_ =	sdelay $0x2  }
0xb6: {  	v2 =	vld [tilespmem:s20+$0x60]  }
0xb7: {  	v3 =	vld [tilespmem:s20+$0x2860];
	_ =	sdelay $0x4  }
0xb8: {  	v61 =	vpop (erf)  }
0xb9: {  	[tilespmem:s20+$0x7850] =	vst v61  }
0xba: {  	v2 =	vld.idx.msk [tilespmem:v2+s22+$0x0], $0xffff  }
0xbb: {  	v3 =	vld.idx.msk [tilespmem:v3+s23+$0x0], $0xffff;
	_ =	sdelay $0x1  }
0xbc: {  	v60 =	vld [tilespmem:s20+$0x5060];
	_ =	sdelay $0x2  }
0xbd: {  	v2 =	vadd.f32 v3, v2;
	_ =	sdelay $0x1  }
0xbe: {  	v2 =	vadd.f32 v60, v2;
	_ =	sdelay $0x1  }
0xbf: {  	v3 =	vmul.f32 $2.000000030e-01, v2  }
0xc0: {  	vm14 =	vge.f32 v2, $0.0e+00  }
0xc1: {  	v2 =	vsel vm14, v2, v3  }
0xc2: {  	v2 =	vmul.f32 $1.442695020e+00, v2;
	_ =	sdelay $0x1  }
0xc3: {  	(erf) = vpow2.f32 v2;
	_ =	sdelay $0x2  }
0xc4: {  	v2 =	vld [tilespmem:s20+$0x70]  }
0xc5: {  	v3 =	vld [tilespmem:s20+$0x2870];
	_ =	sdelay $0x4  }
0xc6: {  	v63 =	vpop (erf)  }
0xc7: {  	[tilespmem:s20+$0x7860] =	vst v63  }
0xc8: {  	v2 =	vld.idx.msk [tilespmem:v2+s22+$0x0], $0xffff  }
0xc9: {  	v3 =	vld.idx.msk [tilespmem:v3+s23+$0x0], $0xffff;
	_ =	sdelay $0x1  }
0xca: {  	v62 =	vld [tilespmem:s20+$0x5070];
	_ =	sdelay $0x2  }
0xcb: {  	v2 =	vadd.f32 v3, v2;
	_ =	sdelay $0x1  }
0xcc: {  	v2 =	vadd.f32 v62, v2;
	_ =	sdelay $0x1  }
0xcd: {  	v3 =	vmul.f32 $2.000000030e-01, v2  }
0xce: {  	vm15 =	vge.f32 v2, $0.0e+00  }
0xcf: {  	v2 =	vsel vm15, v2, v3  }
0xd0: {  	v2 =	vmul.f32 $1.442695020e+00, v2;
	_ =	sdelay $0x1  }
0xd1: {  	(erf) = vpow2.f32 v2;
	_ =	sdelay $0x2  }
0xd2: {  	s28 =	simm.s32 $0x2800  }
0xd3: {  	s6 =	simm.s32 $0x5000;
	s4 =	simm.s32 $0x7800;
	s21 =	simm.s32 $0x200  }
.LBB2_2:
0xd4: {  	_ =	sdelay $0x1  }
0xd5: {  	p0 =	sne.s32 s21, $0x9E00;
	s7 =	smov.u32 s21;
	s21 =	sadd.s32 $0x200, s21  }
0xd6: {  	_ = 	snop  }
0xd7: {  	v2 =	vpop (erf)  }
0xd8: {  	[tilespmem:s20+$0x7870] =	vst v2  }
0xd9: {  	[spmem:s1] =	stream.indirect.scatter.add.f32 [tilespmem:s4], [sflag:$0x1], $0x1, s28, s25, $0xb8;
	[tilespmem:$0xFA80] =	vst v63  }
0xda: {  	_ = 	snop  }
0xdb: {  	[spmem:s2] =	stream.indirect.scatter.add.f32 [tilespmem:s6], [sflag:$0x1], $0x1, s28, s25, $0xb8;
	[tilespmem:$0xFA80] =	vst v63  }
0xdc: {  	s20 =	sshra.s32 s7, $0x2  }
0xdd: {  	[spmem:s3] =	stream.indirect.scatter.add.f32 [tilespmem:s26], [sflag:$0x1], $0x1, s28, s25, $0xb8;
	[tilespmem:$0xFA80] =	vst v63  }
0xde: {  	v2 =	vld [tilespmem:s20+$0x0]  }
0xdf: {  	v3 =	vld [tilespmem:s20+$0x2800];
	_ =	sdelay $0x6  }
0xe0: {  	v2 =	vld.idx.msk [tilespmem:v2+s22+$0x0], $0xffff  }
0xe1: {  	v3 =	vld.idx.msk [tilespmem:v3+s23+$0x0], $0xffff;
	_ =	sdelay $0x1  }
0xe2: {  	v4 =	vld [tilespmem:s20+$0x5000];
	_ =	sdelay $0x3  }
0xe3: {  	v2 =	vadd.f32 v3, v2;
	_ =	sdelay $0x1  }
0xe4: {  	v2 =	vadd.f32 v4, v2;
	_ =	sdelay $0x1  }
0xe5: {  	vm0 =	vge.f32 v2, $0.0e+00;
	v3 =	vmul.f32 $2.000000030e-01, v2;
	_ =	sdelay $0x1  }
0xe6: {  	v2 =	vsel vm0, v2, v3  }
0xe7: {  	v2 =	vmul.f32 $1.442695020e+00, v2;
	_ =	sdelay $0x1  }
0xe8: {  	(erf) = vpow2.f32 v2;
	_ =	sdelay $0x1  }
0xe9: {  	v2 =	vld [tilespmem:s20+$0x2810]  }
0xea: {  	v3 =	vld [tilespmem:s20+$0x10];
	_ =	sdelay $0x5  }
0xeb: {  	v4 =	vpop (erf)  }
0xec: {  	[tilespmem:s20+$0x7800] =	vst v4  }
0xed: {  	v3 =	vld.idx.msk [tilespmem:v3+s22+$0x0], $0xffff  }
0xee: {  	v2 =	vld.idx.msk [tilespmem:v2+s23+$0x0], $0xffff  }
0xef: {  	v4 =	vld [tilespmem:s20+$0x5010];
	_ =	sdelay $0x4  }
0xf0: {  	v2 =	vadd.f32 v2, v3;
	_ =	sdelay $0x1  }
0xf1: {  	v2 =	vadd.f32 v4, v2;
	_ =	sdelay $0x1  }
0xf2: {  	vm0 =	vge.f32 v2, $0.0e+00;
	v3 =	vmul.f32 $2.000000030e-01, v2;
	_ =	sdelay $0x1  }
0xf3: {  	v2 =	vsel vm0, v2, v3  }
0xf4: {  	v2 =	vmul.f32 $1.442695020e+00, v2;
	_ =	sdelay $0x1  }
0xf5: {  	(erf) = vpow2.f32 v2;
	_ =	sdelay $0x1  }
0xf6: {  	v2 =	vld [tilespmem:s20+$0x2820]  }
0xf7: {  	v3 =	vld [tilespmem:s20+$0x20];
	_ =	sdelay $0x5  }
0xf8: {  	v4 =	vpop (erf)  }
0xf9: {  	[tilespmem:s20+$0x7810] =	vst v4;
	v4 =	vld [tilespmem:s20+$0x5020]  }
0xfa: {  	v3 =	vld.idx.msk [tilespmem:v3+s22+$0x0], $0xffff  }
0xfb: {  	v2 =	vld.idx.msk [tilespmem:v2+s23+$0x0], $0xffff;
	_ =	sdelay $0x5  }
0xfc: {  	v2 =	vadd.f32 v2, v3;
	_ =	sdelay $0x1  }
0xfd: {  	v2 =	vadd.f32 v4, v2;
	_ =	sdelay $0x1  }
0xfe: {  	vm0 =	vge.f32 v2, $0.0e+00;
	v3 =	vmul.f32 $2.000000030e-01, v2;
	_ =	sdelay $0x1  }
0xff: {  	v2 =	vsel vm0, v2, v3  }
0x100: {  	v2 =	vmul.f32 $1.442695020e+00, v2;
	_ =	sdelay $0x1  }
0x101: {  	(erf) = vpow2.f32 v2;
	_ =	sdelay $0x1  }
0x102: {  	v2 =	vld [tilespmem:s20+$0x2830]  }
0x103: {  	v3 =	vld [tilespmem:s20+$0x30];
	_ =	sdelay $0x5  }
0x104: {  	v4 =	vpop (erf)  }
0x105: {  	[tilespmem:s20+$0x7820] =	vst v4;
	v4 =	vld [tilespmem:s20+$0x5030]  }
0x106: {  	v3 =	vld.idx.msk [tilespmem:v3+s22+$0x0], $0xffff  }
0x107: {  	v2 =	vld.idx.msk [tilespmem:v2+s23+$0x0], $0xffff;
	_ =	sdelay $0x5  }
0x108: {  	v2 =	vadd.f32 v2, v3;
	_ =	sdelay $0x1  }
0x109: {  	v2 =	vadd.f32 v4, v2;
	_ =	sdelay $0x1  }
0x10a: {  	vm0 =	vge.f32 v2, $0.0e+00;
	v3 =	vmul.f32 $2.000000030e-01, v2;
	_ =	sdelay $0x1  }
0x10b: {  	v2 =	vsel vm0, v2, v3  }
0x10c: {  	v2 =	vmul.f32 $1.442695020e+00, v2;
	_ =	sdelay $0x1  }
0x10d: {  	(erf) = vpow2.f32 v2;
	_ =	sdelay $0x1  }
0x10e: {  	v2 =	vld [tilespmem:s20+$0x2840]  }
0x10f: {  	v3 =	vld [tilespmem:s20+$0x40];
	_ =	sdelay $0x5  }
0x110: {  	v4 =	vpop (erf)  }
0x111: {  	[tilespmem:s20+$0x7830] =	vst v4;
	v4 =	vld [tilespmem:s20+$0x5040]  }
0x112: {  	v3 =	vld.idx.msk [tilespmem:v3+s22+$0x0], $0xffff  }
0x113: {  	v2 =	vld.idx.msk [tilespmem:v2+s23+$0x0], $0xffff;
	_ =	sdelay $0x5  }
0x114: {  	v2 =	vadd.f32 v2, v3;
	_ =	sdelay $0x1  }
0x115: {  	v2 =	vadd.f32 v4, v2;
	_ =	sdelay $0x1  }
0x116: {  	vm0 =	vge.f32 v2, $0.0e+00;
	v3 =	vmul.f32 $2.000000030e-01, v2;
	_ =	sdelay $0x1  }
0x117: {  	v2 =	vsel vm0, v2, v3  }
0x118: {  	v2 =	vmul.f32 $1.442695020e+00, v2;
	_ =	sdelay $0x1  }
0x119: {  	(erf) = vpow2.f32 v2;
	_ =	sdelay $0x1  }
0x11a: {  	v2 =	vld [tilespmem:s20+$0x2850]  }
0x11b: {  	v3 =	vld [tilespmem:s20+$0x50];
	_ =	sdelay $0x5  }
0x11c: {  	v4 =	vld [tilespmem:s20+$0x5050];
	v5 =	vpop (erf)  }
0x11d: {  	[tilespmem:s20+$0x7840] =	vst v5  }
0x11e: {  	v3 =	vld.idx.msk [tilespmem:v3+s22+$0x0], $0xffff  }
0x11f: {  	v2 =	vld.idx.msk [tilespmem:v2+s23+$0x0], $0xffff;
	_ =	sdelay $0x5  }
0x120: {  	v2 =	vadd.f32 v2, v3;
	_ =	sdelay $0x1  }
0x121: {  	v2 =	vadd.f32 v4, v2;
	_ =	sdelay $0x1  }
0x122: {  	vm0 =	vge.f32 v2, $0.0e+00;
	v3 =	vmul.f32 $2.000000030e-01, v2;
	_ =	sdelay $0x1  }
0x123: {  	v2 =	vsel vm0, v2, v3  }
0x124: {  	v2 =	vmul.f32 $1.442695020e+00, v2;
	_ =	sdelay $0x1  }
0x125: {  	(erf) = vpow2.f32 v2;
	_ =	sdelay $0x1  }
0x126: {  	v2 =	vld [tilespmem:s20+$0x2860]  }
0x127: {  	v3 =	vld [tilespmem:s20+$0x60];
	_ =	sdelay $0x4  }
0x128: {  	v4 =	vld [tilespmem:s20+$0x5060]  }
0x129: {  	v5 =	vpop (erf)  }
0x12a: {  	[tilespmem:s20+$0x7850] =	vst v5  }
0x12b: {  	v3 =	vld.idx.msk [tilespmem:v3+s22+$0x0], $0xffff  }
0x12c: {  	v2 =	vld.idx.msk [tilespmem:v2+s23+$0x0], $0xffff;
	_ =	sdelay $0x5  }
0x12d: {  	v2 =	vadd.f32 v2, v3;
	_ =	sdelay $0x1  }
0x12e: {  	v2 =	vadd.f32 v4, v2;
	_ =	sdelay $0x1  }
0x12f: {  	vm0 =	vge.f32 v2, $0.0e+00;
	v3 =	vmul.f32 $2.000000030e-01, v2;
	_ =	sdelay $0x1  }
0x130: {  	v2 =	vsel vm0, v2, v3  }
0x131: {  	v2 =	vmul.f32 $1.442695020e+00, v2;
	_ =	sdelay $0x1  }
0x132: {  	(erf) = vpow2.f32 v2;
	_ =	sdelay $0x1  }
0x133: {  	v2 =	vld [tilespmem:s20+$0x2870]  }
0x134: {  	v3 =	vld [tilespmem:s20+$0x70];
	_ =	sdelay $0x3  }
0x135: {  	v4 =	vld [tilespmem:s20+$0x5070];
	_ =	sdelay $0x1  }
0x136: {  	v5 =	vpop (erf)  }
0x137: {  	[tilespmem:s20+$0x7860] =	vst v5  }
0x138: {  	v3 =	vld.idx.msk [tilespmem:v3+s22+$0x0], $0xffff  }
0x139: {  	v2 =	vld.idx.msk [tilespmem:v2+s23+$0x0], $0xffff;
	_ =	sdelay $0x5  }
0x13a: {  	v2 =	vadd.f32 v2, v3;
	_ =	sdelay $0x1  }
0x13b: {  	v2 =	vadd.f32 v4, v2;
	_ =	sdelay $0x1  }
0x13c: {  	vm0 =	vge.f32 v2, $0.0e+00;
	v3 =	vmul.f32 $2.000000030e-01, v2;
	_ =	sdelay $0x1  }
0x13d: {  	v2 =	vsel vm0, v2, v3  }
0x13e: {  	v2 =	vmul.f32 $1.442695020e+00, v2;
	_ =	sdelay $0x1  }
.Ltmp0:
0x13f: {  	(erf) = vpow2.f32 v2;
	(pc) =	sbr.rel @p0 .LBB2_2-.Ltmp0, $3  }
0x140: {  	_ = 	snop  }
0x141: {  	s4 =	sadd.s32 $0x7800, s20;
	s28 =	sadd.s32 $0x2800, s20;
	_ =	sdelay $0x1  }
0x142: {  	s6 =	sadd.s32 $0x5000, s20  }
0x143: {  	_ =	sdelay $0x3  }
0x144: {  	v2 =	vpop (erf)  }
0x145: {  	[tilespmem:s20+$0x7870] =	vst v2  }
0x146: {  	[spmem:s1] =	stream.indirect.scatter.add.f32 [tilespmem:s4], [sflag:$0x1], $0x1, s28, s25, $0xb8;
	[tilespmem:$0xFA80] =	vst v63  }
0x147: {  	_ = 	snop  }
0x148: {  	[spmem:s2] =	stream.indirect.scatter.add.f32 [tilespmem:s6], [sflag:$0x1], $0x1, s28, s25, $0xb8;
	[tilespmem:$0xFA80] =	vst v63  }
0x149: {  	_ = 	snop  }
0x14a: {  	[spmem:s3] =	stream.indirect.scatter.add.f32 [tilespmem:s26], [sflag:$0x1], $0x1, s28, s25, $0xb8;
	[tilespmem:$0xFA80] =	vst v63  }
0x14b: {  	s28 =	simm.s32 $0x7800  }
0x14c: {  	[hbm4b:s14+s5] =	stream.linear.scatter [tilespmem:s28], [sflag:$0x2], $0x2800, $0x38;
	[tilespmem:$0xFA80] =	vst v63  }
0x14d: {  	_ =	swait.ge [sflag:s19], $0x2800  }
0x14e: {  	[sflag:s19] =	ssyncset.done $0x0  }
0x14f: {  	[sflag:s19] =	ssyncadd.s32 $0xFFFFD800  }
0x150: {  	_ =	swait.ge [sflag:s29], $0x80  }
0x151: {  	[sflag:s29] =	ssyncset.done $0x0  }
0x152: {  	[sflag:s29] =	ssyncadd.s32 $0xFFFFFF80  }
0x153: {  	_ =	swait.ge [sflag:s29], $0x80  }
0x154: {  	[sflag:s29] =	ssyncset.done $0x0  }
0x155: {  	[sflag:s29] =	ssyncadd.s32 $0xFFFFFF80  }
0x156: {  	_ =	swait.ge [sflag:s29], $0x80  }
0x157: {  	s20 =	simm.s32 $0x4F;
	[sflag:s29] =	ssyncset.done $0x0  }
.LBB2_4:
0x158: {  	p0 =	sne.s32 s20, $0x1;
	s20 =	sadd.s32 $0xFFFFFFFF, s20;
	[sflag:s29] =	ssyncadd.s32 $0xFFFFFF80  }
0x159: {  	_ =	swait.ge [sflag:s29], $0x80  }
0x15a: {  	[sflag:s29] =	ssyncset.done $0x0  }
0x15b: {  	[sflag:s29] =	ssyncadd.s32 $0xFFFFFF80  }
.Ltmp1:
0x15c: {  	_ =	swait.ge [sflag:s29], $0x80;
	(pc) =	sbr.rel @p0 .LBB2_4-.Ltmp1, $4  }
0x15d: {  	[sflag:s29] =	ssyncset.done $0x0  }
0x15e: {  	[sflag:s29] =	ssyncadd.s32 $0xFFFFFF80  }
0x15f: {  	_ =	swait.ge [sflag:s29], $0x80  }
0x160: {  	[sflag:s29] =	ssyncset.done $0x0  }
0x161: {  	s4 =	stileid.u32  }
0x162: {  	[sflag:s29] =	ssyncadd.s32 $0xFFFFFF80;
	s4 =	sshll.u32 s4, $0x6  }
0x163: {  	s6 =	sshrl.u32 s11, $0x3;
	[bflag:$0x0] =	sbarrier.arrive $0xFFFF;
	s4 =	sor.u32 $0x1C02, s4  }
0x164: {  	[hbm:s15@s30], [sflag:s4] =	dma.strided [spmem:s6@s31], $0x50, s29, $0x10   }
0x165: {  	_ =	swait.ge [sflag:s19], $0x50  }
0x166: {  	[sflag:s19] =	ssyncset.done $0x0  }
0x167: {  	s21 =	sshrl.u32 s12, $0x3;
	[sflag:s19] =	ssyncadd.s32 $0xFFFFFFB0  }
0x168: {  	[hbm:s16@s30], [sflag:s4] =	dma.strided [spmem:s21@s31], $0x50, s29, $0x10   }
0x169: {  	s0 =	sadd.s32 $0x1, s0;
	_ =	swait.ge [sflag:s19], $0x50  }
0x16a: {  	p0 =	sne.s32 s0, s18;
	[sflag:s19] =	ssyncset.done $0x0  }
.Ltmp2:
0x16b: {  	s28 =	sshrl.u32 s13, $0x3;
	[sflag:s19] =	ssyncadd.s32 $0xFFFFFFB0;
	(pc) =	sbr.rel @p0 .LBB2_1-.Ltmp2, $4  }
0x16c: {  	[hbm:s17@s30], [sflag:s4] =	dma.strided [spmem:s28@s31], $0x50, s29, $0x10   }
0x16d: {  	_ =	swait.ge [sflag:s19], $0x50  }
0x16e: {  	[sflag:s19] =	ssyncset.done $0x0  }
0x16f: {  	[sflag:s19] =	ssyncadd.s32 $0xFFFFFFB0  }
0x170: {  	_ =	sfence.sel $0x180000  }
0x171: {  	[bflag:$0x0] =	sbarrier.arrive $0xFFFF  }
0x172: {  	_ =	strace $0x90000047  }
0x173: {  	s0 =	stileid.u32;
	[bflag:$0x2] =	sbarrier.arrive $0xFFFF  }
0x174: {  	p0 =	sne.s32 s0, $0x0;
	s0 =	rddreg [dreg:$0x4]  }
0x175: {  	s0 =	sadd.s32 @!p0 $0x100000, s0  }
0x176: {  	[sflag:s0] =	ssyncadd.tile.s32 @!p0 $0x1;
	_ =	shalt  }
.Lfunc_end2:
_tile_overlayer_lowered:
.L_overlay_start_2:
0x177: {  	(tag) =	ssettag $0x2  }
0x178: {  	s0 =	rddreg [dreg:$0x0];
	s2 =	stileid.u32  }
0x179: {  	s1 =	rddreg [dreg:$0x1];
	p0 =	sne.s32 s2, $0x0  }
0x17a: {  	s3 =	rddreg [dreg:$0x2];
	[bflag:$0x3] =	sbarrier.arrive $0xFFFF;
	s2 =	simm.s32 @!p0 $0x1C02  }
0x17b: {  	[timem:s3], [sflag:s2] =	dma.local @!p0 [hbm:s0], s1  }
0x17c: {  	s0 =	simm.s32 @!p0 $0x2  }
0x17d: {  	_ =	swait.ge @!p0 [sflag:s0], s1  }
0x17e: {  	s1 =	ssub.s32 @!p0 $0x0, s1;
	[sflag:s0] =	ssyncset.done @!p0 $0x0  }
0x17f: {  	[sflag:s0] =	ssyncadd.s32 @!p0 s1  }
0x180: {  	[bflag:$0x3] =	sbarrier.arrive $0xFFFF  }
0x181: {  	_ =	shalt  }

// kernel: kernel.14.cloned.1.call-start
scs
__scs_entry_jumppad:
0x0: {  	(pc) =	sbr.rel $0x88, $3  }
0x1: {  	(tag) =	ssettag $0x0;
	lr =	simm.s32 $0x1  }
0x2: {  	[smem:$0x3F8F] =	sst lr;
	_ =	strace $0xD0000000  }
0x3: {  	_ = 	snop  }
0x4: {  	_ = 	snop  }
0x5: {  	_ = 	snop  }
0x6: {  	_ = 	snop  }
0x7: {  	_ = 	snop  }
__scs_overlays_trampoline_lowered:
0x8: {  	[smem:$0x3F9E] =	sst s0  }
0x9: {  	[smem:$0x3F9F] =	sst s1  }
0xa: {  	[smem:$0x3FA0] =	sst s2  }
0xb: {  	[smem:$0x3FA1] =	sst s3  }
0xc: {  	[smem:$0x3FA2] =	sst s4  }
0xd: {  	[smem:$0x3FA3] =	sst s5  }
0xe: {  	[smem:$0x3FA4] =	sst s6  }
0xf: {  	[smem:$0x3FA5] =	sst s7  }
0x10: {  	[smem:$0x3FA6] =	sst s8  }
0x11: {  	[smem:$0x3FA7] =	sst s9;
	s0 =	simm.s32 @!p0 $0x0  }
0x12: {  	s1 =	sld [smem:$0x3F8D];
	s0 =	simm.s32 @p0 $0x1  }
0x13: {  	[smem:$0x3FA8] =	sst s0;
	s0 =	simm.s32 @!p1 $0x0  }
0x14: {  	s2 =	sld [smem:$0x3F8C];
	s0 =	simm.s32 @p1 $0x1  }
0x15: {  	[smem:$0x3FA9] =	sst s0;
	s0 =	simm.s32 @!p2 $0x0  }
0x16: {  	s3 =	sld [smem:$0x3FDB];
	s0 =	simm.s32 @p2 $0x1  }
0x17: {  	s4 =	simm.s32 $0x1BF5;
	[smem:$0x3FAB] =	sst s0  }
0x18: {  	s0 =	sld [smem:$0x3F8E];
	_ =	swait.ge [sflag:s4], $0x0  }
0x19: {  	s7 =	sld [smem:$0x3F8F]  }
0x1a: {  	s8 =	sadd.s32 $0xFFFFE003, lr  }
0x1b: {  	s9 =	sadd.s32 $0xFFFFFEF7, lr;
	s5 =	simm.s32 $0xFFFFFFFF;
	p2 =	slt.u32 s8, $0xFFFFF086  }
0x1c: {  	p1 =	slt.u32 s9, $0xF7A;
	s5 =	simm.s32 @!p2 $0x0  }
0x1d: {  	s5 =	simm.s32 @p1 $0x1;
	p0 =	seq.s32 s7, s2  }
0x1e: {  	s7 =	smul.u32 @!p0 $0xF7A, s2;
	p2 =	seq.s32 @!p0 s5, $0x0  }
0x1f: {  	s9 =	smul.u32 $0xF7A, s1;
	s8 =	simm.s32 @!p0 $0x1BF5;
	p2 =	por !p2, p0  }
0x20: {  	[sflag:s8] =	ssyncset.s32 @!p0 $0xFFFFF086;
	s6 =	sadd.s32 @!p0 s3, s7;
	s7 =	simm.s32 @!p0 $0x108  }
0x21: {  	s3 =	sadd.s32 s3, s9;
	s6 =	sadd.s32 @!p0 $0x88, s6;
	s7 =	simm.s32 @p2 $0x1082  }
0x22: {  	[simem:s7], [sflag:s8] =	dma.local @!p0 [hbm:s6], $0xF7A  }
0x23: {  	s9 =	sor.u32 $0xD0000000, s2;
	s6 =	simm.s32 $0x108;
	_ =	swait.ge @!p0 [sflag:s8], $0x0  }
0x24: {  	s3 =	sadd.s32 $0x88, s3;
	s6 =	simm.s32 @!p1 $0x1082;
	[sflag:s4] =	ssyncset.s32 $0xFFFFF086  }
0x25: {  	[simem:s6], [sflag:s4] =	dma.local [hbm:s3], $0xF7A  }
0x26: {  	[smem:$0x3F8F] =	sst s1;
	(tag) =	ssettag s2;
	_ =	strace s9  }
0x27: {  	s1 =	sld [smem:$0x3F9F]  }
0x28: {  	s2 =	sld [smem:$0x3FA0]  }
0x29: {  	s4 =	sld [smem:$0x3FA2]  }
0x2a: {  	p0 =	seq.s32 s5, $0x0;
	s5 =	sld [smem:$0x3FA3]  }
0x2b: {  	s6 =	sld [smem:$0x3FA4]  }
0x2c: {  	s7 =	sld [smem:$0x3FA5]  }
0x2d: {  	s3 =	simm.s32 $0x108;
	s8 =	sld [smem:$0x3FA6]  }
0x2e: {  	s3 =	simm.s32 @!p0 $0x1082;
	s9 =	sld [smem:$0x3FA7]  }
0x2f: {  	lr =	sadd.s32 s0, s3;
	s0 =	sld [smem:$0x3F9E]  }
0x30: {  	s3 =	sld [smem:$0x3FA1]  }
0x31: {  	[smem:$0x3FAA] =	sst s10  }
0x32: {  	s10 =	sld [smem:$0x3FA8];
	_ =	sdelay $0x3  }
0x33: {  	p0 =	seq.s32 s10, $0x1;
	s10 =	sld [smem:$0x3FAA];
	_ =	sdelay $0x3  }
0x34: {  	[smem:$0x3FAA] =	sst s10  }
0x35: {  	s10 =	sld [smem:$0x3FA9];
	_ =	sdelay $0x3  }
0x36: {  	p1 =	seq.s32 s10, $0x1;
	s10 =	sld [smem:$0x3FAA];
	_ =	sdelay $0x3  }
0x37: {  	[smem:$0x3FAA] =	sst s10  }
0x38: {  	s10 =	sld [smem:$0x3FAB]  }
0x39: {  	_ = 	snop;
	(pc) =	sbr.ind lr, $3  }
0x3a: {  	_ = 	snop  }
0x3b: {  	_ = 	snop  }
0x3c: {  	p2 =	seq.s32 s10, $0x1;
	s10 =	sld [smem:$0x3FAA]  }
0x3d: {  	_ =	shalt  }
0x3e: {  	_ =	shalt  }
0x3f: {  	_ =	shalt  }
0x40: {  	_ =	shalt  }
0x41: {  	_ =	shalt  }
0x42: {  	_ =	shalt  }
0x43: {  	_ =	shalt  }
0x44: {  	_ =	shalt  }
0x45: {  	_ =	shalt  }
0x46: {  	_ =	shalt  }
0x47: {  	_ =	shalt  }
0x48: {  	_ =	shalt  }
0x49: {  	_ =	shalt  }
0x4a: {  	_ =	shalt  }
0x4b: {  	_ =	shalt  }
0x4c: {  	_ =	shalt  }
0x4d: {  	_ =	shalt  }
0x4e: {  	_ =	shalt  }
0x4f: {  	_ =	shalt  }
0x50: {  	_ =	shalt  }
0x51: {  	_ =	shalt  }
0x52: {  	_ =	shalt  }
0x53: {  	_ =	shalt  }
0x54: {  	_ =	shalt  }
0x55: {  	_ =	shalt  }
0x56: {  	_ =	shalt  }
0x57: {  	_ =	shalt  }
0x58: {  	_ =	shalt  }
0x59: {  	_ =	shalt  }
0x5a: {  	_ =	shalt  }
0x5b: {  	_ =	shalt  }
0x5c: {  	_ =	shalt  }
0x5d: {  	_ =	shalt  }
0x5e: {  	_ =	shalt  }
0x5f: {  	_ =	shalt  }
0x60: {  	_ =	shalt  }
0x61: {  	_ =	shalt  }
0x62: {  	_ =	shalt  }
0x63: {  	_ =	shalt  }
0x64: {  	_ =	shalt  }
0x65: {  	_ =	shalt  }
0x66: {  	_ =	shalt  }
0x67: {  	_ =	shalt  }
0x68: {  	_ =	shalt  }
0x69: {  	_ =	shalt  }
0x6a: {  	_ =	shalt  }
0x6b: {  	_ =	shalt  }
0x6c: {  	_ =	shalt  }
0x6d: {  	_ =	shalt  }
0x6e: {  	_ =	shalt  }
0x6f: {  	_ =	shalt  }
0x70: {  	_ =	shalt  }
0x71: {  	_ =	shalt  }
0x72: {  	_ =	shalt  }
0x73: {  	_ =	shalt  }
0x74: {  	_ =	shalt  }
0x75: {  	_ =	shalt  }
0x76: {  	_ =	shalt  }
0x77: {  	_ =	shalt  }
0x78: {  	_ =	shalt  }
0x79: {  	_ =	shalt  }
0x7a: {  	_ =	shalt  }
0x7b: {  	_ =	shalt  }
0x7c: {  	_ =	shalt  }
0x7d: {  	_ =	shalt  }
0x7e: {  	_ =	shalt  }
0x7f: {  	_ =	shalt  }
0x80: {  	_ =	shalt  }
0x81: {  	_ =	shalt  }
0x82: {  	_ =	shalt  }
0x83: {  	_ =	shalt  }
0x84: {  	_ =	shalt  }
0x85: {  	_ =	shalt  }
0x86: {  	_ =	shalt  }
0x87: {  	_ =	shalt  }
.Lfunc_end0:
.L_simem_size_0:
called_computation.1_lowered:
.L_overlay_start_0:
0x88: {  	s2 =	sld [smem:$0x3FD9]  }
0x89: {  	s3 =	sld [smem:$0x3FFE];
	_ =	sdelay $0x1  }
0x8a: {  	s1 =	srdreg.scid  }
0x8b: {  	s0 =	sand.u32 $0x1, s1  }
0x8c: {  	s16 =	sshll.u32 s0, $0xA;
	s2 =	sadd.s32 s3, s2  }
0x8d: {  	s2 =	sadd.s32 s2, s16  }
0x8e: {  	[smem:$0x3FB6] =	sst s2  }
0x8f: {  	_ = 	snop  }
0x90: {  	(tm) =	ssettm $0x1  }
0x91: {  	s17 =	sld [smem:$0x3FFB];
	_ =	sdelay $0x3  }
0x92: {  	_ =	strace s17  }
0x93: {  	s2 =	sld [smem:$0x3FFC];
	_ =	sdelay $0x3  }
0x94: {  	_ =	strace s2  }
0x95: {  	s2 =	sld [smem:$0x3FFD];
	_ =	sdelay $0x3  }
0x96: {  	_ =	strace s2  }
0x97: {  	_ =	strace $0x8FFFFFFF  }
0x98: {  	s18 =	sld [smem:$0x3FDB];
	_ =	sdelay $0x1  }
0x99: {  	s19 =	simm.s32 $_scs_section_size  }
0x9a: {  	s4 =	simm.s32 $_size__tile_overlayer_lowered;
	s5 =	simm.s32 $_tile_overlayer_lowered  }
0x9b: {  	s22 =	simm.s32 $0x1BFF;
	s21 =	sshll.u32 s5, $0x1;
	s2 =	sadd.s32 s19, s18  }
0x9c: {  	s6 =	simm.s32 $0x0;
	s20 =	sshll.u32 s4, $0x1;
	s4 =	sadd.s32 s21, s2  }
0x9d: {  	[timem:s6], [sflag:s22] =	dma.local [hbm:s4], s20  }
0x9e: {  	_ =	swait.ge [sflag:s22], s20  }
0x9f: {  	s3 =	ssub.s32 $0x0, s20;
	[sflag:s22] =	ssyncset.done $0x0  }
0xa0: {  	[sflag:s22] =	ssyncadd.s32 s3;
	_ =	sdelay $0x1  }
0xa1: {  	s23 =	simm.s32 $0x1B8B  }
0xa2: {  	_ =	swait.ge [sflag:s23], $0x1  }
0xa3: {  	[sflag:s23] =	ssyncset.done $0x0  }
0xa4: {  	s25 =	simm.s32 $0x1B8E;
	s24 =	sld [smem:$0x3FFE];
	[sflag:s23] =	ssyncadd.s32 $0xFFFFFFFF  }
0xa5: {  	s26 =	simm.s32 $execute0_lowered;
	[smem:$0x3FD2] =	sst s25  }
0xa6: {  	s4 =	sshll.u32 s26, $0x1;
	_ =	strace $0x80000049;
	[dreg:$0x1] =	wrdreg $0xFFFFFFFF  }
0xa7: {  	s28 =	simm.s32 $_size_execute0_lowered;
	s2 =	sadd.s32 s2, s4;
	[dreg:$0x0] =	wrdreg $0x0  }
0xa8: {  	s4 =	sshll.u32 s28, $0x1;
	[dreg:$0x2] =	wrdreg s2  }
0xa9: {  	[dreg:$0x3] =	wrdreg s4  }
0xaa: {  	[dreg:$0x4] =	wrdreg $0xC0  }
0xab: {  	_ =	task [dreg:s6], $0x5FFFF  }
0xac: {  	[dreg:$0x1] =	wrdreg $0xFFFFFFFF  }
0xad: {  	[dreg:$0x0] =	wrdreg $0x60  }
0xae: {  	[dreg:$0x2] =	wrdreg s24  }
0xaf: {  	[dreg:$0x3] =	wrdreg $0x4C000  }
0xb0: {  	[dreg:$0x4] =	wrdreg $0x9  }
0xb1: {  	_ =	task.clear_ibuf [dreg:s6], $0x5FFFF;
	_ =	strace $0x90000049  }
0xb2: {  	s29 =	simm.s32 $0x9;
	_ =	strace $0x8000004B  }
0xb3: {  	_ =	swait.ge [sflag:s29], $0x1  }
0xb4: {  	[sflag:s29] =	ssyncadd.s32 $0xFFFFFFFF  }
0xb5: {  	_ =	strace $0x9000004B  }
0xb6: {  	_ =	sfence  }
0xb7: {  	s30 =	sld [smem:$0x0];
	_ =	sdelay $0x2  }
0xb8: {  	s31 =	sshll.u32 s1, $0xD;
	s1 =	sshrl.u32 s1, $0x2  }
0xb9: {  	s3 =	sand.u32 $0x4000, s31;
	s1 =	sadd.s32 s1, s30  }
0xba: {  	s0 =	sor.u32 s3, s0;
	s1 =	sshll.u32 s1, $0x11  }
0xbb: {  	s0 =	sor.u32 s1, s0  }
0xbc: {  	s0 =	sadd.s32 $0x8F2B, s0  }
0xbd: {  	[sflag:s0] =	ssyncadd.remote.s32 $0x1  }
0xbe: {  	_ =	sfence.sel $0xFFFF  }
0xbf: {  	[dreg:$0x0] =	wrdreg $0xFFFFFFFF;
	(pc) =	sbr.abs _section_cstart, $3  }
0xc0: {  	[dreg:$0x1] =	wrdreg $0xFFFFFFFF  }
0xc1: {  	_ =	task.clear_ibuf [dreg:s6], $0x2FFFF;
	_ =	strace $0x9FFFFFFF  }
0xc2: {  	(tm) =	ssettm $0x7FFFFFFF  }
0xc3: {  	_ =	shalt  }
tec
execute0_lowered:
.L_overlay_start_1:
0x0: {  	(tag) =	ssettag $0x1  }
0x1: {  	s0 =	rddreg [dreg:$0x0]  }
0x2: {  	s2 =	rddreg [dreg:$0x1]  }
0x3: {  	s1 =	srdreg.scid;
	s13 =	stileid.u32;
	s3 =	simm.s32 $0x0  }
0x4: {  	s17 =	simm.s32 $0xC00;
	s18 =	simm.s32 $0x3;
	s19 =	simm.s32 $0x400  }
0x5: {  	s20 =	simm.s32 $0x800;
	s21 =	simm.s32 $0x80;
	s8 =	smul.u32 $0x14000, s13  }
0x6: {  	s22 =	simm.s32 $0x1;
	s23 =	simm.s32 $0x2C00;
	s10 =	smul.u32 $0x28000, s13  }
0x7: {  	s24 =	simm.s32 $0x2;
	s25 =	simm.s32 $0x0;
	s14 =	smul.u32 $0x1400, s13  }
0x8: {  	s1 =	sand.u32 $0x1, s1;
	[smem:$0x7FF] =	sst s3;
	s13 =	smul.u32 $0x3C00, s13  }
0x9: {  	s4 =	sadd.s32 $0x79A00, s0;
	s5 =	sadd.s32 $0x83A00, s0;
	s6 =	smul.u32 $0x140000, s1  }
0xa: {  	_ =	strace $0x8000004A;
	s30 =	ssub.s32 $0x2, s1;
	p0 =	seq.s32 s1, $0x1  }
0xb: {  	s11 =	sshrl.u32 s30, $0x1;
	s10 =	sshrl.u32 s10, $0x2;
	s14 =	sadd.s32 $0x3C000, s14  }
0xc: {  	s7 =	sadd.s32 s8, s6;
	s6 =	sadd.s32 $0xA3800, s0;
	s8 =	sshrl.u32 s8, $0x1  }
.Ltmp0:
0xd: {  	s12 =	sadd.s32 s10, s2;
	s9 =	sshrl.u32 s7, $0x4;
	(pc) =	sbr.rel .LBB2_1-.Ltmp0, $4  }
0xe: {  	s7 =	sadd.s32 $0xAD800, s0;
	s8 =	sadd.s32 s8, s2;
	s10 =	sadd.s32 $0x2000, s12  }
0xf: {  	s31 =	sadd.s32 $0x4000, s12;
	s0 =	sadd.s32 s9, s0;
	[dreg:$0x3] =	wrdreg s10  }
0x10: {  	s9 =	ssub.s32 s30, s11;
	[dreg:$0x4] =	wrdreg s31;
	s11 =	sadd.s32 $0x6000, s12  }
0x11: {  	v0 =	vimm.bf16 $0.0e+00;
	s12 =	sadd.s32 $0x8000, s12;
	s15 =	sadd.s32 $0xC1200, s0;
	s16 =	smax.u32 s9, $0x1  }
.LBB2_18:
0x12: {  	s0 =	stileid.u32;
	s3 =	sadd.s32 $0x1, s3  }
0x13: {  	[bflag:$0x0] =	sbarrier.arrive $0xFFFF;
	s0 =	sshll.u32 s0, $0x6;
	p1 =	sne.s32 s3, s16  }
.Ltmp1:
0x14: {  	s1 =	sshrl.u32 s8, $0x3;
	s0 =	sor.u32 $0x1C03, s0;
	(pc) =	sbr.rel @!p1 .LBB2_19-.Ltmp1, $4  }
0x15: {  	[hbm:s15], [sflag:s0] =	dma.local [spmem:s1], $0x1400  }
0x16: {  	_ =	swait.ge [sflag:s18], $0x1400  }
0x17: {  	[sflag:s18] =	ssyncset.done $0x0  }
0x18: {  	[sflag:s18] =	ssyncadd.s32 $0xFFFFEC00  }
.LBB2_1:
0x19: {  	s1 =	simm.s32 $0x100;
	s0 =	simm.s32 $0x0  }
.LBB2_2:
0x1a: {  	p1 =	sne.s32 s1, $0x7F00;
	[tilespmem:s0+$0xC30] =	vst v0;
	s9 =	smov.u32 s1;
	s1 =	sadd.s32 $0x100, s1  }
.Ltmp2:
0x1b: {  	[tilespmem:s0+$0xC20] =	vst v0;
	(pc) =	sbr.rel @p1 .LBB2_2-.Ltmp2, $3  }
0x1c: {  	[tilespmem:s0+$0xC00] =	vst v0  }
0x1d: {  	[tilespmem:s0+$0xC10] =	vst v0;
	_ =	sdelay $0x1  }
0x1e: {  	s0 =	sshra.s32 s9, $0x2  }
0x1f: {  	[tilespmem:s0+$0xC30] =	vst v0  }
0x20: {  	[tilespmem:s0+$0xC20] =	vst v0  }
0x21: {  	[tilespmem:s0+$0xC00] =	vst v0  }
0x22: {  	[tilespmem:s0+$0xC10] =	vst v0  }
0x23: {  	[spmem:s8] =	stream.linear.scatter [tilespmem:s17], [sflag:$0x3], $0x2000, $0x38;
	[tilespmem:$0xEC00] =	vst v63  }
0x24: {  	_ =	swait.ge [sflag:s18], $0x2000  }
0x25: {  	[sflag:s18] =	ssyncset.done $0x0  }
0x26: {  	s30 =	rddreg [dreg:$0x3];
	[sflag:s18] =	ssyncadd.s32 $0xFFFFE000  }
0x27: {  	[spmem:s30] =	stream.linear.scatter [tilespmem:s17], [sflag:$0x3], $0x2000, $0x38;
	[tilespmem:$0xEC00] =	vst v63  }
0x28: {  	_ =	swait.ge [sflag:s18], $0x2000  }
0x29: {  	[sflag:s18] =	ssyncset.done $0x0  }
0x2a: {  	s31 =	rddreg [dreg:$0x4];
	[sflag:s18] =	ssyncadd.s32 $0xFFFFE000  }
0x2b: {  	[spmem:s31] =	stream.linear.scatter [tilespmem:s17], [sflag:$0x3], $0x2000, $0x38;
	[tilespmem:$0xEC00] =	vst v63  }
0x2c: {  	_ =	swait.ge [sflag:s18], $0x2000  }
0x2d: {  	[sflag:s18] =	ssyncset.done $0x0  }
0x2e: {  	[sflag:s18] =	ssyncadd.s32 $0xFFFFE000  }
0x2f: {  	[spmem:s11] =	stream.linear.scatter [tilespmem:s17], [sflag:$0x3], $0x2000, $0x38;
	[tilespmem:$0xEC00] =	vst v63  }
0x30: {  	_ =	swait.ge [sflag:s18], $0x2000  }
0x31: {  	[sflag:s18] =	ssyncset.done $0x0  }
0x32: {  	[sflag:s18] =	ssyncadd.s32 $0xFFFFE000  }
0x33: {  	[spmem:s12] =	stream.linear.scatter [tilespmem:s17], [sflag:$0x3], $0x2000, $0x38;
	[tilespmem:$0xEC00] =	vst v63  }
.Ltmp3:
0x34: {  	_ =	swait.ge [sflag:s18], $0x2000;
	(pc) =	sbr.rel @!p0 .LBB2_4-.Ltmp3, $4  }
0x35: {  	[sflag:s18] =	ssyncset.done $0x0  }
0x36: {  	[sflag:s18] =	ssyncadd.s32 $0xFFFFE000  }
0x37: {  	[bflag:$0x0] =	sbarrier.arrive $0xFFFF  }
0x38: {  	s26 =	simm.s32 $0x0;
	s28 =	simm.s32 $0x0  }
.LBB2_11:
0x39: {  	s0 =	sshll.u32 s28, $0xA  }
0x3a: {  	s0 =	sadd.s32 s0, s14  }
0x3b: {  	s0 =	sshrl.u32 s0, $0x3  }
0x3c: {  	s1 =	sadd.s32 s4, s0  }
0x3d: {  	[tilespmem:s25], [sflag:$0x3] =	stream.linear.gather [hbm4b:s1+s25], $0x400, $0x38;
	[tilespmem:$0xEC00] =	vst v63  }
0x3e: {  	_ =	swait.ge [sflag:s18], $0x400  }
0x3f: {  	[sflag:s18] =	ssyncset.done $0x0  }
0x40: {  	s31 =	sadd.s32 s5, s0;
	[sflag:s18] =	ssyncadd.s32 $0xFFFFFC00  }
0x41: {  	[tilespmem:s19], [sflag:$0x3] =	stream.linear.gather [hbm4b:s31+s25], $0x400, $0x38;
	[tilespmem:$0xEC00] =	vst v63  }
0x42: {  	_ =	swait.ge [sflag:s18], $0x400  }
0x43: {  	[sflag:s18] =	ssyncset.done $0x0  }
0x44: {  	s0 =	sadd.s32 s6, s0;
	[sflag:s18] =	ssyncadd.s32 $0xFFFFFC00  }
0x45: {  	[tilespmem:s20], [sflag:$0x3] =	stream.linear.gather [hbm4b:s0+s25], $0x400, $0x38;
	[tilespmem:$0xEC00] =	vst v63  }
0x46: {  	_ =	swait.ge [sflag:s18], $0x400  }
0x47: {  	[sflag:s18] =	ssyncset.done $0x0  }
0x48: {  	s26 =	simm.s32 $0x0;
	[sflag:s18] =	ssyncadd.s32 $0xFFFFFC00  }
0x49: {  	[tilespmem:s17], [sflag:$0x1] =	stream.indirect.gather [hbm4b:s7+s21], $0x40, s25, s21, $0xb8;
	[tilespmem:$0xEC00] =	vst v63  }
.LBB2_12:
0x4a: {  	s1 =	simm.s32 $0x0;
	s9 =	simm.s32 $0x1  }
0x4b: {  	s0 =	sshll.u32 s26, $0x8;
	v2 =	vmov s1;
	v3 =	vmov s9;
	s9 =	simm.s32 $0x3  }
0x4c: {  	s10 =	simm.s32 $0x2;
	v1 =	vmov s0;
	v2 =	vand.u32 $0x7C, v2;
	v5 =	vmov s9  }
0x4d: {  	_ =	swait.ge [sflag:s22], $0x2000;
	v4 =	vmov s10;
	s10 =	sshll.u32 s26, $0xA;
	v2 =	vor.u32 v1, v2;
	v5 =	vand.u32 $0x7F, v5  }
0x4e: {  	[sflag:s22] =	ssyncset.done $0x0;
	s29 =	sshrl.u32 s10, $0x2;
	v2 =	vbroadcast v2, $0x0;
	v5 =	vor.u32 v1, v5  }
0x4f: {  	s31 =	simm.s32 $0xC80;
	v3 =	vand.u32 $0x7D, v3;
	[sflag:s22] =	ssyncadd.s32 $0xFFFFE000;
	s0 =	sor.u32 $0x80, s29;
	v5 =	vbroadcast v5, $0x0  }
0x50: {  	v4 =	vand.u32 $0x7E, v4;
	v3 =	vor.u32 v1, v3;
	[tilespmem:s23], [sflag:$0x2] =	stream.indirect.gather [hbm4b:s7+s21], $0x40, s0, s21, $0xb8;
	[tilespmem:$0xEC00] =	vst v63  }
0x51: {  	v4 =	vor.u32 v1, v4;
	v3 =	vbroadcast v3, $0x0;
	v8 =	vld [tilespmem:s31+$0xFFFFFF80]  }
0x52: {  	v6 =	vbroadcast v4, $0x0;
	v9 =	vld [tilespmem:s31+$0xFFFFFF90]  }
0x53: {  	v11 =	vld [tilespmem:s31+$0xFFFFFFA0]  }
0x54: {  	v7 =	vld.idx.msk [tilespmem:v2+s20+$0x0], $0xffff  }
0x55: {  	v2 =	vld.idx.msk [tilespmem:v5+s20+$0x0], $0xffff  }
0x56: {  	v5 =	vld [tilespmem:s31+$0x70]  }
0x57: {  	s1 =	simm.s32 $0x4;
	v4 =	vld.idx.msk [tilespmem:v3+s20+$0x0], $0xffff  }
0x58: {  	v10 =	vmov s1;
	v3 =	vld.idx.msk [tilespmem:v6+s20+$0x0], $0xffff  }
0x59: {  	v12 =	vand.u32 $0x7C, v10;
	v6 =	vld [tilespmem:s31+$0xFFFFFFB0];
	v10 =	vpack.i.f32.bf16 v7, v7  }
0x5a: {  	s9 =	simm.s32 $0x5;
	s10 =	simm.s32 $0x6;
	v7 =	vld [tilespmem:s31+$0xFFFFFFC0];
	v2 =	vpack.i.f32.bf16 v2, v2;
	v16 =	vmul.bf16 v8, v10  }
0x5b: {  	v13 =	vmov s9;
	v15 =	vmov s10;
	v8 =	vld [tilespmem:s31+$0xFFFFFFD0];
	v5 =	vmul.bf16 v5, v2  }
0x5c: {  	s30 =	sshll.u32 s26, $0x1;
	v12 =	vor.u32 v1, v12;
	v14 =	vand.u32 $0x7D, v13;
	v13 =	vmul.bf16 v9, v10;
	v9 =	vld [tilespmem:s31+$0xFFFFFFE0];
	[tilespmem:s31+$0xFFFFFF80] =	vst v16  }
0x5d: {  	s1 =	simm.s32 $0x8;
	s9 =	simm.s32 $0x7;
	s0 =	simm.s32 $0xC80;
	[tilespmem:s31+$0x70] =	vst v5;
	v5 =	vbroadcast v12, $0x0;
	v12 =	vand.u32 $0x7E, v15;
	v15 =	vmul.bf16 v11, v10;
	v11 =	vld [tilespmem:s31+$0xFFFFFFF0]  }
.LBB2_13:
0x5e: {  	p1 =	slt.u32 s1, $0x7C;
	v16 =	vmov s9;
	[tilespmem:s31+$0xFFFFFF90] =	vst v13;
	v6 =	vmul.bf16 v6, v10;
	v4 =	vpack.i.f32.bf16 v4, v4;
	v10 =	vld [tilespmem:s31+$0x0]  }
0x5f: {  	v13 =	vor.u32 v1, v14;
	v14 =	vand.u32 $0x7F, v16;
	[tilespmem:s31+$0xFFFFFFA0] =	vst v15;
	v7 =	vmul.bf16 v7, v4;
	v15 =	vld [tilespmem:s31+$0x10]  }
0x60: {  	v13 =	vbroadcast v13, $0x0;
	v14 =	vor.u32 v1, v14;
	[tilespmem:s31+$0xFFFFFFB0] =	vst v6;
	v6 =	vmul.bf16 v8, v4;
	v8 =	vld [tilespmem:s31+$0x20]  }
0x61: {  	v12 =	vor.u32 v1, v12;
	v14 =	vbroadcast v14, $0x0;
	[tilespmem:s31+$0xFFFFFFC0] =	vst v7;
	v7 =	vmul.bf16 v9, v4;
	v9 =	vld [tilespmem:s31+$0x30]  }
0x62: {  	v3 =	vpack.i.f32.bf16 v3, v3;
	v12 =	vbroadcast v12, $0x0;
	[tilespmem:s31+$0xFFFFFFD0] =	vst v6;
	v4 =	vmul.bf16 v11, v4;
	v6 =	vld [tilespmem:s31+$0x40]  }
0x63: {  	[tilespmem:s31+$0xFFFFFFE0] =	vst v7;
	v7 =	vmul.bf16 v10, v3;
	v10 =	vld [tilespmem:s31+$0x50]  }
0x64: {  	[tilespmem:s31+$0xFFFFFFF0] =	vst v4;
	v11 =	vmul.bf16 v15, v3;
	v15 =	vld [tilespmem:s31+$0x60]  }
0x65: {  	v5 =	vld.idx.msk [tilespmem:v5+s20+$0x0], $0xffff;
	[tilespmem:s31+$0x0] =	vst v7;
	v7 =	vmul.bf16 v8, v3  }
0x66: {  	v4 =	vld.idx.msk [tilespmem:v13+s20+$0x0], $0xffff;
	[tilespmem:s31+$0x10] =	vst v11;
	v8 =	vmul.bf16 v9, v3  }
0x67: {  	v9 =	vld.idx.msk [tilespmem:v14+s20+$0x0], $0xffff;
	[tilespmem:s31+$0x20] =	vst v7;
	v6 =	vmul.bf16 v6, v2  }
0x68: {  	s31 =	sadd.s32 $0x100, s31;
	v3 =	vld.idx.msk [tilespmem:v12+s20+$0x0], $0xffff;
	[tilespmem:s0+$0x30] =	vst v8;
	v7 =	vmul.bf16 v10, v2  }
0x69: {  	v8 =	vld [tilespmem:s31+$0x70];
	[tilespmem:s0+$0x40] =	vst v6;
	v2 =	vmul.bf16 v15, v2  }
0x6a: {  	v11 =	vld [tilespmem:s31+$0xFFFFFF80];
	[tilespmem:s0+$0x50] =	vst v7  }
0x6b: {  	v12 =	vld [tilespmem:s31+$0xFFFFFF90];
	[tilespmem:s0+$0x60] =	vst v2;
	s0 =	smov.u32 s31  }
0x6c: {  	v15 =	vld [tilespmem:s31+$0xFFFFFFA0]  }
.Ltmp4:
0x6d: {  	v7 =	vmov s1;
	v2 =	vpack.i.f32.bf16 v9, v9;
	v6 =	vld [tilespmem:s31+$0xFFFFFFB0];
	(pc) =	sbr.rel @p1 .LBB2_13-.Ltmp4, $4  }
0x6e: {  	s9 =	sadd.s32 $0x1, s1;
	s10 =	sadd.s32 $0x2, s1;
	v10 =	vpack.i.f32.bf16 v5, v5;
	v9 =	vand.u32 $0x7C, v7;
	v7 =	vld [tilespmem:s31+$0xFFFFFFC0];
	v5 =	vmul.bf16 v8, v2  }
0x6f: {  	v16 =	vmov s10;
	v13 =	vmov s9;
	v11 =	vmul.bf16 v11, v10;
	v8 =	vld [tilespmem:s31+$0xFFFFFFD0]  }
0x70: {  	v14 =	vand.u32 $0x7D, v13;
	v17 =	vor.u32 v1, v9;
	v13 =	vmul.bf16 v12, v10;
	v9 =	vld [tilespmem:s31+$0xFFFFFFE0];
	[tilespmem:s31+$0x70] =	vst v5  }
0x71: {  	s9 =	sadd.s32 $0x3, s1;
	s1 =	sadd.s32 $0x4, s1;
	v5 =	vbroadcast v17, $0x0;
	v12 =	vand.u32 $0x7E, v16;
	[tilespmem:s31+$0xFFFFFF80] =	vst v11;
	v15 =	vmul.bf16 v15, v10;
	v11 =	vld [tilespmem:s31+$0xFFFFFFF0]  }
0x72: {  	v17 =	vld [tilespmem:s31+$0x0]  }
0x73: {  	v16 =	vmov s9;
	v18 =	vld [tilespmem:s31+$0x10]  }
0x74: {  	v14 =	vor.u32 v1, v14;
	v19 =	vld [tilespmem:s31+$0x20];
	v6 =	vmul.bf16 v6, v10;
	v4 =	vpack.i.f32.bf16 v4, v4  }
0x75: {  	[tilespmem:s31+$0xFFFFFF90] =	vst v13;
	v10 =	vld [tilespmem:s31+$0x40];
	v16 =	vand.u32 $0x7F, v16;
	v14 =	vbroadcast v14, $0x0;
	v7 =	vmul.bf16 v7, v4  }
0x76: {  	v13 =	vld [tilespmem:s31+$0x50];
	v16 =	vor.u32 v1, v16;
	[tilespmem:s31+$0xFFFFFFB0] =	vst v6;
	v6 =	vmul.bf16 v8, v4  }
0x77: {  	v5 =	vld.idx.msk [tilespmem:v5+s20+$0x0], $0xffff;
	v1 =	vor.u32 v1, v12;
	v12 =	vbroadcast v16, $0x0;
	[tilespmem:s31+$0xFFFFFFC0] =	vst v7;
	v7 =	vmul.bf16 v9, v4  }
0x78: {  	v3 =	vpack.i.f32.bf16 v3, v3;
	v16 =	vld [tilespmem:s31+$0x30];
	v1 =	vbroadcast v1, $0x0;
	[tilespmem:s31+$0xFFFFFFD0] =	vst v6;
	v4 =	vmul.bf16 v11, v4  }
0x79: {  	s1 =	sadd.s32 $0x100, s31;
	v8 =	vld [tilespmem:s31+$0x60];
	[tilespmem:s31+$0xFFFFFFE0] =	vst v7;
	v7 =	vmul.bf16 v17, v3  }
0x7a: {  	v11 =	vld [tilespmem:s1+$0x70];
	[tilespmem:s31+$0xFFFFFFF0] =	vst v4;
	v4 =	vmul.bf16 v18, v3  }
0x7b: {  	v6 =	vld.idx.msk [tilespmem:v14+s20+$0x0], $0xffff;
	[tilespmem:s31+$0x0] =	vst v7  }
0x7c: {  	v7 =	vmul.bf16 v19, v3;
	[tilespmem:s31+$0x10] =	vst v4;
	v4 =	vld [tilespmem:s1+$0xFFFFFF80]  }
0x7d: {  	v3 =	vmul.bf16 v16, v3;
	v9 =	vld.idx.msk [tilespmem:v12+s20+$0x0], $0xffff  }
0x7e: {  	v1 =	vld.idx.msk [tilespmem:v1+s20+$0x0], $0xffff;
	[tilespmem:s31+$0x20] =	vst v7;
	v7 =	vmul.bf16 v10, v2  }
0x7f: {  	v10 =	vld [tilespmem:s1+$0xFFFFFF90];
	[tilespmem:s0+$0x30] =	vst v3;
	v3 =	vmul.bf16 v13, v2  }
0x80: {  	v12 =	vld [tilespmem:s1+$0xFFFFFFA0];
	v2 =	vmul.bf16 v8, v2;
	[tilespmem:s0+$0x40] =	vst v7  }
0x81: {  	v7 =	vld [tilespmem:s1+$0xFFFFFFB0];
	[tilespmem:s0+$0x50] =	vst v3;
	v3 =	vpack.i.f32.bf16 v5, v5  }
0x82: {  	v5 =	vld [tilespmem:s1+$0xFFFFFFC0];
	[tilespmem:s0+$0x60] =	vst v2;
	v2 =	vmul.bf16 v4, v3;
	v8 =	vpack.i.f32.bf16 v9, v9  }
0x83: {  	[tilespmem:s31+$0xFFFFFFA0] =	vst v15;
	v4 =	vld [tilespmem:s1+$0xFFFFFFD0];
	v9 =	vmul.bf16 v11, v8  }
0x84: {  	v10 =	vmul.bf16 v10, v3;
	v11 =	vld [tilespmem:s1+$0xFFFFFFE0];
	[tilespmem:s1+$0xFFFFFF80] =	vst v2  }
0x85: {  	v2 =	vmul.bf16 v12, v3;
	[tilespmem:s1+$0x70] =	vst v9;
	v9 =	vld [tilespmem:s1+$0xFFFFFFF0]  }
0x86: {  	v6 =	vpack.i.f32.bf16 v6, v6;
	[tilespmem:s1+$0xFFFFFF90] =	vst v10;
	v3 =	vmul.bf16 v7, v3;
	v7 =	vld [tilespmem:s1+$0x0]  }
0x87: {  	[tilespmem:s1+$0xFFFFFFA0] =	vst v2;
	v2 =	vmul.bf16 v5, v6;
	v5 =	vld [tilespmem:s1+$0x10]  }
0x88: {  	[tilespmem:s1+$0xFFFFFFB0] =	vst v3;
	v3 =	vmul.bf16 v4, v6;
	v4 =	vld [tilespmem:s1+$0x20]  }
0x89: {  	v10 =	vld [tilespmem:s1+$0x30];
	[tilespmem:s1+$0xFFFFFFC0] =	vst v2;
	v2 =	vmul.bf16 v11, v6  }
0x8a: {  	v1 =	vpack.i.f32.bf16 v1, v1;
	[tilespmem:s1+$0xFFFFFFD0] =	vst v3;
	v3 =	vmul.bf16 v9, v6;
	v6 =	vld [tilespmem:s1+$0x40]  }
0x8b: {  	[tilespmem:s1+$0xFFFFFFE0] =	vst v2;
	v2 =	vmul.bf16 v7, v1;
	v7 =	vld [tilespmem:s1+$0x50]  }
0x8c: {  	[tilespmem:s1+$0xFFFFFFF0] =	vst v3;
	v3 =	vmul.bf16 v5, v1;
	v5 =	vld [tilespmem:s1+$0x60]  }
0x8d: {  	[tilespmem:s1+$0x0] =	vst v2;
	v2 =	vmul.bf16 v4, v1  }
0x8e: {  	v1 =	vmul.bf16 v10, v1;
	[tilespmem:s1+$0x10] =	vst v3  }
0x8f: {  	[tilespmem:s1+$0x20] =	vst v2;
	v2 =	vmul.bf16 v6, v8  }
0x90: {  	[tilespmem:s1+$0x30] =	vst v1;
	v1 =	vmul.bf16 v7, v8  }
0x91: {  	[tilespmem:s1+$0x40] =	vst v2;
	v2 =	vmul.bf16 v5, v8  }
0x92: {  	s31 =	simm.s32 $0x0;
	s0 =	sor.u32 $0x1, s30;
	[tilespmem:s1+$0x50] =	vst v1  }
0x93: {  	s10 =	sadd.s32 $0x400, s29;
	s9 =	simm.s32 $0x1;
	s30 =	sshll.u32 s0, $0x7;
	[tilespmem:s1+$0x60] =	vst v2;
	v2 =	vmov s31  }
0x94: {  	v3 =	vmov s9;
	v1 =	vmov s30;
	[spmem:s2] =	stream.indirect.scatter.add.bf16 [tilespmem:s17], [sflag:$0x3], $0x40, s10, s21, $0xb8;
	v2 =	vand.u32 $0x7C, v2;
	[tilespmem:$0xEC00] =	vst v63  }
0x95: {  	v3 =	vand.u32 $0x7D, v3;
	_ =	swait.ge [sflag:s18], $0x2000;
	v2 =	vor.u32 v1, v2  }
0x96: {  	v3 =	vor.u32 v1, v3;
	s31 =	simm.s32 $0x3;
	[sflag:s18] =	ssyncset.done $0x0;
	v2 =	vbroadcast v2, $0x0  }
0x97: {  	v3 =	vbroadcast v3, $0x0;
	v5 =	vmov s31;
	[sflag:s18] =	ssyncadd.s32 $0xFFFFE000  }
0x98: {  	p1 =	sgt.u32 s0, $0x6;
	v5 =	vand.u32 $0x7F, v5;
	_ =	swait.ge [sflag:s24], $0x2000  }
0x99: {  	s0 =	sadd.s32 @!p1 $0x100, s29;
	s10 =	simm.s32 $0x2;
	v5 =	vor.u32 v1, v5;
	[sflag:s24] =	ssyncset.done $0x0  }
0x9a: {  	s9 =	simm.s32 @!p1 $0xC00;
	s1 =	simm.s32 @!p1 $0x80;
	v4 =	vmov s10;
	v5 =	vbroadcast v5, $0x0;
	[sflag:s24] =	ssyncadd.s32 $0xFFFFE000  }
0x9b: {  	v4 =	vand.u32 $0x7E, v4;
	[tilespmem:s9], [sflag:$0x1] =	stream.indirect.gather @!p1 [hbm4b:s7+s1], $0x40, s0, s1, $0xb8;
	[tilespmem:$0xEC00] =	vst v63  }
0x9c: {  	v4 =	vor.u32 v1, v4;
	v7 =	vld.idx.msk [tilespmem:v2+s20+$0x0], $0xffff  }
0x9d: {  	s29 =	simm.s32 $0x2C80;
	v6 =	vbroadcast v4, $0x0;
	v4 =	vld.idx.msk [tilespmem:v3+s20+$0x0], $0xffff  }
0x9e: {  	v8 =	vld [tilespmem:s29+$0xFFFFFF80]  }
0x9f: {  	v9 =	vld [tilespmem:s29+$0xFFFFFF90]  }
0xa0: {  	v2 =	vld.idx.msk [tilespmem:v5+s20+$0x0], $0xffff  }
0xa1: {  	v5 =	vld [tilespmem:s29+$0x70]  }
0xa2: {  	s9 =	simm.s32 $0x4;
	v11 =	vld [tilespmem:s29+$0xFFFFFFA0]  }
0xa3: {  	v10 =	vmov s9;
	v3 =	vld.idx.msk [tilespmem:v6+s20+$0x0], $0xffff  }
0xa4: {  	v12 =	vand.u32 $0x7C, v10;
	v6 =	vld [tilespmem:s29+$0xFFFFFFB0];
	v10 =	vpack.i.f32.bf16 v7, v7  }
0xa5: {  	s31 =	simm.s32 $0x6;
	s10 =	simm.s32 $0x5;
	v7 =	vld [tilespmem:s29+$0xFFFFFFC0];
	v2 =	vpack.i.f32.bf16 v2, v2;
	v16 =	vmul.bf16 v8, v10  }
0xa6: {  	v15 =	vmov s31;
	v13 =	vmov s10;
	v8 =	vld [tilespmem:s29+$0xFFFFFFD0];
	v5 =	vmul.bf16 v5, v2  }
0xa7: {  	v14 =	vand.u32 $0x7D, v13;
	v12 =	vor.u32 v1, v12;
	v13 =	vmul.bf16 v9, v10;
	v9 =	vld [tilespmem:s29+$0xFFFFFFE0];
	[tilespmem:s29+$0xFFFFFF80] =	vst v16  }
0xa8: {  	s1 =	simm.s32 $0x8;
	s0 =	simm.s32 $0x2C80;
	s9 =	simm.s32 $0x7;
	[tilespmem:s29+$0x70] =	vst v5;
	v5 =	vbroadcast v12, $0x0;
	v12 =	vand.u32 $0x7E, v15;
	v15 =	vmul.bf16 v11, v10;
	v11 =	vld [tilespmem:s29+$0xFFFFFFF0]  }
.LBB2_15:
0xa9: {  	p1 =	slt.u32 s1, $0x7C;
	v16 =	vmov s9;
	[tilespmem:s29+$0xFFFFFF90] =	vst v13;
	v6 =	vmul.bf16 v6, v10;
	v4 =	vpack.i.f32.bf16 v4, v4;
	v10 =	vld [tilespmem:s29+$0x0]  }
0xaa: {  	v13 =	vor.u32 v1, v14;
	v14 =	vand.u32 $0x7F, v16;
	[tilespmem:s29+$0xFFFFFFA0] =	vst v15;
	v7 =	vmul.bf16 v7, v4;
	v15 =	vld [tilespmem:s29+$0x10]  }
0xab: {  	v13 =	vbroadcast v13, $0x0;
	v14 =	vor.u32 v1, v14;
	[tilespmem:s29+$0xFFFFFFB0] =	vst v6;
	v6 =	vmul.bf16 v8, v4;
	v8 =	vld [tilespmem:s29+$0x20]  }
0xac: {  	v12 =	vor.u32 v1, v12;
	v14 =	vbroadcast v14, $0x0;
	[tilespmem:s29+$0xFFFFFFC0] =	vst v7;
	v7 =	vmul.bf16 v9, v4;
	v9 =	vld [tilespmem:s29+$0x30]  }
0xad: {  	v3 =	vpack.i.f32.bf16 v3, v3;
	v12 =	vbroadcast v12, $0x0;
	[tilespmem:s29+$0xFFFFFFD0] =	vst v6;
	v4 =	vmul.bf16 v11, v4;
	v6 =	vld [tilespmem:s29+$0x40]  }
0xae: {  	[tilespmem:s29+$0xFFFFFFE0] =	vst v7;
	v7 =	vmul.bf16 v10, v3;
	v10 =	vld [tilespmem:s29+$0x50]  }
0xaf: {  	[tilespmem:s29+$0xFFFFFFF0] =	vst v4;
	v11 =	vmul.bf16 v15, v3;
	v15 =	vld [tilespmem:s29+$0x60]  }
0xb0: {  	v5 =	vld.idx.msk [tilespmem:v5+s20+$0x0], $0xffff;
	[tilespmem:s29+$0x0] =	vst v7;
	v7 =	vmul.bf16 v8, v3  }
0xb1: {  	v4 =	vld.idx.msk [tilespmem:v13+s20+$0x0], $0xffff;
	[tilespmem:s29+$0x10] =	vst v11;
	v8 =	vmul.bf16 v9, v3  }
0xb2: {  	v9 =	vld.idx.msk [tilespmem:v14+s20+$0x0], $0xffff;
	[tilespmem:s29+$0x20] =	vst v7;
	v6 =	vmul.bf16 v6, v2  }
0xb3: {  	s29 =	sadd.s32 $0x100, s29;
	v3 =	vld.idx.msk [tilespmem:v12+s20+$0x0], $0xffff;
	[tilespmem:s0+$0x30] =	vst v8;
	v7 =	vmul.bf16 v10, v2  }
0xb4: {  	v8 =	vld [tilespmem:s29+$0x70];
	[tilespmem:s0+$0x40] =	vst v6;
	v2 =	vmul.bf16 v15, v2  }
0xb5: {  	v11 =	vld [tilespmem:s29+$0xFFFFFF80];
	[tilespmem:s0+$0x50] =	vst v7  }
0xb6: {  	v12 =	vld [tilespmem:s29+$0xFFFFFF90];
	[tilespmem:s0+$0x60] =	vst v2;
	s0 =	smov.u32 s29  }
0xb7: {  	v15 =	vld [tilespmem:s29+$0xFFFFFFA0]  }
.Ltmp5:
0xb8: {  	v7 =	vmov s1;
	v2 =	vpack.i.f32.bf16 v9, v9;
	v6 =	vld [tilespmem:s29+$0xFFFFFFB0];
	(pc) =	sbr.rel @p1 .LBB2_15-.Ltmp5, $4  }
0xb9: {  	s9 =	sadd.s32 $0x1, s1;
	s10 =	sadd.s32 $0x2, s1;
	v10 =	vpack.i.f32.bf16 v5, v5;
	v9 =	vand.u32 $0x7C, v7;
	v7 =	vld [tilespmem:s29+$0xFFFFFFC0];
	v5 =	vmul.bf16 v8, v2  }
0xba: {  	v16 =	vmov s10;
	v13 =	vmov s9;
	v11 =	vmul.bf16 v11, v10;
	v8 =	vld [tilespmem:s29+$0xFFFFFFD0]  }
0xbb: {  	v14 =	vand.u32 $0x7D, v13;
	v17 =	vor.u32 v1, v9;
	v13 =	vmul.bf16 v12, v10;
	v9 =	vld [tilespmem:s29+$0xFFFFFFE0];
	[tilespmem:s29+$0x70] =	vst v5  }
0xbc: {  	s9 =	sadd.s32 $0x3, s1;
	s1 =	sadd.s32 $0x4, s1;
	v5 =	vbroadcast v17, $0x0;
	v12 =	vand.u32 $0x7E, v16;
	[tilespmem:s29+$0xFFFFFF80] =	vst v11;
	v15 =	vmul.bf16 v15, v10;
	v11 =	vld [tilespmem:s29+$0xFFFFFFF0]  }
0xbd: {  	v17 =	vld [tilespmem:s29+$0x0]  }
0xbe: {  	v18 =	vld [tilespmem:s29+$0x10]  }
0xbf: {  	v19 =	vld [tilespmem:s29+$0x20]  }
0xc0: {  	v35 =	vld [tilespmem:s29+$0x30]  }
0xc1: {  	[tilespmem:s29+$0xFFFFFF90] =	vst v13;
	v6 =	vmul.bf16 v6, v10;
	v4 =	vpack.i.f32.bf16 v4, v4;
	v36 =	vld [tilespmem:s29+$0x40]  }
0xc2: {  	v16 =	vmov s9;
	v37 =	vld [tilespmem:s29+$0x50];
	[tilespmem:s29+$0xFFFFFFA0] =	vst v15;
	v7 =	vmul.bf16 v7, v4  }
0xc3: {  	v39 =	vld [tilespmem:s29+$0x60];
	v3 =	vpack.i.f32.bf16 v3, v3;
	v16 =	vand.u32 $0x7F, v16;
	[tilespmem:s29+$0xFFFFFFB0] =	vst v6;
	v38 =	vmul.bf16 v8, v4  }
0xc4: {  	s1 =	sadd.s32 $0x100, s29;
	v5 =	vld.idx.msk [tilespmem:v5+s20+$0x0], $0xffff;
	v16 =	vor.u32 v1, v16;
	[tilespmem:s29+$0xFFFFFFC0] =	vst v7;
	v40 =	vmul.bf16 v9, v4  }
0xc5: {  	v14 =	vor.u32 v1, v14;
	v46 =	vld [tilespmem:s1+$0x70];
	v34 =	vbroadcast v16, $0x0;
	[tilespmem:s29+$0xFFFFFFD0] =	vst v38;
	v42 =	vmul.bf16 v17, v3  }
0xc6: {  	v14 =	vbroadcast v14, $0x0;
	v47 =	vld [tilespmem:s1+$0xFFFFFF80];
	[tilespmem:s29+$0xFFFFFFE0] =	vst v40;
	v44 =	vmul.bf16 v18, v3  }
0xc7: {  	v49 =	vld [tilespmem:s1+$0xFFFFFF90];
	v45 =	vmul.bf16 v19, v3;
	[tilespmem:s29+$0x0] =	vst v42  }
0xc8: {  	v50 =	vld [tilespmem:s1+$0xFFFFFFA0];
	v3 =	vmul.bf16 v35, v3;
	[tilespmem:s29+$0x10] =	vst v44  }
0xc9: {  	v51 =	vld [tilespmem:s1+$0xFFFFFFB0];
	v1 =	vor.u32 v1, v12;
	v4 =	vmul.bf16 v11, v4;
	[tilespmem:s29+$0x20] =	vst v45  }
0xca: {  	v53 =	vld [tilespmem:s1+$0xFFFFFFC0];
	v1 =	vbroadcast v1, $0x0;
	[tilespmem:s0+$0x30] =	vst v3;
	v3 =	vmul.bf16 v37, v2  }
0xcb: {  	v48 =	vmul.bf16 v36, v2;
	[tilespmem:s29+$0xFFFFFFF0] =	vst v4;
	v2 =	vmul.bf16 v39, v2;
	v43 =	vld.idx.msk [tilespmem:v34+s20+$0x0], $0xffff  }
0xcc: {  	v41 =	vld.idx.msk [tilespmem:v14+s20+$0x0], $0xffff;
	[tilespmem:s0+$0x50] =	vst v3;
	v3 =	vpack.i.f32.bf16 v5, v5  }
0xcd: {  	v54 =	vld [tilespmem:s1+$0xFFFFFFD0];
	[tilespmem:s0+$0x60] =	vst v2;
	v2 =	vmul.bf16 v47, v3  }
0xce: {  	v55 =	vld [tilespmem:s1+$0xFFFFFFE0];
	[tilespmem:s0+$0x40] =	vst v48;
	v10 =	vmul.bf16 v49, v3  }
0xcf: {  	v56 =	vld [tilespmem:s1+$0xFFFFFFF0];
	[tilespmem:s1+$0xFFFFFF80] =	vst v2;
	v2 =	vmul.bf16 v50, v3  }
0xd0: {  	v1 =	vld.idx.msk [tilespmem:v1+s20+$0x0], $0xffff;
	[tilespmem:s1+$0xFFFFFF90] =	vst v10;
	v3 =	vmul.bf16 v51, v3;
	v52 =	vpack.i.f32.bf16 v43, v43  }
0xd1: {  	v57 =	vld [tilespmem:s1+$0x0];
	v6 =	vpack.i.f32.bf16 v41, v41;
	v9 =	vmul.bf16 v46, v52;
	[tilespmem:s1+$0xFFFFFFA0] =	vst v2  }
0xd2: {  	v58 =	vld [tilespmem:s1+$0x10];
	v2 =	vmul.bf16 v53, v6;
	[tilespmem:s1+$0xFFFFFFB0] =	vst v3  }
0xd3: {  	v59 =	vld [tilespmem:s1+$0x20];
	v3 =	vmul.bf16 v54, v6;
	[tilespmem:s1+$0x70] =	vst v9  }
0xd4: {  	v60 =	vld [tilespmem:s1+$0x30];
	[tilespmem:s1+$0xFFFFFFC0] =	vst v2;
	v2 =	vmul.bf16 v55, v6  }
0xd5: {  	v61 =	vld [tilespmem:s1+$0x40];
	v1 =	vpack.i.f32.bf16 v1, v1;
	[tilespmem:s1+$0xFFFFFFD0] =	vst v3;
	v3 =	vmul.bf16 v56, v6  }
0xd6: {  	v62 =	vld [tilespmem:s1+$0x50];
	[tilespmem:s1+$0xFFFFFFE0] =	vst v2;
	v2 =	vmul.bf16 v57, v1  }
0xd7: {  	v63 =	vld [tilespmem:s1+$0x60];
	[tilespmem:s1+$0xFFFFFFF0] =	vst v3;
	v3 =	vmul.bf16 v58, v1  }
0xd8: {  	[tilespmem:s1+$0x0] =	vst v2;
	v2 =	vmul.bf16 v59, v1  }
0xd9: {  	[tilespmem:s1+$0x10] =	vst v3;
	v1 =	vmul.bf16 v60, v1  }
0xda: {  	[tilespmem:s1+$0x20] =	vst v2;
	v2 =	vmul.bf16 v61, v52  }
0xdb: {  	[tilespmem:s1+$0x30] =	vst v1;
	v1 =	vmul.bf16 v62, v52  }
0xdc: {  	s26 =	sadd.s32 $0x1, s26;
	[tilespmem:s1+$0x40] =	vst v2;
	v2 =	vmul.bf16 v63, v52  }
0xdd: {  	s31 =	sand.u32 $0x3FFFFF80, s30;
	p1 =	sne.s32 s26, $0x4;
	[tilespmem:s1+$0x50] =	vst v1  }
.Ltmp6:
0xde: {  	s0 =	sadd.s32 $0x400, s31;
	[tilespmem:s1+$0x60] =	vst v2;
	(pc) =	sbr.rel @p1 .LBB2_12-.Ltmp6, $4  }
0xdf: {  	[spmem:s2] =	stream.indirect.scatter.add.bf16 [tilespmem:s23], [sflag:$0x3], $0x40, s0, s21, $0xb8;
	[tilespmem:$0xEC00] =	vst v63  }
0xe0: {  	_ =	swait.ge [sflag:s18], $0x2000  }
0xe1: {  	[sflag:s18] =	ssyncset.done $0x0  }
0xe2: {  	[sflag:s18] =	ssyncadd.s32 $0xFFFFE000  }
0xe3: {  	s28 =	sadd.s32 $0x1, s28  }
0xe4: {  	p1 =	sne.s32 s28, $0x5  }
.Ltmp7:
0xe5: {  	_ = 	snop;
	(pc) =	sbr.rel @p1 .LBB2_11-.Ltmp7, $4  }
.Ltmp8:
0xe6: {  	_ = 	snop;
	(pc) =	sbr.rel @!p1 .LBB2_18-.Ltmp8, $4  }
0xe7: {  	_ = 	snop  }
0xe8: {  	_ = 	snop  }
0xe9: {  	_ = 	snop  }
0xea: {  	_ = 	snop  }
.LBB2_4:
0xeb: {  	s0 =	sshll.u32 s26, $0xA  }
0xec: {  	s0 =	sadd.s32 s13, s0  }
0xed: {  	s0 =	sshrl.u32 s0, $0x3  }
0xee: {  	s1 =	sadd.s32 s4, s0  }
0xef: {  	[tilespmem:s25], [sflag:$0x3] =	stream.linear.gather [hbm4b:s1+s25], $0x400, $0x38;
	[tilespmem:$0xEC00] =	vst v63  }
0xf0: {  	_ =	swait.ge [sflag:s18], $0x400  }
0xf1: {  	[sflag:s18] =	ssyncset.done $0x0  }
0xf2: {  	s31 =	sadd.s32 s5, s0;
	[sflag:s18] =	ssyncadd.s32 $0xFFFFFC00  }
0xf3: {  	[tilespmem:s19], [sflag:$0x3] =	stream.linear.gather [hbm4b:s31+s25], $0x400, $0x38;
	[tilespmem:$0xEC00] =	vst v63  }
0xf4: {  	_ =	swait.ge [sflag:s18], $0x400  }
0xf5: {  	[sflag:s18] =	ssyncset.done $0x0  }
0xf6: {  	s0 =	sadd.s32 s6, s0;
	[sflag:s18] =	ssyncadd.s32 $0xFFFFFC00  }
0xf7: {  	[tilespmem:s20], [sflag:$0x3] =	stream.linear.gather [hbm4b:s0+s25], $0x400, $0x38;
	[tilespmem:$0xEC00] =	vst v63  }
0xf8: {  	_ =	swait.ge [sflag:s18], $0x400  }
0xf9: {  	[sflag:s18] =	ssyncset.done $0x0  }
0xfa: {  	s28 =	simm.s32 $0x0;
	[sflag:s18] =	ssyncadd.s32 $0xFFFFFC00  }
0xfb: {  	[tilespmem:s17], [sflag:$0x1] =	stream.indirect.gather [hbm4b:s7+s21], $0x40, s25, s21, $0xb8;
	[tilespmem:$0xEC00] =	vst v63  }
.LBB2_5:
0xfc: {  	s1 =	simm.s32 $0x0;
	s9 =	simm.s32 $0x1  }
0xfd: {  	s0 =	sshll.u32 s28, $0x8;
	v2 =	vmov s1;
	v3 =	vmov s9;
	s9 =	simm.s32 $0x3  }
0xfe: {  	s10 =	simm.s32 $0x2;
	v1 =	vmov s0;
	v2 =	vand.u32 $0x7C, v2;
	v5 =	vmov s9  }
0xff: {  	_ =	swait.ge [sflag:s22], $0x2000;
	v4 =	vmov s10;
	s10 =	sshll.u32 s28, $0xA;
	v2 =	vor.u32 v1, v2;
	v5 =	vand.u32 $0x7F, v5  }
0x100: {  	[sflag:s22] =	ssyncset.done $0x0;
	s29 =	sshrl.u32 s10, $0x2;
	v2 =	vbroadcast v2, $0x0;
	v5 =	vor.u32 v1, v5  }
0x101: {  	s31 =	simm.s32 $0xC80;
	v3 =	vand.u32 $0x7D, v3;
	[sflag:s22] =	ssyncadd.s32 $0xFFFFE000;
	s0 =	sor.u32 $0x80, s29;
	v5 =	vbroadcast v5, $0x0  }
0x102: {  	v4 =	vand.u32 $0x7E, v4;
	v3 =	vor.u32 v1, v3;
	[tilespmem:s23], [sflag:$0x2] =	stream.indirect.gather [hbm4b:s7+s21], $0x40, s0, s21, $0xb8;
	[tilespmem:$0xEC00] =	vst v63  }
0x103: {  	v4 =	vor.u32 v1, v4;
	v3 =	vbroadcast v3, $0x0;
	v8 =	vld [tilespmem:s31+$0xFFFFFF80]  }
0x104: {  	v6 =	vbroadcast v4, $0x0;
	v9 =	vld [tilespmem:s31+$0xFFFFFF90]  }
0x105: {  	v11 =	vld [tilespmem:s31+$0xFFFFFFA0]  }
0x106: {  	v7 =	vld.idx.msk [tilespmem:v2+s20+$0x0], $0xffff  }
0x107: {  	v2 =	vld.idx.msk [tilespmem:v5+s20+$0x0], $0xffff  }
0x108: {  	v5 =	vld [tilespmem:s31+$0x70]  }
0x109: {  	s1 =	simm.s32 $0x4;
	v4 =	vld.idx.msk [tilespmem:v3+s20+$0x0], $0xffff  }
0x10a: {  	v10 =	vmov s1;
	v3 =	vld.idx.msk [tilespmem:v6+s20+$0x0], $0xffff  }
0x10b: {  	v12 =	vand.u32 $0x7C, v10;
	v6 =	vld [tilespmem:s31+$0xFFFFFFB0];
	v10 =	vpack.i.f32.bf16 v7, v7  }
0x10c: {  	s9 =	simm.s32 $0x5;
	s10 =	simm.s32 $0x6;
	v7 =	vld [tilespmem:s31+$0xFFFFFFC0];
	v2 =	vpack.i.f32.bf16 v2, v2;
	v16 =	vmul.bf16 v8, v10  }
0x10d: {  	v13 =	vmov s9;
	v15 =	vmov s10;
	v8 =	vld [tilespmem:s31+$0xFFFFFFD0];
	v5 =	vmul.bf16 v5, v2  }
0x10e: {  	s30 =	sshll.u32 s28, $0x1;
	v12 =	vor.u32 v1, v12;
	v14 =	vand.u32 $0x7D, v13;
	v13 =	vmul.bf16 v9, v10;
	v9 =	vld [tilespmem:s31+$0xFFFFFFE0];
	[tilespmem:s31+$0xFFFFFF80] =	vst v16  }
0x10f: {  	s1 =	simm.s32 $0x8;
	s9 =	simm.s32 $0x7;
	s0 =	simm.s32 $0xC80;
	[tilespmem:s31+$0x70] =	vst v5;
	v5 =	vbroadcast v12, $0x0;
	v12 =	vand.u32 $0x7E, v15;
	v15 =	vmul.bf16 v11, v10;
	v11 =	vld [tilespmem:s31+$0xFFFFFFF0]  }
.LBB2_6:
0x110: {  	p1 =	slt.u32 s1, $0x7C;
	v16 =	vmov s9;
	[tilespmem:s31+$0xFFFFFF90] =	vst v13;
	v6 =	vmul.bf16 v6, v10;
	v4 =	vpack.i.f32.bf16 v4, v4;
	v10 =	vld [tilespmem:s31+$0x0]  }
0x111: {  	v13 =	vor.u32 v1, v14;
	v14 =	vand.u32 $0x7F, v16;
	[tilespmem:s31+$0xFFFFFFA0] =	vst v15;
	v7 =	vmul.bf16 v7, v4;
	v15 =	vld [tilespmem:s31+$0x10]  }
0x112: {  	v13 =	vbroadcast v13, $0x0;
	v14 =	vor.u32 v1, v14;
	[tilespmem:s31+$0xFFFFFFB0] =	vst v6;
	v6 =	vmul.bf16 v8, v4;
	v8 =	vld [tilespmem:s31+$0x20]  }
0x113: {  	v12 =	vor.u32 v1, v12;
	v14 =	vbroadcast v14, $0x0;
	[tilespmem:s31+$0xFFFFFFC0] =	vst v7;
	v7 =	vmul.bf16 v9, v4;
	v9 =	vld [tilespmem:s31+$0x30]  }
0x114: {  	v3 =	vpack.i.f32.bf16 v3, v3;
	v12 =	vbroadcast v12, $0x0;
	[tilespmem:s31+$0xFFFFFFD0] =	vst v6;
	v4 =	vmul.bf16 v11, v4;
	v6 =	vld [tilespmem:s31+$0x40]  }
0x115: {  	[tilespmem:s31+$0xFFFFFFE0] =	vst v7;
	v7 =	vmul.bf16 v10, v3;
	v10 =	vld [tilespmem:s31+$0x50]  }
0x116: {  	[tilespmem:s31+$0xFFFFFFF0] =	vst v4;
	v11 =	vmul.bf16 v15, v3;
	v15 =	vld [tilespmem:s31+$0x60]  }
0x117: {  	v5 =	vld.idx.msk [tilespmem:v5+s20+$0x0], $0xffff;
	[tilespmem:s31+$0x0] =	vst v7;
	v7 =	vmul.bf16 v8, v3  }
0x118: {  	v4 =	vld.idx.msk [tilespmem:v13+s20+$0x0], $0xffff;
	[tilespmem:s31+$0x10] =	vst v11;
	v8 =	vmul.bf16 v9, v3  }
0x119: {  	v9 =	vld.idx.msk [tilespmem:v14+s20+$0x0], $0xffff;
	[tilespmem:s31+$0x20] =	vst v7;
	v6 =	vmul.bf16 v6, v2  }
0x11a: {  	s31 =	sadd.s32 $0x100, s31;
	v3 =	vld.idx.msk [tilespmem:v12+s20+$0x0], $0xffff;
	[tilespmem:s0+$0x30] =	vst v8;
	v7 =	vmul.bf16 v10, v2  }
0x11b: {  	v8 =	vld [tilespmem:s31+$0x70];
	[tilespmem:s0+$0x40] =	vst v6;
	v2 =	vmul.bf16 v15, v2  }
0x11c: {  	v11 =	vld [tilespmem:s31+$0xFFFFFF80];
	[tilespmem:s0+$0x50] =	vst v7  }
0x11d: {  	v12 =	vld [tilespmem:s31+$0xFFFFFF90];
	[tilespmem:s0+$0x60] =	vst v2;
	s0 =	smov.u32 s31  }
0x11e: {  	v15 =	vld [tilespmem:s31+$0xFFFFFFA0]  }
.Ltmp9:
0x11f: {  	v7 =	vmov s1;
	v2 =	vpack.i.f32.bf16 v9, v9;
	v6 =	vld [tilespmem:s31+$0xFFFFFFB0];
	(pc) =	sbr.rel @p1 .LBB2_6-.Ltmp9, $4  }
0x120: {  	s9 =	sadd.s32 $0x1, s1;
	s10 =	sadd.s32 $0x2, s1;
	v10 =	vpack.i.f32.bf16 v5, v5;
	v9 =	vand.u32 $0x7C, v7;
	v7 =	vld [tilespmem:s31+$0xFFFFFFC0];
	v5 =	vmul.bf16 v8, v2  }
0x121: {  	v16 =	vmov s10;
	v13 =	vmov s9;
	v11 =	vmul.bf16 v11, v10;
	v8 =	vld [tilespmem:s31+$0xFFFFFFD0]  }
0x122: {  	v14 =	vand.u32 $0x7D, v13;
	v17 =	vor.u32 v1, v9;
	v13 =	vmul.bf16 v12, v10;
	v9 =	vld [tilespmem:s31+$0xFFFFFFE0];
	[tilespmem:s31+$0x70] =	vst v5  }
0x123: {  	s9 =	sadd.s32 $0x3, s1;
	s1 =	sadd.s32 $0x4, s1;
	v5 =	vbroadcast v17, $0x0;
	v12 =	vand.u32 $0x7E, v16;
	[tilespmem:s31+$0xFFFFFF80] =	vst v11;
	v15 =	vmul.bf16 v15, v10;
	v11 =	vld [tilespmem:s31+$0xFFFFFFF0]  }
0x124: {  	v17 =	vld [tilespmem:s31+$0x0]  }
0x125: {  	v16 =	vmov s9;
	v18 =	vld [tilespmem:s31+$0x10]  }
0x126: {  	v14 =	vor.u32 v1, v14;
	v19 =	vld [tilespmem:s31+$0x20];
	v6 =	vmul.bf16 v6, v10;
	v4 =	vpack.i.f32.bf16 v4, v4  }
0x127: {  	[tilespmem:s31+$0xFFFFFF90] =	vst v13;
	v10 =	vld [tilespmem:s31+$0x40];
	v16 =	vand.u32 $0x7F, v16;
	v14 =	vbroadcast v14, $0x0;
	v7 =	vmul.bf16 v7, v4  }
0x128: {  	v13 =	vld [tilespmem:s31+$0x50];
	v16 =	vor.u32 v1, v16;
	[tilespmem:s31+$0xFFFFFFB0] =	vst v6;
	v6 =	vmul.bf16 v8, v4  }
0x129: {  	v5 =	vld.idx.msk [tilespmem:v5+s20+$0x0], $0xffff;
	v1 =	vor.u32 v1, v12;
	v12 =	vbroadcast v16, $0x0;
	[tilespmem:s31+$0xFFFFFFC0] =	vst v7;
	v7 =	vmul.bf16 v9, v4  }
0x12a: {  	v3 =	vpack.i.f32.bf16 v3, v3;
	v16 =	vld [tilespmem:s31+$0x30];
	v1 =	vbroadcast v1, $0x0;
	[tilespmem:s31+$0xFFFFFFD0] =	vst v6;
	v4 =	vmul.bf16 v11, v4  }
0x12b: {  	s1 =	sadd.s32 $0x100, s31;
	v8 =	vld [tilespmem:s31+$0x60];
	[tilespmem:s31+$0xFFFFFFE0] =	vst v7;
	v7 =	vmul.bf16 v17, v3  }
0x12c: {  	v11 =	vld [tilespmem:s1+$0x70];
	[tilespmem:s31+$0xFFFFFFF0] =	vst v4;
	v4 =	vmul.bf16 v18, v3  }
0x12d: {  	v6 =	vld.idx.msk [tilespmem:v14+s20+$0x0], $0xffff;
	[tilespmem:s31+$0x0] =	vst v7  }
0x12e: {  	v7 =	vmul.bf16 v19, v3;
	[tilespmem:s31+$0x10] =	vst v4;
	v4 =	vld [tilespmem:s1+$0xFFFFFF80]  }
0x12f: {  	v3 =	vmul.bf16 v16, v3;
	v9 =	vld.idx.msk [tilespmem:v12+s20+$0x0], $0xffff  }
0x130: {  	v1 =	vld.idx.msk [tilespmem:v1+s20+$0x0], $0xffff;
	[tilespmem:s31+$0x20] =	vst v7;
	v7 =	vmul.bf16 v10, v2  }
0x131: {  	v10 =	vld [tilespmem:s1+$0xFFFFFF90];
	[tilespmem:s0+$0x30] =	vst v3;
	v3 =	vmul.bf16 v13, v2  }
0x132: {  	v12 =	vld [tilespmem:s1+$0xFFFFFFA0];
	v2 =	vmul.bf16 v8, v2;
	[tilespmem:s0+$0x40] =	vst v7  }
0x133: {  	v7 =	vld [tilespmem:s1+$0xFFFFFFB0];
	[tilespmem:s0+$0x50] =	vst v3;
	v3 =	vpack.i.f32.bf16 v5, v5  }
0x134: {  	v5 =	vld [tilespmem:s1+$0xFFFFFFC0];
	[tilespmem:s0+$0x60] =	vst v2;
	v2 =	vmul.bf16 v4, v3;
	v8 =	vpack.i.f32.bf16 v9, v9  }
0x135: {  	[tilespmem:s31+$0xFFFFFFA0] =	vst v15;
	v4 =	vld [tilespmem:s1+$0xFFFFFFD0];
	v9 =	vmul.bf16 v11, v8  }
0x136: {  	v10 =	vmul.bf16 v10, v3;
	v11 =	vld [tilespmem:s1+$0xFFFFFFE0];
	[tilespmem:s1+$0xFFFFFF80] =	vst v2  }
0x137: {  	v2 =	vmul.bf16 v12, v3;
	[tilespmem:s1+$0x70] =	vst v9;
	v9 =	vld [tilespmem:s1+$0xFFFFFFF0]  }
0x138: {  	v6 =	vpack.i.f32.bf16 v6, v6;
	[tilespmem:s1+$0xFFFFFF90] =	vst v10;
	v3 =	vmul.bf16 v7, v3;
	v7 =	vld [tilespmem:s1+$0x0]  }
0x139: {  	[tilespmem:s1+$0xFFFFFFA0] =	vst v2;
	v2 =	vmul.bf16 v5, v6;
	v5 =	vld [tilespmem:s1+$0x10]  }
0x13a: {  	[tilespmem:s1+$0xFFFFFFB0] =	vst v3;
	v3 =	vmul.bf16 v4, v6;
	v4 =	vld [tilespmem:s1+$0x20]  }
0x13b: {  	v10 =	vld [tilespmem:s1+$0x30];
	[tilespmem:s1+$0xFFFFFFC0] =	vst v2;
	v2 =	vmul.bf16 v11, v6  }
0x13c: {  	v1 =	vpack.i.f32.bf16 v1, v1;
	[tilespmem:s1+$0xFFFFFFD0] =	vst v3;
	v3 =	vmul.bf16 v9, v6;
	v6 =	vld [tilespmem:s1+$0x40]  }
0x13d: {  	[tilespmem:s1+$0xFFFFFFE0] =	vst v2;
	v2 =	vmul.bf16 v7, v1;
	v7 =	vld [tilespmem:s1+$0x50]  }
0x13e: {  	[tilespmem:s1+$0xFFFFFFF0] =	vst v3;
	v3 =	vmul.bf16 v5, v1;
	v5 =	vld [tilespmem:s1+$0x60]  }
0x13f: {  	[tilespmem:s1+$0x0] =	vst v2;
	v2 =	vmul.bf16 v4, v1  }
0x140: {  	v1 =	vmul.bf16 v10, v1;
	[tilespmem:s1+$0x10] =	vst v3  }
0x141: {  	[tilespmem:s1+$0x20] =	vst v2;
	v2 =	vmul.bf16 v6, v8  }
0x142: {  	[tilespmem:s1+$0x30] =	vst v1;
	v1 =	vmul.bf16 v7, v8  }
0x143: {  	[tilespmem:s1+$0x40] =	vst v2;
	v2 =	vmul.bf16 v5, v8  }
0x144: {  	s31 =	simm.s32 $0x0;
	s0 =	sor.u32 $0x1, s30;
	[tilespmem:s1+$0x50] =	vst v1  }
0x145: {  	s10 =	sadd.s32 $0x400, s29;
	s9 =	simm.s32 $0x1;
	s30 =	sshll.u32 s0, $0x7;
	[tilespmem:s1+$0x60] =	vst v2;
	v2 =	vmov s31  }
0x146: {  	v3 =	vmov s9;
	v1 =	vmov s30;
	[spmem:s2] =	stream.indirect.scatter.add.bf16 [tilespmem:s17], [sflag:$0x3], $0x40, s10, s21, $0xb8;
	v2 =	vand.u32 $0x7C, v2;
	[tilespmem:$0xEC00] =	vst v63  }
0x147: {  	v3 =	vand.u32 $0x7D, v3;
	_ =	swait.ge [sflag:s18], $0x2000;
	v2 =	vor.u32 v1, v2  }
0x148: {  	v3 =	vor.u32 v1, v3;
	s31 =	simm.s32 $0x3;
	[sflag:s18] =	ssyncset.done $0x0;
	v2 =	vbroadcast v2, $0x0  }
0x149: {  	v3 =	vbroadcast v3, $0x0;
	v5 =	vmov s31;
	[sflag:s18] =	ssyncadd.s32 $0xFFFFE000  }
0x14a: {  	p1 =	sgt.u32 s0, $0x6;
	v5 =	vand.u32 $0x7F, v5;
	_ =	swait.ge [sflag:s24], $0x2000  }
0x14b: {  	s0 =	sadd.s32 @!p1 $0x100, s29;
	s10 =	simm.s32 $0x2;
	v5 =	vor.u32 v1, v5;
	[sflag:s24] =	ssyncset.done $0x0  }
0x14c: {  	s9 =	simm.s32 @!p1 $0xC00;
	s1 =	simm.s32 @!p1 $0x80;
	v4 =	vmov s10;
	v5 =	vbroadcast v5, $0x0;
	[sflag:s24] =	ssyncadd.s32 $0xFFFFE000  }
0x14d: {  	v4 =	vand.u32 $0x7E, v4;
	[tilespmem:s9], [sflag:$0x1] =	stream.indirect.gather @!p1 [hbm4b:s7+s1], $0x40, s0, s1, $0xb8;
	[tilespmem:$0xEC00] =	vst v63  }
0x14e: {  	v4 =	vor.u32 v1, v4;
	v7 =	vld.idx.msk [tilespmem:v2+s20+$0x0], $0xffff  }
0x14f: {  	s29 =	simm.s32 $0x2C80;
	v6 =	vbroadcast v4, $0x0;
	v4 =	vld.idx.msk [tilespmem:v3+s20+$0x0], $0xffff  }
0x150: {  	v8 =	vld [tilespmem:s29+$0xFFFFFF80]  }
0x151: {  	v9 =	vld [tilespmem:s29+$0xFFFFFF90]  }
0x152: {  	v2 =	vld.idx.msk [tilespmem:v5+s20+$0x0], $0xffff  }
0x153: {  	v5 =	vld [tilespmem:s29+$0x70]  }
0x154: {  	s9 =	simm.s32 $0x4;
	v11 =	vld [tilespmem:s29+$0xFFFFFFA0]  }
0x155: {  	v10 =	vmov s9;
	v3 =	vld.idx.msk [tilespmem:v6+s20+$0x0], $0xffff  }
0x156: {  	v12 =	vand.u32 $0x7C, v10;
	v6 =	vld [tilespmem:s29+$0xFFFFFFB0];
	v10 =	vpack.i.f32.bf16 v7, v7  }
0x157: {  	s31 =	simm.s32 $0x6;
	s10 =	simm.s32 $0x5;
	v7 =	vld [tilespmem:s29+$0xFFFFFFC0];
	v2 =	vpack.i.f32.bf16 v2, v2;
	v16 =	vmul.bf16 v8, v10  }
0x158: {  	v15 =	vmov s31;
	v13 =	vmov s10;
	v8 =	vld [tilespmem:s29+$0xFFFFFFD0];
	v5 =	vmul.bf16 v5, v2  }
0x159: {  	v14 =	vand.u32 $0x7D, v13;
	v12 =	vor.u32 v1, v12;
	v13 =	vmul.bf16 v9, v10;
	v9 =	vld [tilespmem:s29+$0xFFFFFFE0];
	[tilespmem:s29+$0xFFFFFF80] =	vst v16  }
0x15a: {  	s1 =	simm.s32 $0x8;
	s0 =	simm.s32 $0x2C80;
	s9 =	simm.s32 $0x7;
	[tilespmem:s29+$0x70] =	vst v5;
	v5 =	vbroadcast v12, $0x0;
	v12 =	vand.u32 $0x7E, v15;
	v15 =	vmul.bf16 v11, v10;
	v11 =	vld [tilespmem:s29+$0xFFFFFFF0]  }
.LBB2_8:
0x15b: {  	p1 =	slt.u32 s1, $0x7C;
	v16 =	vmov s9;
	[tilespmem:s29+$0xFFFFFF90] =	vst v13;
	v6 =	vmul.bf16 v6, v10;
	v4 =	vpack.i.f32.bf16 v4, v4;
	v10 =	vld [tilespmem:s29+$0x0]  }
0x15c: {  	v13 =	vor.u32 v1, v14;
	v14 =	vand.u32 $0x7F, v16;
	[tilespmem:s29+$0xFFFFFFA0] =	vst v15;
	v7 =	vmul.bf16 v7, v4;
	v15 =	vld [tilespmem:s29+$0x10]  }
0x15d: {  	v13 =	vbroadcast v13, $0x0;
	v14 =	vor.u32 v1, v14;
	[tilespmem:s29+$0xFFFFFFB0] =	vst v6;
	v6 =	vmul.bf16 v8, v4;
	v8 =	vld [tilespmem:s29+$0x20]  }
0x15e: {  	v12 =	vor.u32 v1, v12;
	v14 =	vbroadcast v14, $0x0;
	[tilespmem:s29+$0xFFFFFFC0] =	vst v7;
	v7 =	vmul.bf16 v9, v4;
	v9 =	vld [tilespmem:s29+$0x30]  }
0x15f: {  	v3 =	vpack.i.f32.bf16 v3, v3;
	v12 =	vbroadcast v12, $0x0;
	[tilespmem:s29+$0xFFFFFFD0] =	vst v6;
	v4 =	vmul.bf16 v11, v4;
	v6 =	vld [tilespmem:s29+$0x40]  }
0x160: {  	[tilespmem:s29+$0xFFFFFFE0] =	vst v7;
	v7 =	vmul.bf16 v10, v3;
	v10 =	vld [tilespmem:s29+$0x50]  }
0x161: {  	[tilespmem:s29+$0xFFFFFFF0] =	vst v4;
	v11 =	vmul.bf16 v15, v3;
	v15 =	vld [tilespmem:s29+$0x60]  }
0x162: {  	v5 =	vld.idx.msk [tilespmem:v5+s20+$0x0], $0xffff;
	[tilespmem:s29+$0x0] =	vst v7;
	v7 =	vmul.bf16 v8, v3  }
0x163: {  	v4 =	vld.idx.msk [tilespmem:v13+s20+$0x0], $0xffff;
	[tilespmem:s29+$0x10] =	vst v11;
	v8 =	vmul.bf16 v9, v3  }
0x164: {  	v9 =	vld.idx.msk [tilespmem:v14+s20+$0x0], $0xffff;
	[tilespmem:s29+$0x20] =	vst v7;
	v6 =	vmul.bf16 v6, v2  }
0x165: {  	s29 =	sadd.s32 $0x100, s29;
	v3 =	vld.idx.msk [tilespmem:v12+s20+$0x0], $0xffff;
	[tilespmem:s0+$0x30] =	vst v8;
	v7 =	vmul.bf16 v10, v2  }
0x166: {  	v8 =	vld [tilespmem:s29+$0x70];
	[tilespmem:s0+$0x40] =	vst v6;
	v2 =	vmul.bf16 v15, v2  }
0x167: {  	v11 =	vld [tilespmem:s29+$0xFFFFFF80];
	[tilespmem:s0+$0x50] =	vst v7  }
0x168: {  	v12 =	vld [tilespmem:s29+$0xFFFFFF90];
	[tilespmem:s0+$0x60] =	vst v2;
	s0 =	smov.u32 s29  }
0x169: {  	v15 =	vld [tilespmem:s29+$0xFFFFFFA0]  }
.Ltmp10:
0x16a: {  	v7 =	vmov s1;
	v2 =	vpack.i.f32.bf16 v9, v9;
	v6 =	vld [tilespmem:s29+$0xFFFFFFB0];
	(pc) =	sbr.rel @p1 .LBB2_8-.Ltmp10, $4  }
0x16b: {  	s9 =	sadd.s32 $0x1, s1;
	s10 =	sadd.s32 $0x2, s1;
	v10 =	vpack.i.f32.bf16 v5, v5;
	v9 =	vand.u32 $0x7C, v7;
	v7 =	vld [tilespmem:s29+$0xFFFFFFC0];
	v5 =	vmul.bf16 v8, v2  }
0x16c: {  	v16 =	vmov s10;
	v13 =	vmov s9;
	v11 =	vmul.bf16 v11, v10;
	v8 =	vld [tilespmem:s29+$0xFFFFFFD0]  }
0x16d: {  	v14 =	vand.u32 $0x7D, v13;
	v17 =	vor.u32 v1, v9;
	v13 =	vmul.bf16 v12, v10;
	v9 =	vld [tilespmem:s29+$0xFFFFFFE0];
	[tilespmem:s29+$0x70] =	vst v5  }
0x16e: {  	s9 =	sadd.s32 $0x3, s1;
	s1 =	sadd.s32 $0x4, s1;
	v5 =	vbroadcast v17, $0x0;
	v12 =	vand.u32 $0x7E, v16;
	[tilespmem:s29+$0xFFFFFF80] =	vst v11;
	v15 =	vmul.bf16 v15, v10;
	v11 =	vld [tilespmem:s29+$0xFFFFFFF0]  }
0x16f: {  	v17 =	vld [tilespmem:s29+$0x0]  }
0x170: {  	v18 =	vld [tilespmem:s29+$0x10]  }
0x171: {  	v19 =	vld [tilespmem:s29+$0x20]  }
0x172: {  	v35 =	vld [tilespmem:s29+$0x30]  }
0x173: {  	[tilespmem:s29+$0xFFFFFF90] =	vst v13;
	v6 =	vmul.bf16 v6, v10;
	v4 =	vpack.i.f32.bf16 v4, v4;
	v36 =	vld [tilespmem:s29+$0x40]  }
0x174: {  	v16 =	vmov s9;
	v37 =	vld [tilespmem:s29+$0x50];
	[tilespmem:s29+$0xFFFFFFA0] =	vst v15;
	v7 =	vmul.bf16 v7, v4  }
0x175: {  	v39 =	vld [tilespmem:s29+$0x60];
	v3 =	vpack.i.f32.bf16 v3, v3;
	v16 =	vand.u32 $0x7F, v16;
	[tilespmem:s29+$0xFFFFFFB0] =	vst v6;
	v38 =	vmul.bf16 v8, v4  }
0x176: {  	s1 =	sadd.s32 $0x100, s29;
	v5 =	vld.idx.msk [tilespmem:v5+s20+$0x0], $0xffff;
	v16 =	vor.u32 v1, v16;
	[tilespmem:s29+$0xFFFFFFC0] =	vst v7;
	v40 =	vmul.bf16 v9, v4  }
0x177: {  	v14 =	vor.u32 v1, v14;
	v46 =	vld [tilespmem:s1+$0x70];
	v34 =	vbroadcast v16, $0x0;
	[tilespmem:s29+$0xFFFFFFD0] =	vst v38;
	v42 =	vmul.bf16 v17, v3  }
0x178: {  	v14 =	vbroadcast v14, $0x0;
	v47 =	vld [tilespmem:s1+$0xFFFFFF80];
	[tilespmem:s29+$0xFFFFFFE0] =	vst v40;
	v44 =	vmul.bf16 v18, v3  }
0x179: {  	v49 =	vld [tilespmem:s1+$0xFFFFFF90];
	v45 =	vmul.bf16 v19, v3;
	[tilespmem:s29+$0x0] =	vst v42  }
0x17a: {  	v50 =	vld [tilespmem:s1+$0xFFFFFFA0];
	v3 =	vmul.bf16 v35, v3;
	[tilespmem:s29+$0x10] =	vst v44  }
0x17b: {  	v51 =	vld [tilespmem:s1+$0xFFFFFFB0];
	v1 =	vor.u32 v1, v12;
	v4 =	vmul.bf16 v11, v4;
	[tilespmem:s29+$0x20] =	vst v45  }
0x17c: {  	v53 =	vld [tilespmem:s1+$0xFFFFFFC0];
	v1 =	vbroadcast v1, $0x0;
	[tilespmem:s0+$0x30] =	vst v3;
	v3 =	vmul.bf16 v37, v2  }
0x17d: {  	v48 =	vmul.bf16 v36, v2;
	[tilespmem:s29+$0xFFFFFFF0] =	vst v4;
	v2 =	vmul.bf16 v39, v2;
	v43 =	vld.idx.msk [tilespmem:v34+s20+$0x0], $0xffff  }
0x17e: {  	v41 =	vld.idx.msk [tilespmem:v14+s20+$0x0], $0xffff;
	[tilespmem:s0+$0x50] =	vst v3;
	v3 =	vpack.i.f32.bf16 v5, v5  }
0x17f: {  	v54 =	vld [tilespmem:s1+$0xFFFFFFD0];
	[tilespmem:s0+$0x60] =	vst v2;
	v2 =	vmul.bf16 v47, v3  }
0x180: {  	v55 =	vld [tilespmem:s1+$0xFFFFFFE0];
	[tilespmem:s0+$0x40] =	vst v48;
	v10 =	vmul.bf16 v49, v3  }
0x181: {  	v56 =	vld [tilespmem:s1+$0xFFFFFFF0];
	[tilespmem:s1+$0xFFFFFF80] =	vst v2;
	v2 =	vmul.bf16 v50, v3  }
0x182: {  	v1 =	vld.idx.msk [tilespmem:v1+s20+$0x0], $0xffff;
	[tilespmem:s1+$0xFFFFFF90] =	vst v10;
	v3 =	vmul.bf16 v51, v3;
	v52 =	vpack.i.f32.bf16 v43, v43  }
0x183: {  	v57 =	vld [tilespmem:s1+$0x0];
	v6 =	vpack.i.f32.bf16 v41, v41;
	v9 =	vmul.bf16 v46, v52;
	[tilespmem:s1+$0xFFFFFFA0] =	vst v2  }
0x184: {  	v58 =	vld [tilespmem:s1+$0x10];
	v2 =	vmul.bf16 v53, v6;
	[tilespmem:s1+$0xFFFFFFB0] =	vst v3  }
0x185: {  	v59 =	vld [tilespmem:s1+$0x20];
	v3 =	vmul.bf16 v54, v6;
	[tilespmem:s1+$0x70] =	vst v9  }
0x186: {  	v60 =	vld [tilespmem:s1+$0x30];
	[tilespmem:s1+$0xFFFFFFC0] =	vst v2;
	v2 =	vmul.bf16 v55, v6  }
0x187: {  	v61 =	vld [tilespmem:s1+$0x40];
	v1 =	vpack.i.f32.bf16 v1, v1;
	[tilespmem:s1+$0xFFFFFFD0] =	vst v3;
	v3 =	vmul.bf16 v56, v6  }
0x188: {  	v62 =	vld [tilespmem:s1+$0x50];
	[tilespmem:s1+$0xFFFFFFE0] =	vst v2;
	v2 =	vmul.bf16 v57, v1  }
0x189: {  	v63 =	vld [tilespmem:s1+$0x60];
	[tilespmem:s1+$0xFFFFFFF0] =	vst v3;
	v3 =	vmul.bf16 v58, v1  }
0x18a: {  	[tilespmem:s1+$0x0] =	vst v2;
	v2 =	vmul.bf16 v59, v1  }
0x18b: {  	[tilespmem:s1+$0x10] =	vst v3;
	v1 =	vmul.bf16 v60, v1  }
0x18c: {  	[tilespmem:s1+$0x20] =	vst v2;
	v2 =	vmul.bf16 v61, v52  }
0x18d: {  	[tilespmem:s1+$0x30] =	vst v1;
	v1 =	vmul.bf16 v62, v52  }
0x18e: {  	s28 =	sadd.s32 $0x1, s28;
	[tilespmem:s1+$0x40] =	vst v2;
	v2 =	vmul.bf16 v63, v52  }
0x18f: {  	s31 =	sand.u32 $0x3FFFFF80, s30;
	p1 =	sne.s32 s28, $0x4;
	[tilespmem:s1+$0x50] =	vst v1  }
.Ltmp11:
0x190: {  	s0 =	sadd.s32 $0x400, s31;
	[tilespmem:s1+$0x60] =	vst v2;
	(pc) =	sbr.rel @p1 .LBB2_5-.Ltmp11, $4  }
0x191: {  	[spmem:s2] =	stream.indirect.scatter.add.bf16 [tilespmem:s23], [sflag:$0x3], $0x40, s0, s21, $0xb8;
	[tilespmem:$0xEC00] =	vst v63  }
0x192: {  	_ =	swait.ge [sflag:s18], $0x2000  }
0x193: {  	[sflag:s18] =	ssyncset.done $0x0  }
0x194: {  	[sflag:s18] =	ssyncadd.s32 $0xFFFFE000  }
0x195: {  	s26 =	sadd.s32 $0x1, s26  }
0x196: {  	p1 =	seq.s32 s26, $0xF  }
.Ltmp12:
0x197: {  	_ = 	snop;
	(pc) =	sbr.rel @!p1 .LBB2_4-.Ltmp12, $4  }
.Ltmp13:
0x198: {  	_ = 	snop;
	(pc) =	sbr.rel @p1 .LBB2_18-.Ltmp13, $4  }
0x199: {  	_ = 	snop  }
0x19a: {  	_ = 	snop  }
0x19b: {  	_ = 	snop  }
0x19c: {  	_ = 	snop  }
.LBB2_19:
0x19d: {  	_ =	sfence.sel $0x180000  }
0x19e: {  	[bflag:$0x0] =	sbarrier.arrive $0xFFFF  }
0x19f: {  	_ =	strace $0x9000004A  }
0x1a0: {  	s0 =	stileid.u32;
	[bflag:$0x2] =	sbarrier.arrive $0xFFFF  }
0x1a1: {  	p0 =	sne.s32 s0, $0x0;
	s0 =	rddreg [dreg:$0x2]  }
0x1a2: {  	s0 =	sadd.s32 @!p0 $0x100000, s0  }
0x1a3: {  	[sflag:s0] =	ssyncadd.tile.s32 @!p0 $0x1;
	_ =	shalt  }
.Lfunc_end2:
_tile_overlayer_lowered:
.L_overlay_start_2:
0x1a4: {  	(tag) =	ssettag $0x2  }
0x1a5: {  	s0 =	rddreg [dreg:$0x0];
	s2 =	stileid.u32  }
0x1a6: {  	s1 =	rddreg [dreg:$0x1];
	p0 =	sne.s32 s2, $0x0  }
0x1a7: {  	s3 =	rddreg [dreg:$0x2];
	[bflag:$0x3] =	sbarrier.arrive $0xFFFF;
	s2 =	simm.s32 @!p0 $0x1C03  }
0x1a8: {  	[timem:s3], [sflag:s2] =	dma.local @!p0 [hbm:s0], s1  }
0x1a9: {  	s0 =	simm.s32 @!p0 $0x3  }
0x1aa: {  	_ =	swait.ge @!p0 [sflag:s0], s1  }
0x1ab: {  	s1 =	ssub.s32 @!p0 $0x0, s1;
	[sflag:s0] =	ssyncset.done @!p0 $0x0  }
0x1ac: {  	[sflag:s0] =	ssyncadd.s32 @!p0 s1  }
0x1ad: {  	[bflag:$0x3] =	sbarrier.arrive $0xFFFF  }
0x1ae: {  	_ =	shalt  }

// kernel: kernel.17.cloned.1.call-start
scs
__scs_entry_jumppad:
0x0: {  	(pc) =	sbr.rel $0x88, $3  }
0x1: {  	(tag) =	ssettag $0x0;
	lr =	simm.s32 $0x1  }
0x2: {  	[smem:$0x3F8F] =	sst lr;
	_ =	strace $0xD0000000  }
0x3: {  	_ = 	snop  }
0x4: {  	_ = 	snop  }
0x5: {  	_ = 	snop  }
0x6: {  	_ = 	snop  }
0x7: {  	_ = 	snop  }
__scs_overlays_trampoline_lowered:
0x8: {  	[smem:$0x3F9E] =	sst s0  }
0x9: {  	[smem:$0x3F9F] =	sst s1  }
0xa: {  	[smem:$0x3FA0] =	sst s2  }
0xb: {  	[smem:$0x3FA1] =	sst s3  }
0xc: {  	[smem:$0x3FA2] =	sst s4  }
0xd: {  	[smem:$0x3FA3] =	sst s5  }
0xe: {  	[smem:$0x3FA4] =	sst s6  }
0xf: {  	[smem:$0x3FA5] =	sst s7  }
0x10: {  	[smem:$0x3FA6] =	sst s8  }
0x11: {  	[smem:$0x3FA7] =	sst s9;
	s0 =	simm.s32 @!p0 $0x0  }
0x12: {  	s1 =	sld [smem:$0x3F8D];
	s0 =	simm.s32 @p0 $0x1  }
0x13: {  	[smem:$0x3FA8] =	sst s0;
	s0 =	simm.s32 @!p1 $0x0  }
0x14: {  	s2 =	sld [smem:$0x3F8C];
	s0 =	simm.s32 @p1 $0x1  }
0x15: {  	[smem:$0x3FA9] =	sst s0;
	s0 =	simm.s32 @!p2 $0x0  }
0x16: {  	s3 =	sld [smem:$0x3FDB];
	s0 =	simm.s32 @p2 $0x1  }
0x17: {  	s4 =	simm.s32 $0x1BF5;
	[smem:$0x3FAB] =	sst s0  }
0x18: {  	s0 =	sld [smem:$0x3F8E];
	_ =	swait.ge [sflag:s4], $0x0  }
0x19: {  	s7 =	sld [smem:$0x3F8F]  }
0x1a: {  	s8 =	sadd.s32 $0xFFFFE003, lr  }
0x1b: {  	s9 =	sadd.s32 $0xFFFFFEF7, lr;
	s5 =	simm.s32 $0xFFFFFFFF;
	p2 =	slt.u32 s8, $0xFFFFF086  }
0x1c: {  	p1 =	slt.u32 s9, $0xF7A;
	s5 =	simm.s32 @!p2 $0x0  }
0x1d: {  	s5 =	simm.s32 @p1 $0x1;
	p0 =	seq.s32 s7, s2  }
0x1e: {  	s7 =	smul.u32 @!p0 $0xF7A, s2;
	p2 =	seq.s32 @!p0 s5, $0x0  }
0x1f: {  	s9 =	smul.u32 $0xF7A, s1;
	s8 =	simm.s32 @!p0 $0x1BF5;
	p2 =	por !p2, p0  }
0x20: {  	[sflag:s8] =	ssyncset.s32 @!p0 $0xFFFFF086;
	s6 =	sadd.s32 @!p0 s3, s7;
	s7 =	simm.s32 @!p0 $0x108  }
0x21: {  	s3 =	sadd.s32 s3, s9;
	s6 =	sadd.s32 @!p0 $0x88, s6;
	s7 =	simm.s32 @p2 $0x1082  }
0x22: {  	[simem:s7], [sflag:s8] =	dma.local @!p0 [hbm:s6], $0xF7A  }
0x23: {  	s9 =	sor.u32 $0xD0000000, s2;
	s6 =	simm.s32 $0x108;
	_ =	swait.ge @!p0 [sflag:s8], $0x0  }
0x24: {  	s3 =	sadd.s32 $0x88, s3;
	s6 =	simm.s32 @!p1 $0x1082;
	[sflag:s4] =	ssyncset.s32 $0xFFFFF086  }
0x25: {  	[simem:s6], [sflag:s4] =	dma.local [hbm:s3], $0xF7A  }
0x26: {  	[smem:$0x3F8F] =	sst s1;
	(tag) =	ssettag s2;
	_ =	strace s9  }
0x27: {  	s1 =	sld [smem:$0x3F9F]  }
0x28: {  	s2 =	sld [smem:$0x3FA0]  }
0x29: {  	s4 =	sld [smem:$0x3FA2]  }
0x2a: {  	p0 =	seq.s32 s5, $0x0;
	s5 =	sld [smem:$0x3FA3]  }
0x2b: {  	s6 =	sld [smem:$0x3FA4]  }
0x2c: {  	s7 =	sld [smem:$0x3FA5]  }
0x2d: {  	s3 =	simm.s32 $0x108;
	s8 =	sld [smem:$0x3FA6]  }
0x2e: {  	s3 =	simm.s32 @!p0 $0x1082;
	s9 =	sld [smem:$0x3FA7]  }
0x2f: {  	lr =	sadd.s32 s0, s3;
	s0 =	sld [smem:$0x3F9E]  }
0x30: {  	s3 =	sld [smem:$0x3FA1]  }
0x31: {  	[smem:$0x3FAA] =	sst s10  }
0x32: {  	s10 =	sld [smem:$0x3FA8];
	_ =	sdelay $0x3  }
0x33: {  	p0 =	seq.s32 s10, $0x1;
	s10 =	sld [smem:$0x3FAA];
	_ =	sdelay $0x3  }
0x34: {  	[smem:$0x3FAA] =	sst s10  }
0x35: {  	s10 =	sld [smem:$0x3FA9];
	_ =	sdelay $0x3  }
0x36: {  	p1 =	seq.s32 s10, $0x1;
	s10 =	sld [smem:$0x3FAA];
	_ =	sdelay $0x3  }
0x37: {  	[smem:$0x3FAA] =	sst s10  }
0x38: {  	s10 =	sld [smem:$0x3FAB]  }
0x39: {  	_ = 	snop;
	(pc) =	sbr.ind lr, $3  }
0x3a: {  	_ = 	snop  }
0x3b: {  	_ = 	snop  }
0x3c: {  	p2 =	seq.s32 s10, $0x1;
	s10 =	sld [smem:$0x3FAA]  }
0x3d: {  	_ =	shalt  }
0x3e: {  	_ =	shalt  }
0x3f: {  	_ =	shalt  }
0x40: {  	_ =	shalt  }
0x41: {  	_ =	shalt  }
0x42: {  	_ =	shalt  }
0x43: {  	_ =	shalt  }
0x44: {  	_ =	shalt  }
0x45: {  	_ =	shalt  }
0x46: {  	_ =	shalt  }
0x47: {  	_ =	shalt  }
0x48: {  	_ =	shalt  }
0x49: {  	_ =	shalt  }
0x4a: {  	_ =	shalt  }
0x4b: {  	_ =	shalt  }
0x4c: {  	_ =	shalt  }
0x4d: {  	_ =	shalt  }
0x4e: {  	_ =	shalt  }
0x4f: {  	_ =	shalt  }
0x50: {  	_ =	shalt  }
0x51: {  	_ =	shalt  }
0x52: {  	_ =	shalt  }
0x53: {  	_ =	shalt  }
0x54: {  	_ =	shalt  }
0x55: {  	_ =	shalt  }
0x56: {  	_ =	shalt  }
0x57: {  	_ =	shalt  }
0x58: {  	_ =	shalt  }
0x59: {  	_ =	shalt  }
0x5a: {  	_ =	shalt  }
0x5b: {  	_ =	shalt  }
0x5c: {  	_ =	shalt  }
0x5d: {  	_ =	shalt  }
0x5e: {  	_ =	shalt  }
0x5f: {  	_ =	shalt  }
0x60: {  	_ =	shalt  }
0x61: {  	_ =	shalt  }
0x62: {  	_ =	shalt  }
0x63: {  	_ =	shalt  }
0x64: {  	_ =	shalt  }
0x65: {  	_ =	shalt  }
0x66: {  	_ =	shalt  }
0x67: {  	_ =	shalt  }
0x68: {  	_ =	shalt  }
0x69: {  	_ =	shalt  }
0x6a: {  	_ =	shalt  }
0x6b: {  	_ =	shalt  }
0x6c: {  	_ =	shalt  }
0x6d: {  	_ =	shalt  }
0x6e: {  	_ =	shalt  }
0x6f: {  	_ =	shalt  }
0x70: {  	_ =	shalt  }
0x71: {  	_ =	shalt  }
0x72: {  	_ =	shalt  }
0x73: {  	_ =	shalt  }
0x74: {  	_ =	shalt  }
0x75: {  	_ =	shalt  }
0x76: {  	_ =	shalt  }
0x77: {  	_ =	shalt  }
0x78: {  	_ =	shalt  }
0x79: {  	_ =	shalt  }
0x7a: {  	_ =	shalt  }
0x7b: {  	_ =	shalt  }
0x7c: {  	_ =	shalt  }
0x7d: {  	_ =	shalt  }
0x7e: {  	_ =	shalt  }
0x7f: {  	_ =	shalt  }
0x80: {  	_ =	shalt  }
0x81: {  	_ =	shalt  }
0x82: {  	_ =	shalt  }
0x83: {  	_ =	shalt  }
0x84: {  	_ =	shalt  }
0x85: {  	_ =	shalt  }
0x86: {  	_ =	shalt  }
0x87: {  	_ =	shalt  }
.Lfunc_end0:
.L_simem_size_0:
called_computation.2_lowered:
.L_overlay_start_0:
0x88: {  	s2 =	sld [smem:$0x3FD9]  }
0x89: {  	s3 =	sld [smem:$0x3FFE];
	_ =	sdelay $0x1  }
0x8a: {  	s1 =	srdreg.scid  }
0x8b: {  	s0 =	sand.u32 $0x1, s1  }
0x8c: {  	s16 =	sshll.u32 s0, $0xA;
	s2 =	sadd.s32 s3, s2  }
0x8d: {  	s2 =	sadd.s32 s2, s16  }
0x8e: {  	[smem:$0x3FB6] =	sst s2  }
0x8f: {  	_ = 	snop  }
0x90: {  	(tm) =	ssettm $0x1  }
0x91: {  	s17 =	sld [smem:$0x3FFB];
	_ =	sdelay $0x3  }
0x92: {  	_ =	strace s17  }
0x93: {  	s2 =	sld [smem:$0x3FFC];
	_ =	sdelay $0x3  }
0x94: {  	_ =	strace s2  }
0x95: {  	s2 =	sld [smem:$0x3FFD];
	_ =	sdelay $0x3  }
0x96: {  	_ =	strace s2  }
0x97: {  	_ =	strace $0x8FFFFFFF  }
0x98: {  	s18 =	sld [smem:$0x3FDB];
	_ =	sdelay $0x1  }
0x99: {  	s19 =	simm.s32 $_scs_section_size  }
0x9a: {  	s4 =	simm.s32 $_size__tile_overlayer_lowered;
	s5 =	simm.s32 $_tile_overlayer_lowered  }
0x9b: {  	s22 =	simm.s32 $0x1BFF;
	s21 =	sshll.u32 s5, $0x1;
	s2 =	sadd.s32 s19, s18  }
0x9c: {  	s6 =	simm.s32 $0x0;
	s20 =	sshll.u32 s4, $0x1;
	s4 =	sadd.s32 s21, s2  }
0x9d: {  	[timem:s6], [sflag:s22] =	dma.local [hbm:s4], s20  }
0x9e: {  	_ =	swait.ge [sflag:s22], s20  }
0x9f: {  	s3 =	ssub.s32 $0x0, s20;
	[sflag:s22] =	ssyncset.done $0x0  }
0xa0: {  	[sflag:s22] =	ssyncadd.s32 s3;
	_ =	sdelay $0x1  }
0xa1: {  	s23 =	simm.s32 $0x1B8B  }
0xa2: {  	_ =	swait.ge [sflag:s23], $0x1  }
0xa3: {  	[sflag:s23] =	ssyncset.done $0x0  }
0xa4: {  	s25 =	simm.s32 $0x1B8E;
	s24 =	sld [smem:$0x3FFE];
	[sflag:s23] =	ssyncadd.s32 $0xFFFFFFFF  }
0xa5: {  	s26 =	simm.s32 $execute0_lowered;
	[smem:$0x3FD2] =	sst s25  }
0xa6: {  	s4 =	sshll.u32 s26, $0x1;
	_ =	strace $0x8000004C;
	[dreg:$0x1] =	wrdreg $0xFFFFFFFF  }
0xa7: {  	s28 =	simm.s32 $_size_execute0_lowered;
	s2 =	sadd.s32 s2, s4;
	[dreg:$0x0] =	wrdreg $0x0  }
0xa8: {  	s4 =	sshll.u32 s28, $0x1;
	[dreg:$0x2] =	wrdreg s2  }
0xa9: {  	[dreg:$0x3] =	wrdreg s4  }
0xaa: {  	[dreg:$0x4] =	wrdreg $0xC0  }
0xab: {  	_ =	task [dreg:s6], $0x5FFFF  }
0xac: {  	[dreg:$0x1] =	wrdreg $0xFFFFFFFF  }
0xad: {  	[dreg:$0x0] =	wrdreg $0x60  }
0xae: {  	[dreg:$0x2] =	wrdreg s24  }
0xaf: {  	[dreg:$0x3] =	wrdreg $0xF3000  }
0xb0: {  	[dreg:$0x4] =	wrdreg $0xF5800  }
0xb1: {  	[dreg:$0x5] =	wrdreg $0xF8000  }
0xb2: {  	[dreg:$0x6] =	wrdreg $0x9  }
0xb3: {  	_ =	task.clear_ibuf [dreg:s6], $0x7FFFF;
	_ =	strace $0x9000004C  }
0xb4: {  	s29 =	simm.s32 $0x9;
	_ =	strace $0x8000004E  }
0xb5: {  	_ =	swait.ge [sflag:s29], $0x1  }
0xb6: {  	[sflag:s29] =	ssyncadd.s32 $0xFFFFFFFF  }
0xb7: {  	_ =	strace $0x9000004E  }
0xb8: {  	_ =	sfence  }
0xb9: {  	s30 =	sld [smem:$0x0];
	_ =	sdelay $0x2  }
0xba: {  	s31 =	sshll.u32 s1, $0xD;
	s1 =	sshrl.u32 s1, $0x2  }
0xbb: {  	s3 =	sand.u32 $0x4000, s31;
	s1 =	sadd.s32 s1, s30  }
0xbc: {  	s0 =	sor.u32 s3, s0;
	s1 =	sshll.u32 s1, $0x11  }
0xbd: {  	s0 =	sor.u32 s1, s0  }
0xbe: {  	s0 =	sadd.s32 $0x8F2B, s0  }
0xbf: {  	[sflag:s0] =	ssyncadd.remote.s32 $0x1  }
0xc0: {  	_ =	sfence.sel $0xFFFF  }
0xc1: {  	[dreg:$0x0] =	wrdreg $0xFFFFFFFF;
	(pc) =	sbr.abs _section_cstart, $3  }
0xc2: {  	[dreg:$0x1] =	wrdreg $0xFFFFFFFF  }
0xc3: {  	_ =	task.clear_ibuf [dreg:s6], $0x2FFFF;
	_ =	strace $0x9FFFFFFF  }
0xc4: {  	(tm) =	ssettm $0x7FFFFFFF  }
0xc5: {  	_ =	shalt  }
tec
execute0_lowered:
.L_overlay_start_1:
0x0: {  	(tag) =	ssettag $0x1  }
0x1: {  	s0 =	rddreg [dreg:$0x0]  }
0x2: {  	s1 =	rddreg [dreg:$0x1]  }
0x3: {  	s2 =	rddreg [dreg:$0x2]  }
0x4: {  	s3 =	rddreg [dreg:$0x3];
	s4 =	srdreg.scid;
	s5 =	simm.s32 $0x0  }
0x5: {  	s7 =	stileid.u32;
	s19 =	simm.s32 $0x2;
	s22 =	simm.s32 $0xA080  }
0x6: {  	s23 =	simm.s32 $0xC880;
	s24 =	simm.s32 $0xF080;
	s25 =	simm.s32 $0x80  }
0x7: {  	s29 =	simm.s32 $0x1;
	s30 =	simm.s32 $0x20;
	s31 =	simm.s32 $0x10  }
0x8: {  	s4 =	sand.u32 $0x1, s4;
	[smem:$0x7FF] =	sst s5;
	s8 =	smul.u32 $0x500, s7  }
0x9: {  	s9 =	sadd.s32 $0x8DA00, s0;
	s10 =	sadd.s32 $0x8E000, s0;
	s13 =	smul.u32 $0x280, s7  }
0xa: {  	s6 =	sshll.u32 s4, $0x4;
	_ =	strace $0x8000004D;
	[dreg:$0x5] =	wrdreg s9  }
0xb: {  	s26 =	sshll.u32 s4, $0x7;
	[dreg:$0x6] =	wrdreg s10;
	s4 =	ssub.s32 $0x2, s4  }
0xc: {  	s6 =	sor.u32 s7, s6;
	s8 =	sor.u32 s26, s8;
	s28 =	sshrl.u32 s4, $0x1  }
0xd: {  	s11 =	sadd.s32 s13, s1;
	s12 =	sadd.s32 s13, s2;
	s6 =	smul.u32 $0x500, s6  }
0xe: {  	s13 =	sadd.s32 s13, s3;
	s26 =	simm.s32 $0xA000;
	s4 =	ssub.s32 s4, s28  }
0xf: {  	s8 =	sshrl.u32 s8, $0x3;
	s18 =	smax.u32 s4, $0x1;
	s6 =	sadd.s32 s6, s0  }
0x10: {  	s0 =	sadd.s32 s8, s0;
	s8 =	sadd.s32 $0x79A00, s6;
	s9 =	sadd.s32 $0x83A00, s6  }
0x11: {  	s10 =	sadd.s32 $0x97A00, s6;
	s14 =	sadd.s32 $0xA1A00, s6;
	s15 =	sadd.s32 $0x8F000, s0  }
0x12: {  	v0 =	vimm.f32 $0.0e+00;
	v1 =	vimm.f32 $1.000000000e+00;
	s16 =	sadd.s32 $0x8FA00, s0;
	s17 =	sadd.s32 $0x8E600, s0;
	s0 =	simm.s32 $0x0  }
.LBB2_1:
0x13: {  	[tilespmem:s5], [sflag:$0x2] =	stream.linear.gather [hbm4b:s8+s5], $0x2800, $0x38;
	[tilespmem:$0xFA80] =	vst v63  }
0x14: {  	_ =	swait.ge [sflag:s19], $0x2800  }
0x15: {  	[sflag:s19] =	ssyncset.done $0x0  }
0x16: {  	s4 =	simm.s32 $0x2800;
	[sflag:s19] =	ssyncadd.s32 $0xFFFFD800  }
0x17: {  	[tilespmem:s4], [sflag:$0x2] =	stream.linear.gather [hbm4b:s9+s5], $0x2800, $0x38;
	[tilespmem:$0xFA80] =	vst v63  }
0x18: {  	_ =	swait.ge [sflag:s19], $0x2800  }
0x19: {  	[sflag:s19] =	ssyncset.done $0x0  }
0x1a: {  	s7 =	simm.s32 $0x5000;
	[sflag:s19] =	ssyncadd.s32 $0xFFFFD800  }
0x1b: {  	[tilespmem:s7], [sflag:$0x2] =	stream.linear.gather [hbm4b:s10+s5], $0x2800, $0x38;
	[tilespmem:$0xFA80] =	vst v63  }
0x1c: {  	_ =	swait.ge [sflag:s19], $0x2800  }
0x1d: {  	[sflag:s19] =	ssyncset.done $0x0  }
0x1e: {  	s20 =	rddreg [dreg:$0x5];
	[sflag:s19] =	ssyncadd.s32 $0xFFFFD800  }
0x1f: {  	[tilespmem:s22], [sflag:$0x2] =	stream.linear.gather [hbm4b:s20+s5], $0x2800, $0x38;
	[tilespmem:$0xFA80] =	vst v63  }
0x20: {  	_ =	swait.ge [sflag:s19], $0x2800  }
0x21: {  	[sflag:s19] =	ssyncset.done $0x0  }
0x22: {  	s21 =	rddreg [dreg:$0x6];
	[sflag:s19] =	ssyncadd.s32 $0xFFFFD800  }
0x23: {  	[tilespmem:s23], [sflag:$0x2] =	stream.linear.gather [hbm4b:s21+s5], $0x2800, $0x38;
	[tilespmem:$0xFA80] =	vst v63  }
0x24: {  	_ =	swait.ge [sflag:s19], $0x2800  }
0x25: {  	[sflag:s19] =	ssyncset.done $0x0  }
0x26: {  	[sflag:s19] =	ssyncadd.s32 $0xFFFFD800  }
0x27: {  	[tilespmem:$0xF080] =	vst v0  }
0x28: {  	[tilespmem:$0xF090] =	vst v0  }
0x29: {  	[tilespmem:$0xF0A0] =	vst v0  }
0x2a: {  	[tilespmem:$0xF0B0] =	vst v0  }
0x2b: {  	[tilespmem:$0xF0C0] =	vst v0  }
0x2c: {  	[tilespmem:$0xF0D0] =	vst v0  }
0x2d: {  	[tilespmem:$0xF0E0] =	vst v0  }
0x2e: {  	[tilespmem:$0xF0F0] =	vst v0  }
0x2f: {  	[tilespmem:$0xF100] =	vst v0  }
0x30: {  	[tilespmem:$0xF110] =	vst v0  }
0x31: {  	[tilespmem:$0xF120] =	vst v0  }
0x32: {  	[tilespmem:$0xF130] =	vst v0  }
0x33: {  	[tilespmem:$0xF140] =	vst v0  }
0x34: {  	[tilespmem:$0xF150] =	vst v0  }
0x35: {  	[tilespmem:$0xF160] =	vst v0  }
0x36: {  	[tilespmem:$0xF170] =	vst v0  }
0x37: {  	[tilespmem:$0xF180] =	vst v0  }
0x38: {  	[tilespmem:$0xF190] =	vst v0  }
0x39: {  	[tilespmem:$0xF1A0] =	vst v0  }
0x3a: {  	[tilespmem:$0xF1B0] =	vst v0  }
0x3b: {  	[tilespmem:$0xF1C0] =	vst v0  }
0x3c: {  	[tilespmem:$0xF1D0] =	vst v0  }
0x3d: {  	[tilespmem:$0xF1E0] =	vst v0  }
0x3e: {  	[tilespmem:$0xF1F0] =	vst v0  }
0x3f: {  	[tilespmem:$0xF200] =	vst v0  }
0x40: {  	[tilespmem:$0xF210] =	vst v0  }
0x41: {  	[tilespmem:$0xF220] =	vst v0  }
0x42: {  	[tilespmem:$0xF230] =	vst v0  }
0x43: {  	[tilespmem:$0xF240] =	vst v0  }
0x44: {  	[tilespmem:$0xF250] =	vst v0  }
0x45: {  	[tilespmem:$0xF260] =	vst v0  }
0x46: {  	[tilespmem:$0xF270] =	vst v0  }
0x47: {  	[tilespmem:$0xF280] =	vst v0  }
0x48: {  	[tilespmem:$0xF290] =	vst v0  }
0x49: {  	[tilespmem:$0xF2A0] =	vst v0  }
0x4a: {  	[tilespmem:$0xF2B0] =	vst v0  }
0x4b: {  	[tilespmem:$0xF2C0] =	vst v0  }
0x4c: {  	[tilespmem:$0xF2D0] =	vst v0  }
0x4d: {  	[tilespmem:$0xF2E0] =	vst v0  }
0x4e: {  	[tilespmem:$0xF2F0] =	vst v0  }
0x4f: {  	[tilespmem:$0xA000] =	vst v1  }
0x50: {  	[tilespmem:$0xA010] =	vst v1  }
0x51: {  	[tilespmem:$0xA020] =	vst v1  }
0x52: {  	[tilespmem:$0xA030] =	vst v1  }
0x53: {  	[tilespmem:$0xA040] =	vst v1  }
0x54: {  	[tilespmem:$0xA050] =	vst v1  }
0x55: {  	[tilespmem:$0xA060] =	vst v1  }
0x56: {  	[tilespmem:$0xA070] =	vst v1  }
0x57: {  	[spmem:s11] =	stream.linear.scatter [tilespmem:s24], [sflag:$0x2], $0x280, $0x38;
	[tilespmem:$0xFA80] =	vst v63  }
0x58: {  	_ =	swait.ge [sflag:s19], $0x280  }
0x59: {  	[sflag:s19] =	ssyncset.done $0x0  }
0x5a: {  	[sflag:s19] =	ssyncadd.s32 $0xFFFFFD80  }
0x5b: {  	[spmem:s12] =	stream.linear.scatter [tilespmem:s24], [sflag:$0x2], $0x280, $0x38;
	[tilespmem:$0xFA80] =	vst v63  }
0x5c: {  	_ =	swait.ge [sflag:s19], $0x280  }
0x5d: {  	[sflag:s19] =	ssyncset.done $0x0  }
0x5e: {  	[sflag:s19] =	ssyncadd.s32 $0xFFFFFD80  }
0x5f: {  	[spmem:s13] =	stream.linear.scatter [tilespmem:s24], [sflag:$0x2], $0x280, $0x38;
	[tilespmem:$0xFA80] =	vst v63  }
0x60: {  	_ =	swait.ge [sflag:s19], $0x280  }
0x61: {  	[sflag:s19] =	ssyncset.done $0x0  }
0x62: {  	[sflag:s19] =	ssyncadd.s32 $0xFFFFFD80  }
0x63: {  	s20 =	simm.s32 $0x0;
	[bflag:$0x0] =	sbarrier.arrive $0xFFFF  }
0x64: {  	v2 =	vld [tilespmem:s20+$0x0]  }
0x65: {  	v3 =	vld [tilespmem:s20+$0x2800];
	_ =	sdelay $0x6  }
0x66: {  	v2 =	vld.idx.msk [tilespmem:v2+s22+$0x0], $0xffff  }
0x67: {  	v3 =	vld.idx.msk [tilespmem:v3+s23+$0x0], $0xffff;
	_ =	sdelay $0x1  }
0x68: {  	v4 =	vld [tilespmem:s20+$0x5000];
	_ =	sdelay $0x2  }
0x69: {  	v2 =	vadd.f32 v3, v2;
	_ =	sdelay $0x1  }
0x6a: {  	v2 =	vadd.f32 v4, v2;
	_ =	sdelay $0x1  }
0x6b: {  	v3 =	vmul.f32 $2.000000030e-01, v2  }
0x6c: {  	vm0 =	vge.f32 v2, $0.0e+00  }
0x6d: {  	v2 =	vsel vm0, v2, v3  }
0x6e: {  	v2 =	vmul.f32 $1.442695020e+00, v2;
	_ =	sdelay $0x1  }
0x6f: {  	(erf) = vpow2.f32 v2;
	_ =	sdelay $0x2  }
0x70: {  	v2 =	vld [tilespmem:s20+$0x10]  }
0x71: {  	v3 =	vld [tilespmem:s20+$0x2810];
	_ =	sdelay $0x4  }
0x72: {  	v51 =	vpop (erf)  }
0x73: {  	[tilespmem:s20+$0x7800] =	vst v51  }
0x74: {  	v2 =	vld.idx.msk [tilespmem:v2+s22+$0x0], $0xffff  }
0x75: {  	v3 =	vld.idx.msk [tilespmem:v3+s23+$0x0], $0xffff;
	_ =	sdelay $0x1  }
0x76: {  	v52 =	vld [tilespmem:s20+$0x5010];
	_ =	sdelay $0x2  }
0x77: {  	v2 =	vadd.f32 v3, v2;
	_ =	sdelay $0x1  }
0x78: {  	v2 =	vadd.f32 v52, v2;
	_ =	sdelay $0x1  }
0x79: {  	v3 =	vmul.f32 $2.000000030e-01, v2  }
0x7a: {  	vm9 =	vge.f32 v2, $0.0e+00  }
0x7b: {  	v2 =	vsel vm9, v2, v3  }
0x7c: {  	v2 =	vmul.f32 $1.442695020e+00, v2;
	_ =	sdelay $0x1  }
0x7d: {  	(erf) = vpow2.f32 v2;
	_ =	sdelay $0x2  }
0x7e: {  	v2 =	vld [tilespmem:s20+$0x20]  }
0x7f: {  	v3 =	vld [tilespmem:s20+$0x2820];
	_ =	sdelay $0x4  }
0x80: {  	v53 =	vpop (erf)  }
0x81: {  	[tilespmem:s20+$0x7810] =	vst v53  }
0x82: {  	v2 =	vld.idx.msk [tilespmem:v2+s22+$0x0], $0xffff  }
0x83: {  	v3 =	vld.idx.msk [tilespmem:v3+s23+$0x0], $0xffff;
	_ =	sdelay $0x1  }
0x84: {  	v54 =	vld [tilespmem:s20+$0x5020];
	_ =	sdelay $0x2  }
0x85: {  	v2 =	vadd.f32 v3, v2;
	_ =	sdelay $0x1  }
0x86: {  	v2 =	vadd.f32 v54, v2;
	_ =	sdelay $0x1  }
0x87: {  	v3 =	vmul.f32 $2.000000030e-01, v2  }
0x88: {  	vm10 =	vge.f32 v2, $0.0e+00  }
0x89: {  	v2 =	vsel vm10, v2, v3  }
0x8a: {  	v2 =	vmul.f32 $1.442695020e+00, v2;
	_ =	sdelay $0x1  }
0x8b: {  	(erf) = vpow2.f32 v2;
	_ =	sdelay $0x2  }
0x8c: {  	v2 =	vld [tilespmem:s20+$0x30]  }
0x8d: {  	v3 =	vld [tilespmem:s20+$0x2830];
	_ =	sdelay $0x4  }
0x8e: {  	v55 =	vpop (erf)  }
0x8f: {  	[tilespmem:s20+$0x7820] =	vst v55  }
0x90: {  	v2 =	vld.idx.msk [tilespmem:v2+s22+$0x0], $0xffff  }
0x91: {  	v3 =	vld.idx.msk [tilespmem:v3+s23+$0x0], $0xffff;
	_ =	sdelay $0x1  }
0x92: {  	v56 =	vld [tilespmem:s20+$0x5030];
	_ =	sdelay $0x2  }
0x93: {  	v2 =	vadd.f32 v3, v2;
	_ =	sdelay $0x1  }
0x94: {  	v2 =	vadd.f32 v56, v2;
	_ =	sdelay $0x1  }
0x95: {  	v3 =	vmul.f32 $2.000000030e-01, v2  }
0x96: {  	vm11 =	vge.f32 v2, $0.0e+00  }
0x97: {  	v2 =	vsel vm11, v2, v3  }
0x98: {  	v2 =	vmul.f32 $1.442695020e+00, v2;
	_ =	sdelay $0x1  }
0x99: {  	(erf) = vpow2.f32 v2;
	_ =	sdelay $0x2  }
0x9a: {  	v2 =	vld [tilespmem:s20+$0x40]  }
0x9b: {  	v3 =	vld [tilespmem:s20+$0x2840];
	_ =	sdelay $0x4  }
0x9c: {  	v57 =	vpop (erf)  }
0x9d: {  	[tilespmem:s20+$0x7830] =	vst v57  }
0x9e: {  	v2 =	vld.idx.msk [tilespmem:v2+s22+$0x0], $0xffff  }
0x9f: {  	v3 =	vld.idx.msk [tilespmem:v3+s23+$0x0], $0xffff;
	_ =	sdelay $0x1  }
0xa0: {  	v58 =	vld [tilespmem:s20+$0x5040];
	_ =	sdelay $0x2  }
0xa1: {  	v2 =	vadd.f32 v3, v2;
	_ =	sdelay $0x1  }
0xa2: {  	v2 =	vadd.f32 v58, v2;
	_ =	sdelay $0x1  }
0xa3: {  	v3 =	vmul.f32 $2.000000030e-01, v2  }
0xa4: {  	vm12 =	vge.f32 v2, $0.0e+00  }
0xa5: {  	v2 =	vsel vm12, v2, v3  }
0xa6: {  	v2 =	vmul.f32 $1.442695020e+00, v2;
	_ =	sdelay $0x1  }
0xa7: {  	(erf) = vpow2.f32 v2;
	_ =	sdelay $0x2  }
0xa8: {  	v2 =	vld [tilespmem:s20+$0x50]  }
0xa9: {  	v3 =	vld [tilespmem:s20+$0x2850];
	_ =	sdelay $0x4  }
0xaa: {  	v5 =	vpop (erf)  }
0xab: {  	[tilespmem:s20+$0x7840] =	vst v5  }
0xac: {  	v2 =	vld.idx.msk [tilespmem:v2+s22+$0x0], $0xffff  }
0xad: {  	v3 =	vld.idx.msk [tilespmem:v3+s23+$0x0], $0xffff;
	_ =	sdelay $0x1  }
0xae: {  	v59 =	vld [tilespmem:s20+$0x5050];
	_ =	sdelay $0x2  }
0xaf: {  	v2 =	vadd.f32 v3, v2;
	_ =	sdelay $0x1  }
0xb0: {  	v2 =	vadd.f32 v59, v2;
	_ =	sdelay $0x1  }
0xb1: {  	v3 =	vmul.f32 $2.000000030e-01, v2  }
0xb2: {  	vm13 =	vge.f32 v2, $0.0e+00  }
0xb3: {  	v2 =	vsel vm13, v2, v3  }
0xb4: {  	v2 =	vmul.f32 $1.442695020e+00, v2;
	_ =	sdelay $0x1  }
0xb5: {  	(erf) = vpow2.f32 v2;
	_ =	sdelay $0x2  }
0xb6: {  	v2 =	vld [tilespmem:s20+$0x60]  }
0xb7: {  	v3 =	vld [tilespmem:s20+$0x2860];
	_ =	sdelay $0x4  }
0xb8: {  	v61 =	vpop (erf)  }
0xb9: {  	[tilespmem:s20+$0x7850] =	vst v61  }
0xba: {  	v2 =	vld.idx.msk [tilespmem:v2+s22+$0x0], $0xffff  }
0xbb: {  	v3 =	vld.idx.msk [tilespmem:v3+s23+$0x0], $0xffff;
	_ =	sdelay $0x1  }
0xbc: {  	v60 =	vld [tilespmem:s20+$0x5060];
	_ =	sdelay $0x2  }
0xbd: {  	v2 =	vadd.f32 v3, v2;
	_ =	sdelay $0x1  }
0xbe: {  	v2 =	vadd.f32 v60, v2;
	_ =	sdelay $0x1  }
0xbf: {  	v3 =	vmul.f32 $2.000000030e-01, v2  }
0xc0: {  	vm14 =	vge.f32 v2, $0.0e+00  }
0xc1: {  	v2 =	vsel vm14, v2, v3  }
0xc2: {  	v2 =	vmul.f32 $1.442695020e+00, v2;
	_ =	sdelay $0x1  }
0xc3: {  	(erf) = vpow2.f32 v2;
	_ =	sdelay $0x2  }
0xc4: {  	v2 =	vld [tilespmem:s20+$0x70]  }
0xc5: {  	v3 =	vld [tilespmem:s20+$0x2870];
	_ =	sdelay $0x4  }
0xc6: {  	v63 =	vpop (erf)  }
0xc7: {  	[tilespmem:s20+$0x7860] =	vst v63  }
0xc8: {  	v2 =	vld.idx.msk [tilespmem:v2+s22+$0x0], $0xffff  }
0xc9: {  	v3 =	vld.idx.msk [tilespmem:v3+s23+$0x0], $0xffff;
	_ =	sdelay $0x1  }
0xca: {  	v62 =	vld [tilespmem:s20+$0x5070];
	_ =	sdelay $0x2  }
0xcb: {  	v2 =	vadd.f32 v3, v2;
	_ =	sdelay $0x1  }
0xcc: {  	v2 =	vadd.f32 v62, v2;
	_ =	sdelay $0x1  }
0xcd: {  	v3 =	vmul.f32 $2.000000030e-01, v2  }
0xce: {  	vm15 =	vge.f32 v2, $0.0e+00  }
0xcf: {  	v2 =	vsel vm15, v2, v3  }
0xd0: {  	v2 =	vmul.f32 $1.442695020e+00, v2;
	_ =	sdelay $0x1  }
0xd1: {  	(erf) = vpow2.f32 v2;
	_ =	sdelay $0x2  }
0xd2: {  	s28 =	simm.s32 $0x2800  }
0xd3: {  	s6 =	simm.s32 $0x5000;
	s4 =	simm.s32 $0x7800;
	s21 =	simm.s32 $0x200  }
.LBB2_2:
0xd4: {  	_ =	sdelay $0x1  }
0xd5: {  	p0 =	sne.s32 s21, $0x9E00;
	s7 =	smov.u32 s21;
	s21 =	sadd.s32 $0x200, s21  }
0xd6: {  	_ = 	snop  }
0xd7: {  	v2 =	vpop (erf)  }
0xd8: {  	[tilespmem:s20+$0x7870] =	vst v2  }
0xd9: {  	[spmem:s1] =	stream.indirect.scatter.add.f32 [tilespmem:s4], [sflag:$0x1], $0x1, s28, s25, $0xb8;
	[tilespmem:$0xFA80] =	vst v63  }
0xda: {  	_ = 	snop  }
0xdb: {  	[spmem:s2] =	stream.indirect.scatter.add.f32 [tilespmem:s6], [sflag:$0x1], $0x1, s28, s25, $0xb8;
	[tilespmem:$0xFA80] =	vst v63  }
0xdc: {  	s20 =	sshra.s32 s7, $0x2  }
0xdd: {  	[spmem:s3] =	stream.indirect.scatter.add.f32 [tilespmem:s26], [sflag:$0x1], $0x1, s28, s25, $0xb8;
	[tilespmem:$0xFA80] =	vst v63  }
0xde: {  	v2 =	vld [tilespmem:s20+$0x0]  }
0xdf: {  	v3 =	vld [tilespmem:s20+$0x2800];
	_ =	sdelay $0x6  }
0xe0: {  	v2 =	vld.idx.msk [tilespmem:v2+s22+$0x0], $0xffff  }
0xe1: {  	v3 =	vld.idx.msk [tilespmem:v3+s23+$0x0], $0xffff;
	_ =	sdelay $0x1  }
0xe2: {  	v4 =	vld [tilespmem:s20+$0x5000];
	_ =	sdelay $0x3  }
0xe3: {  	v2 =	vadd.f32 v3, v2;
	_ =	sdelay $0x1  }
0xe4: {  	v2 =	vadd.f32 v4, v2;
	_ =	sdelay $0x1  }
0xe5: {  	vm0 =	vge.f32 v2, $0.0e+00;
	v3 =	vmul.f32 $2.000000030e-01, v2;
	_ =	sdelay $0x1  }
0xe6: {  	v2 =	vsel vm0, v2, v3  }
0xe7: {  	v2 =	vmul.f32 $1.442695020e+00, v2;
	_ =	sdelay $0x1  }
0xe8: {  	(erf) = vpow2.f32 v2;
	_ =	sdelay $0x1  }
0xe9: {  	v2 =	vld [tilespmem:s20+$0x2810]  }
0xea: {  	v3 =	vld [tilespmem:s20+$0x10];
	_ =	sdelay $0x5  }
0xeb: {  	v4 =	vpop (erf)  }
0xec: {  	[tilespmem:s20+$0x7800] =	vst v4  }
0xed: {  	v3 =	vld.idx.msk [tilespmem:v3+s22+$0x0], $0xffff  }
0xee: {  	v2 =	vld.idx.msk [tilespmem:v2+s23+$0x0], $0xffff  }
0xef: {  	v4 =	vld [tilespmem:s20+$0x5010];
	_ =	sdelay $0x4  }
0xf0: {  	v2 =	vadd.f32 v2, v3;
	_ =	sdelay $0x1  }
0xf1: {  	v2 =	vadd.f32 v4, v2;
	_ =	sdelay $0x1  }
0xf2: {  	vm0 =	vge.f32 v2, $0.0e+00;
	v3 =	vmul.f32 $2.000000030e-01, v2;
	_ =	sdelay $0x1  }
0xf3: {  	v2 =	vsel vm0, v2, v3  }
0xf4: {  	v2 =	vmul.f32 $1.442695020e+00, v2;
	_ =	sdelay $0x1  }
0xf5: {  	(erf) = vpow2.f32 v2;
	_ =	sdelay $0x1  }
0xf6: {  	v2 =	vld [tilespmem:s20+$0x2820]  }
0xf7: {  	v3 =	vld [tilespmem:s20+$0x20];
	_ =	sdelay $0x5  }
0xf8: {  	v4 =	vpop (erf)  }
0xf9: {  	[tilespmem:s20+$0x7810] =	vst v4;
	v4 =	vld [tilespmem:s20+$0x5020]  }
0xfa: {  	v3 =	vld.idx.msk [tilespmem:v3+s22+$0x0], $0xffff  }
0xfb: {  	v2 =	vld.idx.msk [tilespmem:v2+s23+$0x0], $0xffff;
	_ =	sdelay $0x5  }
0xfc: {  	v2 =	vadd.f32 v2, v3;
	_ =	sdelay $0x1  }
0xfd: {  	v2 =	vadd.f32 v4, v2;
	_ =	sdelay $0x1  }
0xfe: {  	vm0 =	vge.f32 v2, $0.0e+00;
	v3 =	vmul.f32 $2.000000030e-01, v2;
	_ =	sdelay $0x1  }
0xff: {  	v2 =	vsel vm0, v2, v3  }
0x100: {  	v2 =	vmul.f32 $1.442695020e+00, v2;
	_ =	sdelay $0x1  }
0x101: {  	(erf) = vpow2.f32 v2;
	_ =	sdelay $0x1  }
0x102: {  	v2 =	vld [tilespmem:s20+$0x2830]  }
0x103: {  	v3 =	vld [tilespmem:s20+$0x30];
	_ =	sdelay $0x5  }
0x104: {  	v4 =	vpop (erf)  }
0x105: {  	[tilespmem:s20+$0x7820] =	vst v4;
	v4 =	vld [tilespmem:s20+$0x5030]  }
0x106: {  	v3 =	vld.idx.msk [tilespmem:v3+s22+$0x0], $0xffff  }
0x107: {  	v2 =	vld.idx.msk [tilespmem:v2+s23+$0x0], $0xffff;
	_ =	sdelay $0x5  }
0x108: {  	v2 =	vadd.f32 v2, v3;
	_ =	sdelay $0x1  }
0x109: {  	v2 =	vadd.f32 v4, v2;
	_ =	sdelay $0x1  }
0x10a: {  	vm0 =	vge.f32 v2, $0.0e+00;
	v3 =	vmul.f32 $2.000000030e-01, v2;
	_ =	sdelay $0x1  }
0x10b: {  	v2 =	vsel vm0, v2, v3  }
0x10c: {  	v2 =	vmul.f32 $1.442695020e+00, v2;
	_ =	sdelay $0x1  }
0x10d: {  	(erf) = vpow2.f32 v2;
	_ =	sdelay $0x1  }
0x10e: {  	v2 =	vld [tilespmem:s20+$0x2840]  }
0x10f: {  	v3 =	vld [tilespmem:s20+$0x40];
	_ =	sdelay $0x5  }
0x110: {  	v4 =	vpop (erf)  }
0x111: {  	[tilespmem:s20+$0x7830] =	vst v4;
	v4 =	vld [tilespmem:s20+$0x5040]  }
0x112: {  	v3 =	vld.idx.msk [tilespmem:v3+s22+$0x0], $0xffff  }
0x113: {  	v2 =	vld.idx.msk [tilespmem:v2+s23+$0x0], $0xffff;
	_ =	sdelay $0x5  }
0x114: {  	v2 =	vadd.f32 v2, v3;
	_ =	sdelay $0x1  }
0x115: {  	v2 =	vadd.f32 v4, v2;
	_ =	sdelay $0x1  }
0x116: {  	vm0 =	vge.f32 v2, $0.0e+00;
	v3 =	vmul.f32 $2.000000030e-01, v2;
	_ =	sdelay $0x1  }
0x117: {  	v2 =	vsel vm0, v2, v3  }
0x118: {  	v2 =	vmul.f32 $1.442695020e+00, v2;
	_ =	sdelay $0x1  }
0x119: {  	(erf) = vpow2.f32 v2;
	_ =	sdelay $0x1  }
0x11a: {  	v2 =	vld [tilespmem:s20+$0x2850]  }
0x11b: {  	v3 =	vld [tilespmem:s20+$0x50];
	_ =	sdelay $0x5  }
0x11c: {  	v4 =	vld [tilespmem:s20+$0x5050];
	v5 =	vpop (erf)  }
0x11d: {  	[tilespmem:s20+$0x7840] =	vst v5  }
0x11e: {  	v3 =	vld.idx.msk [tilespmem:v3+s22+$0x0], $0xffff  }
0x11f: {  	v2 =	vld.idx.msk [tilespmem:v2+s23+$0x0], $0xffff;
	_ =	sdelay $0x5  }
0x120: {  	v2 =	vadd.f32 v2, v3;
	_ =	sdelay $0x1  }
0x121: {  	v2 =	vadd.f32 v4, v2;
	_ =	sdelay $0x1  }
0x122: {  	vm0 =	vge.f32 v2, $0.0e+00;
	v3 =	vmul.f32 $2.000000030e-01, v2;
	_ =	sdelay $0x1  }
0x123: {  	v2 =	vsel vm0, v2, v3  }
0x124: {  	v2 =	vmul.f32 $1.442695020e+00, v2;
	_ =	sdelay $0x1  }
0x125: {  	(erf) = vpow2.f32 v2;
	_ =	sdelay $0x1  }
0x126: {  	v2 =	vld [tilespmem:s20+$0x2860]  }
0x127: {  	v3 =	vld [tilespmem:s20+$0x60];
	_ =	sdelay $0x4  }
0x128: {  	v4 =	vld [tilespmem:s20+$0x5060]  }
0x129: {  	v5 =	vpop (erf)  }
0x12a: {  	[tilespmem:s20+$0x7850] =	vst v5  }
0x12b: {  	v3 =	vld.idx.msk [tilespmem:v3+s22+$0x0], $0xffff  }
0x12c: {  	v2 =	vld.idx.msk [tilespmem:v2+s23+$0x0], $0xffff;
	_ =	sdelay $0x5  }
0x12d: {  	v2 =	vadd.f32 v2, v3;
	_ =	sdelay $0x1  }
0x12e: {  	v2 =	vadd.f32 v4, v2;
	_ =	sdelay $0x1  }
0x12f: {  	vm0 =	vge.f32 v2, $0.0e+00;
	v3 =	vmul.f32 $2.000000030e-01, v2;
	_ =	sdelay $0x1  }
0x130: {  	v2 =	vsel vm0, v2, v3  }
0x131: {  	v2 =	vmul.f32 $1.442695020e+00, v2;
	_ =	sdelay $0x1  }
0x132: {  	(erf) = vpow2.f32 v2;
	_ =	sdelay $0x1  }
0x133: {  	v2 =	vld [tilespmem:s20+$0x2870]  }
0x134: {  	v3 =	vld [tilespmem:s20+$0x70];
	_ =	sdelay $0x3  }
0x135: {  	v4 =	vld [tilespmem:s20+$0x5070];
	_ =	sdelay $0x1  }
0x136: {  	v5 =	vpop (erf)  }
0x137: {  	[tilespmem:s20+$0x7860] =	vst v5  }
0x138: {  	v3 =	vld.idx.msk [tilespmem:v3+s22+$0x0], $0xffff  }
0x139: {  	v2 =	vld.idx.msk [tilespmem:v2+s23+$0x0], $0xffff;
	_ =	sdelay $0x5  }
0x13a: {  	v2 =	vadd.f32 v2, v3;
	_ =	sdelay $0x1  }
0x13b: {  	v2 =	vadd.f32 v4, v2;
	_ =	sdelay $0x1  }
0x13c: {  	vm0 =	vge.f32 v2, $0.0e+00;
	v3 =	vmul.f32 $2.000000030e-01, v2;
	_ =	sdelay $0x1  }
0x13d: {  	v2 =	vsel vm0, v2, v3  }
0x13e: {  	v2 =	vmul.f32 $1.442695020e+00, v2;
	_ =	sdelay $0x1  }
.Ltmp0:
0x13f: {  	(erf) = vpow2.f32 v2;
	(pc) =	sbr.rel @p0 .LBB2_2-.Ltmp0, $3  }
0x140: {  	_ = 	snop  }
0x141: {  	s4 =	sadd.s32 $0x7800, s20;
	s28 =	sadd.s32 $0x2800, s20;
	_ =	sdelay $0x1  }
0x142: {  	s6 =	sadd.s32 $0x5000, s20  }
0x143: {  	_ =	sdelay $0x3  }
0x144: {  	v2 =	vpop (erf)  }
0x145: {  	[tilespmem:s20+$0x7870] =	vst v2  }
0x146: {  	[spmem:s1] =	stream.indirect.scatter.add.f32 [tilespmem:s4], [sflag:$0x1], $0x1, s28, s25, $0xb8;
	[tilespmem:$0xFA80] =	vst v63  }
0x147: {  	_ = 	snop  }
0x148: {  	[spmem:s2] =	stream.indirect.scatter.add.f32 [tilespmem:s6], [sflag:$0x1], $0x1, s28, s25, $0xb8;
	[tilespmem:$0xFA80] =	vst v63  }
0x149: {  	_ = 	snop  }
0x14a: {  	[spmem:s3] =	stream.indirect.scatter.add.f32 [tilespmem:s26], [sflag:$0x1], $0x1, s28, s25, $0xb8;
	[tilespmem:$0xFA80] =	vst v63  }
0x14b: {  	s28 =	simm.s32 $0x7800  }
0x14c: {  	[hbm4b:s14+s5] =	stream.linear.scatter [tilespmem:s28], [sflag:$0x2], $0x2800, $0x38;
	[tilespmem:$0xFA80] =	vst v63  }
0x14d: {  	_ =	swait.ge [sflag:s19], $0x2800  }
0x14e: {  	[sflag:s19] =	ssyncset.done $0x0  }
0x14f: {  	[sflag:s19] =	ssyncadd.s32 $0xFFFFD800  }
0x150: {  	_ =	swait.ge [sflag:s29], $0x80  }
0x151: {  	[sflag:s29] =	ssyncset.done $0x0  }
0x152: {  	[sflag:s29] =	ssyncadd.s32 $0xFFFFFF80  }
0x153: {  	_ =	swait.ge [sflag:s29], $0x80  }
0x154: {  	[sflag:s29] =	ssyncset.done $0x0  }
0x155: {  	[sflag:s29] =	ssyncadd.s32 $0xFFFFFF80  }
0x156: {  	_ =	swait.ge [sflag:s29], $0x80  }
0x157: {  	s20 =	simm.s32 $0x4F;
	[sflag:s29] =	ssyncset.done $0x0  }
.LBB2_4:
0x158: {  	p0 =	sne.s32 s20, $0x1;
	s20 =	sadd.s32 $0xFFFFFFFF, s20;
	[sflag:s29] =	ssyncadd.s32 $0xFFFFFF80  }
0x159: {  	_ =	swait.ge [sflag:s29], $0x80  }
0x15a: {  	[sflag:s29] =	ssyncset.done $0x0  }
0x15b: {  	[sflag:s29] =	ssyncadd.s32 $0xFFFFFF80  }
.Ltmp1:
0x15c: {  	_ =	swait.ge [sflag:s29], $0x80;
	(pc) =	sbr.rel @p0 .LBB2_4-.Ltmp1, $4  }
0x15d: {  	[sflag:s29] =	ssyncset.done $0x0  }
0x15e: {  	[sflag:s29] =	ssyncadd.s32 $0xFFFFFF80  }
0x15f: {  	_ =	swait.ge [sflag:s29], $0x80  }
0x160: {  	[sflag:s29] =	ssyncset.done $0x0  }
0x161: {  	s4 =	stileid.u32  }
0x162: {  	[sflag:s29] =	ssyncadd.s32 $0xFFFFFF80;
	s4 =	sshll.u32 s4, $0x6  }
0x163: {  	s6 =	sshrl.u32 s11, $0x3;
	[bflag:$0x0] =	sbarrier.arrive $0xFFFF;
	s4 =	sor.u32 $0x1C02, s4  }
0x164: {  	[hbm:s15@s30], [sflag:s4] =	dma.strided [spmem:s6@s31], $0x50, s29, $0x10   }
0x165: {  	_ =	swait.ge [sflag:s19], $0x50  }
0x166: {  	[sflag:s19] =	ssyncset.done $0x0  }
0x167: {  	s21 =	sshrl.u32 s12, $0x3;
	[sflag:s19] =	ssyncadd.s32 $0xFFFFFFB0  }
0x168: {  	[hbm:s16@s30], [sflag:s4] =	dma.strided [spmem:s21@s31], $0x50, s29, $0x10   }
0x169: {  	s0 =	sadd.s32 $0x1, s0;
	_ =	swait.ge [sflag:s19], $0x50  }
0x16a: {  	p0 =	sne.s32 s0, s18;
	[sflag:s19] =	ssyncset.done $0x0  }
.Ltmp2:
0x16b: {  	s28 =	sshrl.u32 s13, $0x3;
	[sflag:s19] =	ssyncadd.s32 $0xFFFFFFB0;
	(pc) =	sbr.rel @p0 .LBB2_1-.Ltmp2, $4  }
0x16c: {  	[hbm:s17@s30], [sflag:s4] =	dma.strided [spmem:s28@s31], $0x50, s29, $0x10   }
0x16d: {  	_ =	swait.ge [sflag:s19], $0x50  }
0x16e: {  	[sflag:s19] =	ssyncset.done $0x0  }
0x16f: {  	[sflag:s19] =	ssyncadd.s32 $0xFFFFFFB0  }
0x170: {  	_ =	sfence.sel $0x180000  }
0x171: {  	[bflag:$0x0] =	sbarrier.arrive $0xFFFF  }
0x172: {  	_ =	strace $0x9000004D  }
0x173: {  	s0 =	stileid.u32;
	[bflag:$0x2] =	sbarrier.arrive $0xFFFF  }
0x174: {  	p0 =	sne.s32 s0, $0x0;
	s0 =	rddreg [dreg:$0x4]  }
0x175: {  	s0 =	sadd.s32 @!p0 $0x100000, s0  }
0x176: {  	[sflag:s0] =	ssyncadd.tile.s32 @!p0 $0x1;
	_ =	shalt  }
.Lfunc_end2:
_tile_overlayer_lowered:
.L_overlay_start_2:
0x177: {  	(tag) =	ssettag $0x2  }
0x178: {  	s0 =	rddreg [dreg:$0x0];
	s2 =	stileid.u32  }
0x179: {  	s1 =	rddreg [dreg:$0x1];
	p0 =	sne.s32 s2, $0x0  }
0x17a: {  	s3 =	rddreg [dreg:$0x2];
	[bflag:$0x3] =	sbarrier.arrive $0xFFFF;
	s2 =	simm.s32 @!p0 $0x1C02  }
0x17b: {  	[timem:s3], [sflag:s2] =	dma.local @!p0 [hbm:s0], s1  }
0x17c: {  	s0 =	simm.s32 @!p0 $0x2  }
0x17d: {  	_ =	swait.ge @!p0 [sflag:s0], s1  }
0x17e: {  	s1 =	ssub.s32 @!p0 $0x0, s1;
	[sflag:s0] =	ssyncset.done @!p0 $0x0  }
0x17f: {  	[sflag:s0] =	ssyncadd.s32 @!p0 s1  }
0x180: {  	[bflag:$0x3] =	sbarrier.arrive $0xFFFF  }
0x181: {  	_ =	shalt  }

// kernel: kernel.20.cloned.1.call-start
scs
__scs_entry_jumppad:
0x0: {  	(pc) =	sbr.rel $0x88, $3  }
0x1: {  	(tag) =	ssettag $0x0;
	lr =	simm.s32 $0x1  }
0x2: {  	[smem:$0x3F8F] =	sst lr;
	_ =	strace $0xD0000000  }
0x3: {  	_ = 	snop  }
0x4: {  	_ = 	snop  }
0x5: {  	_ = 	snop  }
0x6: {  	_ = 	snop  }
0x7: {  	_ = 	snop  }
__scs_overlays_trampoline_lowered:
0x8: {  	[smem:$0x3F9E] =	sst s0  }
0x9: {  	[smem:$0x3F9F] =	sst s1  }
0xa: {  	[smem:$0x3FA0] =	sst s2  }
0xb: {  	[smem:$0x3FA1] =	sst s3  }
0xc: {  	[smem:$0x3FA2] =	sst s4  }
0xd: {  	[smem:$0x3FA3] =	sst s5  }
0xe: {  	[smem:$0x3FA4] =	sst s6  }
0xf: {  	[smem:$0x3FA5] =	sst s7  }
0x10: {  	[smem:$0x3FA6] =	sst s8  }
0x11: {  	[smem:$0x3FA7] =	sst s9;
	s0 =	simm.s32 @!p0 $0x0  }
0x12: {  	s1 =	sld [smem:$0x3F8D];
	s0 =	simm.s32 @p0 $0x1  }
0x13: {  	[smem:$0x3FA8] =	sst s0;
	s0 =	simm.s32 @!p1 $0x0  }
0x14: {  	s2 =	sld [smem:$0x3F8C];
	s0 =	simm.s32 @p1 $0x1  }
0x15: {  	[smem:$0x3FA9] =	sst s0;
	s0 =	simm.s32 @!p2 $0x0  }
0x16: {  	s3 =	sld [smem:$0x3FDB];
	s0 =	simm.s32 @p2 $0x1  }
0x17: {  	s4 =	simm.s32 $0x1BF5;
	[smem:$0x3FAB] =	sst s0  }
0x18: {  	s0 =	sld [smem:$0x3F8E];
	_ =	swait.ge [sflag:s4], $0x0  }
0x19: {  	s7 =	sld [smem:$0x3F8F]  }
0x1a: {  	s8 =	sadd.s32 $0xFFFFE003, lr  }
0x1b: {  	s9 =	sadd.s32 $0xFFFFFEF7, lr;
	s5 =	simm.s32 $0xFFFFFFFF;
	p2 =	slt.u32 s8, $0xFFFFF086  }
0x1c: {  	p1 =	slt.u32 s9, $0xF7A;
	s5 =	simm.s32 @!p2 $0x0  }
0x1d: {  	s5 =	simm.s32 @p1 $0x1;
	p0 =	seq.s32 s7, s2  }
0x1e: {  	s7 =	smul.u32 @!p0 $0xF7A, s2;
	p2 =	seq.s32 @!p0 s5, $0x0  }
0x1f: {  	s9 =	smul.u32 $0xF7A, s1;
	s8 =	simm.s32 @!p0 $0x1BF5;
	p2 =	por !p2, p0  }
0x20: {  	[sflag:s8] =	ssyncset.s32 @!p0 $0xFFFFF086;
	s6 =	sadd.s32 @!p0 s3, s7;
	s7 =	simm.s32 @!p0 $0x108  }
0x21: {  	s3 =	sadd.s32 s3, s9;
	s6 =	sadd.s32 @!p0 $0x88, s6;
	s7 =	simm.s32 @p2 $0x1082  }
0x22: {  	[simem:s7], [sflag:s8] =	dma.local @!p0 [hbm:s6], $0xF7A  }
0x23: {  	s9 =	sor.u32 $0xD0000000, s2;
	s6 =	simm.s32 $0x108;
	_ =	swait.ge @!p0 [sflag:s8], $0x0  }
0x24: {  	s3 =	sadd.s32 $0x88, s3;
	s6 =	simm.s32 @!p1 $0x1082;
	[sflag:s4] =	ssyncset.s32 $0xFFFFF086  }
0x25: {  	[simem:s6], [sflag:s4] =	dma.local [hbm:s3], $0xF7A  }
0x26: {  	[smem:$0x3F8F] =	sst s1;
	(tag) =	ssettag s2;
	_ =	strace s9  }
0x27: {  	s1 =	sld [smem:$0x3F9F]  }
0x28: {  	s2 =	sld [smem:$0x3FA0]  }
0x29: {  	s4 =	sld [smem:$0x3FA2]  }
0x2a: {  	p0 =	seq.s32 s5, $0x0;
	s5 =	sld [smem:$0x3FA3]  }
0x2b: {  	s6 =	sld [smem:$0x3FA4]  }
0x2c: {  	s7 =	sld [smem:$0x3FA5]  }
0x2d: {  	s3 =	simm.s32 $0x108;
	s8 =	sld [smem:$0x3FA6]  }
0x2e: {  	s3 =	simm.s32 @!p0 $0x1082;
	s9 =	sld [smem:$0x3FA7]  }
0x2f: {  	lr =	sadd.s32 s0, s3;
	s0 =	sld [smem:$0x3F9E]  }
0x30: {  	s3 =	sld [smem:$0x3FA1]  }
0x31: {  	[smem:$0x3FAA] =	sst s10  }
0x32: {  	s10 =	sld [smem:$0x3FA8];
	_ =	sdelay $0x3  }
0x33: {  	p0 =	seq.s32 s10, $0x1;
	s10 =	sld [smem:$0x3FAA];
	_ =	sdelay $0x3  }
0x34: {  	[smem:$0x3FAA] =	sst s10  }
0x35: {  	s10 =	sld [smem:$0x3FA9];
	_ =	sdelay $0x3  }
0x36: {  	p1 =	seq.s32 s10, $0x1;
	s10 =	sld [smem:$0x3FAA];
	_ =	sdelay $0x3  }
0x37: {  	[smem:$0x3FAA] =	sst s10  }
0x38: {  	s10 =	sld [smem:$0x3FAB]  }
0x39: {  	_ = 	snop;
	(pc) =	sbr.ind lr, $3  }
0x3a: {  	_ = 	snop  }
0x3b: {  	_ = 	snop  }
0x3c: {  	p2 =	seq.s32 s10, $0x1;
	s10 =	sld [smem:$0x3FAA]  }
0x3d: {  	_ =	shalt  }
0x3e: {  	_ =	shalt  }
0x3f: {  	_ =	shalt  }
0x40: {  	_ =	shalt  }
0x41: {  	_ =	shalt  }
0x42: {  	_ =	shalt  }
0x43: {  	_ =	shalt  }
0x44: {  	_ =	shalt  }
0x45: {  	_ =	shalt  }
0x46: {  	_ =	shalt  }
0x47: {  	_ =	shalt  }
0x48: {  	_ =	shalt  }
0x49: {  	_ =	shalt  }
0x4a: {  	_ =	shalt  }
0x4b: {  	_ =	shalt  }
0x4c: {  	_ =	shalt  }
0x4d: {  	_ =	shalt  }
0x4e: {  	_ =	shalt  }
0x4f: {  	_ =	shalt  }
0x50: {  	_ =	shalt  }
0x51: {  	_ =	shalt  }
0x52: {  	_ =	shalt  }
0x53: {  	_ =	shalt  }
0x54: {  	_ =	shalt  }
0x55: {  	_ =	shalt  }
0x56: {  	_ =	shalt  }
0x57: {  	_ =	shalt  }
0x58: {  	_ =	shalt  }
0x59: {  	_ =	shalt  }
0x5a: {  	_ =	shalt  }
0x5b: {  	_ =	shalt  }
0x5c: {  	_ =	shalt  }
0x5d: {  	_ =	shalt  }
0x5e: {  	_ =	shalt  }
0x5f: {  	_ =	shalt  }
0x60: {  	_ =	shalt  }
0x61: {  	_ =	shalt  }
0x62: {  	_ =	shalt  }
0x63: {  	_ =	shalt  }
0x64: {  	_ =	shalt  }
0x65: {  	_ =	shalt  }
0x66: {  	_ =	shalt  }
0x67: {  	_ =	shalt  }
0x68: {  	_ =	shalt  }
0x69: {  	_ =	shalt  }
0x6a: {  	_ =	shalt  }
0x6b: {  	_ =	shalt  }
0x6c: {  	_ =	shalt  }
0x6d: {  	_ =	shalt  }
0x6e: {  	_ =	shalt  }
0x6f: {  	_ =	shalt  }
0x70: {  	_ =	shalt  }
0x71: {  	_ =	shalt  }
0x72: {  	_ =	shalt  }
0x73: {  	_ =	shalt  }
0x74: {  	_ =	shalt  }
0x75: {  	_ =	shalt  }
0x76: {  	_ =	shalt  }
0x77: {  	_ =	shalt  }
0x78: {  	_ =	shalt  }
0x79: {  	_ =	shalt  }
0x7a: {  	_ =	shalt  }
0x7b: {  	_ =	shalt  }
0x7c: {  	_ =	shalt  }
0x7d: {  	_ =	shalt  }
0x7e: {  	_ =	shalt  }
0x7f: {  	_ =	shalt  }
0x80: {  	_ =	shalt  }
0x81: {  	_ =	shalt  }
0x82: {  	_ =	shalt  }
0x83: {  	_ =	shalt  }
0x84: {  	_ =	shalt  }
0x85: {  	_ =	shalt  }
0x86: {  	_ =	shalt  }
0x87: {  	_ =	shalt  }
.Lfunc_end0:
.L_simem_size_0:
called_computation.3_lowered:
.L_overlay_start_0:
0x88: {  	s2 =	sld [smem:$0x3FD9]  }
0x89: {  	s3 =	sld [smem:$0x3FFE];
	_ =	sdelay $0x1  }
0x8a: {  	s1 =	srdreg.scid  }
0x8b: {  	s0 =	sand.u32 $0x1, s1  }
0x8c: {  	s16 =	sshll.u32 s0, $0xA;
	s2 =	sadd.s32 s3, s2  }
0x8d: {  	s2 =	sadd.s32 s2, s16  }
0x8e: {  	[smem:$0x3FB6] =	sst s2  }
0x8f: {  	_ = 	snop  }
0x90: {  	(tm) =	ssettm $0x1  }
0x91: {  	s17 =	sld [smem:$0x3FFB];
	_ =	sdelay $0x3  }
0x92: {  	_ =	strace s17  }
0x93: {  	s2 =	sld [smem:$0x3FFC];
	_ =	sdelay $0x3  }
0x94: {  	_ =	strace s2  }
0x95: {  	s2 =	sld [smem:$0x3FFD];
	_ =	sdelay $0x3  }
0x96: {  	_ =	strace s2  }
0x97: {  	_ =	strace $0x8FFFFFFF  }
0x98: {  	s18 =	sld [smem:$0x3FDB];
	_ =	sdelay $0x1  }
0x99: {  	s19 =	simm.s32 $_scs_section_size  }
0x9a: {  	s4 =	simm.s32 $_size__tile_overlayer_lowered;
	s5 =	simm.s32 $_tile_overlayer_lowered  }
0x9b: {  	s22 =	simm.s32 $0x1BFF;
	s21 =	sshll.u32 s5, $0x1;
	s2 =	sadd.s32 s19, s18  }
0x9c: {  	s6 =	simm.s32 $0x0;
	s20 =	sshll.u32 s4, $0x1;
	s4 =	sadd.s32 s21, s2  }
0x9d: {  	[timem:s6], [sflag:s22] =	dma.local [hbm:s4], s20  }
0x9e: {  	_ =	swait.ge [sflag:s22], s20  }
0x9f: {  	s3 =	ssub.s32 $0x0, s20;
	[sflag:s22] =	ssyncset.done $0x0  }
0xa0: {  	[sflag:s22] =	ssyncadd.s32 s3;
	_ =	sdelay $0x1  }
0xa1: {  	s23 =	simm.s32 $0x1B8B  }
0xa2: {  	_ =	swait.ge [sflag:s23], $0x1  }
0xa3: {  	[sflag:s23] =	ssyncset.done $0x0  }
0xa4: {  	s25 =	simm.s32 $0x1B8E;
	s24 =	sld [smem:$0x3FFE];
	[sflag:s23] =	ssyncadd.s32 $0xFFFFFFFF  }
0xa5: {  	s26 =	simm.s32 $execute0_lowered;
	[smem:$0x3FD2] =	sst s25  }
0xa6: {  	s4 =	sshll.u32 s26, $0x1;
	_ =	strace $0x8000004F;
	[dreg:$0x1] =	wrdreg $0xFFFFFFFF  }
0xa7: {  	s28 =	simm.s32 $_size_execute0_lowered;
	s2 =	sadd.s32 s2, s4;
	[dreg:$0x0] =	wrdreg $0x0  }
0xa8: {  	s4 =	sshll.u32 s28, $0x1;
	[dreg:$0x2] =	wrdreg s2  }
0xa9: {  	[dreg:$0x3] =	wrdreg s4  }
0xaa: {  	[dreg:$0x4] =	wrdreg $0xC0  }
0xab: {  	_ =	task [dreg:s6], $0x5FFFF  }
0xac: {  	[dreg:$0x1] =	wrdreg $0xFFFFFFFF  }
0xad: {  	[dreg:$0x0] =	wrdreg $0x60  }
0xae: {  	[dreg:$0x2] =	wrdreg s24  }
0xaf: {  	[dreg:$0x3] =	wrdreg $0x4C000  }
0xb0: {  	[dreg:$0x4] =	wrdreg $0x9  }
0xb1: {  	_ =	task.clear_ibuf [dreg:s6], $0x5FFFF;
	_ =	strace $0x9000004F  }
0xb2: {  	s29 =	simm.s32 $0x9;
	_ =	strace $0x80000051  }
0xb3: {  	_ =	swait.ge [sflag:s29], $0x1  }
0xb4: {  	[sflag:s29] =	ssyncadd.s32 $0xFFFFFFFF  }
0xb5: {  	_ =	strace $0x90000051  }
0xb6: {  	_ =	sfence  }
0xb7: {  	s30 =	sld [smem:$0x0];
	_ =	sdelay $0x2  }
0xb8: {  	s31 =	sshll.u32 s1, $0xD;
	s1 =	sshrl.u32 s1, $0x2  }
0xb9: {  	s3 =	sand.u32 $0x4000, s31;
	s1 =	sadd.s32 s1, s30  }
0xba: {  	s0 =	sor.u32 s3, s0;
	s1 =	sshll.u32 s1, $0x11  }
0xbb: {  	s0 =	sor.u32 s1, s0  }
0xbc: {  	s0 =	sadd.s32 $0x8F2B, s0  }
0xbd: {  	[sflag:s0] =	ssyncadd.remote.s32 $0x1  }
0xbe: {  	_ =	sfence.sel $0xFFFF  }
0xbf: {  	[dreg:$0x0] =	wrdreg $0xFFFFFFFF;
	(pc) =	sbr.abs _section_cstart, $3  }
0xc0: {  	[dreg:$0x1] =	wrdreg $0xFFFFFFFF  }
0xc1: {  	_ =	task.clear_ibuf [dreg:s6], $0x2FFFF;
	_ =	strace $0x9FFFFFFF  }
0xc2: {  	(tm) =	ssettm $0x7FFFFFFF  }
0xc3: {  	_ =	shalt  }
tec
execute0_lowered:
.L_overlay_start_1:
0x0: {  	(tag) =	ssettag $0x1  }
0x1: {  	s0 =	rddreg [dreg:$0x0]  }
0x2: {  	s2 =	rddreg [dreg:$0x1]  }
0x3: {  	s1 =	srdreg.scid;
	s13 =	stileid.u32;
	s3 =	simm.s32 $0x0  }
0x4: {  	s17 =	simm.s32 $0xC00;
	s18 =	simm.s32 $0x3;
	s19 =	simm.s32 $0x400  }
0x5: {  	s20 =	simm.s32 $0x800;
	s21 =	simm.s32 $0x80;
	s8 =	smul.u32 $0x14000, s13  }
0x6: {  	s22 =	simm.s32 $0x1;
	s23 =	simm.s32 $0x2C00;
	s10 =	smul.u32 $0x28000, s13  }
0x7: {  	s24 =	simm.s32 $0x2;
	s25 =	simm.s32 $0x0;
	s14 =	smul.u32 $0x1400, s13  }
0x8: {  	s1 =	sand.u32 $0x1, s1;
	[smem:$0x7FF] =	sst s3;
	s13 =	smul.u32 $0x3C00, s13  }
0x9: {  	s4 =	sadd.s32 $0x79A00, s0;
	s5 =	sadd.s32 $0x83A00, s0;
	s6 =	smul.u32 $0x140000, s1  }
0xa: {  	_ =	strace $0x80000050;
	s30 =	ssub.s32 $0x2, s1;
	p0 =	seq.s32 s1, $0x1  }
0xb: {  	s11 =	sshrl.u32 s30, $0x1;
	s10 =	sshrl.u32 s10, $0x2;
	s14 =	sadd.s32 $0x3C000, s14  }
0xc: {  	s7 =	sadd.s32 s8, s6;
	s6 =	sadd.s32 $0xA1A00, s0;
	s8 =	sshrl.u32 s8, $0x1  }
.Ltmp0:
0xd: {  	s12 =	sadd.s32 s10, s2;
	s9 =	sshrl.u32 s7, $0x4;
	(pc) =	sbr.rel .LBB2_1-.Ltmp0, $4  }
0xe: {  	s7 =	sadd.s32 $0xABA00, s0;
	s8 =	sadd.s32 s8, s2;
	s10 =	sadd.s32 $0x2000, s12  }
0xf: {  	s31 =	sadd.s32 $0x4000, s12;
	s0 =	sadd.s32 s9, s0;
	[dreg:$0x3] =	wrdreg s10  }
0x10: {  	s9 =	ssub.s32 s30, s11;
	[dreg:$0x4] =	wrdreg s31;
	s11 =	sadd.s32 $0x6000, s12  }
0x11: {  	v0 =	vimm.bf16 $0.0e+00;
	s12 =	sadd.s32 $0x8000, s12;
	s15 =	sadd.s32 $0xBF400, s0;
	s16 =	smax.u32 s9, $0x1  }
.LBB2_18:
0x12: {  	s0 =	stileid.u32;
	s3 =	sadd.s32 $0x1, s3  }
0x13: {  	[bflag:$0x0] =	sbarrier.arrive $0xFFFF;
	s0 =	sshll.u32 s0, $0x6;
	p1 =	sne.s32 s3, s16  }
.Ltmp1:
0x14: {  	s1 =	sshrl.u32 s8, $0x3;
	s0 =	sor.u32 $0x1C03, s0;
	(pc) =	sbr.rel @!p1 .LBB2_19-.Ltmp1, $4  }
0x15: {  	[hbm:s15], [sflag:s0] =	dma.local [spmem:s1], $0x1400  }
0x16: {  	_ =	swait.ge [sflag:s18], $0x1400  }
0x17: {  	[sflag:s18] =	ssyncset.done $0x0  }
0x18: {  	[sflag:s18] =	ssyncadd.s32 $0xFFFFEC00  }
.LBB2_1:
0x19: {  	s1 =	simm.s32 $0x100;
	s0 =	simm.s32 $0x0  }
.LBB2_2:
0x1a: {  	p1 =	sne.s32 s1, $0x7F00;
	[tilespmem:s0+$0xC30] =	vst v0;
	s9 =	smov.u32 s1;
	s1 =	sadd.s32 $0x100, s1  }
.Ltmp2:
0x1b: {  	[tilespmem:s0+$0xC20] =	vst v0;
	(pc) =	sbr.rel @p1 .LBB2_2-.Ltmp2, $3  }
0x1c: {  	[tilespmem:s0+$0xC00] =	vst v0  }
0x1d: {  	[tilespmem:s0+$0xC10] =	vst v0;
	_ =	sdelay $0x1  }
0x1e: {  	s0 =	sshra.s32 s9, $0x2  }
0x1f: {  	[tilespmem:s0+$0xC30] =	vst v0  }
0x20: {  	[tilespmem:s0+$0xC20] =	vst v0  }
0x21: {  	[tilespmem:s0+$0xC00] =	vst v0  }
0x22: {  	[tilespmem:s0+$0xC10] =	vst v0  }
0x23: {  	[spmem:s8] =	stream.linear.scatter [tilespmem:s17], [sflag:$0x3], $0x2000, $0x38;
	[tilespmem:$0xEC00] =	vst v63  }
0x24: {  	_ =	swait.ge [sflag:s18], $0x2000  }
0x25: {  	[sflag:s18] =	ssyncset.done $0x0  }
0x26: {  	s30 =	rddreg [dreg:$0x3];
	[sflag:s18] =	ssyncadd.s32 $0xFFFFE000  }
0x27: {  	[spmem:s30] =	stream.linear.scatter [tilespmem:s17], [sflag:$0x3], $0x2000, $0x38;
	[tilespmem:$0xEC00] =	vst v63  }
0x28: {  	_ =	swait.ge [sflag:s18], $0x2000  }
0x29: {  	[sflag:s18] =	ssyncset.done $0x0  }
0x2a: {  	s31 =	rddreg [dreg:$0x4];
	[sflag:s18] =	ssyncadd.s32 $0xFFFFE000  }
0x2b: {  	[spmem:s31] =	stream.linear.scatter [tilespmem:s17], [sflag:$0x3], $0x2000, $0x38;
	[tilespmem:$0xEC00] =	vst v63  }
0x2c: {  	_ =	swait.ge [sflag:s18], $0x2000  }
0x2d: {  	[sflag:s18] =	ssyncset.done $0x0  }
0x2e: {  	[sflag:s18] =	ssyncadd.s32 $0xFFFFE000  }
0x2f: {  	[spmem:s11] =	stream.linear.scatter [tilespmem:s17], [sflag:$0x3], $0x2000, $0x38;
	[tilespmem:$0xEC00] =	vst v63  }
0x30: {  	_ =	swait.ge [sflag:s18], $0x2000  }
0x31: {  	[sflag:s18] =	ssyncset.done $0x0  }
0x32: {  	[sflag:s18] =	ssyncadd.s32 $0xFFFFE000  }
0x33: {  	[spmem:s12] =	stream.linear.scatter [tilespmem:s17], [sflag:$0x3], $0x2000, $0x38;
	[tilespmem:$0xEC00] =	vst v63  }
.Ltmp3:
0x34: {  	_ =	swait.ge [sflag:s18], $0x2000;
	(pc) =	sbr.rel @!p0 .LBB2_4-.Ltmp3, $4  }
0x35: {  	[sflag:s18] =	ssyncset.done $0x0  }
0x36: {  	[sflag:s18] =	ssyncadd.s32 $0xFFFFE000  }
0x37: {  	[bflag:$0x0] =	sbarrier.arrive $0xFFFF  }
0x38: {  	s26 =	simm.s32 $0x0;
	s28 =	simm.s32 $0x0  }
.LBB2_11:
0x39: {  	s0 =	sshll.u32 s28, $0xA  }
0x3a: {  	s0 =	sadd.s32 s0, s14  }
0x3b: {  	s0 =	sshrl.u32 s0, $0x3  }
0x3c: {  	s1 =	sadd.s32 s4, s0  }
0x3d: {  	[tilespmem:s25], [sflag:$0x3] =	stream.linear.gather [hbm4b:s1+s25], $0x400, $0x38;
	[tilespmem:$0xEC00] =	vst v63  }
0x3e: {  	_ =	swait.ge [sflag:s18], $0x400  }
0x3f: {  	[sflag:s18] =	ssyncset.done $0x0  }
0x40: {  	s31 =	sadd.s32 s5, s0;
	[sflag:s18] =	ssyncadd.s32 $0xFFFFFC00  }
0x41: {  	[tilespmem:s19], [sflag:$0x3] =	stream.linear.gather [hbm4b:s31+s25], $0x400, $0x38;
	[tilespmem:$0xEC00] =	vst v63  }
0x42: {  	_ =	swait.ge [sflag:s18], $0x400  }
0x43: {  	[sflag:s18] =	ssyncset.done $0x0  }
0x44: {  	s0 =	sadd.s32 s6, s0;
	[sflag:s18] =	ssyncadd.s32 $0xFFFFFC00  }
0x45: {  	[tilespmem:s20], [sflag:$0x3] =	stream.linear.gather [hbm4b:s0+s25], $0x400, $0x38;
	[tilespmem:$0xEC00] =	vst v63  }
0x46: {  	_ =	swait.ge [sflag:s18], $0x400  }
0x47: {  	[sflag:s18] =	ssyncset.done $0x0  }
0x48: {  	s26 =	simm.s32 $0x0;
	[sflag:s18] =	ssyncadd.s32 $0xFFFFFC00  }
0x49: {  	[tilespmem:s17], [sflag:$0x1] =	stream.indirect.gather [hbm4b:s7+s21], $0x40, s25, s21, $0xb8;
	[tilespmem:$0xEC00] =	vst v63  }
.LBB2_12:
0x4a: {  	s1 =	simm.s32 $0x0;
	s9 =	simm.s32 $0x1  }
0x4b: {  	s0 =	sshll.u32 s26, $0x8;
	v2 =	vmov s1;
	v3 =	vmov s9;
	s9 =	simm.s32 $0x3  }
0x4c: {  	s10 =	simm.s32 $0x2;
	v1 =	vmov s0;
	v2 =	vand.u32 $0x7C, v2;
	v5 =	vmov s9  }
0x4d: {  	_ =	swait.ge [sflag:s22], $0x2000;
	v4 =	vmov s10;
	s10 =	sshll.u32 s26, $0xA;
	v2 =	vor.u32 v1, v2;
	v5 =	vand.u32 $0x7F, v5  }
0x4e: {  	[sflag:s22] =	ssyncset.done $0x0;
	s29 =	sshrl.u32 s10, $0x2;
	v2 =	vbroadcast v2, $0x0;
	v5 =	vor.u32 v1, v5  }
0x4f: {  	s31 =	simm.s32 $0xC80;
	v3 =	vand.u32 $0x7D, v3;
	[sflag:s22] =	ssyncadd.s32 $0xFFFFE000;
	s0 =	sor.u32 $0x80, s29;
	v5 =	vbroadcast v5, $0x0  }
0x50: {  	v4 =	vand.u32 $0x7E, v4;
	v3 =	vor.u32 v1, v3;
	[tilespmem:s23], [sflag:$0x2] =	stream.indirect.gather [hbm4b:s7+s21], $0x40, s0, s21, $0xb8;
	[tilespmem:$0xEC00] =	vst v63  }
0x51: {  	v4 =	vor.u32 v1, v4;
	v3 =	vbroadcast v3, $0x0;
	v8 =	vld [tilespmem:s31+$0xFFFFFF80]  }
0x52: {  	v6 =	vbroadcast v4, $0x0;
	v9 =	vld [tilespmem:s31+$0xFFFFFF90]  }
0x53: {  	v11 =	vld [tilespmem:s31+$0xFFFFFFA0]  }
0x54: {  	v7 =	vld.idx.msk [tilespmem:v2+s20+$0x0], $0xffff  }
0x55: {  	v2 =	vld.idx.msk [tilespmem:v5+s20+$0x0], $0xffff  }
0x56: {  	v5 =	vld [tilespmem:s31+$0x70]  }
0x57: {  	s1 =	simm.s32 $0x4;
	v4 =	vld.idx.msk [tilespmem:v3+s20+$0x0], $0xffff  }
0x58: {  	v10 =	vmov s1;
	v3 =	vld.idx.msk [tilespmem:v6+s20+$0x0], $0xffff  }
0x59: {  	v12 =	vand.u32 $0x7C, v10;
	v6 =	vld [tilespmem:s31+$0xFFFFFFB0];
	v10 =	vpack.i.f32.bf16 v7, v7  }
0x5a: {  	s9 =	simm.s32 $0x5;
	s10 =	simm.s32 $0x6;
	v7 =	vld [tilespmem:s31+$0xFFFFFFC0];
	v2 =	vpack.i.f32.bf16 v2, v2;
	v16 =	vmul.bf16 v8, v10  }
0x5b: {  	v13 =	vmov s9;
	v15 =	vmov s10;
	v8 =	vld [tilespmem:s31+$0xFFFFFFD0];
	v5 =	vmul.bf16 v5, v2  }
0x5c: {  	s30 =	sshll.u32 s26, $0x1;
	v12 =	vor.u32 v1, v12;
	v14 =	vand.u32 $0x7D, v13;
	v13 =	vmul.bf16 v9, v10;
	v9 =	vld [tilespmem:s31+$0xFFFFFFE0];
	[tilespmem:s31+$0xFFFFFF80] =	vst v16  }
0x5d: {  	s1 =	simm.s32 $0x8;
	s9 =	simm.s32 $0x7;
	s0 =	simm.s32 $0xC80;
	[tilespmem:s31+$0x70] =	vst v5;
	v5 =	vbroadcast v12, $0x0;
	v12 =	vand.u32 $0x7E, v15;
	v15 =	vmul.bf16 v11, v10;
	v11 =	vld [tilespmem:s31+$0xFFFFFFF0]  }
.LBB2_13:
0x5e: {  	p1 =	slt.u32 s1, $0x7C;
	v16 =	vmov s9;
	[tilespmem:s31+$0xFFFFFF90] =	vst v13;
	v6 =	vmul.bf16 v6, v10;
	v4 =	vpack.i.f32.bf16 v4, v4;
	v10 =	vld [tilespmem:s31+$0x0]  }
0x5f: {  	v13 =	vor.u32 v1, v14;
	v14 =	vand.u32 $0x7F, v16;
	[tilespmem:s31+$0xFFFFFFA0] =	vst v15;
	v7 =	vmul.bf16 v7, v4;
	v15 =	vld [tilespmem:s31+$0x10]  }
0x60: {  	v13 =	vbroadcast v13, $0x0;
	v14 =	vor.u32 v1, v14;
	[tilespmem:s31+$0xFFFFFFB0] =	vst v6;
	v6 =	vmul.bf16 v8, v4;
	v8 =	vld [tilespmem:s31+$0x20]  }
0x61: {  	v12 =	vor.u32 v1, v12;
	v14 =	vbroadcast v14, $0x0;
	[tilespmem:s31+$0xFFFFFFC0] =	vst v7;
	v7 =	vmul.bf16 v9, v4;
	v9 =	vld [tilespmem:s31+$0x30]  }
0x62: {  	v3 =	vpack.i.f32.bf16 v3, v3;
	v12 =	vbroadcast v12, $0x0;
	[tilespmem:s31+$0xFFFFFFD0] =	vst v6;
	v4 =	vmul.bf16 v11, v4;
	v6 =	vld [tilespmem:s31+$0x40]  }
0x63: {  	[tilespmem:s31+$0xFFFFFFE0] =	vst v7;
	v7 =	vmul.bf16 v10, v3;
	v10 =	vld [tilespmem:s31+$0x50]  }
0x64: {  	[tilespmem:s31+$0xFFFFFFF0] =	vst v4;
	v11 =	vmul.bf16 v15, v3;
	v15 =	vld [tilespmem:s31+$0x60]  }
0x65: {  	v5 =	vld.idx.msk [tilespmem:v5+s20+$0x0], $0xffff;
	[tilespmem:s31+$0x0] =	vst v7;
	v7 =	vmul.bf16 v8, v3  }
0x66: {  	v4 =	vld.idx.msk [tilespmem:v13+s20+$0x0], $0xffff;
	[tilespmem:s31+$0x10] =	vst v11;
	v8 =	vmul.bf16 v9, v3  }
0x67: {  	v9 =	vld.idx.msk [tilespmem:v14+s20+$0x0], $0xffff;
	[tilespmem:s31+$0x20] =	vst v7;
	v6 =	vmul.bf16 v6, v2  }
0x68: {  	s31 =	sadd.s32 $0x100, s31;
	v3 =	vld.idx.msk [tilespmem:v12+s20+$0x0], $0xffff;
	[tilespmem:s0+$0x30] =	vst v8;
	v7 =	vmul.bf16 v10, v2  }
0x69: {  	v8 =	vld [tilespmem:s31+$0x70];
	[tilespmem:s0+$0x40] =	vst v6;
	v2 =	vmul.bf16 v15, v2  }
0x6a: {  	v11 =	vld [tilespmem:s31+$0xFFFFFF80];
	[tilespmem:s0+$0x50] =	vst v7  }
0x6b: {  	v12 =	vld [tilespmem:s31+$0xFFFFFF90];
	[tilespmem:s0+$0x60] =	vst v2;
	s0 =	smov.u32 s31  }
0x6c: {  	v15 =	vld [tilespmem:s31+$0xFFFFFFA0]  }
.Ltmp4:
0x6d: {  	v7 =	vmov s1;
	v2 =	vpack.i.f32.bf16 v9, v9;
	v6 =	vld [tilespmem:s31+$0xFFFFFFB0];
	(pc) =	sbr.rel @p1 .LBB2_13-.Ltmp4, $4  }
0x6e: {  	s9 =	sadd.s32 $0x1, s1;
	s10 =	sadd.s32 $0x2, s1;
	v10 =	vpack.i.f32.bf16 v5, v5;
	v9 =	vand.u32 $0x7C, v7;
	v7 =	vld [tilespmem:s31+$0xFFFFFFC0];
	v5 =	vmul.bf16 v8, v2  }
0x6f: {  	v16 =	vmov s10;
	v13 =	vmov s9;
	v11 =	vmul.bf16 v11, v10;
	v8 =	vld [tilespmem:s31+$0xFFFFFFD0]  }
0x70: {  	v14 =	vand.u32 $0x7D, v13;
	v17 =	vor.u32 v1, v9;
	v13 =	vmul.bf16 v12, v10;
	v9 =	vld [tilespmem:s31+$0xFFFFFFE0];
	[tilespmem:s31+$0x70] =	vst v5  }
0x71: {  	s9 =	sadd.s32 $0x3, s1;
	s1 =	sadd.s32 $0x4, s1;
	v5 =	vbroadcast v17, $0x0;
	v12 =	vand.u32 $0x7E, v16;
	[tilespmem:s31+$0xFFFFFF80] =	vst v11;
	v15 =	vmul.bf16 v15, v10;
	v11 =	vld [tilespmem:s31+$0xFFFFFFF0]  }
0x72: {  	v17 =	vld [tilespmem:s31+$0x0]  }
0x73: {  	v16 =	vmov s9;
	v18 =	vld [tilespmem:s31+$0x10]  }
0x74: {  	v14 =	vor.u32 v1, v14;
	v19 =	vld [tilespmem:s31+$0x20];
	v6 =	vmul.bf16 v6, v10;
	v4 =	vpack.i.f32.bf16 v4, v4  }
0x75: {  	[tilespmem:s31+$0xFFFFFF90] =	vst v13;
	v10 =	vld [tilespmem:s31+$0x40];
	v16 =	vand.u32 $0x7F, v16;
	v14 =	vbroadcast v14, $0x0;
	v7 =	vmul.bf16 v7, v4  }
0x76: {  	v13 =	vld [tilespmem:s31+$0x50];
	v16 =	vor.u32 v1, v16;
	[tilespmem:s31+$0xFFFFFFB0] =	vst v6;
	v6 =	vmul.bf16 v8, v4  }
0x77: {  	v5 =	vld.idx.msk [tilespmem:v5+s20+$0x0], $0xffff;
	v1 =	vor.u32 v1, v12;
	v12 =	vbroadcast v16, $0x0;
	[tilespmem:s31+$0xFFFFFFC0] =	vst v7;
	v7 =	vmul.bf16 v9, v4  }
0x78: {  	v3 =	vpack.i.f32.bf16 v3, v3;
	v16 =	vld [tilespmem:s31+$0x30];
	v1 =	vbroadcast v1, $0x0;
	[tilespmem:s31+$0xFFFFFFD0] =	vst v6;
	v4 =	vmul.bf16 v11, v4  }
0x79: {  	s1 =	sadd.s32 $0x100, s31;
	v8 =	vld [tilespmem:s31+$0x60];
	[tilespmem:s31+$0xFFFFFFE0] =	vst v7;
	v7 =	vmul.bf16 v17, v3  }
0x7a: {  	v11 =	vld [tilespmem:s1+$0x70];
	[tilespmem:s31+$0xFFFFFFF0] =	vst v4;
	v4 =	vmul.bf16 v18, v3  }
0x7b: {  	v6 =	vld.idx.msk [tilespmem:v14+s20+$0x0], $0xffff;
	[tilespmem:s31+$0x0] =	vst v7  }
0x7c: {  	v7 =	vmul.bf16 v19, v3;
	[tilespmem:s31+$0x10] =	vst v4;
	v4 =	vld [tilespmem:s1+$0xFFFFFF80]  }
0x7d: {  	v3 =	vmul.bf16 v16, v3;
	v9 =	vld.idx.msk [tilespmem:v12+s20+$0x0], $0xffff  }
0x7e: {  	v1 =	vld.idx.msk [tilespmem:v1+s20+$0x0], $0xffff;
	[tilespmem:s31+$0x20] =	vst v7;
	v7 =	vmul.bf16 v10, v2  }
0x7f: {  	v10 =	vld [tilespmem:s1+$0xFFFFFF90];
	[tilespmem:s0+$0x30] =	vst v3;
	v3 =	vmul.bf16 v13, v2  }
0x80: {  	v12 =	vld [tilespmem:s1+$0xFFFFFFA0];
	v2 =	vmul.bf16 v8, v2;
	[tilespmem:s0+$0x40] =	vst v7  }
0x81: {  	v7 =	vld [tilespmem:s1+$0xFFFFFFB0];
	[tilespmem:s0+$0x50] =	vst v3;
	v3 =	vpack.i.f32.bf16 v5, v5  }
0x82: {  	v5 =	vld [tilespmem:s1+$0xFFFFFFC0];
	[tilespmem:s0+$0x60] =	vst v2;
	v2 =	vmul.bf16 v4, v3;
	v8 =	vpack.i.f32.bf16 v9, v9  }
0x83: {  	[tilespmem:s31+$0xFFFFFFA0] =	vst v15;
	v4 =	vld [tilespmem:s1+$0xFFFFFFD0];
	v9 =	vmul.bf16 v11, v8  }
0x84: {  	v10 =	vmul.bf16 v10, v3;
	v11 =	vld [tilespmem:s1+$0xFFFFFFE0];
	[tilespmem:s1+$0xFFFFFF80] =	vst v2  }
0x85: {  	v2 =	vmul.bf16 v12, v3;
	[tilespmem:s1+$0x70] =	vst v9;
	v9 =	vld [tilespmem:s1+$0xFFFFFFF0]  }
0x86: {  	v6 =	vpack.i.f32.bf16 v6, v6;
	[tilespmem:s1+$0xFFFFFF90] =	vst v10;
	v3 =	vmul.bf16 v7, v3;
	v7 =	vld [tilespmem:s1+$0x0]  }
0x87: {  	[tilespmem:s1+$0xFFFFFFA0] =	vst v2;
	v2 =	vmul.bf16 v5, v6;
	v5 =	vld [tilespmem:s1+$0x10]  }
0x88: {  	[tilespmem:s1+$0xFFFFFFB0] =	vst v3;
	v3 =	vmul.bf16 v4, v6;
	v4 =	vld [tilespmem:s1+$0x20]  }
0x89: {  	v10 =	vld [tilespmem:s1+$0x30];
	[tilespmem:s1+$0xFFFFFFC0] =	vst v2;
	v2 =	vmul.bf16 v11, v6  }
0x8a: {  	v1 =	vpack.i.f32.bf16 v1, v1;
	[tilespmem:s1+$0xFFFFFFD0] =	vst v3;
	v3 =	vmul.bf16 v9, v6;
	v6 =	vld [tilespmem:s1+$0x40]  }
0x8b: {  	[tilespmem:s1+$0xFFFFFFE0] =	vst v2;
	v2 =	vmul.bf16 v7, v1;
	v7 =	vld [tilespmem:s1+$0x50]  }
0x8c: {  	[tilespmem:s1+$0xFFFFFFF0] =	vst v3;
	v3 =	vmul.bf16 v5, v1;
	v5 =	vld [tilespmem:s1+$0x60]  }
0x8d: {  	[tilespmem:s1+$0x0] =	vst v2;
	v2 =	vmul.bf16 v4, v1  }
0x8e: {  	v1 =	vmul.bf16 v10, v1;
	[tilespmem:s1+$0x10] =	vst v3  }
0x8f: {  	[tilespmem:s1+$0x20] =	vst v2;
	v2 =	vmul.bf16 v6, v8  }
0x90: {  	[tilespmem:s1+$0x30] =	vst v1;
	v1 =	vmul.bf16 v7, v8  }
0x91: {  	[tilespmem:s1+$0x40] =	vst v2;
	v2 =	vmul.bf16 v5, v8  }
0x92: {  	s31 =	simm.s32 $0x0;
	s0 =	sor.u32 $0x1, s30;
	[tilespmem:s1+$0x50] =	vst v1  }
0x93: {  	s10 =	sadd.s32 $0x400, s29;
	s9 =	simm.s32 $0x1;
	s30 =	sshll.u32 s0, $0x7;
	[tilespmem:s1+$0x60] =	vst v2;
	v2 =	vmov s31  }
0x94: {  	v3 =	vmov s9;
	v1 =	vmov s30;
	[spmem:s2] =	stream.indirect.scatter.add.bf16 [tilespmem:s17], [sflag:$0x3], $0x40, s10, s21, $0xb8;
	v2 =	vand.u32 $0x7C, v2;
	[tilespmem:$0xEC00] =	vst v63  }
0x95: {  	v3 =	vand.u32 $0x7D, v3;
	_ =	swait.ge [sflag:s18], $0x2000;
	v2 =	vor.u32 v1, v2  }
0x96: {  	v3 =	vor.u32 v1, v3;
	s31 =	simm.s32 $0x3;
	[sflag:s18] =	ssyncset.done $0x0;
	v2 =	vbroadcast v2, $0x0  }
0x97: {  	v3 =	vbroadcast v3, $0x0;
	v5 =	vmov s31;
	[sflag:s18] =	ssyncadd.s32 $0xFFFFE000  }
0x98: {  	p1 =	sgt.u32 s0, $0x6;
	v5 =	vand.u32 $0x7F, v5;
	_ =	swait.ge [sflag:s24], $0x2000  }
0x99: {  	s0 =	sadd.s32 @!p1 $0x100, s29;
	s10 =	simm.s32 $0x2;
	v5 =	vor.u32 v1, v5;
	[sflag:s24] =	ssyncset.done $0x0  }
0x9a: {  	s9 =	simm.s32 @!p1 $0xC00;
	s1 =	simm.s32 @!p1 $0x80;
	v4 =	vmov s10;
	v5 =	vbroadcast v5, $0x0;
	[sflag:s24] =	ssyncadd.s32 $0xFFFFE000  }
0x9b: {  	v4 =	vand.u32 $0x7E, v4;
	[tilespmem:s9], [sflag:$0x1] =	stream.indirect.gather @!p1 [hbm4b:s7+s1], $0x40, s0, s1, $0xb8;
	[tilespmem:$0xEC00] =	vst v63  }
0x9c: {  	v4 =	vor.u32 v1, v4;
	v7 =	vld.idx.msk [tilespmem:v2+s20+$0x0], $0xffff  }
0x9d: {  	s29 =	simm.s32 $0x2C80;
	v6 =	vbroadcast v4, $0x0;
	v4 =	vld.idx.msk [tilespmem:v3+s20+$0x0], $0xffff  }
0x9e: {  	v8 =	vld [tilespmem:s29+$0xFFFFFF80]  }
0x9f: {  	v9 =	vld [tilespmem:s29+$0xFFFFFF90]  }
0xa0: {  	v2 =	vld.idx.msk [tilespmem:v5+s20+$0x0], $0xffff  }
0xa1: {  	v5 =	vld [tilespmem:s29+$0x70]  }
0xa2: {  	s9 =	simm.s32 $0x4;
	v11 =	vld [tilespmem:s29+$0xFFFFFFA0]  }
0xa3: {  	v10 =	vmov s9;
	v3 =	vld.idx.msk [tilespmem:v6+s20+$0x0], $0xffff  }
0xa4: {  	v12 =	vand.u32 $0x7C, v10;
	v6 =	vld [tilespmem:s29+$0xFFFFFFB0];
	v10 =	vpack.i.f32.bf16 v7, v7  }
0xa5: {  	s31 =	simm.s32 $0x6;
	s10 =	simm.s32 $0x5;
	v7 =	vld [tilespmem:s29+$0xFFFFFFC0];
	v2 =	vpack.i.f32.bf16 v2, v2;
	v16 =	vmul.bf16 v8, v10  }
0xa6: {  	v15 =	vmov s31;
	v13 =	vmov s10;
	v8 =	vld [tilespmem:s29+$0xFFFFFFD0];
	v5 =	vmul.bf16 v5, v2  }
0xa7: {  	v14 =	vand.u32 $0x7D, v13;
	v12 =	vor.u32 v1, v12;
	v13 =	vmul.bf16 v9, v10;
	v9 =	vld [tilespmem:s29+$0xFFFFFFE0];
	[tilespmem:s29+$0xFFFFFF80] =	vst v16  }
0xa8: {  	s1 =	simm.s32 $0x8;
	s0 =	simm.s32 $0x2C80;
	s9 =	simm.s32 $0x7;
	[tilespmem:s29+$0x70] =	vst v5;
	v5 =	vbroadcast v12, $0x0;
	v12 =	vand.u32 $0x7E, v15;
	v15 =	vmul.bf16 v11, v10;
	v11 =	vld [tilespmem:s29+$0xFFFFFFF0]  }
.LBB2_15:
0xa9: {  	p1 =	slt.u32 s1, $0x7C;
	v16 =	vmov s9;
	[tilespmem:s29+$0xFFFFFF90] =	vst v13;
	v6 =	vmul.bf16 v6, v10;
	v4 =	vpack.i.f32.bf16 v4, v4;
	v10 =	vld [tilespmem:s29+$0x0]  }
0xaa: {  	v13 =	vor.u32 v1, v14;
	v14 =	vand.u32 $0x7F, v16;
	[tilespmem:s29+$0xFFFFFFA0] =	vst v15;
	v7 =	vmul.bf16 v7, v4;
	v15 =	vld [tilespmem:s29+$0x10]  }
0xab: {  	v13 =	vbroadcast v13, $0x0;
	v14 =	vor.u32 v1, v14;
	[tilespmem:s29+$0xFFFFFFB0] =	vst v6;
	v6 =	vmul.bf16 v8, v4;
	v8 =	vld [tilespmem:s29+$0x20]  }
0xac: {  	v12 =	vor.u32 v1, v12;
	v14 =	vbroadcast v14, $0x0;
	[tilespmem:s29+$0xFFFFFFC0] =	vst v7;
	v7 =	vmul.bf16 v9, v4;
	v9 =	vld [tilespmem:s29+$0x30]  }
0xad: {  	v3 =	vpack.i.f32.bf16 v3, v3;
	v12 =	vbroadcast v12, $0x0;
	[tilespmem:s29+$0xFFFFFFD0] =	vst v6;
	v4 =	vmul.bf16 v11, v4;
	v6 =	vld [tilespmem:s29+$0x40]  }
0xae: {  	[tilespmem:s29+$0xFFFFFFE0] =	vst v7;
	v7 =	vmul.bf16 v10, v3;
	v10 =	vld [tilespmem:s29+$0x50]  }
0xaf: {  	[tilespmem:s29+$0xFFFFFFF0] =	vst v4;
	v11 =	vmul.bf16 v15, v3;
	v15 =	vld [tilespmem:s29+$0x60]  }
0xb0: {  	v5 =	vld.idx.msk [tilespmem:v5+s20+$0x0], $0xffff;
	[tilespmem:s29+$0x0] =	vst v7;
	v7 =	vmul.bf16 v8, v3  }
0xb1: {  	v4 =	vld.idx.msk [tilespmem:v13+s20+$0x0], $0xffff;
	[tilespmem:s29+$0x10] =	vst v11;
	v8 =	vmul.bf16 v9, v3  }
0xb2: {  	v9 =	vld.idx.msk [tilespmem:v14+s20+$0x0], $0xffff;
	[tilespmem:s29+$0x20] =	vst v7;
	v6 =	vmul.bf16 v6, v2  }
0xb3: {  	s29 =	sadd.s32 $0x100, s29;
	v3 =	vld.idx.msk [tilespmem:v12+s20+$0x0], $0xffff;
	[tilespmem:s0+$0x30] =	vst v8;
	v7 =	vmul.bf16 v10, v2  }
0xb4: {  	v8 =	vld [tilespmem:s29+$0x70];
	[tilespmem:s0+$0x40] =	vst v6;
	v2 =	vmul.bf16 v15, v2  }
0xb5: {  	v11 =	vld [tilespmem:s29+$0xFFFFFF80];
	[tilespmem:s0+$0x50] =	vst v7  }
0xb6: {  	v12 =	vld [tilespmem:s29+$0xFFFFFF90];
	[tilespmem:s0+$0x60] =	vst v2;
	s0 =	smov.u32 s29  }
0xb7: {  	v15 =	vld [tilespmem:s29+$0xFFFFFFA0]  }
.Ltmp5:
0xb8: {  	v7 =	vmov s1;
	v2 =	vpack.i.f32.bf16 v9, v9;
	v6 =	vld [tilespmem:s29+$0xFFFFFFB0];
	(pc) =	sbr.rel @p1 .LBB2_15-.Ltmp5, $4  }
0xb9: {  	s9 =	sadd.s32 $0x1, s1;
	s10 =	sadd.s32 $0x2, s1;
	v10 =	vpack.i.f32.bf16 v5, v5;
	v9 =	vand.u32 $0x7C, v7;
	v7 =	vld [tilespmem:s29+$0xFFFFFFC0];
	v5 =	vmul.bf16 v8, v2  }
0xba: {  	v16 =	vmov s10;
	v13 =	vmov s9;
	v11 =	vmul.bf16 v11, v10;
	v8 =	vld [tilespmem:s29+$0xFFFFFFD0]  }
0xbb: {  	v14 =	vand.u32 $0x7D, v13;
	v17 =	vor.u32 v1, v9;
	v13 =	vmul.bf16 v12, v10;
	v9 =	vld [tilespmem:s29+$0xFFFFFFE0];
	[tilespmem:s29+$0x70] =	vst v5  }
0xbc: {  	s9 =	sadd.s32 $0x3, s1;
	s1 =	sadd.s32 $0x4, s1;
	v5 =	vbroadcast v17, $0x0;
	v12 =	vand.u32 $0x7E, v16;
	[tilespmem:s29+$0xFFFFFF80] =	vst v11;
	v15 =	vmul.bf16 v15, v10;
	v11 =	vld [tilespmem:s29+$0xFFFFFFF0]  }
0xbd: {  	v17 =	vld [tilespmem:s29+$0x0]  }
0xbe: {  	v18 =	vld [tilespmem:s29+$0x10]  }
0xbf: {  	v19 =	vld [tilespmem:s29+$0x20]  }
0xc0: {  	v35 =	vld [tilespmem:s29+$0x30]  }
0xc1: {  	[tilespmem:s29+$0xFFFFFF90] =	vst v13;
	v6 =	vmul.bf16 v6, v10;
	v4 =	vpack.i.f32.bf16 v4, v4;
	v36 =	vld [tilespmem:s29+$0x40]  }
0xc2: {  	v16 =	vmov s9;
	v37 =	vld [tilespmem:s29+$0x50];
	[tilespmem:s29+$0xFFFFFFA0] =	vst v15;
	v7 =	vmul.bf16 v7, v4  }
0xc3: {  	v39 =	vld [tilespmem:s29+$0x60];
	v3 =	vpack.i.f32.bf16 v3, v3;
	v16 =	vand.u32 $0x7F, v16;
	[tilespmem:s29+$0xFFFFFFB0] =	vst v6;
	v38 =	vmul.bf16 v8, v4  }
0xc4: {  	s1 =	sadd.s32 $0x100, s29;
	v5 =	vld.idx.msk [tilespmem:v5+s20+$0x0], $0xffff;
	v16 =	vor.u32 v1, v16;
	[tilespmem:s29+$0xFFFFFFC0] =	vst v7;
	v40 =	vmul.bf16 v9, v4  }
0xc5: {  	v14 =	vor.u32 v1, v14;
	v46 =	vld [tilespmem:s1+$0x70];
	v34 =	vbroadcast v16, $0x0;
	[tilespmem:s29+$0xFFFFFFD0] =	vst v38;
	v42 =	vmul.bf16 v17, v3  }
0xc6: {  	v14 =	vbroadcast v14, $0x0;
	v47 =	vld [tilespmem:s1+$0xFFFFFF80];
	[tilespmem:s29+$0xFFFFFFE0] =	vst v40;
	v44 =	vmul.bf16 v18, v3  }
0xc7: {  	v49 =	vld [tilespmem:s1+$0xFFFFFF90];
	v45 =	vmul.bf16 v19, v3;
	[tilespmem:s29+$0x0] =	vst v42  }
0xc8: {  	v50 =	vld [tilespmem:s1+$0xFFFFFFA0];
	v3 =	vmul.bf16 v35, v3;
	[tilespmem:s29+$0x10] =	vst v44  }
0xc9: {  	v51 =	vld [tilespmem:s1+$0xFFFFFFB0];
	v1 =	vor.u32 v1, v12;
	v4 =	vmul.bf16 v11, v4;
	[tilespmem:s29+$0x20] =	vst v45  }
0xca: {  	v53 =	vld [tilespmem:s1+$0xFFFFFFC0];
	v1 =	vbroadcast v1, $0x0;
	[tilespmem:s0+$0x30] =	vst v3;
	v3 =	vmul.bf16 v37, v2  }
0xcb: {  	v48 =	vmul.bf16 v36, v2;
	[tilespmem:s29+$0xFFFFFFF0] =	vst v4;
	v2 =	vmul.bf16 v39, v2;
	v43 =	vld.idx.msk [tilespmem:v34+s20+$0x0], $0xffff  }
0xcc: {  	v41 =	vld.idx.msk [tilespmem:v14+s20+$0x0], $0xffff;
	[tilespmem:s0+$0x50] =	vst v3;
	v3 =	vpack.i.f32.bf16 v5, v5  }
0xcd: {  	v54 =	vld [tilespmem:s1+$0xFFFFFFD0];
	[tilespmem:s0+$0x60] =	vst v2;
	v2 =	vmul.bf16 v47, v3  }
0xce: {  	v55 =	vld [tilespmem:s1+$0xFFFFFFE0];
	[tilespmem:s0+$0x40] =	vst v48;
	v10 =	vmul.bf16 v49, v3  }
0xcf: {  	v56 =	vld [tilespmem:s1+$0xFFFFFFF0];
	[tilespmem:s1+$0xFFFFFF80] =	vst v2;
	v2 =	vmul.bf16 v50, v3  }
0xd0: {  	v1 =	vld.idx.msk [tilespmem:v1+s20+$0x0], $0xffff;
	[tilespmem:s1+$0xFFFFFF90] =	vst v10;
	v3 =	vmul.bf16 v51, v3;
	v52 =	vpack.i.f32.bf16 v43, v43  }
0xd1: {  	v57 =	vld [tilespmem:s1+$0x0];
	v6 =	vpack.i.f32.bf16 v41, v41;
	v9 =	vmul.bf16 v46, v52;
	[tilespmem:s1+$0xFFFFFFA0] =	vst v2  }
0xd2: {  	v58 =	vld [tilespmem:s1+$0x10];
	v2 =	vmul.bf16 v53, v6;
	[tilespmem:s1+$0xFFFFFFB0] =	vst v3  }
0xd3: {  	v59 =	vld [tilespmem:s1+$0x20];
	v3 =	vmul.bf16 v54, v6;
	[tilespmem:s1+$0x70] =	vst v9  }
0xd4: {  	v60 =	vld [tilespmem:s1+$0x30];
	[tilespmem:s1+$0xFFFFFFC0] =	vst v2;
	v2 =	vmul.bf16 v55, v6  }
0xd5: {  	v61 =	vld [tilespmem:s1+$0x40];
	v1 =	vpack.i.f32.bf16 v1, v1;
	[tilespmem:s1+$0xFFFFFFD0] =	vst v3;
	v3 =	vmul.bf16 v56, v6  }
0xd6: {  	v62 =	vld [tilespmem:s1+$0x50];
	[tilespmem:s1+$0xFFFFFFE0] =	vst v2;
	v2 =	vmul.bf16 v57, v1  }
0xd7: {  	v63 =	vld [tilespmem:s1+$0x60];
	[tilespmem:s1+$0xFFFFFFF0] =	vst v3;
	v3 =	vmul.bf16 v58, v1  }
0xd8: {  	[tilespmem:s1+$0x0] =	vst v2;
	v2 =	vmul.bf16 v59, v1  }
0xd9: {  	[tilespmem:s1+$0x10] =	vst v3;
	v1 =	vmul.bf16 v60, v1  }
0xda: {  	[tilespmem:s1+$0x20] =	vst v2;
	v2 =	vmul.bf16 v61, v52  }
0xdb: {  	[tilespmem:s1+$0x30] =	vst v1;
	v1 =	vmul.bf16 v62, v52  }
0xdc: {  	s26 =	sadd.s32 $0x1, s26;
	[tilespmem:s1+$0x40] =	vst v2;
	v2 =	vmul.bf16 v63, v52  }
0xdd: {  	s31 =	sand.u32 $0x3FFFFF80, s30;
	p1 =	sne.s32 s26, $0x4;
	[tilespmem:s1+$0x50] =	vst v1  }
.Ltmp6:
0xde: {  	s0 =	sadd.s32 $0x400, s31;
	[tilespmem:s1+$0x60] =	vst v2;
	(pc) =	sbr.rel @p1 .LBB2_12-.Ltmp6, $4  }
0xdf: {  	[spmem:s2] =	stream.indirect.scatter.add.bf16 [tilespmem:s23], [sflag:$0x3], $0x40, s0, s21, $0xb8;
	[tilespmem:$0xEC00] =	vst v63  }
0xe0: {  	_ =	swait.ge [sflag:s18], $0x2000  }
0xe1: {  	[sflag:s18] =	ssyncset.done $0x0  }
0xe2: {  	[sflag:s18] =	ssyncadd.s32 $0xFFFFE000  }
0xe3: {  	s28 =	sadd.s32 $0x1, s28  }
0xe4: {  	p1 =	sne.s32 s28, $0x5  }
.Ltmp7:
0xe5: {  	_ = 	snop;
	(pc) =	sbr.rel @p1 .LBB2_11-.Ltmp7, $4  }
.Ltmp8:
0xe6: {  	_ = 	snop;
	(pc) =	sbr.rel @!p1 .LBB2_18-.Ltmp8, $4  }
0xe7: {  	_ = 	snop  }
0xe8: {  	_ = 	snop  }
0xe9: {  	_ = 	snop  }
0xea: {  	_ = 	snop  }
.LBB2_4:
0xeb: {  	s0 =	sshll.u32 s26, $0xA  }
0xec: {  	s0 =	sadd.s32 s13, s0  }
0xed: {  	s0 =	sshrl.u32 s0, $0x3  }
0xee: {  	s1 =	sadd.s32 s4, s0  }
0xef: {  	[tilespmem:s25], [sflag:$0x3] =	stream.linear.gather [hbm4b:s1+s25], $0x400, $0x38;
	[tilespmem:$0xEC00] =	vst v63  }
0xf0: {  	_ =	swait.ge [sflag:s18], $0x400  }
0xf1: {  	[sflag:s18] =	ssyncset.done $0x0  }
0xf2: {  	s31 =	sadd.s32 s5, s0;
	[sflag:s18] =	ssyncadd.s32 $0xFFFFFC00  }
0xf3: {  	[tilespmem:s19], [sflag:$0x3] =	stream.linear.gather [hbm4b:s31+s25], $0x400, $0x38;
	[tilespmem:$0xEC00] =	vst v63  }
0xf4: {  	_ =	swait.ge [sflag:s18], $0x400  }
0xf5: {  	[sflag:s18] =	ssyncset.done $0x0  }
0xf6: {  	s0 =	sadd.s32 s6, s0;
	[sflag:s18] =	ssyncadd.s32 $0xFFFFFC00  }
0xf7: {  	[tilespmem:s20], [sflag:$0x3] =	stream.linear.gather [hbm4b:s0+s25], $0x400, $0x38;
	[tilespmem:$0xEC00] =	vst v63  }
0xf8: {  	_ =	swait.ge [sflag:s18], $0x400  }
0xf9: {  	[sflag:s18] =	ssyncset.done $0x0  }
0xfa: {  	s28 =	simm.s32 $0x0;
	[sflag:s18] =	ssyncadd.s32 $0xFFFFFC00  }
0xfb: {  	[tilespmem:s17], [sflag:$0x1] =	stream.indirect.gather [hbm4b:s7+s21], $0x40, s25, s21, $0xb8;
	[tilespmem:$0xEC00] =	vst v63  }
.LBB2_5:
0xfc: {  	s1 =	simm.s32 $0x0;
	s9 =	simm.s32 $0x1  }
0xfd: {  	s0 =	sshll.u32 s28, $0x8;
	v2 =	vmov s1;
	v3 =	vmov s9;
	s9 =	simm.s32 $0x3  }
0xfe: {  	s10 =	simm.s32 $0x2;
	v1 =	vmov s0;
	v2 =	vand.u32 $0x7C, v2;
	v5 =	vmov s9  }
0xff: {  	_ =	swait.ge [sflag:s22], $0x2000;
	v4 =	vmov s10;
	s10 =	sshll.u32 s28, $0xA;
	v2 =	vor.u32 v1, v2;
	v5 =	vand.u32 $0x7F, v5  }
0x100: {  	[sflag:s22] =	ssyncset.done $0x0;
	s29 =	sshrl.u32 s10, $0x2;
	v2 =	vbroadcast v2, $0x0;
	v5 =	vor.u32 v1, v5  }
0x101: {  	s31 =	simm.s32 $0xC80;
	v3 =	vand.u32 $0x7D, v3;
	[sflag:s22] =	ssyncadd.s32 $0xFFFFE000;
	s0 =	sor.u32 $0x80, s29;
	v5 =	vbroadcast v5, $0x0  }
0x102: {  	v4 =	vand.u32 $0x7E, v4;
	v3 =	vor.u32 v1, v3;
	[tilespmem:s23], [sflag:$0x2] =	stream.indirect.gather [hbm4b:s7+s21], $0x40, s0, s21, $0xb8;
	[tilespmem:$0xEC00] =	vst v63  }
0x103: {  	v4 =	vor.u32 v1, v4;
	v3 =	vbroadcast v3, $0x0;
	v8 =	vld [tilespmem:s31+$0xFFFFFF80]  }
0x104: {  	v6 =	vbroadcast v4, $0x0;
	v9 =	vld [tilespmem:s31+$0xFFFFFF90]  }
0x105: {  	v11 =	vld [tilespmem:s31+$0xFFFFFFA0]  }
0x106: {  	v7 =	vld.idx.msk [tilespmem:v2+s20+$0x0], $0xffff  }
0x107: {  	v2 =	vld.idx.msk [tilespmem:v5+s20+$0x0], $0xffff  }
0x108: {  	v5 =	vld [tilespmem:s31+$0x70]  }
0x109: {  	s1 =	simm.s32 $0x4;
	v4 =	vld.idx.msk [tilespmem:v3+s20+$0x0], $0xffff  }
0x10a: {  	v10 =	vmov s1;
	v3 =	vld.idx.msk [tilespmem:v6+s20+$0x0], $0xffff  }
0x10b: {  	v12 =	vand.u32 $0x7C, v10;
	v6 =	vld [tilespmem:s31+$0xFFFFFFB0];
	v10 =	vpack.i.f32.bf16 v7, v7  }
0x10c: {  	s9 =	simm.s32 $0x5;
	s10 =	simm.s32 $0x6;
	v7 =	vld [tilespmem:s31+$0xFFFFFFC0];
	v2 =	vpack.i.f32.bf16 v2, v2;
	v16 =	vmul.bf16 v8, v10  }
0x10d: {  	v13 =	vmov s9;
	v15 =	vmov s10;
	v8 =	vld [tilespmem:s31+$0xFFFFFFD0];
	v5 =	vmul.bf16 v5, v2  }
0x10e: {  	s30 =	sshll.u32 s28, $0x1;
	v12 =	vor.u32 v1, v12;
	v14 =	vand.u32 $0x7D, v13;
	v13 =	vmul.bf16 v9, v10;
	v9 =	vld [tilespmem:s31+$0xFFFFFFE0];
	[tilespmem:s31+$0xFFFFFF80] =	vst v16  }
0x10f: {  	s1 =	simm.s32 $0x8;
	s9 =	simm.s32 $0x7;
	s0 =	simm.s32 $0xC80;
	[tilespmem:s31+$0x70] =	vst v5;
	v5 =	vbroadcast v12, $0x0;
	v12 =	vand.u32 $0x7E, v15;
	v15 =	vmul.bf16 v11, v10;
	v11 =	vld [tilespmem:s31+$0xFFFFFFF0]  }
.LBB2_6:
0x110: {  	p1 =	slt.u32 s1, $0x7C;
	v16 =	vmov s9;
	[tilespmem:s31+$0xFFFFFF90] =	vst v13;
	v6 =	vmul.bf16 v6, v10;
	v4 =	vpack.i.f32.bf16 v4, v4;
	v10 =	vld [tilespmem:s31+$0x0]  }
0x111: {  	v13 =	vor.u32 v1, v14;
	v14 =	vand.u32 $0x7F, v16;
	[tilespmem:s31+$0xFFFFFFA0] =	vst v15;
	v7 =	vmul.bf16 v7, v4;
	v15 =	vld [tilespmem:s31+$0x10]  }
0x112: {  	v13 =	vbroadcast v13, $0x0;
	v14 =	vor.u32 v1, v14;
	[tilespmem:s31+$0xFFFFFFB0] =	vst v6;
	v6 =	vmul.bf16 v8, v4;
	v8 =	vld [tilespmem:s31+$0x20]  }
0x113: {  	v12 =	vor.u32 v1, v12;
	v14 =	vbroadcast v14, $0x0;
	[tilespmem:s31+$0xFFFFFFC0] =	vst v7;
	v7 =	vmul.bf16 v9, v4;
	v9 =	vld [tilespmem:s31+$0x30]  }
0x114: {  	v3 =	vpack.i.f32.bf16 v3, v3;
	v12 =	vbroadcast v12, $0x0;
	[tilespmem:s31+$0xFFFFFFD0] =	vst v6;
	v4 =	vmul.bf16 v11, v4;
	v6 =	vld [tilespmem:s31+$0x40]  }
0x115: {  	[tilespmem:s31+$0xFFFFFFE0] =	vst v7;
	v7 =	vmul.bf16 v10, v3;
	v10 =	vld [tilespmem:s31+$0x50]  }
0x116: {  	[tilespmem:s31+$0xFFFFFFF0] =	vst v4;
	v11 =	vmul.bf16 v15, v3;
	v15 =	vld [tilespmem:s31+$0x60]  }
0x117: {  	v5 =	vld.idx.msk [tilespmem:v5+s20+$0x0], $0xffff;
	[tilespmem:s31+$0x0] =	vst v7;
	v7 =	vmul.bf16 v8, v3  }
0x118: {  	v4 =	vld.idx.msk [tilespmem:v13+s20+$0x0], $0xffff;
	[tilespmem:s31+$0x10] =	vst v11;
	v8 =	vmul.bf16 v9, v3  }
0x119: {  	v9 =	vld.idx.msk [tilespmem:v14+s20+$0x0], $0xffff;
	[tilespmem:s31+$0x20] =	vst v7;
	v6 =	vmul.bf16 v6, v2  }
0x11a: {  	s31 =	sadd.s32 $0x100, s31;
	v3 =	vld.idx.msk [tilespmem:v12+s20+$0x0], $0xffff;
	[tilespmem:s0+$0x30] =	vst v8;
	v7 =	vmul.bf16 v10, v2  }
0x11b: {  	v8 =	vld [tilespmem:s31+$0x70];
	[tilespmem:s0+$0x40] =	vst v6;
	v2 =	vmul.bf16 v15, v2  }
0x11c: {  	v11 =	vld [tilespmem:s31+$0xFFFFFF80];
	[tilespmem:s0+$0x50] =	vst v7  }
0x11d: {  	v12 =	vld [tilespmem:s31+$0xFFFFFF90];
	[tilespmem:s0+$0x60] =	vst v2;
	s0 =	smov.u32 s31  }
0x11e: {  	v15 =	vld [tilespmem:s31+$0xFFFFFFA0]  }
.Ltmp9:
0x11f: {  	v7 =	vmov s1;
	v2 =	vpack.i.f32.bf16 v9, v9;
	v6 =	vld [tilespmem:s31+$0xFFFFFFB0];
	(pc) =	sbr.rel @p1 .LBB2_6-.Ltmp9, $4  }
0x120: {  	s9 =	sadd.s32 $0x1, s1;
	s10 =	sadd.s32 $0x2, s1;
	v10 =	vpack.i.f32.bf16 v5, v5;
	v9 =	vand.u32 $0x7C, v7;
	v7 =	vld [tilespmem:s31+$0xFFFFFFC0];
	v5 =	vmul.bf16 v8, v2  }
0x121: {  	v16 =	vmov s10;
	v13 =	vmov s9;
	v11 =	vmul.bf16 v11, v10;
	v8 =	vld [tilespmem:s31+$0xFFFFFFD0]  }
0x122: {  	v14 =	vand.u32 $0x7D, v13;
	v17 =	vor.u32 v1, v9;
	v13 =	vmul.bf16 v12, v10;
	v9 =	vld [tilespmem:s31+$0xFFFFFFE0];
	[tilespmem:s31+$0x70] =	vst v5  }
0x123: {  	s9 =	sadd.s32 $0x3, s1;
	s1 =	sadd.s32 $0x4, s1;
	v5 =	vbroadcast v17, $0x0;
	v12 =	vand.u32 $0x7E, v16;
	[tilespmem:s31+$0xFFFFFF80] =	vst v11;
	v15 =	vmul.bf16 v15, v10;
	v11 =	vld [tilespmem:s31+$0xFFFFFFF0]  }
0x124: {  	v17 =	vld [tilespmem:s31+$0x0]  }
0x125: {  	v16 =	vmov s9;
	v18 =	vld [tilespmem:s31+$0x10]  }
0x126: {  	v14 =	vor.u32 v1, v14;
	v19 =	vld [tilespmem:s31+$0x20];
	v6 =	vmul.bf16 v6, v10;
	v4 =	vpack.i.f32.bf16 v4, v4  }
0x127: {  	[tilespmem:s31+$0xFFFFFF90] =	vst v13;
	v10 =	vld [tilespmem:s31+$0x40];
	v16 =	vand.u32 $0x7F, v16;
	v14 =	vbroadcast v14, $0x0;
	v7 =	vmul.bf16 v7, v4  }
0x128: {  	v13 =	vld [tilespmem:s31+$0x50];
	v16 =	vor.u32 v1, v16;
	[tilespmem:s31+$0xFFFFFFB0] =	vst v6;
	v6 =	vmul.bf16 v8, v4  }
0x129: {  	v5 =	vld.idx.msk [tilespmem:v5+s20+$0x0], $0xffff;
	v1 =	vor.u32 v1, v12;
	v12 =	vbroadcast v16, $0x0;
	[tilespmem:s31+$0xFFFFFFC0] =	vst v7;
	v7 =	vmul.bf16 v9, v4  }
0x12a: {  	v3 =	vpack.i.f32.bf16 v3, v3;
	v16 =	vld [tilespmem:s31+$0x30];
	v1 =	vbroadcast v1, $0x0;
	[tilespmem:s31+$0xFFFFFFD0] =	vst v6;
	v4 =	vmul.bf16 v11, v4  }
0x12b: {  	s1 =	sadd.s32 $0x100, s31;
	v8 =	vld [tilespmem:s31+$0x60];
	[tilespmem:s31+$0xFFFFFFE0] =	vst v7;
	v7 =	vmul.bf16 v17, v3  }
0x12c: {  	v11 =	vld [tilespmem:s1+$0x70];
	[tilespmem:s31+$0xFFFFFFF0] =	vst v4;
	v4 =	vmul.bf16 v18, v3  }
0x12d: {  	v6 =	vld.idx.msk [tilespmem:v14+s20+$0x0], $0xffff;
	[tilespmem:s31+$0x0] =	vst v7  }
0x12e: {  	v7 =	vmul.bf16 v19, v3;
	[tilespmem:s31+$0x10] =	vst v4;
	v4 =	vld [tilespmem:s1+$0xFFFFFF80]  }
0x12f: {  	v3 =	vmul.bf16 v16, v3;
	v9 =	vld.idx.msk [tilespmem:v12+s20+$0x0], $0xffff  }
0x130: {  	v1 =	vld.idx.msk [tilespmem:v1+s20+$0x0], $0xffff;
	[tilespmem:s31+$0x20] =	vst v7;
	v7 =	vmul.bf16 v10, v2  }
0x131: {  	v10 =	vld [tilespmem:s1+$0xFFFFFF90];
	[tilespmem:s0+$0x30] =	vst v3;
	v3 =	vmul.bf16 v13, v2  }
0x132: {  	v12 =	vld [tilespmem:s1+$0xFFFFFFA0];
	v2 =	vmul.bf16 v8, v2;
	[tilespmem:s0+$0x40] =	vst v7  }
0x133: {  	v7 =	vld [tilespmem:s1+$0xFFFFFFB0];
	[tilespmem:s0+$0x50] =	vst v3;
	v3 =	vpack.i.f32.bf16 v5, v5  }
0x134: {  	v5 =	vld [tilespmem:s1+$0xFFFFFFC0];
	[tilespmem:s0+$0x60] =	vst v2;
	v2 =	vmul.bf16 v4, v3;
	v8 =	vpack.i.f32.bf16 v9, v9  }
0x135: {  	[tilespmem:s31+$0xFFFFFFA0] =	vst v15;
	v4 =	vld [tilespmem:s1+$0xFFFFFFD0];
	v9 =	vmul.bf16 v11, v8  }
0x136: {  	v10 =	vmul.bf16 v10, v3;
	v11 =	vld [tilespmem:s1+$0xFFFFFFE0];
	[tilespmem:s1+$0xFFFFFF80] =	vst v2  }
0x137: {  	v2 =	vmul.bf16 v12, v3;
	[tilespmem:s1+$0x70] =	vst v9;
	v9 =	vld [tilespmem:s1+$0xFFFFFFF0]  }
0x138: {  	v6 =	vpack.i.f32.bf16 v6, v6;
	[tilespmem:s1+$0xFFFFFF90] =	vst v10;
	v3 =	vmul.bf16 v7, v3;
	v7 =	vld [tilespmem:s1+$0x0]  }
0x139: {  	[tilespmem:s1+$0xFFFFFFA0] =	vst v2;
	v2 =	vmul.bf16 v5, v6;
	v5 =	vld [tilespmem:s1+$0x10]  }
0x13a: {  	[tilespmem:s1+$0xFFFFFFB0] =	vst v3;
	v3 =	vmul.bf16 v4, v6;
	v4 =	vld [tilespmem:s1+$0x20]  }
0x13b: {  	v10 =	vld [tilespmem:s1+$0x30];
	[tilespmem:s1+$0xFFFFFFC0] =	vst v2;
	v2 =	vmul.bf16 v11, v6  }
0x13c: {  	v1 =	vpack.i.f32.bf16 v1, v1;
	[tilespmem:s1+$0xFFFFFFD0] =	vst v3;
	v3 =	vmul.bf16 v9, v6;
	v6 =	vld [tilespmem:s1+$0x40]  }
0x13d: {  	[tilespmem:s1+$0xFFFFFFE0] =	vst v2;
	v2 =	vmul.bf16 v7, v1;
	v7 =	vld [tilespmem:s1+$0x50]  }
0x13e: {  	[tilespmem:s1+$0xFFFFFFF0] =	vst v3;
	v3 =	vmul.bf16 v5, v1;
	v5 =	vld [tilespmem:s1+$0x60]  }
0x13f: {  	[tilespmem:s1+$0x0] =	vst v2;
	v2 =	vmul.bf16 v4, v1  }
0x140: {  	v1 =	vmul.bf16 v10, v1;
	[tilespmem:s1+$0x10] =	vst v3  }
0x141: {  	[tilespmem:s1+$0x20] =	vst v2;
	v2 =	vmul.bf16 v6, v8  }
0x142: {  	[tilespmem:s1+$0x30] =	vst v1;
	v1 =	vmul.bf16 v7, v8  }
0x143: {  	[tilespmem:s1+$0x40] =	vst v2;
	v2 =	vmul.bf16 v5, v8  }
0x144: {  	s31 =	simm.s32 $0x0;
	s0 =	sor.u32 $0x1, s30;
	[tilespmem:s1+$0x50] =	vst v1  }
0x145: {  	s10 =	sadd.s32 $0x400, s29;
	s9 =	simm.s32 $0x1;
	s30 =	sshll.u32 s0, $0x7;
	[tilespmem:s1+$0x60] =	vst v2;
	v2 =	vmov s31  }
0x146: {  	v3 =	vmov s9;
	v1 =	vmov s30;
	[spmem:s2] =	stream.indirect.scatter.add.bf16 [tilespmem:s17], [sflag:$0x3], $0x40, s10, s21, $0xb8;
	v2 =	vand.u32 $0x7C, v2;
	[tilespmem:$0xEC00] =	vst v63  }
0x147: {  	v3 =	vand.u32 $0x7D, v3;
	_ =	swait.ge [sflag:s18], $0x2000;
	v2 =	vor.u32 v1, v2  }
0x148: {  	v3 =	vor.u32 v1, v3;
	s31 =	simm.s32 $0x3;
	[sflag:s18] =	ssyncset.done $0x0;
	v2 =	vbroadcast v2, $0x0  }
0x149: {  	v3 =	vbroadcast v3, $0x0;
	v5 =	vmov s31;
	[sflag:s18] =	ssyncadd.s32 $0xFFFFE000  }
0x14a: {  	p1 =	sgt.u32 s0, $0x6;
	v5 =	vand.u32 $0x7F, v5;
	_ =	swait.ge [sflag:s24], $0x2000  }
0x14b: {  	s0 =	sadd.s32 @!p1 $0x100, s29;
	s10 =	simm.s32 $0x2;
	v5 =	vor.u32 v1, v5;
	[sflag:s24] =	ssyncset.done $0x0  }
0x14c: {  	s9 =	simm.s32 @!p1 $0xC00;
	s1 =	simm.s32 @!p1 $0x80;
	v4 =	vmov s10;
	v5 =	vbroadcast v5, $0x0;
	[sflag:s24] =	ssyncadd.s32 $0xFFFFE000  }
0x14d: {  	v4 =	vand.u32 $0x7E, v4;
	[tilespmem:s9], [sflag:$0x1] =	stream.indirect.gather @!p1 [hbm4b:s7+s1], $0x40, s0, s1, $0xb8;
	[tilespmem:$0xEC00] =	vst v63  }
0x14e: {  	v4 =	vor.u32 v1, v4;
	v7 =	vld.idx.msk [tilespmem:v2+s20+$0x0], $0xffff  }
0x14f: {  	s29 =	simm.s32 $0x2C80;
	v6 =	vbroadcast v4, $0x0;
	v4 =	vld.idx.msk [tilespmem:v3+s20+$0x0], $0xffff  }
0x150: {  	v8 =	vld [tilespmem:s29+$0xFFFFFF80]  }
0x151: {  	v9 =	vld [tilespmem:s29+$0xFFFFFF90]  }
0x152: {  	v2 =	vld.idx.msk [tilespmem:v5+s20+$0x0], $0xffff  }
0x153: {  	v5 =	vld [tilespmem:s29+$0x70]  }
0x154: {  	s9 =	simm.s32 $0x4;
	v11 =	vld [tilespmem:s29+$0xFFFFFFA0]  }
0x155: {  	v10 =	vmov s9;
	v3 =	vld.idx.msk [tilespmem:v6+s20+$0x0], $0xffff  }
0x156: {  	v12 =	vand.u32 $0x7C, v10;
	v6 =	vld [tilespmem:s29+$0xFFFFFFB0];
	v10 =	vpack.i.f32.bf16 v7, v7  }
0x157: {  	s31 =	simm.s32 $0x6;
	s10 =	simm.s32 $0x5;
	v7 =	vld [tilespmem:s29+$0xFFFFFFC0];
	v2 =	vpack.i.f32.bf16 v2, v2;
	v16 =	vmul.bf16 v8, v10  }
0x158: {  	v15 =	vmov s31;
	v13 =	vmov s10;
	v8 =	vld [tilespmem:s29+$0xFFFFFFD0];
	v5 =	vmul.bf16 v5, v2  }
0x159: {  	v14 =	vand.u32 $0x7D, v13;
	v12 =	vor.u32 v1, v12;
	v13 =	vmul.bf16 v9, v10;
	v9 =	vld [tilespmem:s29+$0xFFFFFFE0];
	[tilespmem:s29+$0xFFFFFF80] =	vst v16  }
0x15a: {  	s1 =	simm.s32 $0x8;
	s0 =	simm.s32 $0x2C80;
	s9 =	simm.s32 $0x7;
	[tilespmem:s29+$0x70] =	vst v5;
	v5 =	vbroadcast v12, $0x0;
	v12 =	vand.u32 $0x7E, v15;
	v15 =	vmul.bf16 v11, v10;
	v11 =	vld [tilespmem:s29+$0xFFFFFFF0]  }
.LBB2_8:
0x15b: {  	p1 =	slt.u32 s1, $0x7C;
	v16 =	vmov s9;
	[tilespmem:s29+$0xFFFFFF90] =	vst v13;
	v6 =	vmul.bf16 v6, v10;
	v4 =	vpack.i.f32.bf16 v4, v4;
	v10 =	vld [tilespmem:s29+$0x0]  }
0x15c: {  	v13 =	vor.u32 v1, v14;
	v14 =	vand.u32 $0x7F, v16;
	[tilespmem:s29+$0xFFFFFFA0] =	vst v15;
	v7 =	vmul.bf16 v7, v4;
	v15 =	vld [tilespmem:s29+$0x10]  }
0x15d: {  	v13 =	vbroadcast v13, $0x0;
	v14 =	vor.u32 v1, v14;
	[tilespmem:s29+$0xFFFFFFB0] =	vst v6;
	v6 =	vmul.bf16 v8, v4;
	v8 =	vld [tilespmem:s29+$0x20]  }
0x15e: {  	v12 =	vor.u32 v1, v12;
	v14 =	vbroadcast v14, $0x0;
	[tilespmem:s29+$0xFFFFFFC0] =	vst v7;
	v7 =	vmul.bf16 v9, v4;
	v9 =	vld [tilespmem:s29+$0x30]  }
0x15f: {  	v3 =	vpack.i.f32.bf16 v3, v3;
	v12 =	vbroadcast v12, $0x0;
	[tilespmem:s29+$0xFFFFFFD0] =	vst v6;
	v4 =	vmul.bf16 v11, v4;
	v6 =	vld [tilespmem:s29+$0x40]  }
0x160: {  	[tilespmem:s29+$0xFFFFFFE0] =	vst v7;
	v7 =	vmul.bf16 v10, v3;
	v10 =	vld [tilespmem:s29+$0x50]  }
0x161: {  	[tilespmem:s29+$0xFFFFFFF0] =	vst v4;
	v11 =	vmul.bf16 v15, v3;
	v15 =	vld [tilespmem:s29+$0x60]  }
0x162: {  	v5 =	vld.idx.msk [tilespmem:v5+s20+$0x0], $0xffff;
	[tilespmem:s29+$0x0] =	vst v7;
	v7 =	vmul.bf16 v8, v3  }
0x163: {  	v4 =	vld.idx.msk [tilespmem:v13+s20+$0x0], $0xffff;
	[tilespmem:s29+$0x10] =	vst v11;
	v8 =	vmul.bf16 v9, v3  }
0x164: {  	v9 =	vld.idx.msk [tilespmem:v14+s20+$0x0], $0xffff;
	[tilespmem:s29+$0x20] =	vst v7;
	v6 =	vmul.bf16 v6, v2  }
0x165: {  	s29 =	sadd.s32 $0x100, s29;
	v3 =	vld.idx.msk [tilespmem:v12+s20+$0x0], $0xffff;
	[tilespmem:s0+$0x30] =	vst v8;
	v7 =	vmul.bf16 v10, v2  }
0x166: {  	v8 =	vld [tilespmem:s29+$0x70];
	[tilespmem:s0+$0x40] =	vst v6;
	v2 =	vmul.bf16 v15, v2  }
0x167: {  	v11 =	vld [tilespmem:s29+$0xFFFFFF80];
	[tilespmem:s0+$0x50] =	vst v7  }
0x168: {  	v12 =	vld [tilespmem:s29+$0xFFFFFF90];
	[tilespmem:s0+$0x60] =	vst v2;
	s0 =	smov.u32 s29  }
0x169: {  	v15 =	vld [tilespmem:s29+$0xFFFFFFA0]  }
.Ltmp10:
0x16a: {  	v7 =	vmov s1;
	v2 =	vpack.i.f32.bf16 v9, v9;
	v6 =	vld [tilespmem:s29+$0xFFFFFFB0];
	(pc) =	sbr.rel @p1 .LBB2_8-.Ltmp10, $4  }
0x16b: {  	s9 =	sadd.s32 $0x1, s1;
	s10 =	sadd.s32 $0x2, s1;
	v10 =	vpack.i.f32.bf16 v5, v5;
	v9 =	vand.u32 $0x7C, v7;
	v7 =	vld [tilespmem:s29+$0xFFFFFFC0];
	v5 =	vmul.bf16 v8, v2  }
0x16c: {  	v16 =	vmov s10;
	v13 =	vmov s9;
	v11 =	vmul.bf16 v11, v10;
	v8 =	vld [tilespmem:s29+$0xFFFFFFD0]  }
0x16d: {  	v14 =	vand.u32 $0x7D, v13;
	v17 =	vor.u32 v1, v9;
	v13 =	vmul.bf16 v12, v10;
	v9 =	vld [tilespmem:s29+$0xFFFFFFE0];
	[tilespmem:s29+$0x70] =	vst v5  }
0x16e: {  	s9 =	sadd.s32 $0x3, s1;
	s1 =	sadd.s32 $0x4, s1;
	v5 =	vbroadcast v17, $0x0;
	v12 =	vand.u32 $0x7E, v16;
	[tilespmem:s29+$0xFFFFFF80] =	vst v11;
	v15 =	vmul.bf16 v15, v10;
	v11 =	vld [tilespmem:s29+$0xFFFFFFF0]  }
0x16f: {  	v17 =	vld [tilespmem:s29+$0x0]  }
0x170: {  	v18 =	vld [tilespmem:s29+$0x10]  }
0x171: {  	v19 =	vld [tilespmem:s29+$0x20]  }
0x172: {  	v35 =	vld [tilespmem:s29+$0x30]  }
0x173: {  	[tilespmem:s29+$0xFFFFFF90] =	vst v13;
	v6 =	vmul.bf16 v6, v10;
	v4 =	vpack.i.f32.bf16 v4, v4;
	v36 =	vld [tilespmem:s29+$0x40]  }
0x174: {  	v16 =	vmov s9;
	v37 =	vld [tilespmem:s29+$0x50];
	[tilespmem:s29+$0xFFFFFFA0] =	vst v15;
	v7 =	vmul.bf16 v7, v4  }
0x175: {  	v39 =	vld [tilespmem:s29+$0x60];
	v3 =	vpack.i.f32.bf16 v3, v3;
	v16 =	vand.u32 $0x7F, v16;
	[tilespmem:s29+$0xFFFFFFB0] =	vst v6;
	v38 =	vmul.bf16 v8, v4  }
0x176: {  	s1 =	sadd.s32 $0x100, s29;
	v5 =	vld.idx.msk [tilespmem:v5+s20+$0x0], $0xffff;
	v16 =	vor.u32 v1, v16;
	[tilespmem:s29+$0xFFFFFFC0] =	vst v7;
	v40 =	vmul.bf16 v9, v4  }
0x177: {  	v14 =	vor.u32 v1, v14;
	v46 =	vld [tilespmem:s1+$0x70];
	v34 =	vbroadcast v16, $0x0;
	[tilespmem:s29+$0xFFFFFFD0] =	vst v38;
	v42 =	vmul.bf16 v17, v3  }
0x178: {  	v14 =	vbroadcast v14, $0x0;
	v47 =	vld [tilespmem:s1+$0xFFFFFF80];
	[tilespmem:s29+$0xFFFFFFE0] =	vst v40;
	v44 =	vmul.bf16 v18, v3  }
0x179: {  	v49 =	vld [tilespmem:s1+$0xFFFFFF90];
	v45 =	vmul.bf16 v19, v3;
	[tilespmem:s29+$0x0] =	vst v42  }
0x17a: {  	v50 =	vld [tilespmem:s1+$0xFFFFFFA0];
	v3 =	vmul.bf16 v35, v3;
	[tilespmem:s29+$0x10] =	vst v44  }
0x17b: {  	v51 =	vld [tilespmem:s1+$0xFFFFFFB0];
	v1 =	vor.u32 v1, v12;
	v4 =	vmul.bf16 v11, v4;
	[tilespmem:s29+$0x20] =	vst v45  }
0x17c: {  	v53 =	vld [tilespmem:s1+$0xFFFFFFC0];
	v1 =	vbroadcast v1, $0x0;
	[tilespmem:s0+$0x30] =	vst v3;
	v3 =	vmul.bf16 v37, v2  }
0x17d: {  	v48 =	vmul.bf16 v36, v2;
	[tilespmem:s29+$0xFFFFFFF0] =	vst v4;
	v2 =	vmul.bf16 v39, v2;
	v43 =	vld.idx.msk [tilespmem:v34+s20+$0x0], $0xffff  }
0x17e: {  	v41 =	vld.idx.msk [tilespmem:v14+s20+$0x0], $0xffff;
	[tilespmem:s0+$0x50] =	vst v3;
	v3 =	vpack.i.f32.bf16 v5, v5  }
0x17f: {  	v54 =	vld [tilespmem:s1+$0xFFFFFFD0];
	[tilespmem:s0+$0x60] =	vst v2;
	v2 =	vmul.bf16 v47, v3  }
0x180: {  	v55 =	vld [tilespmem:s1+$0xFFFFFFE0];
	[tilespmem:s0+$0x40] =	vst v48;
	v10 =	vmul.bf16 v49, v3  }
0x181: {  	v56 =	vld [tilespmem:s1+$0xFFFFFFF0];
	[tilespmem:s1+$0xFFFFFF80] =	vst v2;
	v2 =	vmul.bf16 v50, v3  }
0x182: {  	v1 =	vld.idx.msk [tilespmem:v1+s20+$0x0], $0xffff;
	[tilespmem:s1+$0xFFFFFF90] =	vst v10;
	v3 =	vmul.bf16 v51, v3;
	v52 =	vpack.i.f32.bf16 v43, v43  }
0x183: {  	v57 =	vld [tilespmem:s1+$0x0];
	v6 =	vpack.i.f32.bf16 v41, v41;
	v9 =	vmul.bf16 v46, v52;
	[tilespmem:s1+$0xFFFFFFA0] =	vst v2  }
0x184: {  	v58 =	vld [tilespmem:s1+$0x10];
	v2 =	vmul.bf16 v53, v6;
	[tilespmem:s1+$0xFFFFFFB0] =	vst v3  }
0x185: {  	v59 =	vld [tilespmem:s1+$0x20];
	v3 =	vmul.bf16 v54, v6;
	[tilespmem:s1+$0x70] =	vst v9  }
0x186: {  	v60 =	vld [tilespmem:s1+$0x30];
	[tilespmem:s1+$0xFFFFFFC0] =	vst v2;
	v2 =	vmul.bf16 v55, v6  }
0x187: {  	v61 =	vld [tilespmem:s1+$0x40];
	v1 =	vpack.i.f32.bf16 v1, v1;
	[tilespmem:s1+$0xFFFFFFD0] =	vst v3;
	v3 =	vmul.bf16 v56, v6  }
0x188: {  	v62 =	vld [tilespmem:s1+$0x50];
	[tilespmem:s1+$0xFFFFFFE0] =	vst v2;
	v2 =	vmul.bf16 v57, v1  }
0x189: {  	v63 =	vld [tilespmem:s1+$0x60];
	[tilespmem:s1+$0xFFFFFFF0] =	vst v3;
	v3 =	vmul.bf16 v58, v1  }
0x18a: {  	[tilespmem:s1+$0x0] =	vst v2;
	v2 =	vmul.bf16 v59, v1  }
0x18b: {  	[tilespmem:s1+$0x10] =	vst v3;
	v1 =	vmul.bf16 v60, v1  }
0x18c: {  	[tilespmem:s1+$0x20] =	vst v2;
	v2 =	vmul.bf16 v61, v52  }
0x18d: {  	[tilespmem:s1+$0x30] =	vst v1;
	v1 =	vmul.bf16 v62, v52  }
0x18e: {  	s28 =	sadd.s32 $0x1, s28;
	[tilespmem:s1+$0x40] =	vst v2;
	v2 =	vmul.bf16 v63, v52  }
0x18f: {  	s31 =	sand.u32 $0x3FFFFF80, s30;
	p1 =	sne.s32 s28, $0x4;
	[tilespmem:s1+$0x50] =	vst v1  }
.Ltmp11:
0x190: {  	s0 =	sadd.s32 $0x400, s31;
	[tilespmem:s1+$0x60] =	vst v2;
	(pc) =	sbr.rel @p1 .LBB2_5-.Ltmp11, $4  }
0x191: {  	[spmem:s2] =	stream.indirect.scatter.add.bf16 [tilespmem:s23], [sflag:$0x3], $0x40, s0, s21, $0xb8;
	[tilespmem:$0xEC00] =	vst v63  }
0x192: {  	_ =	swait.ge [sflag:s18], $0x2000  }
0x193: {  	[sflag:s18] =	ssyncset.done $0x0  }
0x194: {  	[sflag:s18] =	ssyncadd.s32 $0xFFFFE000  }
0x195: {  	s26 =	sadd.s32 $0x1, s26  }
0x196: {  	p1 =	seq.s32 s26, $0xF  }
.Ltmp12:
0x197: {  	_ = 	snop;
	(pc) =	sbr.rel @!p1 .LBB2_4-.Ltmp12, $4  }
.Ltmp13:
0x198: {  	_ = 	snop;
	(pc) =	sbr.rel @p1 .LBB2_18-.Ltmp13, $4  }
0x199: {  	_ = 	snop  }
0x19a: {  	_ = 	snop  }
0x19b: {  	_ = 	snop  }
0x19c: {  	_ = 	snop  }
.LBB2_19:
0x19d: {  	_ =	sfence.sel $0x180000  }
0x19e: {  	[bflag:$0x0] =	sbarrier.arrive $0xFFFF  }
0x19f: {  	_ =	strace $0x90000050  }
0x1a0: {  	s0 =	stileid.u32;
	[bflag:$0x2] =	sbarrier.arrive $0xFFFF  }
0x1a1: {  	p0 =	sne.s32 s0, $0x0;
	s0 =	rddreg [dreg:$0x2]  }
0x1a2: {  	s0 =	sadd.s32 @!p0 $0x100000, s0  }
0x1a3: {  	[sflag:s0] =	ssyncadd.tile.s32 @!p0 $0x1;
	_ =	shalt  }
.Lfunc_end2:
_tile_overlayer_lowered:
.L_overlay_start_2:
0x1a4: {  	(tag) =	ssettag $0x2  }
0x1a5: {  	s0 =	rddreg [dreg:$0x0];
	s2 =	stileid.u32  }
0x1a6: {  	s1 =	rddreg [dreg:$0x1];
	p0 =	sne.s32 s2, $0x0  }
0x1a7: {  	s3 =	rddreg [dreg:$0x2];
	[bflag:$0x3] =	sbarrier.arrive $0xFFFF;
	s2 =	simm.s32 @!p0 $0x1C03  }
0x1a8: {  	[timem:s3], [sflag:s2] =	dma.local @!p0 [hbm:s0], s1  }
0x1a9: {  	s0 =	simm.s32 @!p0 $0x3  }
0x1aa: {  	_ =	swait.ge @!p0 [sflag:s0], s1  }
0x1ab: {  	s1 =	ssub.s32 @!p0 $0x0, s1;
	[sflag:s0] =	ssyncset.done @!p0 $0x0  }
0x1ac: {  	[sflag:s0] =	ssyncadd.s32 @!p0 s1  }
0x1ad: {  	[bflag:$0x3] =	sbarrier.arrive $0xFFFF  }
0x1ae: {  	_ =	shalt  }

</sc_bundles>
